<compile_context>
chip_gen: v7x
topology: tpu7x:2x2x1
jax: 0.10.2.dev20260603
libtpu: 0.0.44.dev20260713+nightly
codegen_flags: <defaults>
</compile_context>

<pallas_src>
import functools

import jax
import jax.numpy as jnp
from jax import lax
from jax.experimental import pallas as pl
from jax.experimental.pallas import tpu as pltpu
from jax.experimental.pallas import tpu_sc as plsc

B, N, C, H, O, K = 4, 10000, 64, 32, 32, 16
E = 1280000
NN = B * N
GH = C * H
GI = K * C


def _proj_body(inp_ref, prow_ref, pcol_ref, y_ref):
    prow = prow_ref[...]
    pn = lax.rsqrt(jnp.sum(prow * prow))
    y = lax.dot_general(inp_ref[0], pcol_ref[...],
                        (((1,), (0,)), ((), ())),
                        preferred_element_type=jnp.float32)
    y_ref[...] = y * pn


_PB = 2000


def _proj(inp, prow, pcol):
    return pl.pallas_call(
        _proj_body,
        grid=(B, N // _PB),
        in_specs=[
            pl.BlockSpec((1, _PB, C), lambda b, i: (b, i, 0)),
            pl.BlockSpec((1, C), lambda b, i: (0, 0)),
            pl.BlockSpec((C, 1), lambda b, i: (0, 0)),
        ],
        out_specs=pl.BlockSpec((_PB, 1),
                               lambda b, i: (b * (N // _PB) + i, 0)),
        out_shape=jax.ShapeDtypeStruct((NN, 1), jnp.float32),
    )(inp, prow, pcol)



def _topk_body(inp_ref, y_ref, xs_ref):
    y = y_ref[...]
    iota = lax.broadcasted_iota(jnp.int32, (B, N), 1)
    for k in range(K):
        m = jnp.max(y, axis=1, keepdims=True)
        idxv = jnp.min(jnp.where(y == m, iota, N), axis=1, keepdims=True)
        oh = (iota == idxv).astype(jnp.float32)
        for b in range(B):
            row = lax.dot_general(oh[b:b + 1], inp_ref[b],
                                  (((1,), (0,)), ((), ())),
                                  preferred_element_type=jnp.float32)
            xs_ref[b, pl.ds(k, 1), :] = row * jnp.tanh(m[b:b + 1, 0:1])
        y = jnp.where(iota == idxv, -jnp.inf, y)


def _topk(inp, y2):
    return pl.pallas_call(
        _topk_body,
        out_shape=jax.ShapeDtypeStruct((B, K, C), jnp.float32),
    )(inp, y2)



_BJ = 256


def _gru_body(xs_ref, hf_ref, hb_ref, wih_ref, whh_ref, bih_ref, bhh_ref,
              w_ref):
    xs = xs_ref[...]
    hf = hf_ref[...]
    g = []
    for gi in range(3):
        a = lax.dot_general(xs, wih_ref[gi], (((1,), (1,)), ((), ())),
                            preferred_element_type=jnp.float32)
        a = a + bih_ref[gi]
        c = lax.dot_general(hf, whh_ref[gi], (((1,), (1,)), ((), ())),
                            preferred_element_type=jnp.float32)
        c = c + bhh_ref[gi]
        g.append((a, c))
    r = jax.nn.sigmoid(g[0][0] + g[0][1])
    z = jax.nn.sigmoid(g[1][0] + g[1][1])
    n = jnp.tanh(g[2][0] + r * g[2][1])
    w_ref[...] = (1.0 - z) * n + z * hb_ref[...]


def _gru(xs2, hfull, wih3, whh3, bih3, bhh3):
    return pl.pallas_call(
        _gru_body,
        grid=(GH // _BJ,),
        in_specs=[
            pl.BlockSpec((B, GI), lambda j: (0, 0)),
            pl.BlockSpec((B, GH), lambda j: (0, 0)),
            pl.BlockSpec((B, _BJ), lambda j: (0, j)),
            pl.BlockSpec((3, _BJ, GI), lambda j: (0, j, 0)),
            pl.BlockSpec((3, _BJ, GH), lambda j: (0, j, 0)),
            pl.BlockSpec((3, 1, _BJ), lambda j: (0, 0, j)),
            pl.BlockSpec((3, 1, _BJ), lambda j: (0, 0, j)),
        ],
        out_specs=pl.BlockSpec((B, _BJ), lambda j: (0, j)),
        out_shape=jax.ShapeDtypeStruct((B, GH), jnp.float32),
    )(xs2, hfull, hfull, wih3, whh3, bih3, bhh3)



_NB = 2000


def _bmm_body(inp_ref, w_ref, wg_ref, dis_ref, h_ref, g_ref):
    x = lax.dot_general(inp_ref[0], w_ref[0], (((1,), (0,)), ((), ())),
                        preferred_element_type=jnp.float32)
    h = lax.dot_general(x, wg_ref[...], (((1,), (0,)), ((), ())),
                        preferred_element_type=jnp.float32)
    h_ref[...] = h
    g_ref[...] = h * dis_ref[...]


def _bmm(inp, w3, wg, dis32):
    return pl.pallas_call(
        _bmm_body,
        grid=(B, N // _NB),
        in_specs=[
            pl.BlockSpec((1, _NB, C), lambda b, i: (b, i, 0)),
            pl.BlockSpec((1, C, H), lambda b, i: (b, 0, 0)),
            pl.BlockSpec((H, O), lambda b, i: (0, 0)),
            pl.BlockSpec((_NB, O), lambda b, i: (b * (N // _NB) + i, 0)),
        ],
        out_specs=[
            pl.BlockSpec((_NB, O), lambda b, i: (b * (N // _NB) + i, 0)),
            pl.BlockSpec((_NB, O), lambda b, i: (b * (N // _NB) + i, 0)),
        ],
        out_shape=[
            jax.ShapeDtypeStruct((NN, O), jnp.float32),
            jax.ShapeDtypeStruct((NN, O), jnp.float32),
        ],
    )(inp, w3, wg, dis32)



def _fin_body(acc_ref, dis_ref, h_ref, bg_ref, out_ref):
    dis = dis_ref[...]
    acc = acc_ref[0] + acc_ref[1]
    out_ref[...] = dis * acc + (2.0 * dis * dis) * h_ref[...] + bg_ref[...]


def _fin(accp, dis32, h, bg2):
    return pl.pallas_call(
        _fin_body,
        grid=(NN // _NB,),
        in_specs=[
            pl.BlockSpec((2, _NB, O), lambda i: (0, i, 0)),
            pl.BlockSpec((_NB, O), lambda i: (i, 0)),
            pl.BlockSpec((_NB, O), lambda i: (i, 0)),
            pl.BlockSpec((1, O), lambda i: (0, 0)),
        ],
        out_specs=pl.BlockSpec((_NB, O), lambda i: (i, 0)),
        out_shape=jax.ShapeDtypeStruct((NN, O), jnp.float32),
    )(accp, dis32, h, bg2)



_NW = 32
_EW = E // _NW
_CH = 80
_ER = E // _CH
_RW = _EW // _CH
_GD = 10
_C2 = 125
_E2 = E // _C2
_R2 = _E2 // _NW
_G = 5
_NG = _R2 // _G
_WB = NN // 8
_DT = 2000
_WT = NN // 16
_SB = 250

@functools.cache
def _sc_kernels():
    mesh = plsc.VectorSubcoreMesh(core_axis_name="c", subcore_axis_name="s")

    @functools.partial(
        pl.kernel,
        mesh=mesh,
        out_type=jax.ShapeDtypeStruct((NN, O), jnp.float32),
        scratch_types=[
            pltpu.VMEM((_GD, _C2), jnp.int32),
            pltpu.VMEM((_GD, _C2), jnp.int32),
            pltpu.VMEM((128,), jnp.float32),
            pltpu.VMEM((_DT,), jnp.float32),
            pltpu.VMEM((_DT,), jnp.float32),
            pltpu.VMEM((_DT, O), jnp.float32),
            pltpu.VMEM_SHARED((NN,), jnp.float32),
            pltpu.SemaphoreType.DMA,
            pltpu.SemaphoreType.DMA,
        ],
        compiler_params=pltpu.CompilerParams(use_tc_tiling_on_sc=False,
                                             needs_layout_passes=False),
    )
    def _sc_deg(ei_hbm, out_hbm, idx_a, idx_b, ones_v, dbuf, dsbuf, obuf,
                deg_sh, sem_a, sem_b):
        cid = lax.axis_index("c")
        sid = lax.axis_index("s")
        for j in range(128 // 16):
            ones_v[pl.ds(j * 16, 16)] = jnp.ones((16,), jnp.float32)

        def zb(j, carry):
            dbuf[pl.ds(pl.multiple_of(j * 16, 8), 16)] = (
                jnp.zeros((16,), jnp.float32))
            return carry

        lax.fori_loop(0, _DT // 16, zb, 0)

        @pl.when(sid < 10)
        def _():
            pltpu.sync_copy(dbuf, deg_sh.at[pl.ds(sid * _DT, _DT)])
            pltpu.sync_copy(dbuf,
                            deg_sh.at[pl.ds(NN // 2 + sid * _DT, _DT)])

        plsc.subcore_barrier()
        rbase = sid * (_E2 // 16)
        ngd = _E2 // 16 // _GD
        ones_s = ones_v.at[pl.ds(0, _C2)]

        def dfire(gg, idx_v, sem):
            pltpu.sync_copy(ei_hbm.at[1, pl.ds(rbase + gg * _GD, _GD)],
                            idx_v)
            for j in range(_GD):
                pltpu.async_copy(ones_s, deg_sh.at[idx_v.at[j]], sem,
                                 add=True)

        def ddrain(idx_v, sem):
            for j in range(_GD):
                pltpu.make_async_copy(ones_s, deg_sh.at[idx_v.at[j]],
                                      sem).wait()

        dfire(0, idx_a, sem_a)

        def body(it, carry):
            gg = it * 2
            dfire(gg + 1, idx_b, sem_b)
            ddrain(idx_a, sem_a)

            @pl.when(it < ngd // 2 - 1)
            def _():
                dfire(gg + 2, idx_a, sem_a)

            ddrain(idx_b, sem_b)
            return carry

        lax.fori_loop(0, ngd // 2, body, 0)
        plsc.subcore_barrier()

        @pl.when(sid < 10)
        def _():
            base = cid * (NN // 2) + sid * _DT
            pltpu.sync_copy(deg_sh.at[pl.ds(base, _DT)], dbuf)

            def newton(k16, carry):
                off = pl.multiple_of(k16 * 16, 8)
                x = dbuf[pl.ds(off, 16)] + 2.0
                bits = plsc.bitcast(x, jnp.int32)
                y = plsc.bitcast(0x5F3759DF - (bits >> 1), jnp.float32)
                hx = 0.5 * x
                y = y * (1.5 - hx * y * y)
                y = y * (1.5 - hx * y * y)
                y = y * (1.5 - hx * y * y)
                dsbuf[pl.ds(off, 16)] = y
                return carry

            lax.fori_loop(0, _DT // 16, newton, 0)

            def expand(r, carry):
                v16 = plsc.load_gather(dsbuf,
                                       [jnp.full((16,), r, jnp.int32)])
                obuf[r, pl.ds(0, 16)] = v16
                obuf[r, pl.ds(16, 16)] = v16
                return carry

            lax.fori_loop(0, _DT, expand, 0)
            pltpu.sync_copy(obuf, out_hbm.at[pl.ds(base, _DT)])

    @functools.partial(
        pl.kernel,
        mesh=mesh,
        out_type=jax.ShapeDtypeStruct((2, NN, O), jnp.float32),
        scratch_types=[
            pltpu.VMEM((2, _G, _C2), jnp.int32),
            pltpu.VMEM((2, _G, _C2), jnp.int32),
            pltpu.VMEM((_G, _C2, O), jnp.float32),
            pltpu.VMEM((_G, _C2, O), jnp.float32),
            pltpu.VMEM((_SB, O), jnp.float32),
            pltpu.VMEM_SHARED((NN, O), jnp.float32),
            pltpu.SemaphoreType.DMA,
            pltpu.SemaphoreType.DMA,
            pltpu.SemaphoreType.DMA,
            pltpu.SemaphoreType.DMA,
        ],
        compiler_params=pltpu.CompilerParams(use_tc_tiling_on_sc=False),
    )
    def _sc_scatter(ei_hbm, g_hbm, out_hbm,
                    idx_a, idx_b, rows_a, rows_b,
                    stage, acc_sh, gsem_a, gsem_b, ssem_a, ssem_b):
        cid = lax.axis_index("c")
        sid = lax.axis_index("s")
        wid = sid * 2 + cid

        def zb(i, carry):
            stage[i, pl.ds(0, 16)] = jnp.zeros((16,), jnp.float32)
            stage[i, pl.ds(16, 16)] = jnp.zeros((16,), jnp.float32)
            return carry

        lax.fori_loop(0, _SB, zb, 0)

        def zc(j, carry):
            pltpu.sync_copy(stage, acc_sh.at[pl.ds(sid * _WT + j * _SB,
                                                   _SB)])
            return carry

        lax.fori_loop(0, _WT // _SB, zc, 0)
        plsc.subcore_barrier()
        rbase = wid * _R2

        def drain_scat(idx_v, rows_v, ssem):
            for j in range(_G):
                pltpu.make_async_copy(rows_v.at[j],
                                      acc_sh.at[idx_v.at[1].at[j]],
                                      ssem).wait()

        def fire(gg, idx_v, rows_v, gsem, ssem):
            @pl.when(gg >= 2)
            def _():
                drain_scat(idx_v, rows_v, ssem)

            roff = rbase + gg * _G
            pltpu.sync_copy(ei_hbm.at[:, pl.ds(roff, _G)], idx_v)
            for j in range(_G):
                pltpu.async_copy(g_hbm.at[idx_v.at[0].at[j]],
                                 rows_v.at[j], gsem)

        def finish(idx_v, rows_v, gsem, ssem):
            for j in range(_G):
                pltpu.make_async_copy(g_hbm.at[idx_v.at[0].at[j]],
                                      rows_v.at[j], gsem).wait()
            for j in range(_G):
                pltpu.async_copy(rows_v.at[j], acc_sh.at[idx_v.at[1].at[j]],
                                 ssem, add=True)

        fire(0, idx_a, rows_a, gsem_a, ssem_a)

        def body(it, carry):
            gg = it * 2
            fire(gg + 1, idx_b, rows_b, gsem_b, ssem_b)
            finish(idx_a, rows_a, gsem_a, ssem_a)

            @pl.when(it < _NG // 2 - 1)
            def _():
                fire(gg + 2, idx_a, rows_a, gsem_a, ssem_a)

            finish(idx_b, rows_b, gsem_b, ssem_b)
            return carry

        lax.fori_loop(0, _NG // 2, body, 0)
        drain_scat(idx_a, rows_a, ssem_a)
        drain_scat(idx_b, rows_b, ssem_b)
        plsc.subcore_barrier()

        def wb(j, carry):
            off = sid * _WT + j * _SB
            pltpu.sync_copy(acc_sh.at[pl.ds(off, _SB)], stage)
            pltpu.sync_copy(stage, out_hbm.at[cid, pl.ds(off, _SB)])
            return carry

        lax.fori_loop(0, _WT // _SB, wb, 0)

    return _sc_deg, _sc_scatter



def kernel(input, edge_index, last_graph_weights, p, Wih, Whh, bih, bhh, Wg,
           bg):
    ei3 = edge_index.reshape(2, _E2, _C2)

    y2 = _proj(input, p.reshape(1, C), p.reshape(C, 1)).reshape(B, N)
    xs = _topk(input, y2)

    w = _gru(xs.reshape(B, GI), last_graph_weights,
             Wih.reshape(3, GH, GI), Whh.reshape(3, GH, GH),
             bih.reshape(3, 1, GH), bhh.reshape(3, 1, GH))

    sc_deg, sc_scatter = _sc_kernels()
    dis32 = sc_deg(ei3)

    h, g = _bmm(input, w.reshape(B, C, H), Wg, dis32)

    accp = sc_scatter(ei3, g)

    out = _fin(accp, dis32, h, bg.reshape(1, O))
    return out.reshape(B, N, O), w.reshape(B, C, H)

# --- scband reference (transcript-rebuilt; emitter-appended) ---
"""Pipeline reference for scband-egcu-h-90555090469164 (READ-ONLY COPY).

The authoritative reference and input builder live on the scoring server;
editing this copy changes nothing except your own understanding.
"""

import jax, jax.numpy as jnp
import numpy as np

B, N, C, H, O, K = 4, 10000, 64, 32, 32, 16
E = 1280000
NUM_NODES = B * N


def setup_inputs(seed: int = 0) -> dict:
    key = jax.random.key(seed)
    ks = jax.random.split(key, 10)
    inp = {}
    inp["input"] = jax.random.normal(ks[0], (B, N, C), dtype=jnp.float32)
    inp["edge_index"] = jax.random.randint(ks[1], (2, E), 0, NUM_NODES, dtype=jnp.int32)
    inp["last_graph_weights"] = jax.random.normal(ks[2], (B, C * H), dtype=jnp.float32)
    # learned parameters
    inp["p"] = jax.random.normal(ks[3], (C,), dtype=jnp.float32)
    gru_in = K * C          # 1024
    gru_hid = C * H         # 2048
    inp["Wih"] = jax.random.normal(ks[4], (3 * gru_hid, gru_in), dtype=jnp.float32) * 0.02
    inp["Whh"] = jax.random.normal(ks[5], (3 * gru_hid, gru_hid), dtype=jnp.float32) * 0.02
    inp["bih"] = jax.random.normal(ks[6], (3 * gru_hid,), dtype=jnp.float32) * 0.02
    inp["bhh"] = jax.random.normal(ks[7], (3 * gru_hid,), dtype=jnp.float32) * 0.02
    inp["Wg"] = jax.random.normal(ks[8], (H, O), dtype=jnp.float32) * 0.1
    inp["bg"] = jax.random.normal(ks[9], (O,), dtype=jnp.float32) * 0.1
    return inp


def gru_cell(x, h, Wih, Whh, bih, bhh):
    gi = x @ Wih.T + bih
    gh = h @ Whh.T + bhh
    i_r, i_z, i_n = jnp.split(gi, 3, axis=1)
    h_r, h_z, h_n = jnp.split(gh, 3, axis=1)
    r = jax.nn.sigmoid(i_r + h_r)
    z = jax.nn.sigmoid(i_z + h_z)
    n = jnp.tanh(i_n + r * h_n)
    return (1.0 - z) * n + z * h


def gcn_conv(x, edge_index, W, b):
    # GCNConv(improved=True): self-loops with weight 2.0, symmetric normalization
    num_nodes = x.shape[0]
    src = edge_index[0]
    dst = edge_index[1]
    loop = jnp.arange(num_nodes, dtype=src.dtype)
    src = jnp.concatenate([src, loop])
    dst = jnp.concatenate([dst, loop])
    ew = jnp.concatenate([jnp.ones(edge_index.shape[1], jnp.float32),
                          2.0 * jnp.ones(num_nodes, jnp.float32)])
    deg = jnp.zeros(num_nodes, jnp.float32).at[dst].add(ew)
    dis = jnp.where(deg > 0, jax.lax.rsqrt(jnp.where(deg > 0, deg, 1.0)), 0.0)
    norm = dis[src] * ew * dis[dst]
    h = x @ W
    out = jnp.zeros((num_nodes, W.shape[1]), jnp.float32).at[dst].add(norm[:, None] * h[src])
    return out + b


def reference(input, edge_index, last_graph_weights, p, Wih, Whh, bih, bhh, Wg, bg):
    # Summerize
    y = jnp.einsum('bnc,c->bn', input, p) / jnp.linalg.norm(p)
    _, topk = jax.lax.top_k(y, K)                       # [B, K]
    xs = input * jnp.tanh(y)[:, :, None]                # [B, N, C]
    xs = jnp.take_along_axis(xs, topk[:, :, None], axis=1)  # [B, K, C]
    # GRUCell
    w = gru_cell(xs.reshape(B, K * C), last_graph_weights.reshape(B, C * H), Wih, Whh, bih, bhh)
    w = w.reshape(B, C, H)
    # bmm + GCN
    x = jnp.einsum('bnc,bch->bnh', input, w).reshape(B * N, H)
    x = gcn_conv(x, edge_index, Wg, bg)
    x = x.reshape(B, N, O)
    return x, w

if __name__ == "__main__":
    import jax
    _d = setup_inputs()
    print(jax.jit(kernel)(*tuple(_d.values())))

</pallas_src>

<mosaic_0001>
#map = affine_map<(d0, d1) -> (0, 0, 0)>
#map1 = affine_map<(d0, d1) -> (0, 0)>
module attributes {stable_mosaic.version = 14 : i64} {
  func.func @_sc_deg(%arg0: i32, %arg1: i32, %arg2: memref<2x10240x125xi32, #tpu.memory_space<hbm>>, %arg3: memref<40000x32xf32, #tpu.memory_space<hbm>>, %arg4: memref<10x125xi32, #tpu.memory_space<vmem>>, %arg5: memref<10x125xi32, #tpu.memory_space<vmem>>, %arg6: memref<128xf32, #tpu.memory_space<vmem>>, %arg7: memref<2000xf32, #tpu.memory_space<vmem>>, %arg8: memref<2000xf32, #tpu.memory_space<vmem>>, %arg9: memref<2000x32xf32, #tpu.memory_space<vmem>>, %arg10: memref<40000xf32, #tpu.memory_space<vmem_shared>>, %arg11: memref<!tpu.dma_semaphore, #tpu.memory_space<semaphore_mem>>, %arg12: memref<!tpu.dma_semaphore, #tpu.memory_space<semaphore_mem>>) attributes {dimension_semantics = [#tpu.dimension_semantics<core_parallel>, #tpu.dimension_semantics<subcore_parallel>], iteration_bounds = array<i64: 2, 16>, scalar_prefetch = 0 : i64, scratch_operands = 9 : i64, tpu.core_type = #tpu.core_type<sc_vector_subcore>, window_params = [{transform_indices = #map}, {transform_indices = #map1}]} {
    %broadcast_in_dim3A = arith.constant 1.000000e+00 : f32
    %broadcast_in_dim3A_0 = vector.broadcast %broadcast_in_dim3A : f32 to vector<16xf32>
    %swap3A = arith.constant 0 : index
    %swap3A_1 = tpu.vector_load %arg6[%swap3A] {strides = array<i32>} : memref<128xf32, #tpu.memory_space<vmem>>, vector<16xf32>,
    tpu.vector_store %arg6[%swap3A], %broadcast_in_dim3A_0 {strides = array<i32>} : memref<128xf32, #tpu.memory_space<vmem>>, vector<16xf32>,
    %broadcast_in_dim3A_2 = arith.constant 1.000000e+00 : f32
    %broadcast_in_dim3A_3 = vector.broadcast %broadcast_in_dim3A_2 : f32 to vector<16xf32>
    %swap3A_4 = arith.constant 16 : index
    %swap3A_5 = tpu.vector_load %arg6[%swap3A_4] {strides = array<i32>} : memref<128xf32, #tpu.memory_space<vmem>>, vector<16xf32>,
    tpu.vector_store %arg6[%swap3A_4], %broadcast_in_dim3A_3 {strides = array<i32>} : memref<128xf32, #tpu.memory_space<vmem>>, vector<16xf32>,
    %broadcast_in_dim3A_6 = arith.constant 1.000000e+00 : f32
    %broadcast_in_dim3A_7 = vector.broadcast %broadcast_in_dim3A_6 : f32 to vector<16xf32>
    %swap3A_8 = arith.constant 32 : index
    %swap3A_9 = tpu.vector_load %arg6[%swap3A_8] {strides = array<i32>} : memref<128xf32, #tpu.memory_space<vmem>>, vector<16xf32>,
    tpu.vector_store %arg6[%swap3A_8], %broadcast_in_dim3A_7 {strides = array<i32>} : memref<128xf32, #tpu.memory_space<vmem>>, vector<16xf32>,
    %broadcast_in_dim3A_10 = arith.constant 1.000000e+00 : f32
    %broadcast_in_dim3A_11 = vector.broadcast %broadcast_in_dim3A_10 : f32 to vector<16xf32>
    %swap3A_12 = arith.constant 48 : index
    %swap3A_13 = tpu.vector_load %arg6[%swap3A_12] {strides = array<i32>} : memref<128xf32, #tpu.memory_space<vmem>>, vector<16xf32>,
    tpu.vector_store %arg6[%swap3A_12], %broadcast_in_dim3A_11 {strides = array<i32>} : memref<128xf32, #tpu.memory_space<vmem>>, vector<16xf32>,
    %broadcast_in_dim3A_14 = arith.constant 1.000000e+00 : f32
    %broadcast_in_dim3A_15 = vector.broadcast %broadcast_in_dim3A_14 : f32 to vector<16xf32>
    %swap3A_16 = arith.constant 64 : index
    %swap3A_17 = tpu.vector_load %arg6[%swap3A_16] {strides = array<i32>} : memref<128xf32, #tpu.memory_space<vmem>>, vector<16xf32>,
    tpu.vector_store %arg6[%swap3A_16], %broadcast_in_dim3A_15 {strides = array<i32>} : memref<128xf32, #tpu.memory_space<vmem>>, vector<16xf32>,
    %broadcast_in_dim3A_18 = arith.constant 1.000000e+00 : f32
    %broadcast_in_dim3A_19 = vector.broadcast %broadcast_in_dim3A_18 : f32 to vector<16xf32>
    %swap3A_20 = arith.constant 80 : index
    %swap3A_21 = tpu.vector_load %arg6[%swap3A_20] {strides = array<i32>} : memref<128xf32, #tpu.memory_space<vmem>>, vector<16xf32>,
    tpu.vector_store %arg6[%swap3A_20], %broadcast_in_dim3A_19 {strides = array<i32>} : memref<128xf32, #tpu.memory_space<vmem>>, vector<16xf32>,
    %broadcast_in_dim3A_22 = arith.constant 1.000000e+00 : f32
    %broadcast_in_dim3A_23 = vector.broadcast %broadcast_in_dim3A_22 : f32 to vector<16xf32>
    %swap3A_24 = arith.constant 96 : index
    %swap3A_25 = tpu.vector_load %arg6[%swap3A_24] {strides = array<i32>} : memref<128xf32, #tpu.memory_space<vmem>>, vector<16xf32>,
    tpu.vector_store %arg6[%swap3A_24], %broadcast_in_dim3A_23 {strides = array<i32>} : memref<128xf32, #tpu.memory_space<vmem>>, vector<16xf32>,
    %broadcast_in_dim3A_26 = arith.constant 1.000000e+00 : f32
    %broadcast_in_dim3A_27 = vector.broadcast %broadcast_in_dim3A_26 : f32 to vector<16xf32>
    %swap3A_28 = arith.constant 112 : index
    %swap3A_29 = tpu.vector_load %arg6[%swap3A_28] {strides = array<i32>} : memref<128xf32, #tpu.memory_space<vmem>>, vector<16xf32>,
    tpu.vector_store %arg6[%swap3A_28], %broadcast_in_dim3A_27 {strides = array<i32>} : memref<128xf32, #tpu.memory_space<vmem>>, vector<16xf32>,
    %scan3A = arith.constant 0 : i32
    %scan3A_30 = arith.constant 0 : i32
    %scan3A_31 = arith.constant 125 : i32
    %scan3A_32 = arith.addi %scan3A_30, %scan3A_31 : i32
    %scan3A_33 = arith.constant 1 : i32
    scf.for %scan3A_130 = %scan3A_30 to %scan3A_32 step %scan3A_33  : i32 {
      %broadcast_in_dim3A_131 = arith.constant 0.000000e+00 : f32
      %broadcast_in_dim3A_132 = vector.broadcast %broadcast_in_dim3A_131 : f32 to vector<16xf32>
      %mul3A_133 = arith.constant 16 : i32
      %mul3A_134 = arith.muli %scan3A_130, %mul3A_133 : i32
      %multiple_of3A = tpu.assume_multiple %mul3A_134, 8 : i32
      %swap3A_135 = arith.index_cast %multiple_of3A : i32 to index
      %swap3A_136 = tpu.vector_load %arg7[%swap3A_135] {strides = array<i32>} : memref<2000xf32, #tpu.memory_space<vmem>>, vector<16xf32>,
      tpu.vector_store %arg7[%swap3A_135], %broadcast_in_dim3A_132 {strides = array<i32>} : memref<2000xf32, #tpu.memory_space<vmem>>, vector<16xf32>,
    }
    %scan3A_34 = arith.constant 125 : i32
    %lt3A = arith.constant 10 : i32
    %lt3A_35 = arith.cmpi slt, %arg1, %lt3A : i32
    %convert_element_type3A = arith.extui %lt3A_35 : i1 to i32
    %cond3A = arith.constant 0 : i32
    %cond3A_36 = arith.cmpi ne, %convert_element_type3A, %cond3A : i32
    scf.if %cond3A_36 {
      %mul3A_130 = arith.constant 2000 : i32
      %mul3A_131 = arith.muli %arg1, %mul3A_130 : i32
      "tpu.region"() ({
        %run_scoped3A_136 = tpu.sem_alloc : memref<!tpu.dma_semaphore, #tpu.memory_space<semaphore_mem>>
        %dma_start3A_137 = tpu.memref_slice %arg10[%mul3A_131] : memref<40000xf32, #tpu.memory_space<vmem_shared>> -> memref<2000xf32, #tpu.memory_space<vmem_shared>>
        %dma_start3A_138 = tpu.memref_slice %arg10[%mul3A_131] : memref<40000xf32, #tpu.memory_space<vmem_shared>> -> memref<2000xf32, #tpu.memory_space<vmem_shared>>
        tpu.enqueue_dma source(%arg7 : memref<2000xf32, #tpu.memory_space<vmem>>) target(%dma_start3A_138 : memref<2000xf32, #tpu.memory_space<vmem_shared>>) target_semaphore(%run_scoped3A_136 : memref<!tpu.dma_semaphore, #tpu.memory_space<semaphore_mem>>)
        %dma_wait3A = tpu.memref_slice %arg10[%mul3A_131] : memref<40000xf32, #tpu.memory_space<vmem_shared>> -> memref<2000xf32, #tpu.memory_space<vmem_shared>>
        %dma_wait3A_139 = tpu.memref_slice %arg10[%mul3A_131] : memref<40000xf32, #tpu.memory_space<vmem_shared>> -> memref<2000xf32, #tpu.memory_space<vmem_shared>>
        tpu.wait_dma2 semaphore(%run_scoped3A_136 : memref<!tpu.dma_semaphore, #tpu.memory_space<semaphore_mem>>) src(%arg7 : memref<2000xf32, #tpu.memory_space<vmem>>) dst(%dma_wait3A_139 : memref<2000xf32, #tpu.memory_space<vmem_shared>>)
        tpu.yield
      }) : () -> ()
      %mul3A_132 = arith.constant 2000 : i32
      %mul3A_133 = arith.muli %arg1, %mul3A_132 : i32
      %add3A_134 = arith.constant 20000 : i32
      %add3A_135 = arith.addi %add3A_134, %mul3A_133 : i32
      "tpu.region"() ({
        %run_scoped3A_136 = tpu.sem_alloc : memref<!tpu.dma_semaphore, #tpu.memory_space<semaphore_mem>>
        %dma_start3A_137 = tpu.memref_slice %arg10[%add3A_135] : memref<40000xf32, #tpu.memory_space<vmem_shared>> -> memref<2000xf32, #tpu.memory_space<vmem_shared>>
        %dma_start3A_138 = tpu.memref_slice %arg10[%add3A_135] : memref<40000xf32, #tpu.memory_space<vmem_shared>> -> memref<2000xf32, #tpu.memory_space<vmem_shared>>
        tpu.enqueue_dma source(%arg7 : memref<2000xf32, #tpu.memory_space<vmem>>) target(%dma_start3A_138 : memref<2000xf32, #tpu.memory_space<vmem_shared>>) target_semaphore(%run_scoped3A_136 : memref<!tpu.dma_semaphore, #tpu.memory_space<semaphore_mem>>)
        %dma_wait3A = tpu.memref_slice %arg10[%add3A_135] : memref<40000xf32, #tpu.memory_space<vmem_shared>> -> memref<2000xf32, #tpu.memory_space<vmem_shared>>
        %dma_wait3A_139 = tpu.memref_slice %arg10[%add3A_135] : memref<40000xf32, #tpu.memory_space<vmem_shared>> -> memref<2000xf32, #tpu.memory_space<vmem_shared>>
        tpu.wait_dma2 semaphore(%run_scoped3A_136 : memref<!tpu.dma_semaphore, #tpu.memory_space<semaphore_mem>>) src(%arg7 : memref<2000xf32, #tpu.memory_space<vmem>>) dst(%dma_wait3A_139 : memref<2000xf32, #tpu.memory_space<vmem_shared>>)
        tpu.yield
      }) : () -> ()
    } else {
    }
    %barrier3A = arith.constant 0 : index
    tpu.barrier barrier_id(%barrier3A)
    %mul3A = arith.constant 640 : i32
    %mul3A_37 = arith.muli %arg1, %mul3A : i32
    %add3A = arith.constant 0 : i32
    %add3A_38 = arith.addi %mul3A_37, %add3A : i32
    %run_scoped3A = arith.constant 1 : i32
    "tpu.region"() ({
      %run_scoped3A_130 = tpu.sem_alloc : memref<!tpu.dma_semaphore, #tpu.memory_space<semaphore_mem>>
      %dma_start3A_131 = arith.constant 0 : i32
      %dma_start3A_132 = tpu.memref_slice %arg2[%run_scoped3A, %add3A_38, %dma_start3A_131] : memref<2x10240x125xi32, #tpu.memory_space<hbm>> -> memref<1x10x125xi32, #tpu.memory_space<hbm>>
      %dma_start3A_133 = tpu.memref_squeeze %dma_start3A_132 : memref<1x10x125xi32, #tpu.memory_space<hbm>> -> memref<10x125xi32, #tpu.memory_space<hbm>>
      %dma_start3A_134 = arith.constant 0 : i32
      %dma_start3A_135 = tpu.memref_slice %arg2[%run_scoped3A, %add3A_38, %dma_start3A_134] : memref<2x10240x125xi32, #tpu.memory_space<hbm>> -> memref<1x10x125xi32, #tpu.memory_space<hbm>>
      %dma_start3A_136 = tpu.memref_squeeze %dma_start3A_135 : memref<1x10x125xi32, #tpu.memory_space<hbm>> -> memref<10x125xi32, #tpu.memory_space<hbm>>
      tpu.enqueue_dma source(%dma_start3A_136 : memref<10x125xi32, #tpu.memory_space<hbm>>) target(%arg4 : memref<10x125xi32, #tpu.memory_space<vmem>>) target_semaphore(%run_scoped3A_130 : memref<!tpu.dma_semaphore, #tpu.memory_space<semaphore_mem>>)
      %dma_wait3A = arith.constant 0 : i32
      %dma_wait3A_137 = tpu.memref_slice %arg2[%run_scoped3A, %add3A_38, %dma_wait3A] : memref<2x10240x125xi32, #tpu.memory_space<hbm>> -> memref<1x10x125xi32, #tpu.memory_space<hbm>>
      %dma_wait3A_138 = tpu.memref_squeeze %dma_wait3A_137 : memref<1x10x125xi32, #tpu.memory_space<hbm>> -> memref<10x125xi32, #tpu.memory_space<hbm>>
      %dma_wait3A_139 = arith.constant 0 : i32
      %dma_wait3A_140 = tpu.memref_slice %arg2[%run_scoped3A, %add3A_38, %dma_wait3A_139] : memref<2x10240x125xi32, #tpu.memory_space<hbm>> -> memref<1x10x125xi32, #tpu.memory_space<hbm>>
      %dma_wait3A_141 = tpu.memref_squeeze %dma_wait3A_140 : memref<1x10x125xi32, #tpu.memory_space<hbm>> -> memref<10x125xi32, #tpu.memory_space<hbm>>
      tpu.wait_dma2 semaphore(%run_scoped3A_130 : memref<!tpu.dma_semaphore, #tpu.memory_space<semaphore_mem>>) src(%dma_wait3A_141 : memref<10x125xi32, #tpu.memory_space<hbm>>) dst(%arg4 : memref<10x125xi32, #tpu.memory_space<vmem>>)
      tpu.yield
    }) : () -> ()
    %dma_start3A = arith.constant 0 : i32
    %dma_start3A_39 = arith.constant 0 : i32
    %dma_start3A_40 = tpu.memref_slice %arg6[%dma_start3A_39] : memref<128xf32, #tpu.memory_space<vmem>> -> memref<125xf32, #tpu.memory_space<vmem>>
    %dma_start3A_41 = arith.constant 0 : i32
    %dma_start3A_42 = tpu.memref_slice %arg4[%dma_start3A, %dma_start3A_41] : memref<10x125xi32, #tpu.memory_space<vmem>> -> memref<1x125xi32, #tpu.memory_space<vmem>>
    %dma_start3A_43 = tpu.memref_squeeze %dma_start3A_42 : memref<1x125xi32, #tpu.memory_space<vmem>> -> memref<125xi32, #tpu.memory_space<vmem>>
    %dma_start3A_44 = arith.constant 0 : i32
    %dma_start3A_45 = tpu.memref_slice %arg10[%dma_start3A_44] : memref<40000xf32, #tpu.memory_space<vmem_shared>> -> memref<40000xf32, #tpu.memory_space<vmem_shared>>
    tpu.enqueue_indirect_dma source(%dma_start3A_40 : memref<125xf32, #tpu.memory_space<vmem>>) target(%dma_start3A_45 : memref<40000xf32, #tpu.memory_space<vmem_shared>>) offsets(%dma_start3A_43 : memref<125xi32, #tpu.memory_space<vmem>>) semaphore(%arg11 : memref<!tpu.dma_semaphore, #tpu.memory_space<semaphore_mem>>) {add = true}
    %dma_start3A_46 = arith.constant 1 : i32
    %dma_start3A_47 = arith.constant 0 : i32
    %dma_start3A_48 = tpu.memref_slice %arg6[%dma_start3A_47] : memref<128xf32, #tpu.memory_space<vmem>> -> memref<125xf32, #tpu.memory_space<vmem>>
    %dma_start3A_49 = arith.constant 0 : i32
    %dma_start3A_50 = tpu.memref_slice %arg4[%dma_start3A_46, %dma_start3A_49] : memref<10x125xi32, #tpu.memory_space<vmem>> -> memref<1x125xi32, #tpu.memory_space<vmem>>
    %dma_start3A_51 = tpu.memref_squeeze %dma_start3A_50 : memref<1x125xi32, #tpu.memory_space<vmem>> -> memref<125xi32, #tpu.memory_space<vmem>>
    %dma_start3A_52 = arith.constant 0 : i32
    %dma_start3A_53 = tpu.memref_slice %arg10[%dma_start3A_52] : memref<40000xf32, #tpu.memory_space<vmem_shared>> -> memref<40000xf32, #tpu.memory_space<vmem_shared>>
    tpu.enqueue_indirect_dma source(%dma_start3A_48 : memref<125xf32, #tpu.memory_space<vmem>>) target(%dma_start3A_53 : memref<40000xf32, #tpu.memory_space<vmem_shared>>) offsets(%dma_start3A_51 : memref<125xi32, #tpu.memory_space<vmem>>) semaphore(%arg11 : memref<!tpu.dma_semaphore, #tpu.memory_space<semaphore_mem>>) {add = true}
    %dma_start3A_54 = arith.constant 2 : i32
    %dma_start3A_55 = arith.constant 0 : i32
    %dma_start3A_56 = tpu.memref_slice %arg6[%dma_start3A_55] : memref<128xf32, #tpu.memory_space<vmem>> -> memref<125xf32, #tpu.memory_space<vmem>>
    %dma_start3A_57 = arith.constant 0 : i32
    %dma_start3A_58 = tpu.memref_slice %arg4[%dma_start3A_54, %dma_start3A_57] : memref<10x125xi32, #tpu.memory_space<vmem>> -> memref<1x125xi32, #tpu.memory_space<vmem>>
    %dma_start3A_59 = tpu.memref_squeeze %dma_start3A_58 : memref<1x125xi32, #tpu.memory_space<vmem>> -> memref<125xi32, #tpu.memory_space<vmem>>
    %dma_start3A_60 = arith.constant 0 : i32
    %dma_start3A_61 = tpu.memref_slice %arg10[%dma_start3A_60] : memref<40000xf32, #tpu.memory_space<vmem_shared>> -> memref<40000xf32, #tpu.memory_space<vmem_shared>>
    tpu.enqueue_indirect_dma source(%dma_start3A_56 : memref<125xf32, #tpu.memory_space<vmem>>) target(%dma_start3A_61 : memref<40000xf32, #tpu.memory_space<vmem_shared>>) offsets(%dma_start3A_59 : memref<125xi32, #tpu.memory_space<vmem>>) semaphore(%arg11 : memref<!tpu.dma_semaphore, #tpu.memory_space<semaphore_mem>>) {add = true}
    %dma_start3A_62 = arith.constant 3 : i32
    %dma_start3A_63 = arith.constant 0 : i32
    %dma_start3A_64 = tpu.memref_slice %arg6[%dma_start3A_63] : memref<128xf32, #tpu.memory_space<vmem>> -> memref<125xf32, #tpu.memory_space<vmem>>
    %dma_start3A_65 = arith.constant 0 : i32
    %dma_start3A_66 = tpu.memref_slice %arg4[%dma_start3A_62, %dma_start3A_65] : memref<10x125xi32, #tpu.memory_space<vmem>> -> memref<1x125xi32, #tpu.memory_space<vmem>>
    %dma_start3A_67 = tpu.memref_squeeze %dma_start3A_66 : memref<1x125xi32, #tpu.memory_space<vmem>> -> memref<125xi32, #tpu.memory_space<vmem>>
    %dma_start3A_68 = arith.constant 0 : i32
    %dma_start3A_69 = tpu.memref_slice %arg10[%dma_start3A_68] : memref<40000xf32, #tpu.memory_space<vmem_shared>> -> memref<40000xf32, #tpu.memory_space<vmem_shared>>
    tpu.enqueue_indirect_dma source(%dma_start3A_64 : memref<125xf32, #tpu.memory_space<vmem>>) target(%dma_start3A_69 : memref<40000xf32, #tpu.memory_space<vmem_shared>>) offsets(%dma_start3A_67 : memref<125xi32, #tpu.memory_space<vmem>>) semaphore(%arg11 : memref<!tpu.dma_semaphore, #tpu.memory_space<semaphore_mem>>) {add = true}
    %dma_start3A_70 = arith.constant 4 : i32
    %dma_start3A_71 = arith.constant 0 : i32
    %dma_start3A_72 = tpu.memref_slice %arg6[%dma_start3A_71] : memref<128xf32, #tpu.memory_space<vmem>> -> memref<125xf32, #tpu.memory_space<vmem>>
    %dma_start3A_73 = arith.constant 0 : i32
    %dma_start3A_74 = tpu.memref_slice %arg4[%dma_start3A_70, %dma_start3A_73] : memref<10x125xi32, #tpu.memory_space<vmem>> -> memref<1x125xi32, #tpu.memory_space<vmem>>
    %dma_start3A_75 = tpu.memref_squeeze %dma_start3A_74 : memref<1x125xi32, #tpu.memory_space<vmem>> -> memref<125xi32, #tpu.memory_space<vmem>>
    %dma_start3A_76 = arith.constant 0 : i32
    %dma_start3A_77 = tpu.memref_slice %arg10[%dma_start3A_76] : memref<40000xf32, #tpu.memory_space<vmem_shared>> -> memref<40000xf32, #tpu.memory_space<vmem_shared>>
    tpu.enqueue_indirect_dma source(%dma_start3A_72 : memref<125xf32, #tpu.memory_space<vmem>>) target(%dma_start3A_77 : memref<40000xf32, #tpu.memory_space<vmem_shared>>) offsets(%dma_start3A_75 : memref<125xi32, #tpu.memory_space<vmem>>) semaphore(%arg11 : memref<!tpu.dma_semaphore, #tpu.memory_space<semaphore_mem>>) {add = true}
    %dma_start3A_78 = arith.constant 5 : i32
    %dma_start3A_79 = arith.constant 0 : i32
    %dma_start3A_80 = tpu.memref_slice %arg6[%dma_start3A_79] : memref<128xf32, #tpu.memory_space<vmem>> -> memref<125xf32, #tpu.memory_space<vmem>>
    %dma_start3A_81 = arith.constant 0 : i32
    %dma_start3A_82 = tpu.memref_slice %arg4[%dma_start3A_78, %dma_start3A_81] : memref<10x125xi32, #tpu.memory_space<vmem>> -> memref<1x125xi32, #tpu.memory_space<vmem>>
    %dma_start3A_83 = tpu.memref_squeeze %dma_start3A_82 : memref<1x125xi32, #tpu.memory_space<vmem>> -> memref<125xi32, #tpu.memory_space<vmem>>
    %dma_start3A_84 = arith.constant 0 : i32
    %dma_start3A_85 = tpu.memref_slice %arg10[%dma_start3A_84] : memref<40000xf32, #tpu.memory_space<vmem_shared>> -> memref<40000xf32, #tpu.memory_space<vmem_shared>>
    tpu.enqueue_indirect_dma source(%dma_start3A_80 : memref<125xf32, #tpu.memory_space<vmem>>) target(%dma_start3A_85 : memref<40000xf32, #tpu.memory_space<vmem_shared>>) offsets(%dma_start3A_83 : memref<125xi32, #tpu.memory_space<vmem>>) semaphore(%arg11 : memref<!tpu.dma_semaphore, #tpu.memory_space<semaphore_mem>>) {add = true}
    %dma_start3A_86 = arith.constant 6 : i32
    %dma_start3A_87 = arith.constant 0 : i32
    %dma_start3A_88 = tpu.memref_slice %arg6[%dma_start3A_87] : memref<128xf32, #tpu.memory_space<vmem>> -> memref<125xf32, #tpu.memory_space<vmem>>
    %dma_start3A_89 = arith.constant 0 : i32
    %dma_start3A_90 = tpu.memref_slice %arg4[%dma_start3A_86, %dma_start3A_89] : memref<10x125xi32, #tpu.memory_space<vmem>> -> memref<1x125xi32, #tpu.memory_space<vmem>>
    %dma_start3A_91 = tpu.memref_squeeze %dma_start3A_90 : memref<1x125xi32, #tpu.memory_space<vmem>> -> memref<125xi32, #tpu.memory_space<vmem>>
    %dma_start3A_92 = arith.constant 0 : i32
    %dma_start3A_93 = tpu.memref_slice %arg10[%dma_start3A_92] : memref<40000xf32, #tpu.memory_space<vmem_shared>> -> memref<40000xf32, #tpu.memory_space<vmem_shared>>
    tpu.enqueue_indirect_dma source(%dma_start3A_88 : memref<125xf32, #tpu.memory_space<vmem>>) target(%dma_start3A_93 : memref<40000xf32, #tpu.memory_space<vmem_shared>>) offsets(%dma_start3A_91 : memref<125xi32, #tpu.memory_space<vmem>>) semaphore(%arg11 : memref<!tpu.dma_semaphore, #tpu.memory_space<semaphore_mem>>) {add = true}
    %dma_start3A_94 = arith.constant 7 : i32
    %dma_start3A_95 = arith.constant 0 : i32
    %dma_start3A_96 = tpu.memref_slice %arg6[%dma_start3A_95] : memref<128xf32, #tpu.memory_space<vmem>> -> memref<125xf32, #tpu.memory_space<vmem>>
    %dma_start3A_97 = arith.constant 0 : i32
    %dma_start3A_98 = tpu.memref_slice %arg4[%dma_start3A_94, %dma_start3A_97] : memref<10x125xi32, #tpu.memory_space<vmem>> -> memref<1x125xi32, #tpu.memory_space<vmem>>
    %dma_start3A_99 = tpu.memref_squeeze %dma_start3A_98 : memref<1x125xi32, #tpu.memory_space<vmem>> -> memref<125xi32, #tpu.memory_space<vmem>>
    %dma_start3A_100 = arith.constant 0 : i32
    %dma_start3A_101 = tpu.memref_slice %arg10[%dma_start3A_100] : memref<40000xf32, #tpu.memory_space<vmem_shared>> -> memref<40000xf32, #tpu.memory_space<vmem_shared>>
    tpu.enqueue_indirect_dma source(%dma_start3A_96 : memref<125xf32, #tpu.memory_space<vmem>>) target(%dma_start3A_101 : memref<40000xf32, #tpu.memory_space<vmem_shared>>) offsets(%dma_start3A_99 : memref<125xi32, #tpu.memory_space<vmem>>) semaphore(%arg11 : memref<!tpu.dma_semaphore, #tpu.memory_space<semaphore_mem>>) {add = true}
    %dma_start3A_102 = arith.constant 8 : i32
    %dma_start3A_103 = arith.constant 0 : i32
    %dma_start3A_104 = tpu.memref_slice %arg6[%dma_start3A_103] : memref<128xf32, #tpu.memory_space<vmem>> -> memref<125xf32, #tpu.memory_space<vmem>>
    %dma_start3A_105 = arith.constant 0 : i32
    %dma_start3A_106 = tpu.memref_slice %arg4[%dma_start3A_102, %dma_start3A_105] : memref<10x125xi32, #tpu.memory_space<vmem>> -> memref<1x125xi32, #tpu.memory_space<vmem>>
    %dma_start3A_107 = tpu.memref_squeeze %dma_start3A_106 : memref<1x125xi32, #tpu.memory_space<vmem>> -> memref<125xi32, #tpu.memory_space<vmem>>
    %dma_start3A_108 = arith.constant 0 : i32
    %dma_start3A_109 = tpu.memref_slice %arg10[%dma_start3A_108] : memref<40000xf32, #tpu.memory_space<vmem_shared>> -> memref<40000xf32, #tpu.memory_space<vmem_shared>>
    tpu.enqueue_indirect_dma source(%dma_start3A_104 : memref<125xf32, #tpu.memory_space<vmem>>) target(%dma_start3A_109 : memref<40000xf32, #tpu.memory_space<vmem_shared>>) offsets(%dma_start3A_107 : memref<125xi32, #tpu.memory_space<vmem>>) semaphore(%arg11 : memref<!tpu.dma_semaphore, #tpu.memory_space<semaphore_mem>>) {add = true}
    %dma_start3A_110 = arith.constant 9 : i32
    %dma_start3A_111 = arith.constant 0 : i32
    %dma_start3A_112 = tpu.memref_slice %arg6[%dma_start3A_111] : memref<128xf32, #tpu.memory_space<vmem>> -> memref<125xf32, #tpu.memory_space<vmem>>
    %dma_start3A_113 = arith.constant 0 : i32
    %dma_start3A_114 = tpu.memref_slice %arg4[%dma_start3A_110, %dma_start3A_113] : memref<10x125xi32, #tpu.memory_space<vmem>> -> memref<1x125xi32, #tpu.memory_space<vmem>>
    %dma_start3A_115 = tpu.memref_squeeze %dma_start3A_114 : memref<1x125xi32, #tpu.memory_space<vmem>> -> memref<125xi32, #tpu.memory_space<vmem>>
    %dma_start3A_116 = arith.constant 0 : i32
    %dma_start3A_117 = tpu.memref_slice %arg10[%dma_start3A_116] : memref<40000xf32, #tpu.memory_space<vmem_shared>> -> memref<40000xf32, #tpu.memory_space<vmem_shared>>
    tpu.enqueue_indirect_dma source(%dma_start3A_112 : memref<125xf32, #tpu.memory_space<vmem>>) target(%dma_start3A_117 : memref<40000xf32, #tpu.memory_space<vmem_shared>>) offsets(%dma_start3A_115 : memref<125xi32, #tpu.memory_space<vmem>>) semaphore(%arg11 : memref<!tpu.dma_semaphore, #tpu.memory_space<semaphore_mem>>) {add = true}
    %scan3A_118 = arith.constant 0 : i32
    %scan3A_119 = arith.constant 0 : i32
    %scan3A_120 = arith.constant 32 : i32
    %scan3A_121 = arith.addi %scan3A_119, %scan3A_120 : i32
    %scan3A_122 = arith.constant 1 : i32
    scf.for %scan3A_130 = %scan3A_119 to %scan3A_121 step %scan3A_122  : i32 {
      %mul3A_131 = arith.constant 2 : i32
      %mul3A_132 = arith.muli %scan3A_130, %mul3A_131 : i32
      %add3A_133 = arith.constant 1 : i32
      %add3A_134 = arith.addi %mul3A_132, %add3A_133 : i32
      %mul3A_135 = arith.constant 10 : i32
      %mul3A_136 = arith.muli %add3A_134, %mul3A_135 : i32
      %add3A_137 = arith.addi %mul3A_37, %mul3A_136 : i32
      %run_scoped3A_138 = arith.constant 1 : i32
      "tpu.region"() ({
        %run_scoped3A_383 = tpu.sem_alloc : memref<!tpu.dma_semaphore, #tpu.memory_space<semaphore_mem>>
        %dma_start3A_384 = arith.constant 0 : i32
        %dma_start3A_385 = tpu.memref_slice %arg2[%run_scoped3A_138, %add3A_137, %dma_start3A_384] : memref<2x10240x125xi32, #tpu.memory_space<hbm>> -> memref<1x10x125xi32, #tpu.memory_space<hbm>>
        %dma_start3A_386 = tpu.memref_squeeze %dma_start3A_385 : memref<1x10x125xi32, #tpu.memory_space<hbm>> -> memref<10x125xi32, #tpu.memory_space<hbm>>
        %dma_start3A_387 = arith.constant 0 : i32
        %dma_start3A_388 = tpu.memref_slice %arg2[%run_scoped3A_138, %add3A_137, %dma_start3A_387] : memref<2x10240x125xi32, #tpu.memory_space<hbm>> -> memref<1x10x125xi32, #tpu.memory_space<hbm>>
        %dma_start3A_389 = tpu.memref_squeeze %dma_start3A_388 : memref<1x10x125xi32, #tpu.memory_space<hbm>> -> memref<10x125xi32, #tpu.memory_space<hbm>>
        tpu.enqueue_dma source(%dma_start3A_389 : memref<10x125xi32, #tpu.memory_space<hbm>>) target(%arg5 : memref<10x125xi32, #tpu.memory_space<vmem>>) target_semaphore(%run_scoped3A_383 : memref<!tpu.dma_semaphore, #tpu.memory_space<semaphore_mem>>)
        %dma_wait3A_390 = arith.constant 0 : i32
        %dma_wait3A_391 = tpu.memref_slice %arg2[%run_scoped3A_138, %add3A_137, %dma_wait3A_390] : memref<2x10240x125xi32, #tpu.memory_space<hbm>> -> memref<1x10x125xi32, #tpu.memory_space<hbm>>
        %dma_wait3A_392 = tpu.memref_squeeze %dma_wait3A_391 : memref<1x10x125xi32, #tpu.memory_space<hbm>> -> memref<10x125xi32, #tpu.memory_space<hbm>>
        %dma_wait3A_393 = arith.constant 0 : i32
        %dma_wait3A_394 = tpu.memref_slice %arg2[%run_scoped3A_138, %add3A_137, %dma_wait3A_393] : memref<2x10240x125xi32, #tpu.memory_space<hbm>> -> memref<1x10x125xi32, #tpu.memory_space<hbm>>
        %dma_wait3A_395 = tpu.memref_squeeze %dma_wait3A_394 : memref<1x10x125xi32, #tpu.memory_space<hbm>> -> memref<10x125xi32, #tpu.memory_space<hbm>>
        tpu.wait_dma2 semaphore(%run_scoped3A_383 : memref<!tpu.dma_semaphore, #tpu.memory_space<semaphore_mem>>) src(%dma_wait3A_395 : memref<10x125xi32, #tpu.memory_space<hbm>>) dst(%arg5 : memref<10x125xi32, #tpu.memory_space<vmem>>)
        tpu.yield
      }) : () -> ()
      %dma_start3A_139 = arith.constant 0 : i32
      %dma_start3A_140 = arith.constant 0 : i32
      %dma_start3A_141 = tpu.memref_slice %arg6[%dma_start3A_140] : memref<128xf32, #tpu.memory_space<vmem>> -> memref<125xf32, #tpu.memory_space<vmem>>
      %dma_start3A_142 = arith.constant 0 : i32
      %dma_start3A_143 = tpu.memref_slice %arg5[%dma_start3A_139, %dma_start3A_142] : memref<10x125xi32, #tpu.memory_space<vmem>> -> memref<1x125xi32, #tpu.memory_space<vmem>>
      %dma_start3A_144 = tpu.memref_squeeze %dma_start3A_143 : memref<1x125xi32, #tpu.memory_space<vmem>> -> memref<125xi32, #tpu.memory_space<vmem>>
      %dma_start3A_145 = arith.constant 0 : i32
      %dma_start3A_146 = tpu.memref_slice %arg10[%dma_start3A_145] : memref<40000xf32, #tpu.memory_space<vmem_shared>> -> memref<40000xf32, #tpu.memory_space<vmem_shared>>
      tpu.enqueue_indirect_dma source(%dma_start3A_141 : memref<125xf32, #tpu.memory_space<vmem>>) target(%dma_start3A_146 : memref<40000xf32, #tpu.memory_space<vmem_shared>>) offsets(%dma_start3A_144 : memref<125xi32, #tpu.memory_space<vmem>>) semaphore(%arg12 : memref<!tpu.dma_semaphore, #tpu.memory_space<semaphore_mem>>) {add = true}
      %dma_start3A_147 = arith.constant 1 : i32
      %dma_start3A_148 = arith.constant 0 : i32
      %dma_start3A_149 = tpu.memref_slice %arg6[%dma_start3A_148] : memref<128xf32, #tpu.memory_space<vmem>> -> memref<125xf32, #tpu.memory_space<vmem>>
      %dma_start3A_150 = arith.constant 0 : i32
      %dma_start3A_151 = tpu.memref_slice %arg5[%dma_start3A_147, %dma_start3A_150] : memref<10x125xi32, #tpu.memory_space<vmem>> -> memref<1x125xi32, #tpu.memory_space<vmem>>
      %dma_start3A_152 = tpu.memref_squeeze %dma_start3A_151 : memref<1x125xi32, #tpu.memory_space<vmem>> -> memref<125xi32, #tpu.memory_space<vmem>>
      %dma_start3A_153 = arith.constant 0 : i32
      %dma_start3A_154 = tpu.memref_slice %arg10[%dma_start3A_153] : memref<40000xf32, #tpu.memory_space<vmem_shared>> -> memref<40000xf32, #tpu.memory_space<vmem_shared>>
      tpu.enqueue_indirect_dma source(%dma_start3A_149 : memref<125xf32, #tpu.memory_space<vmem>>) target(%dma_start3A_154 : memref<40000xf32, #tpu.memory_space<vmem_shared>>) offsets(%dma_start3A_152 : memref<125xi32, #tpu.memory_space<vmem>>) semaphore(%arg12 : memref<!tpu.dma_semaphore, #tpu.memory_space<semaphore_mem>>) {add = true}
      %dma_start3A_155 = arith.constant 2 : i32
      %dma_start3A_156 = arith.constant 0 : i32
      %dma_start3A_157 = tpu.memref_slice %arg6[%dma_start3A_156] : memref<128xf32, #tpu.memory_space<vmem>> -> memref<125xf32, #tpu.memory_space<vmem>>
      %dma_start3A_158 = arith.constant 0 : i32
      %dma_start3A_159 = tpu.memref_slice %arg5[%dma_start3A_155, %dma_start3A_158] : memref<10x125xi32, #tpu.memory_space<vmem>> -> memref<1x125xi32, #tpu.memory_space<vmem>>
      %dma_start3A_160 = tpu.memref_squeeze %dma_start3A_159 : memref<1x125xi32, #tpu.memory_space<vmem>> -> memref<125xi32, #tpu.memory_space<vmem>>
      %dma_start3A_161 = arith.constant 0 : i32
      %dma_start3A_162 = tpu.memref_slice %arg10[%dma_start3A_161] : memref<40000xf32, #tpu.memory_space<vmem_shared>> -> memref<40000xf32, #tpu.memory_space<vmem_shared>>
      tpu.enqueue_indirect_dma source(%dma_start3A_157 : memref<125xf32, #tpu.memory_space<vmem>>) target(%dma_start3A_162 : memref<40000xf32, #tpu.memory_space<vmem_shared>>) offsets(%dma_start3A_160 : memref<125xi32, #tpu.memory_space<vmem>>) semaphore(%arg12 : memref<!tpu.dma_semaphore, #tpu.memory_space<semaphore_mem>>) {add = true}
      %dma_start3A_163 = arith.constant 3 : i32
      %dma_start3A_164 = arith.constant 0 : i32
      %dma_start3A_165 = tpu.memref_slice %arg6[%dma_start3A_164] : memref<128xf32, #tpu.memory_space<vmem>> -> memref<125xf32, #tpu.memory_space<vmem>>
      %dma_start3A_166 = arith.constant 0 : i32
      %dma_start3A_167 = tpu.memref_slice %arg5[%dma_start3A_163, %dma_start3A_166] : memref<10x125xi32, #tpu.memory_space<vmem>> -> memref<1x125xi32, #tpu.memory_space<vmem>>
      %dma_start3A_168 = tpu.memref_squeeze %dma_start3A_167 : memref<1x125xi32, #tpu.memory_space<vmem>> -> memref<125xi32, #tpu.memory_space<vmem>>
      %dma_start3A_169 = arith.constant 0 : i32
      %dma_start3A_170 = tpu.memref_slice %arg10[%dma_start3A_169] : memref<40000xf32, #tpu.memory_space<vmem_shared>> -> memref<40000xf32, #tpu.memory_space<vmem_shared>>
      tpu.enqueue_indirect_dma source(%dma_start3A_165 : memref<125xf32, #tpu.memory_space<vmem>>) target(%dma_start3A_170 : memref<40000xf32, #tpu.memory_space<vmem_shared>>) offsets(%dma_start3A_168 : memref<125xi32, #tpu.memory_space<vmem>>) semaphore(%arg12 : memref<!tpu.dma_semaphore, #tpu.memory_space<semaphore_mem>>) {add = true}
      %dma_start3A_171 = arith.constant 4 : i32
      %dma_start3A_172 = arith.constant 0 : i32
      %dma_start3A_173 = tpu.memref_slice %arg6[%dma_start3A_172] : memref<128xf32, #tpu.memory_space<vmem>> -> memref<125xf32, #tpu.memory_space<vmem>>
      %dma_start3A_174 = arith.constant 0 : i32
      %dma_start3A_175 = tpu.memref_slice %arg5[%dma_start3A_171, %dma_start3A_174] : memref<10x125xi32, #tpu.memory_space<vmem>> -> memref<1x125xi32, #tpu.memory_space<vmem>>
      %dma_start3A_176 = tpu.memref_squeeze %dma_start3A_175 : memref<1x125xi32, #tpu.memory_space<vmem>> -> memref<125xi32, #tpu.memory_space<vmem>>
      %dma_start3A_177 = arith.constant 0 : i32
      %dma_start3A_178 = tpu.memref_slice %arg10[%dma_start3A_177] : memref<40000xf32, #tpu.memory_space<vmem_shared>> -> memref<40000xf32, #tpu.memory_space<vmem_shared>>
      tpu.enqueue_indirect_dma source(%dma_start3A_173 : memref<125xf32, #tpu.memory_space<vmem>>) target(%dma_start3A_178 : memref<40000xf32, #tpu.memory_space<vmem_shared>>) offsets(%dma_start3A_176 : memref<125xi32, #tpu.memory_space<vmem>>) semaphore(%arg12 : memref<!tpu.dma_semaphore, #tpu.memory_space<semaphore_mem>>) {add = true}
      %dma_start3A_179 = arith.constant 5 : i32
      %dma_start3A_180 = arith.constant 0 : i32
      %dma_start3A_181 = tpu.memref_slice %arg6[%dma_start3A_180] : memref<128xf32, #tpu.memory_space<vmem>> -> memref<125xf32, #tpu.memory_space<vmem>>
      %dma_start3A_182 = arith.constant 0 : i32
      %dma_start3A_183 = tpu.memref_slice %arg5[%dma_start3A_179, %dma_start3A_182] : memref<10x125xi32, #tpu.memory_space<vmem>> -> memref<1x125xi32, #tpu.memory_space<vmem>>
      %dma_start3A_184 = tpu.memref_squeeze %dma_start3A_183 : memref<1x125xi32, #tpu.memory_space<vmem>> -> memref<125xi32, #tpu.memory_space<vmem>>
      %dma_start3A_185 = arith.constant 0 : i32
      %dma_start3A_186 = tpu.memref_slice %arg10[%dma_start3A_185] : memref<40000xf32, #tpu.memory_space<vmem_shared>> -> memref<40000xf32, #tpu.memory_space<vmem_shared>>
      tpu.enqueue_indirect_dma source(%dma_start3A_181 : memref<125xf32, #tpu.memory_space<vmem>>) target(%dma_start3A_186 : memref<40000xf32, #tpu.memory_space<vmem_shared>>) offsets(%dma_start3A_184 : memref<125xi32, #tpu.memory_space<vmem>>) semaphore(%arg12 : memref<!tpu.dma_semaphore, #tpu.memory_space<semaphore_mem>>) {add = true}
      %dma_start3A_187 = arith.constant 6 : i32
      %dma_start3A_188 = arith.constant 0 : i32
      %dma_start3A_189 = tpu.memref_slice %arg6[%dma_start3A_188] : memref<128xf32, #tpu.memory_space<vmem>> -> memref<125xf32, #tpu.memory_space<vmem>>
      %dma_start3A_190 = arith.constant 0 : i32
      %dma_start3A_191 = tpu.memref_slice %arg5[%dma_start3A_187, %dma_start3A_190] : memref<10x125xi32, #tpu.memory_space<vmem>> -> memref<1x125xi32, #tpu.memory_space<vmem>>
      %dma_start3A_192 = tpu.memref_squeeze %dma_start3A_191 : memref<1x125xi32, #tpu.memory_space<vmem>> -> memref<125xi32, #tpu.memory_space<vmem>>
      %dma_start3A_193 = arith.constant 0 : i32
      %dma_start3A_194 = tpu.memref_slice %arg10[%dma_start3A_193] : memref<40000xf32, #tpu.memory_space<vmem_shared>> -> memref<40000xf32, #tpu.memory_space<vmem_shared>>
      tpu.enqueue_indirect_dma source(%dma_start3A_189 : memref<125xf32, #tpu.memory_space<vmem>>) target(%dma_start3A_194 : memref<40000xf32, #tpu.memory_space<vmem_shared>>) offsets(%dma_start3A_192 : memref<125xi32, #tpu.memory_space<vmem>>) semaphore(%arg12 : memref<!tpu.dma_semaphore, #tpu.memory_space<semaphore_mem>>) {add = true}
      %dma_start3A_195 = arith.constant 7 : i32
      %dma_start3A_196 = arith.constant 0 : i32
      %dma_start3A_197 = tpu.memref_slice %arg6[%dma_start3A_196] : memref<128xf32, #tpu.memory_space<vmem>> -> memref<125xf32, #tpu.memory_space<vmem>>
      %dma_start3A_198 = arith.constant 0 : i32
      %dma_start3A_199 = tpu.memref_slice %arg5[%dma_start3A_195, %dma_start3A_198] : memref<10x125xi32, #tpu.memory_space<vmem>> -> memref<1x125xi32, #tpu.memory_space<vmem>>
      %dma_start3A_200 = tpu.memref_squeeze %dma_start3A_199 : memref<1x125xi32, #tpu.memory_space<vmem>> -> memref<125xi32, #tpu.memory_space<vmem>>
      %dma_start3A_201 = arith.constant 0 : i32
      %dma_start3A_202 = tpu.memref_slice %arg10[%dma_start3A_201] : memref<40000xf32, #tpu.memory_space<vmem_shared>> -> memref<40000xf32, #tpu.memory_space<vmem_shared>>
      tpu.enqueue_indirect_dma source(%dma_start3A_197 : memref<125xf32, #tpu.memory_space<vmem>>) target(%dma_start3A_202 : memref<40000xf32, #tpu.memory_space<vmem_shared>>) offsets(%dma_start3A_200 : memref<125xi32, #tpu.memory_space<vmem>>) semaphore(%arg12 : memref<!tpu.dma_semaphore, #tpu.memory_space<semaphore_mem>>) {add = true}
      %dma_start3A_203 = arith.constant 8 : i32
      %dma_start3A_204 = arith.constant 0 : i32
      %dma_start3A_205 = tpu.memref_slice %arg6[%dma_start3A_204] : memref<128xf32, #tpu.memory_space<vmem>> -> memref<125xf32, #tpu.memory_space<vmem>>
      %dma_start3A_206 = arith.constant 0 : i32
      %dma_start3A_207 = tpu.memref_slice %arg5[%dma_start3A_203, %dma_start3A_206] : memref<10x125xi32, #tpu.memory_space<vmem>> -> memref<1x125xi32, #tpu.memory_space<vmem>>
      %dma_start3A_208 = tpu.memref_squeeze %dma_start3A_207 : memref<1x125xi32, #tpu.memory_space<vmem>> -> memref<125xi32, #tpu.memory_space<vmem>>
      %dma_start3A_209 = arith.constant 0 : i32
      %dma_start3A_210 = tpu.memref_slice %arg10[%dma_start3A_209] : memref<40000xf32, #tpu.memory_space<vmem_shared>> -> memref<40000xf32, #tpu.memory_space<vmem_shared>>
      tpu.enqueue_indirect_dma source(%dma_start3A_205 : memref<125xf32, #tpu.memory_space<vmem>>) target(%dma_start3A_210 : memref<40000xf32, #tpu.memory_space<vmem_shared>>) offsets(%dma_start3A_208 : memref<125xi32, #tpu.memory_space<vmem>>) semaphore(%arg12 : memref<!tpu.dma_semaphore, #tpu.memory_space<semaphore_mem>>) {add = true}
      %dma_start3A_211 = arith.constant 9 : i32
      %dma_start3A_212 = arith.constant 0 : i32
      %dma_start3A_213 = tpu.memref_slice %arg6[%dma_start3A_212] : memref<128xf32, #tpu.memory_space<vmem>> -> memref<125xf32, #tpu.memory_space<vmem>>
      %dma_start3A_214 = arith.constant 0 : i32
      %dma_start3A_215 = tpu.memref_slice %arg5[%dma_start3A_211, %dma_start3A_214] : memref<10x125xi32, #tpu.memory_space<vmem>> -> memref<1x125xi32, #tpu.memory_space<vmem>>
      %dma_start3A_216 = tpu.memref_squeeze %dma_start3A_215 : memref<1x125xi32, #tpu.memory_space<vmem>> -> memref<125xi32, #tpu.memory_space<vmem>>
      %dma_start3A_217 = arith.constant 0 : i32
      %dma_start3A_218 = tpu.memref_slice %arg10[%dma_start3A_217] : memref<40000xf32, #tpu.memory_space<vmem_shared>> -> memref<40000xf32, #tpu.memory_space<vmem_shared>>
      tpu.enqueue_indirect_dma source(%dma_start3A_213 : memref<125xf32, #tpu.memory_space<vmem>>) target(%dma_start3A_218 : memref<40000xf32, #tpu.memory_space<vmem_shared>>) offsets(%dma_start3A_216 : memref<125xi32, #tpu.memory_space<vmem>>) semaphore(%arg12 : memref<!tpu.dma_semaphore, #tpu.memory_space<semaphore_mem>>) {add = true}
      %dma_wait3A = arith.constant 0 : i32
      %dma_wait3A_219 = arith.constant 0 : i32
      %dma_wait3A_220 = tpu.memref_slice %arg6[%dma_wait3A_219] : memref<128xf32, #tpu.memory_space<vmem>> -> memref<125xf32, #tpu.memory_space<vmem>>
      %dma_wait3A_221 = arith.constant 0 : i32
      %dma_wait3A_222 = tpu.memref_slice %arg4[%dma_wait3A, %dma_wait3A_221] : memref<10x125xi32, #tpu.memory_space<vmem>> -> memref<1x125xi32, #tpu.memory_space<vmem>>
      %dma_wait3A_223 = tpu.memref_squeeze %dma_wait3A_222 : memref<1x125xi32, #tpu.memory_space<vmem>> -> memref<125xi32, #tpu.memory_space<vmem>>
      %dma_wait3A_224 = arith.constant 0 : i32
      %dma_wait3A_225 = tpu.memref_slice %arg10[%dma_wait3A_224] : memref<40000xf32, #tpu.memory_space<vmem_shared>> -> memref<40000xf32, #tpu.memory_space<vmem_shared>>
      tpu.wait_indirect_dma semaphore(%arg11 : memref<!tpu.dma_semaphore, #tpu.memory_space<semaphore_mem>>) src(%dma_wait3A_220 : memref<125xf32, #tpu.memory_space<vmem>>) dst(%dma_wait3A_225 : memref<40000xf32, #tpu.memory_space<vmem_shared>>)
      %dma_wait3A_226 = arith.constant 1 : i32
      %dma_wait3A_227 = arith.constant 0 : i32
      %dma_wait3A_228 = tpu.memref_slice %arg6[%dma_wait3A_227] : memref<128xf32, #tpu.memory_space<vmem>> -> memref<125xf32, #tpu.memory_space<vmem>>
      %dma_wait3A_229 = arith.constant 0 : i32
      %dma_wait3A_230 = tpu.memref_slice %arg4[%dma_wait3A_226, %dma_wait3A_229] : memref<10x125xi32, #tpu.memory_space<vmem>> -> memref<1x125xi32, #tpu.memory_space<vmem>>
      %dma_wait3A_231 = tpu.memref_squeeze %dma_wait3A_230 : memref<1x125xi32, #tpu.memory_space<vmem>> -> memref<125xi32, #tpu.memory_space<vmem>>
      %dma_wait3A_232 = arith.constant 0 : i32
      %dma_wait3A_233 = tpu.memref_slice %arg10[%dma_wait3A_232] : memref<40000xf32, #tpu.memory_space<vmem_shared>> -> memref<40000xf32, #tpu.memory_space<vmem_shared>>
      tpu.wait_indirect_dma semaphore(%arg11 : memref<!tpu.dma_semaphore, #tpu.memory_space<semaphore_mem>>) src(%dma_wait3A_228 : memref<125xf32, #tpu.memory_space<vmem>>) dst(%dma_wait3A_233 : memref<40000xf32, #tpu.memory_space<vmem_shared>>)
      %dma_wait3A_234 = arith.constant 2 : i32
      %dma_wait3A_235 = arith.constant 0 : i32
      %dma_wait3A_236 = tpu.memref_slice %arg6[%dma_wait3A_235] : memref<128xf32, #tpu.memory_space<vmem>> -> memref<125xf32, #tpu.memory_space<vmem>>
      %dma_wait3A_237 = arith.constant 0 : i32
      %dma_wait3A_238 = tpu.memref_slice %arg4[%dma_wait3A_234, %dma_wait3A_237] : memref<10x125xi32, #tpu.memory_space<vmem>> -> memref<1x125xi32, #tpu.memory_space<vmem>>
      %dma_wait3A_239 = tpu.memref_squeeze %dma_wait3A_238 : memref<1x125xi32, #tpu.memory_space<vmem>> -> memref<125xi32, #tpu.memory_space<vmem>>
      %dma_wait3A_240 = arith.constant 0 : i32
      %dma_wait3A_241 = tpu.memref_slice %arg10[%dma_wait3A_240] : memref<40000xf32, #tpu.memory_space<vmem_shared>> -> memref<40000xf32, #tpu.memory_space<vmem_shared>>
      tpu.wait_indirect_dma semaphore(%arg11 : memref<!tpu.dma_semaphore, #tpu.memory_space<semaphore_mem>>) src(%dma_wait3A_236 : memref<125xf32, #tpu.memory_space<vmem>>) dst(%dma_wait3A_241 : memref<40000xf32, #tpu.memory_space<vmem_shared>>)
      %dma_wait3A_242 = arith.constant 3 : i32
      %dma_wait3A_243 = arith.constant 0 : i32
      %dma_wait3A_244 = tpu.memref_slice %arg6[%dma_wait3A_243] : memref<128xf32, #tpu.memory_space<vmem>> -> memref<125xf32, #tpu.memory_space<vmem>>
      %dma_wait3A_245 = arith.constant 0 : i32
      %dma_wait3A_246 = tpu.memref_slice %arg4[%dma_wait3A_242, %dma_wait3A_245] : memref<10x125xi32, #tpu.memory_space<vmem>> -> memref<1x125xi32, #tpu.memory_space<vmem>>
      %dma_wait3A_247 = tpu.memref_squeeze %dma_wait3A_246 : memref<1x125xi32, #tpu.memory_space<vmem>> -> memref<125xi32, #tpu.memory_space<vmem>>
      %dma_wait3A_248 = arith.constant 0 : i32
      %dma_wait3A_249 = tpu.memref_slice %arg10[%dma_wait3A_248] : memref<40000xf32, #tpu.memory_space<vmem_shared>> -> memref<40000xf32, #tpu.memory_space<vmem_shared>>
      tpu.wait_indirect_dma semaphore(%arg11 : memref<!tpu.dma_semaphore, #tpu.memory_space<semaphore_mem>>) src(%dma_wait3A_244 : memref<125xf32, #tpu.memory_space<vmem>>) dst(%dma_wait3A_249 : memref<40000xf32, #tpu.memory_space<vmem_shared>>)
      %dma_wait3A_250 = arith.constant 4 : i32
      %dma_wait3A_251 = arith.constant 0 : i32
      %dma_wait3A_252 = tpu.memref_slice %arg6[%dma_wait3A_251] : memref<128xf32, #tpu.memory_space<vmem>> -> memref<125xf32, #tpu.memory_space<vmem>>
      %dma_wait3A_253 = arith.constant 0 : i32
      %dma_wait3A_254 = tpu.memref_slice %arg4[%dma_wait3A_250, %dma_wait3A_253] : memref<10x125xi32, #tpu.memory_space<vmem>> -> memref<1x125xi32, #tpu.memory_space<vmem>>
      %dma_wait3A_255 = tpu.memref_squeeze %dma_wait3A_254 : memref<1x125xi32, #tpu.memory_space<vmem>> -> memref<125xi32, #tpu.memory_space<vmem>>
      %dma_wait3A_256 = arith.constant 0 : i32
      %dma_wait3A_257 = tpu.memref_slice %arg10[%dma_wait3A_256] : memref<40000xf32, #tpu.memory_space<vmem_shared>> -> memref<40000xf32, #tpu.memory_space<vmem_shared>>
      tpu.wait_indirect_dma semaphore(%arg11 : memref<!tpu.dma_semaphore, #tpu.memory_space<semaphore_mem>>) src(%dma_wait3A_252 : memref<125xf32, #tpu.memory_space<vmem>>) dst(%dma_wait3A_257 : memref<40000xf32, #tpu.memory_space<vmem_shared>>)
      %dma_wait3A_258 = arith.constant 5 : i32
      %dma_wait3A_259 = arith.constant 0 : i32
      %dma_wait3A_260 = tpu.memref_slice %arg6[%dma_wait3A_259] : memref<128xf32, #tpu.memory_space<vmem>> -> memref<125xf32, #tpu.memory_space<vmem>>
      %dma_wait3A_261 = arith.constant 0 : i32
      %dma_wait3A_262 = tpu.memref_slice %arg4[%dma_wait3A_258, %dma_wait3A_261] : memref<10x125xi32, #tpu.memory_space<vmem>> -> memref<1x125xi32, #tpu.memory_space<vmem>>
      %dma_wait3A_263 = tpu.memref_squeeze %dma_wait3A_262 : memref<1x125xi32, #tpu.memory_space<vmem>> -> memref<125xi32, #tpu.memory_space<vmem>>
      %dma_wait3A_264 = arith.constant 0 : i32
      %dma_wait3A_265 = tpu.memref_slice %arg10[%dma_wait3A_264] : memref<40000xf32, #tpu.memory_space<vmem_shared>> -> memref<40000xf32, #tpu.memory_space<vmem_shared>>
      tpu.wait_indirect_dma semaphore(%arg11 : memref<!tpu.dma_semaphore, #tpu.memory_space<semaphore_mem>>) src(%dma_wait3A_260 : memref<125xf32, #tpu.memory_space<vmem>>) dst(%dma_wait3A_265 : memref<40000xf32, #tpu.memory_space<vmem_shared>>)
      %dma_wait3A_266 = arith.constant 6 : i32
      %dma_wait3A_267 = arith.constant 0 : i32
      %dma_wait3A_268 = tpu.memref_slice %arg6[%dma_wait3A_267] : memref<128xf32, #tpu.memory_space<vmem>> -> memref<125xf32, #tpu.memory_space<vmem>>
      %dma_wait3A_269 = arith.constant 0 : i32
      %dma_wait3A_270 = tpu.memref_slice %arg4[%dma_wait3A_266, %dma_wait3A_269] : memref<10x125xi32, #tpu.memory_space<vmem>> -> memref<1x125xi32, #tpu.memory_space<vmem>>
      %dma_wait3A_271 = tpu.memref_squeeze %dma_wait3A_270 : memref<1x125xi32, #tpu.memory_space<vmem>> -> memref<125xi32, #tpu.memory_space<vmem>>
      %dma_wait3A_272 = arith.constant 0 : i32
      %dma_wait3A_273 = tpu.memref_slice %arg10[%dma_wait3A_272] : memref<40000xf32, #tpu.memory_space<vmem_shared>> -> memref<40000xf32, #tpu.memory_space<vmem_shared>>
      tpu.wait_indirect_dma semaphore(%arg11 : memref<!tpu.dma_semaphore, #tpu.memory_space<semaphore_mem>>) src(%dma_wait3A_268 : memref<125xf32, #tpu.memory_space<vmem>>) dst(%dma_wait3A_273 : memref<40000xf32, #tpu.memory_space<vmem_shared>>)
      %dma_wait3A_274 = arith.constant 7 : i32
      %dma_wait3A_275 = arith.constant 0 : i32
      %dma_wait3A_276 = tpu.memref_slice %arg6[%dma_wait3A_275] : memref<128xf32, #tpu.memory_space<vmem>> -> memref<125xf32, #tpu.memory_space<vmem>>
      %dma_wait3A_277 = arith.constant 0 : i32
      %dma_wait3A_278 = tpu.memref_slice %arg4[%dma_wait3A_274, %dma_wait3A_277] : memref<10x125xi32, #tpu.memory_space<vmem>> -> memref<1x125xi32, #tpu.memory_space<vmem>>
      %dma_wait3A_279 = tpu.memref_squeeze %dma_wait3A_278 : memref<1x125xi32, #tpu.memory_space<vmem>> -> memref<125xi32, #tpu.memory_space<vmem>>
      %dma_wait3A_280 = arith.constant 0 : i32
      %dma_wait3A_281 = tpu.memref_slice %arg10[%dma_wait3A_280] : memref<40000xf32, #tpu.memory_space<vmem_shared>> -> memref<40000xf32, #tpu.memory_space<vmem_shared>>
      tpu.wait_indirect_dma semaphore(%arg11 : memref<!tpu.dma_semaphore, #tpu.memory_space<semaphore_mem>>) src(%dma_wait3A_276 : memref<125xf32, #tpu.memory_space<vmem>>) dst(%dma_wait3A_281 : memref<40000xf32, #tpu.memory_space<vmem_shared>>)
      %dma_wait3A_282 = arith.constant 8 : i32
      %dma_wait3A_283 = arith.constant 0 : i32
      %dma_wait3A_284 = tpu.memref_slice %arg6[%dma_wait3A_283] : memref<128xf32, #tpu.memory_space<vmem>> -> memref<125xf32, #tpu.memory_space<vmem>>
      %dma_wait3A_285 = arith.constant 0 : i32
      %dma_wait3A_286 = tpu.memref_slice %arg4[%dma_wait3A_282, %dma_wait3A_285] : memref<10x125xi32, #tpu.memory_space<vmem>> -> memref<1x125xi32, #tpu.memory_space<vmem>>
      %dma_wait3A_287 = tpu.memref_squeeze %dma_wait3A_286 : memref<1x125xi32, #tpu.memory_space<vmem>> -> memref<125xi32, #tpu.memory_space<vmem>>
      %dma_wait3A_288 = arith.constant 0 : i32
      %dma_wait3A_289 = tpu.memref_slice %arg10[%dma_wait3A_288] : memref<40000xf32, #tpu.memory_space<vmem_shared>> -> memref<40000xf32, #tpu.memory_space<vmem_shared>>
      tpu.wait_indirect_dma semaphore(%arg11 : memref<!tpu.dma_semaphore, #tpu.memory_space<semaphore_mem>>) src(%dma_wait3A_284 : memref<125xf32, #tpu.memory_space<vmem>>) dst(%dma_wait3A_289 : memref<40000xf32, #tpu.memory_space<vmem_shared>>)
      %dma_wait3A_290 = arith.constant 9 : i32
      %dma_wait3A_291 = arith.constant 0 : i32
      %dma_wait3A_292 = tpu.memref_slice %arg6[%dma_wait3A_291] : memref<128xf32, #tpu.memory_space<vmem>> -> memref<125xf32, #tpu.memory_space<vmem>>
      %dma_wait3A_293 = arith.constant 0 : i32
      %dma_wait3A_294 = tpu.memref_slice %arg4[%dma_wait3A_290, %dma_wait3A_293] : memref<10x125xi32, #tpu.memory_space<vmem>> -> memref<1x125xi32, #tpu.memory_space<vmem>>
      %dma_wait3A_295 = tpu.memref_squeeze %dma_wait3A_294 : memref<1x125xi32, #tpu.memory_space<vmem>> -> memref<125xi32, #tpu.memory_space<vmem>>
      %dma_wait3A_296 = arith.constant 0 : i32
      %dma_wait3A_297 = tpu.memref_slice %arg10[%dma_wait3A_296] : memref<40000xf32, #tpu.memory_space<vmem_shared>> -> memref<40000xf32, #tpu.memory_space<vmem_shared>>
      tpu.wait_indirect_dma semaphore(%arg11 : memref<!tpu.dma_semaphore, #tpu.memory_space<semaphore_mem>>) src(%dma_wait3A_292 : memref<125xf32, #tpu.memory_space<vmem>>) dst(%dma_wait3A_297 : memref<40000xf32, #tpu.memory_space<vmem_shared>>)
      %lt3A_298 = arith.constant 31 : i32
      %lt3A_299 = arith.cmpi slt, %scan3A_130, %lt3A_298 : i32
      %convert_element_type3A_300 = arith.extui %lt3A_299 : i1 to i32
      %cond3A_301 = arith.constant 0 : i32
      %cond3A_302 = arith.cmpi ne, %convert_element_type3A_300, %cond3A_301 : i32
      scf.if %cond3A_302 {
        %add3A_383 = arith.constant 2 : i32
        %add3A_384 = arith.addi %mul3A_132, %add3A_383 : i32
        %mul3A_385 = arith.constant 10 : i32
        %mul3A_386 = arith.muli %add3A_384, %mul3A_385 : i32
        %add3A_387 = arith.addi %mul3A_37, %mul3A_386 : i32
        %run_scoped3A_388 = arith.constant 1 : i32
        "tpu.region"() ({
          %run_scoped3A_469 = tpu.sem_alloc : memref<!tpu.dma_semaphore, #tpu.memory_space<semaphore_mem>>
          %dma_start3A_470 = arith.constant 0 : i32
          %dma_start3A_471 = tpu.memref_slice %arg2[%run_scoped3A_388, %add3A_387, %dma_start3A_470] : memref<2x10240x125xi32, #tpu.memory_space<hbm>> -> memref<1x10x125xi32, #tpu.memory_space<hbm>>
          %dma_start3A_472 = tpu.memref_squeeze %dma_start3A_471 : memref<1x10x125xi32, #tpu.memory_space<hbm>> -> memref<10x125xi32, #tpu.memory_space<hbm>>
          %dma_start3A_473 = arith.constant 0 : i32
          %dma_start3A_474 = tpu.memref_slice %arg2[%run_scoped3A_388, %add3A_387, %dma_start3A_473] : memref<2x10240x125xi32, #tpu.memory_space<hbm>> -> memref<1x10x125xi32, #tpu.memory_space<hbm>>
          %dma_start3A_475 = tpu.memref_squeeze %dma_start3A_474 : memref<1x10x125xi32, #tpu.memory_space<hbm>> -> memref<10x125xi32, #tpu.memory_space<hbm>>
          tpu.enqueue_dma source(%dma_start3A_475 : memref<10x125xi32, #tpu.memory_space<hbm>>) target(%arg4 : memref<10x125xi32, #tpu.memory_space<vmem>>) target_semaphore(%run_scoped3A_469 : memref<!tpu.dma_semaphore, #tpu.memory_space<semaphore_mem>>)
          %dma_wait3A_476 = arith.constant 0 : i32
          %dma_wait3A_477 = tpu.memref_slice %arg2[%run_scoped3A_388, %add3A_387, %dma_wait3A_476] : memref<2x10240x125xi32, #tpu.memory_space<hbm>> -> memref<1x10x125xi32, #tpu.memory_space<hbm>>
          %dma_wait3A_478 = tpu.memref_squeeze %dma_wait3A_477 : memref<1x10x125xi32, #tpu.memory_space<hbm>> -> memref<10x125xi32, #tpu.memory_space<hbm>>
          %dma_wait3A_479 = arith.constant 0 : i32
          %dma_wait3A_480 = tpu.memref_slice %arg2[%run_scoped3A_388, %add3A_387, %dma_wait3A_479] : memref<2x10240x125xi32, #tpu.memory_space<hbm>> -> memref<1x10x125xi32, #tpu.memory_space<hbm>>
          %dma_wait3A_481 = tpu.memref_squeeze %dma_wait3A_480 : memref<1x10x125xi32, #tpu.memory_space<hbm>> -> memref<10x125xi32, #tpu.memory_space<hbm>>
          tpu.wait_dma2 semaphore(%run_scoped3A_469 : memref<!tpu.dma_semaphore, #tpu.memory_space<semaphore_mem>>) src(%dma_wait3A_481 : memref<10x125xi32, #tpu.memory_space<hbm>>) dst(%arg4 : memref<10x125xi32, #tpu.memory_space<vmem>>)
          tpu.yield
        }) : () -> ()
        %dma_start3A_389 = arith.constant 0 : i32
        %dma_start3A_390 = arith.constant 0 : i32
        %dma_start3A_391 = tpu.memref_slice %arg6[%dma_start3A_390] : memref<128xf32, #tpu.memory_space<vmem>> -> memref<125xf32, #tpu.memory_space<vmem>>
        %dma_start3A_392 = arith.constant 0 : i32
        %dma_start3A_393 = tpu.memref_slice %arg4[%dma_start3A_389, %dma_start3A_392] : memref<10x125xi32, #tpu.memory_space<vmem>> -> memref<1x125xi32, #tpu.memory_space<vmem>>
        %dma_start3A_394 = tpu.memref_squeeze %dma_start3A_393 : memref<1x125xi32, #tpu.memory_space<vmem>> -> memref<125xi32, #tpu.memory_space<vmem>>
        %dma_start3A_395 = arith.constant 0 : i32
        %dma_start3A_396 = tpu.memref_slice %arg10[%dma_start3A_395] : memref<40000xf32, #tpu.memory_space<vmem_shared>> -> memref<40000xf32, #tpu.memory_space<vmem_shared>>
        tpu.enqueue_indirect_dma source(%dma_start3A_391 : memref<125xf32, #tpu.memory_space<vmem>>) target(%dma_start3A_396 : memref<40000xf32, #tpu.memory_space<vmem_shared>>) offsets(%dma_start3A_394 : memref<125xi32, #tpu.memory_space<vmem>>) semaphore(%arg11 : memref<!tpu.dma_semaphore, #tpu.memory_space<semaphore_mem>>) {add = true}
        %dma_start3A_397 = arith.constant 1 : i32
        %dma_start3A_398 = arith.constant 0 : i32
        %dma_start3A_399 = tpu.memref_slice %arg6[%dma_start3A_398] : memref<128xf32, #tpu.memory_space<vmem>> -> memref<125xf32, #tpu.memory_space<vmem>>
        %dma_start3A_400 = arith.constant 0 : i32
        %dma_start3A_401 = tpu.memref_slice %arg4[%dma_start3A_397, %dma_start3A_400] : memref<10x125xi32, #tpu.memory_space<vmem>> -> memref<1x125xi32, #tpu.memory_space<vmem>>
        %dma_start3A_402 = tpu.memref_squeeze %dma_start3A_401 : memref<1x125xi32, #tpu.memory_space<vmem>> -> memref<125xi32, #tpu.memory_space<vmem>>
        %dma_start3A_403 = arith.constant 0 : i32
        %dma_start3A_404 = tpu.memref_slice %arg10[%dma_start3A_403] : memref<40000xf32, #tpu.memory_space<vmem_shared>> -> memref<40000xf32, #tpu.memory_space<vmem_shared>>
        tpu.enqueue_indirect_dma source(%dma_start3A_399 : memref<125xf32, #tpu.memory_space<vmem>>) target(%dma_start3A_404 : memref<40000xf32, #tpu.memory_space<vmem_shared>>) offsets(%dma_start3A_402 : memref<125xi32, #tpu.memory_space<vmem>>) semaphore(%arg11 : memref<!tpu.dma_semaphore, #tpu.memory_space<semaphore_mem>>) {add = true}
        %dma_start3A_405 = arith.constant 2 : i32
        %dma_start3A_406 = arith.constant 0 : i32
        %dma_start3A_407 = tpu.memref_slice %arg6[%dma_start3A_406] : memref<128xf32, #tpu.memory_space<vmem>> -> memref<125xf32, #tpu.memory_space<vmem>>
        %dma_start3A_408 = arith.constant 0 : i32
        %dma_start3A_409 = tpu.memref_slice %arg4[%dma_start3A_405, %dma_start3A_408] : memref<10x125xi32, #tpu.memory_space<vmem>> -> memref<1x125xi32, #tpu.memory_space<vmem>>
        %dma_start3A_410 = tpu.memref_squeeze %dma_start3A_409 : memref<1x125xi32, #tpu.memory_space<vmem>> -> memref<125xi32, #tpu.memory_space<vmem>>
        %dma_start3A_411 = arith.constant 0 : i32
        %dma_start3A_412 = tpu.memref_slice %arg10[%dma_start3A_411] : memref<40000xf32, #tpu.memory_space<vmem_shared>> -> memref<40000xf32, #tpu.memory_space<vmem_shared>>
        tpu.enqueue_indirect_dma source(%dma_start3A_407 : memref<125xf32, #tpu.memory_space<vmem>>) target(%dma_start3A_412 : memref<40000xf32, #tpu.memory_space<vmem_shared>>) offsets(%dma_start3A_410 : memref<125xi32, #tpu.memory_space<vmem>>) semaphore(%arg11 : memref<!tpu.dma_semaphore, #tpu.memory_space<semaphore_mem>>) {add = true}
        %dma_start3A_413 = arith.constant 3 : i32
        %dma_start3A_414 = arith.constant 0 : i32
        %dma_start3A_415 = tpu.memref_slice %arg6[%dma_start3A_414] : memref<128xf32, #tpu.memory_space<vmem>> -> memref<125xf32, #tpu.memory_space<vmem>>
        %dma_start3A_416 = arith.constant 0 : i32
        %dma_start3A_417 = tpu.memref_slice %arg4[%dma_start3A_413, %dma_start3A_416] : memref<10x125xi32, #tpu.memory_space<vmem>> -> memref<1x125xi32, #tpu.memory_space<vmem>>
        %dma_start3A_418 = tpu.memref_squeeze %dma_start3A_417 : memref<1x125xi32, #tpu.memory_space<vmem>> -> memref<125xi32, #tpu.memory_space<vmem>>
        %dma_start3A_419 = arith.constant 0 : i32
        %dma_start3A_420 = tpu.memref_slice %arg10[%dma_start3A_419] : memref<40000xf32, #tpu.memory_space<vmem_shared>> -> memref<40000xf32, #tpu.memory_space<vmem_shared>>
        tpu.enqueue_indirect_dma source(%dma_start3A_415 : memref<125xf32, #tpu.memory_space<vmem>>) target(%dma_start3A_420 : memref<40000xf32, #tpu.memory_space<vmem_shared>>) offsets(%dma_start3A_418 : memref<125xi32, #tpu.memory_space<vmem>>) semaphore(%arg11 : memref<!tpu.dma_semaphore, #tpu.memory_space<semaphore_mem>>) {add = true}
        %dma_start3A_421 = arith.constant 4 : i32
        %dma_start3A_422 = arith.constant 0 : i32
        %dma_start3A_423 = tpu.memref_slice %arg6[%dma_start3A_422] : memref<128xf32, #tpu.memory_space<vmem>> -> memref<125xf32, #tpu.memory_space<vmem>>
        %dma_start3A_424 = arith.constant 0 : i32
        %dma_start3A_425 = tpu.memref_slice %arg4[%dma_start3A_421, %dma_start3A_424] : memref<10x125xi32, #tpu.memory_space<vmem>> -> memref<1x125xi32, #tpu.memory_space<vmem>>
        %dma_start3A_426 = tpu.memref_squeeze %dma_start3A_425 : memref<1x125xi32, #tpu.memory_space<vmem>> -> memref<125xi32, #tpu.memory_space<vmem>>
        %dma_start3A_427 = arith.constant 0 : i32
        %dma_start3A_428 = tpu.memref_slice %arg10[%dma_start3A_427] : memref<40000xf32, #tpu.memory_space<vmem_shared>> -> memref<40000xf32, #tpu.memory_space<vmem_shared>>
        tpu.enqueue_indirect_dma source(%dma_start3A_423 : memref<125xf32, #tpu.memory_space<vmem>>) target(%dma_start3A_428 : memref<40000xf32, #tpu.memory_space<vmem_shared>>) offsets(%dma_start3A_426 : memref<125xi32, #tpu.memory_space<vmem>>) semaphore(%arg11 : memref<!tpu.dma_semaphore, #tpu.memory_space<semaphore_mem>>) {add = true}
        %dma_start3A_429 = arith.constant 5 : i32
        %dma_start3A_430 = arith.constant 0 : i32
        %dma_start3A_431 = tpu.memref_slice %arg6[%dma_start3A_430] : memref<128xf32, #tpu.memory_space<vmem>> -> memref<125xf32, #tpu.memory_space<vmem>>
        %dma_start3A_432 = arith.constant 0 : i32
        %dma_start3A_433 = tpu.memref_slice %arg4[%dma_start3A_429, %dma_start3A_432] : memref<10x125xi32, #tpu.memory_space<vmem>> -> memref<1x125xi32, #tpu.memory_space<vmem>>
        %dma_start3A_434 = tpu.memref_squeeze %dma_start3A_433 : memref<1x125xi32, #tpu.memory_space<vmem>> -> memref<125xi32, #tpu.memory_space<vmem>>
        %dma_start3A_435 = arith.constant 0 : i32
        %dma_start3A_436 = tpu.memref_slice %arg10[%dma_start3A_435] : memref<40000xf32, #tpu.memory_space<vmem_shared>> -> memref<40000xf32, #tpu.memory_space<vmem_shared>>
        tpu.enqueue_indirect_dma source(%dma_start3A_431 : memref<125xf32, #tpu.memory_space<vmem>>) target(%dma_start3A_436 : memref<40000xf32, #tpu.memory_space<vmem_shared>>) offsets(%dma_start3A_434 : memref<125xi32, #tpu.memory_space<vmem>>) semaphore(%arg11 : memref<!tpu.dma_semaphore, #tpu.memory_space<semaphore_mem>>) {add = true}
        %dma_start3A_437 = arith.constant 6 : i32
        %dma_start3A_438 = arith.constant 0 : i32
        %dma_start3A_439 = tpu.memref_slice %arg6[%dma_start3A_438] : memref<128xf32, #tpu.memory_space<vmem>> -> memref<125xf32, #tpu.memory_space<vmem>>
        %dma_start3A_440 = arith.constant 0 : i32
        %dma_start3A_441 = tpu.memref_slice %arg4[%dma_start3A_437, %dma_start3A_440] : memref<10x125xi32, #tpu.memory_space<vmem>> -> memref<1x125xi32, #tpu.memory_space<vmem>>
        %dma_start3A_442 = tpu.memref_squeeze %dma_start3A_441 : memref<1x125xi32, #tpu.memory_space<vmem>> -> memref<125xi32, #tpu.memory_space<vmem>>
        %dma_start3A_443 = arith.constant 0 : i32
        %dma_start3A_444 = tpu.memref_slice %arg10[%dma_start3A_443] : memref<40000xf32, #tpu.memory_space<vmem_shared>> -> memref<40000xf32, #tpu.memory_space<vmem_shared>>
        tpu.enqueue_indirect_dma source(%dma_start3A_439 : memref<125xf32, #tpu.memory_space<vmem>>) target(%dma_start3A_444 : memref<40000xf32, #tpu.memory_space<vmem_shared>>) offsets(%dma_start3A_442 : memref<125xi32, #tpu.memory_space<vmem>>) semaphore(%arg11 : memref<!tpu.dma_semaphore, #tpu.memory_space<semaphore_mem>>) {add = true}
        %dma_start3A_445 = arith.constant 7 : i32
        %dma_start3A_446 = arith.constant 0 : i32
        %dma_start3A_447 = tpu.memref_slice %arg6[%dma_start3A_446] : memref<128xf32, #tpu.memory_space<vmem>> -> memref<125xf32, #tpu.memory_space<vmem>>
        %dma_start3A_448 = arith.constant 0 : i32
        %dma_start3A_449 = tpu.memref_slice %arg4[%dma_start3A_445, %dma_start3A_448] : memref<10x125xi32, #tpu.memory_space<vmem>> -> memref<1x125xi32, #tpu.memory_space<vmem>>
        %dma_start3A_450 = tpu.memref_squeeze %dma_start3A_449 : memref<1x125xi32, #tpu.memory_space<vmem>> -> memref<125xi32, #tpu.memory_space<vmem>>
        %dma_start3A_451 = arith.constant 0 : i32
        %dma_start3A_452 = tpu.memref_slice %arg10[%dma_start3A_451] : memref<40000xf32, #tpu.memory_space<vmem_shared>> -> memref<40000xf32, #tpu.memory_space<vmem_shared>>
        tpu.enqueue_indirect_dma source(%dma_start3A_447 : memref<125xf32, #tpu.memory_space<vmem>>) target(%dma_start3A_452 : memref<40000xf32, #tpu.memory_space<vmem_shared>>) offsets(%dma_start3A_450 : memref<125xi32, #tpu.memory_space<vmem>>) semaphore(%arg11 : memref<!tpu.dma_semaphore, #tpu.memory_space<semaphore_mem>>) {add = true}
        %dma_start3A_453 = arith.constant 8 : i32
        %dma_start3A_454 = arith.constant 0 : i32
        %dma_start3A_455 = tpu.memref_slice %arg6[%dma_start3A_454] : memref<128xf32, #tpu.memory_space<vmem>> -> memref<125xf32, #tpu.memory_space<vmem>>
        %dma_start3A_456 = arith.constant 0 : i32
        %dma_start3A_457 = tpu.memref_slice %arg4[%dma_start3A_453, %dma_start3A_456] : memref<10x125xi32, #tpu.memory_space<vmem>> -> memref<1x125xi32, #tpu.memory_space<vmem>>
        %dma_start3A_458 = tpu.memref_squeeze %dma_start3A_457 : memref<1x125xi32, #tpu.memory_space<vmem>> -> memref<125xi32, #tpu.memory_space<vmem>>
        %dma_start3A_459 = arith.constant 0 : i32
        %dma_start3A_460 = tpu.memref_slice %arg10[%dma_start3A_459] : memref<40000xf32, #tpu.memory_space<vmem_shared>> -> memref<40000xf32, #tpu.memory_space<vmem_shared>>
        tpu.enqueue_indirect_dma source(%dma_start3A_455 : memref<125xf32, #tpu.memory_space<vmem>>) target(%dma_start3A_460 : memref<40000xf32, #tpu.memory_space<vmem_shared>>) offsets(%dma_start3A_458 : memref<125xi32, #tpu.memory_space<vmem>>) semaphore(%arg11 : memref<!tpu.dma_semaphore, #tpu.memory_space<semaphore_mem>>) {add = true}
        %dma_start3A_461 = arith.constant 9 : i32
        %dma_start3A_462 = arith.constant 0 : i32
        %dma_start3A_463 = tpu.memref_slice %arg6[%dma_start3A_462] : memref<128xf32, #tpu.memory_space<vmem>> -> memref<125xf32, #tpu.memory_space<vmem>>
        %dma_start3A_464 = arith.constant 0 : i32
        %dma_start3A_465 = tpu.memref_slice %arg4[%dma_start3A_461, %dma_start3A_464] : memref<10x125xi32, #tpu.memory_space<vmem>> -> memref<1x125xi32, #tpu.memory_space<vmem>>
        %dma_start3A_466 = tpu.memref_squeeze %dma_start3A_465 : memref<1x125xi32, #tpu.memory_space<vmem>> -> memref<125xi32, #tpu.memory_space<vmem>>
        %dma_start3A_467 = arith.constant 0 : i32
        %dma_start3A_468 = tpu.memref_slice %arg10[%dma_start3A_467] : memref<40000xf32, #tpu.memory_space<vmem_shared>> -> memref<40000xf32, #tpu.memory_space<vmem_shared>>
        tpu.enqueue_indirect_dma source(%dma_start3A_463 : memref<125xf32, #tpu.memory_space<vmem>>) target(%dma_start3A_468 : memref<40000xf32, #tpu.memory_space<vmem_shared>>) offsets(%dma_start3A_466 : memref<125xi32, #tpu.memory_space<vmem>>) semaphore(%arg11 : memref<!tpu.dma_semaphore, #tpu.memory_space<semaphore_mem>>) {add = true}
      } else {
      }
      %dma_wait3A_303 = arith.constant 0 : i32
      %dma_wait3A_304 = arith.constant 0 : i32
      %dma_wait3A_305 = tpu.memref_slice %arg6[%dma_wait3A_304] : memref<128xf32, #tpu.memory_space<vmem>> -> memref<125xf32, #tpu.memory_space<vmem>>
      %dma_wait3A_306 = arith.constant 0 : i32
      %dma_wait3A_307 = tpu.memref_slice %arg5[%dma_wait3A_303, %dma_wait3A_306] : memref<10x125xi32, #tpu.memory_space<vmem>> -> memref<1x125xi32, #tpu.memory_space<vmem>>
      %dma_wait3A_308 = tpu.memref_squeeze %dma_wait3A_307 : memref<1x125xi32, #tpu.memory_space<vmem>> -> memref<125xi32, #tpu.memory_space<vmem>>
      %dma_wait3A_309 = arith.constant 0 : i32
      %dma_wait3A_310 = tpu.memref_slice %arg10[%dma_wait3A_309] : memref<40000xf32, #tpu.memory_space<vmem_shared>> -> memref<40000xf32, #tpu.memory_space<vmem_shared>>
      tpu.wait_indirect_dma semaphore(%arg12 : memref<!tpu.dma_semaphore, #tpu.memory_space<semaphore_mem>>) src(%dma_wait3A_305 : memref<125xf32, #tpu.memory_space<vmem>>) dst(%dma_wait3A_310 : memref<40000xf32, #tpu.memory_space<vmem_shared>>)
      %dma_wait3A_311 = arith.constant 1 : i32
      %dma_wait3A_312 = arith.constant 0 : i32
      %dma_wait3A_313 = tpu.memref_slice %arg6[%dma_wait3A_312] : memref<128xf32, #tpu.memory_space<vmem>> -> memref<125xf32, #tpu.memory_space<vmem>>
      %dma_wait3A_314 = arith.constant 0 : i32
      %dma_wait3A_315 = tpu.memref_slice %arg5[%dma_wait3A_311, %dma_wait3A_314] : memref<10x125xi32, #tpu.memory_space<vmem>> -> memref<1x125xi32, #tpu.memory_space<vmem>>
      %dma_wait3A_316 = tpu.memref_squeeze %dma_wait3A_315 : memref<1x125xi32, #tpu.memory_space<vmem>> -> memref<125xi32, #tpu.memory_space<vmem>>
      %dma_wait3A_317 = arith.constant 0 : i32
      %dma_wait3A_318 = tpu.memref_slice %arg10[%dma_wait3A_317] : memref<40000xf32, #tpu.memory_space<vmem_shared>> -> memref<40000xf32, #tpu.memory_space<vmem_shared>>
      tpu.wait_indirect_dma semaphore(%arg12 : memref<!tpu.dma_semaphore, #tpu.memory_space<semaphore_mem>>) src(%dma_wait3A_313 : memref<125xf32, #tpu.memory_space<vmem>>) dst(%dma_wait3A_318 : memref<40000xf32, #tpu.memory_space<vmem_shared>>)
      %dma_wait3A_319 = arith.constant 2 : i32
      %dma_wait3A_320 = arith.constant 0 : i32
      %dma_wait3A_321 = tpu.memref_slice %arg6[%dma_wait3A_320] : memref<128xf32, #tpu.memory_space<vmem>> -> memref<125xf32, #tpu.memory_space<vmem>>
      %dma_wait3A_322 = arith.constant 0 : i32
      %dma_wait3A_323 = tpu.memref_slice %arg5[%dma_wait3A_319, %dma_wait3A_322] : memref<10x125xi32, #tpu.memory_space<vmem>> -> memref<1x125xi32, #tpu.memory_space<vmem>>
      %dma_wait3A_324 = tpu.memref_squeeze %dma_wait3A_323 : memref<1x125xi32, #tpu.memory_space<vmem>> -> memref<125xi32, #tpu.memory_space<vmem>>
      %dma_wait3A_325 = arith.constant 0 : i32
      %dma_wait3A_326 = tpu.memref_slice %arg10[%dma_wait3A_325] : memref<40000xf32, #tpu.memory_space<vmem_shared>> -> memref<40000xf32, #tpu.memory_space<vmem_shared>>
      tpu.wait_indirect_dma semaphore(%arg12 : memref<!tpu.dma_semaphore, #tpu.memory_space<semaphore_mem>>) src(%dma_wait3A_321 : memref<125xf32, #tpu.memory_space<vmem>>) dst(%dma_wait3A_326 : memref<40000xf32, #tpu.memory_space<vmem_shared>>)
      %dma_wait3A_327 = arith.constant 3 : i32
      %dma_wait3A_328 = arith.constant 0 : i32
      %dma_wait3A_329 = tpu.memref_slice %arg6[%dma_wait3A_328] : memref<128xf32, #tpu.memory_space<vmem>> -> memref<125xf32, #tpu.memory_space<vmem>>
      %dma_wait3A_330 = arith.constant 0 : i32
      %dma_wait3A_331 = tpu.memref_slice %arg5[%dma_wait3A_327, %dma_wait3A_330] : memref<10x125xi32, #tpu.memory_space<vmem>> -> memref<1x125xi32, #tpu.memory_space<vmem>>
      %dma_wait3A_332 = tpu.memref_squeeze %dma_wait3A_331 : memref<1x125xi32, #tpu.memory_space<vmem>> -> memref<125xi32, #tpu.memory_space<vmem>>
      %dma_wait3A_333 = arith.constant 0 : i32
      %dma_wait3A_334 = tpu.memref_slice %arg10[%dma_wait3A_333] : memref<40000xf32, #tpu.memory_space<vmem_shared>> -> memref<40000xf32, #tpu.memory_space<vmem_shared>>
      tpu.wait_indirect_dma semaphore(%arg12 : memref<!tpu.dma_semaphore, #tpu.memory_space<semaphore_mem>>) src(%dma_wait3A_329 : memref<125xf32, #tpu.memory_space<vmem>>) dst(%dma_wait3A_334 : memref<40000xf32, #tpu.memory_space<vmem_shared>>)
      %dma_wait3A_335 = arith.constant 4 : i32
      %dma_wait3A_336 = arith.constant 0 : i32
      %dma_wait3A_337 = tpu.memref_slice %arg6[%dma_wait3A_336] : memref<128xf32, #tpu.memory_space<vmem>> -> memref<125xf32, #tpu.memory_space<vmem>>
      %dma_wait3A_338 = arith.constant 0 : i32
      %dma_wait3A_339 = tpu.memref_slice %arg5[%dma_wait3A_335, %dma_wait3A_338] : memref<10x125xi32, #tpu.memory_space<vmem>> -> memref<1x125xi32, #tpu.memory_space<vmem>>
      %dma_wait3A_340 = tpu.memref_squeeze %dma_wait3A_339 : memref<1x125xi32, #tpu.memory_space<vmem>> -> memref<125xi32, #tpu.memory_space<vmem>>
      %dma_wait3A_341 = arith.constant 0 : i32
      %dma_wait3A_342 = tpu.memref_slice %arg10[%dma_wait3A_341] : memref<40000xf32, #tpu.memory_space<vmem_shared>> -> memref<40000xf32, #tpu.memory_space<vmem_shared>>
      tpu.wait_indirect_dma semaphore(%arg12 : memref<!tpu.dma_semaphore, #tpu.memory_space<semaphore_mem>>) src(%dma_wait3A_337 : memref<125xf32, #tpu.memory_space<vmem>>) dst(%dma_wait3A_342 : memref<40000xf32, #tpu.memory_space<vmem_shared>>)
      %dma_wait3A_343 = arith.constant 5 : i32
      %dma_wait3A_344 = arith.constant 0 : i32
      %dma_wait3A_345 = tpu.memref_slice %arg6[%dma_wait3A_344] : memref<128xf32, #tpu.memory_space<vmem>> -> memref<125xf32, #tpu.memory_space<vmem>>
      %dma_wait3A_346 = arith.constant 0 : i32
      %dma_wait3A_347 = tpu.memref_slice %arg5[%dma_wait3A_343, %dma_wait3A_346] : memref<10x125xi32, #tpu.memory_space<vmem>> -> memref<1x125xi32, #tpu.memory_space<vmem>>
      %dma_wait3A_348 = tpu.memref_squeeze %dma_wait3A_347 : memref<1x125xi32, #tpu.memory_space<vmem>> -> memref<125xi32, #tpu.memory_space<vmem>>
      %dma_wait3A_349 = arith.constant 0 : i32
      %dma_wait3A_350 = tpu.memref_slice %arg10[%dma_wait3A_349] : memref<40000xf32, #tpu.memory_space<vmem_shared>> -> memref<40000xf32, #tpu.memory_space<vmem_shared>>
      tpu.wait_indirect_dma semaphore(%arg12 : memref<!tpu.dma_semaphore, #tpu.memory_space<semaphore_mem>>) src(%dma_wait3A_345 : memref<125xf32, #tpu.memory_space<vmem>>) dst(%dma_wait3A_350 : memref<40000xf32, #tpu.memory_space<vmem_shared>>)
      %dma_wait3A_351 = arith.constant 6 : i32
      %dma_wait3A_352 = arith.constant 0 : i32
      %dma_wait3A_353 = tpu.memref_slice %arg6[%dma_wait3A_352] : memref<128xf32, #tpu.memory_space<vmem>> -> memref<125xf32, #tpu.memory_space<vmem>>
      %dma_wait3A_354 = arith.constant 0 : i32
      %dma_wait3A_355 = tpu.memref_slice %arg5[%dma_wait3A_351, %dma_wait3A_354] : memref<10x125xi32, #tpu.memory_space<vmem>> -> memref<1x125xi32, #tpu.memory_space<vmem>>
      %dma_wait3A_356 = tpu.memref_squeeze %dma_wait3A_355 : memref<1x125xi32, #tpu.memory_space<vmem>> -> memref<125xi32, #tpu.memory_space<vmem>>
      %dma_wait3A_357 = arith.constant 0 : i32
      %dma_wait3A_358 = tpu.memref_slice %arg10[%dma_wait3A_357] : memref<40000xf32, #tpu.memory_space<vmem_shared>> -> memref<40000xf32, #tpu.memory_space<vmem_shared>>
      tpu.wait_indirect_dma semaphore(%arg12 : memref<!tpu.dma_semaphore, #tpu.memory_space<semaphore_mem>>) src(%dma_wait3A_353 : memref<125xf32, #tpu.memory_space<vmem>>) dst(%dma_wait3A_358 : memref<40000xf32, #tpu.memory_space<vmem_shared>>)
      %dma_wait3A_359 = arith.constant 7 : i32
      %dma_wait3A_360 = arith.constant 0 : i32
      %dma_wait3A_361 = tpu.memref_slice %arg6[%dma_wait3A_360] : memref<128xf32, #tpu.memory_space<vmem>> -> memref<125xf32, #tpu.memory_space<vmem>>
      %dma_wait3A_362 = arith.constant 0 : i32
      %dma_wait3A_363 = tpu.memref_slice %arg5[%dma_wait3A_359, %dma_wait3A_362] : memref<10x125xi32, #tpu.memory_space<vmem>> -> memref<1x125xi32, #tpu.memory_space<vmem>>
      %dma_wait3A_364 = tpu.memref_squeeze %dma_wait3A_363 : memref<1x125xi32, #tpu.memory_space<vmem>> -> memref<125xi32, #tpu.memory_space<vmem>>
      %dma_wait3A_365 = arith.constant 0 : i32
      %dma_wait3A_366 = tpu.memref_slice %arg10[%dma_wait3A_365] : memref<40000xf32, #tpu.memory_space<vmem_shared>> -> memref<40000xf32, #tpu.memory_space<vmem_shared>>
      tpu.wait_indirect_dma semaphore(%arg12 : memref<!tpu.dma_semaphore, #tpu.memory_space<semaphore_mem>>) src(%dma_wait3A_361 : memref<125xf32, #tpu.memory_space<vmem>>) dst(%dma_wait3A_366 : memref<40000xf32, #tpu.memory_space<vmem_shared>>)
      %dma_wait3A_367 = arith.constant 8 : i32
      %dma_wait3A_368 = arith.constant 0 : i32
      %dma_wait3A_369 = tpu.memref_slice %arg6[%dma_wait3A_368] : memref<128xf32, #tpu.memory_space<vmem>> -> memref<125xf32, #tpu.memory_space<vmem>>
      %dma_wait3A_370 = arith.constant 0 : i32
      %dma_wait3A_371 = tpu.memref_slice %arg5[%dma_wait3A_367, %dma_wait3A_370] : memref<10x125xi32, #tpu.memory_space<vmem>> -> memref<1x125xi32, #tpu.memory_space<vmem>>
      %dma_wait3A_372 = tpu.memref_squeeze %dma_wait3A_371 : memref<1x125xi32, #tpu.memory_space<vmem>> -> memref<125xi32, #tpu.memory_space<vmem>>
      %dma_wait3A_373 = arith.constant 0 : i32
      %dma_wait3A_374 = tpu.memref_slice %arg10[%dma_wait3A_373] : memref<40000xf32, #tpu.memory_space<vmem_shared>> -> memref<40000xf32, #tpu.memory_space<vmem_shared>>
      tpu.wait_indirect_dma semaphore(%arg12 : memref<!tpu.dma_semaphore, #tpu.memory_space<semaphore_mem>>) src(%dma_wait3A_369 : memref<125xf32, #tpu.memory_space<vmem>>) dst(%dma_wait3A_374 : memref<40000xf32, #tpu.memory_space<vmem_shared>>)
      %dma_wait3A_375 = arith.constant 9 : i32
      %dma_wait3A_376 = arith.constant 0 : i32
      %dma_wait3A_377 = tpu.memref_slice %arg6[%dma_wait3A_376] : memref<128xf32, #tpu.memory_space<vmem>> -> memref<125xf32, #tpu.memory_space<vmem>>
      %dma_wait3A_378 = arith.constant 0 : i32
      %dma_wait3A_379 = tpu.memref_slice %arg5[%dma_wait3A_375, %dma_wait3A_378] : memref<10x125xi32, #tpu.memory_space<vmem>> -> memref<1x125xi32, #tpu.memory_space<vmem>>
      %dma_wait3A_380 = tpu.memref_squeeze %dma_wait3A_379 : memref<1x125xi32, #tpu.memory_space<vmem>> -> memref<125xi32, #tpu.memory_space<vmem>>
      %dma_wait3A_381 = arith.constant 0 : i32
      %dma_wait3A_382 = tpu.memref_slice %arg10[%dma_wait3A_381] : memref<40000xf32, #tpu.memory_space<vmem_shared>> -> memref<40000xf32, #tpu.memory_space<vmem_shared>>
      tpu.wait_indirect_dma semaphore(%arg12 : memref<!tpu.dma_semaphore, #tpu.memory_space<semaphore_mem>>) src(%dma_wait3A_377 : memref<125xf32, #tpu.memory_space<vmem>>) dst(%dma_wait3A_382 : memref<40000xf32, #tpu.memory_space<vmem_shared>>)
    }
    %scan3A_123 = arith.constant 32 : i32
    %barrier3A_124 = arith.constant 0 : index
    tpu.barrier barrier_id(%barrier3A_124)
    %lt3A_125 = arith.constant 10 : i32
    %lt3A_126 = arith.cmpi slt, %arg1, %lt3A_125 : i32
    %convert_element_type3A_127 = arith.extui %lt3A_126 : i1 to i32
    %cond3A_128 = arith.constant 0 : i32
    %cond3A_129 = arith.cmpi ne, %convert_element_type3A_127, %cond3A_128 : i32
    scf.if %cond3A_129 {
      %mul3A_130 = arith.constant 20000 : i32
      %mul3A_131 = arith.muli %arg0, %mul3A_130 : i32
      %mul3A_132 = arith.constant 2000 : i32
      %mul3A_133 = arith.muli %arg1, %mul3A_132 : i32
      %add3A_134 = arith.addi %mul3A_131, %mul3A_133 : i32
      "tpu.region"() ({
        %run_scoped3A_147 = tpu.sem_alloc : memref<!tpu.dma_semaphore, #tpu.memory_space<semaphore_mem>>
        %dma_start3A_148 = tpu.memref_slice %arg10[%add3A_134] : memref<40000xf32, #tpu.memory_space<vmem_shared>> -> memref<2000xf32, #tpu.memory_space<vmem_shared>>
        %dma_start3A_149 = tpu.memref_slice %arg10[%add3A_134] : memref<40000xf32, #tpu.memory_space<vmem_shared>> -> memref<2000xf32, #tpu.memory_space<vmem_shared>>
        tpu.enqueue_dma source(%dma_start3A_149 : memref<2000xf32, #tpu.memory_space<vmem_shared>>) target(%arg7 : memref<2000xf32, #tpu.memory_space<vmem>>) target_semaphore(%run_scoped3A_147 : memref<!tpu.dma_semaphore, #tpu.memory_space<semaphore_mem>>)
        %dma_wait3A = tpu.memref_slice %arg10[%add3A_134] : memref<40000xf32, #tpu.memory_space<vmem_shared>> -> memref<2000xf32, #tpu.memory_space<vmem_shared>>
        %dma_wait3A_150 = tpu.memref_slice %arg10[%add3A_134] : memref<40000xf32, #tpu.memory_space<vmem_shared>> -> memref<2000xf32, #tpu.memory_space<vmem_shared>>
        tpu.wait_dma2 semaphore(%run_scoped3A_147 : memref<!tpu.dma_semaphore, #tpu.memory_space<semaphore_mem>>) src(%dma_wait3A_150 : memref<2000xf32, #tpu.memory_space<vmem_shared>>) dst(%arg7 : memref<2000xf32, #tpu.memory_space<vmem>>)
        tpu.yield
      }) : () -> ()
      %scan3A_135 = arith.constant 0 : i32
      %scan3A_136 = arith.constant 0 : i32
      %scan3A_137 = arith.constant 125 : i32
      %scan3A_138 = arith.addi %scan3A_136, %scan3A_137 : i32
      %scan3A_139 = arith.constant 1 : i32
      scf.for %scan3A_147 = %scan3A_136 to %scan3A_138 step %scan3A_139  : i32 {
        %mul3A_148 = arith.constant 16 : i32
        %mul3A_149 = arith.muli %scan3A_147, %mul3A_148 : i32
        %multiple_of3A = tpu.assume_multiple %mul3A_149, 8 : i32
        %get3A = arith.index_cast %multiple_of3A : i32 to index
        %get3A_150 = tpu.vector_load %arg7[%get3A] {strides = array<i32>} : memref<2000xf32, #tpu.memory_space<vmem>>, vector<16xf32>,
        %add3A_151 = arith.constant 2.000000e+00 : f32
        %add3A_152 = vector.broadcast %add3A_151 : f32 to vector<16xf32>
        %add3A_153 = arith.addf %get3A_150, %add3A_152 : vector<16xf32>
        %bitcast3A = vector.bitcast %add3A_153 : vector<16xf32> to vector<16xi32>
        %shift_right_arithmetic3A = arith.constant 1 : i32
        %shift_right_arithmetic3A_154 = vector.broadcast %shift_right_arithmetic3A : i32 to vector<16xi32>
        %shift_right_arithmetic3A_155 = arith.shrsi %bitcast3A, %shift_right_arithmetic3A_154 : vector<16xi32>
        %sub3A = arith.constant 1597463007 : i32
        %sub3A_156 = vector.broadcast %sub3A : i32 to vector<16xi32>
        %sub3A_157 = arith.subi %sub3A_156, %shift_right_arithmetic3A_155 : vector<16xi32>
        %bitcast3A_158 = vector.bitcast %sub3A_157 : vector<16xi32> to vector<16xf32>
        %mul3A_159 = arith.constant 5.000000e-01 : f32
        %mul3A_160 = vector.broadcast %mul3A_159 : f32 to vector<16xf32>
        %mul3A_161 = arith.mulf %mul3A_160, %add3A_153 : vector<16xf32>
        %mul3A_162 = arith.mulf %mul3A_161, %bitcast3A_158 : vector<16xf32>
        %mul3A_163 = arith.mulf %mul3A_162, %bitcast3A_158 : vector<16xf32>
        %sub3A_164 = arith.constant 1.500000e+00 : f32
        %sub3A_165 = vector.broadcast %sub3A_164 : f32 to vector<16xf32>
        %sub3A_166 = arith.subf %sub3A_165, %mul3A_163 : vector<16xf32>
        %mul3A_167 = arith.mulf %bitcast3A_158, %sub3A_166 : vector<16xf32>
        %mul3A_168 = arith.mulf %mul3A_161, %mul3A_167 : vector<16xf32>
        %mul3A_169 = arith.mulf %mul3A_168, %mul3A_167 : vector<16xf32>
        %sub3A_170 = arith.constant 1.500000e+00 : f32
        %sub3A_171 = vector.broadcast %sub3A_170 : f32 to vector<16xf32>
        %sub3A_172 = arith.subf %sub3A_171, %mul3A_169 : vector<16xf32>
        %mul3A_173 = arith.mulf %mul3A_167, %sub3A_172 : vector<16xf32>
        %mul3A_174 = arith.mulf %mul3A_161, %mul3A_173 : vector<16xf32>
        %mul3A_175 = arith.mulf %mul3A_174, %mul3A_173 : vector<16xf32>
        %sub3A_176 = arith.constant 1.500000e+00 : f32
        %sub3A_177 = vector.broadcast %sub3A_176 : f32 to vector<16xf32>
        %sub3A_178 = arith.subf %sub3A_177, %mul3A_175 : vector<16xf32>
        %mul3A_179 = arith.mulf %mul3A_173, %sub3A_178 : vector<16xf32>
        %swap3A_180 = arith.index_cast %multiple_of3A : i32 to index
        %swap3A_181 = tpu.vector_load %arg8[%swap3A_180] {strides = array<i32>} : memref<2000xf32, #tpu.memory_space<vmem>>, vector<16xf32>,
        tpu.vector_store %arg8[%swap3A_180], %mul3A_179 {strides = array<i32>} : memref<2000xf32, #tpu.memory_space<vmem>>, vector<16xf32>,
      }
      %scan3A_140 = arith.constant 125 : i32
      %scan3A_141 = arith.constant 0 : i32
      %scan3A_142 = arith.constant 0 : i32
      %scan3A_143 = arith.constant 2000 : i32
      %scan3A_144 = arith.addi %scan3A_142, %scan3A_143 : i32
      %scan3A_145 = arith.constant 1 : i32
      scf.for %scan3A_147 = %scan3A_142 to %scan3A_144 step %scan3A_145  : i32 {
        %broadcast_in_dim3A_148 = vector.broadcast %scan3A_147 : i32 to vector<16xi32>
        %gather3A = tpu.vector_load_idx %arg8[%broadcast_in_dim3A_148] : memref<2000xf32, #tpu.memory_space<vmem>>[vector<16xi32>], vector<16xf32>,
        %swap3A_149 = arith.index_cast %scan3A_147 : i32 to index
        %swap3A_150 = arith.constant 0 : index
        %swap3A_151 = tpu.vector_load %arg9[%swap3A_149, %swap3A_150] {strides = array<i32>} : memref<2000x32xf32, #tpu.memory_space<vmem>>, vector<16xf32>,
        tpu.vector_store %arg9[%swap3A_149, %swap3A_150], %gather3A {strides = array<i32>} : memref<2000x32xf32, #tpu.memory_space<vmem>>, vector<16xf32>,
        %swap3A_152 = arith.index_cast %scan3A_147 : i32 to index
        %swap3A_153 = arith.constant 16 : index
        %swap3A_154 = tpu.vector_load %arg9[%swap3A_152, %swap3A_153] {strides = array<i32>} : memref<2000x32xf32, #tpu.memory_space<vmem>>, vector<16xf32>,
        tpu.vector_store %arg9[%swap3A_152, %swap3A_153], %gather3A {strides = array<i32>} : memref<2000x32xf32, #tpu.memory_space<vmem>>, vector<16xf32>,
      }
      %scan3A_146 = arith.constant 2000 : i32
      "tpu.region"() ({
        %run_scoped3A_147 = tpu.sem_alloc : memref<!tpu.dma_semaphore, #tpu.memory_space<semaphore_mem>>
        %dma_start3A_148 = arith.constant 0 : i32
        %dma_start3A_149 = tpu.memref_slice %arg3[%add3A_134, %dma_start3A_148] : memref<40000x32xf32, #tpu.memory_space<hbm>> -> memref<2000x32xf32, #tpu.memory_space<hbm>>
        %dma_start3A_150 = arith.constant 0 : i32
        %dma_start3A_151 = tpu.memref_slice %arg3[%add3A_134, %dma_start3A_150] : memref<40000x32xf32, #tpu.memory_space<hbm>> -> memref<2000x32xf32, #tpu.memory_space<hbm>>
        tpu.enqueue_dma source(%arg9 : memref<2000x32xf32, #tpu.memory_space<vmem>>) target(%dma_start3A_151 : memref<2000x32xf32, #tpu.memory_space<hbm>>) target_semaphore(%run_scoped3A_147 : memref<!tpu.dma_semaphore, #tpu.memory_space<semaphore_mem>>)
        %dma_wait3A = arith.constant 0 : i32
        %dma_wait3A_152 = tpu.memref_slice %arg3[%add3A_134, %dma_wait3A] : memref<40000x32xf32, #tpu.memory_space<hbm>> -> memref<2000x32xf32, #tpu.memory_space<hbm>>
        %dma_wait3A_153 = arith.constant 0 : i32
        %dma_wait3A_154 = tpu.memref_slice %arg3[%add3A_134, %dma_wait3A_153] : memref<40000x32xf32, #tpu.memory_space<hbm>> -> memref<2000x32xf32, #tpu.memory_space<hbm>>
        tpu.wait_dma2 semaphore(%run_scoped3A_147 : memref<!tpu.dma_semaphore, #tpu.memory_space<semaphore_mem>>) src(%arg9 : memref<2000x32xf32, #tpu.memory_space<vmem>>) dst(%dma_wait3A_154 : memref<2000x32xf32, #tpu.memory_space<hbm>>)
        tpu.yield
      }) : () -> ()
    } else {
    }
    return
  }
}

#map = affine_map<(d0, d1) -> (0, 0, 0)>
#map1 = affine_map<(d0, d1) -> (0, 0)>
module attributes {stable_mosaic.version = 14 : i64} {
  func.func @_sc_scatter(%arg0: i32, %arg1: i32, %arg2: memref<2x10240x125xi32, #tpu.memory_space<hbm>>, %arg3: memref<40000x32xf32, #tpu.memory_space<hbm>>, %arg4: memref<2x40000x32xf32, #tpu.memory_space<hbm>>, %arg5: memref<2x5x125xi32, #tpu.memory_space<vmem>>, %arg6: memref<2x5x125xi32, #tpu.memory_space<vmem>>, %arg7: memref<5x125x32xf32, #tpu.memory_space<vmem>>, %arg8: memref<5x125x32xf32, #tpu.memory_space<vmem>>, %arg9: memref<250x32xf32, #tpu.memory_space<vmem>>, %arg10: memref<40000x32xf32, #tpu.memory_space<vmem_shared>>, %arg11: memref<!tpu.dma_semaphore, #tpu.memory_space<semaphore_mem>>, %arg12: memref<!tpu.dma_semaphore, #tpu.memory_space<semaphore_mem>>, %arg13: memref<!tpu.dma_semaphore, #tpu.memory_space<semaphore_mem>>, %arg14: memref<!tpu.dma_semaphore, #tpu.memory_space<semaphore_mem>>) attributes {dimension_semantics = [#tpu.dimension_semantics<core_parallel>, #tpu.dimension_semantics<subcore_parallel>], iteration_bounds = array<i64: 2, 16>, scalar_prefetch = 0 : i64, scratch_operands = 10 : i64, tpu.core_type = #tpu.core_type<sc_vector_subcore>, window_params = [{transform_indices = #map}, {transform_indices = #map1}, {transform_indices = #map}]} {
    %mul3A = arith.constant 2 : i32
    %mul3A_0 = arith.muli %arg1, %mul3A : i32
    %add3A = arith.addi %mul3A_0, %arg0 : i32
    %scan3A = arith.constant 0 : i32
    %scan3A_1 = arith.constant 0 : i32
    %scan3A_2 = arith.constant 250 : i32
    %scan3A_3 = arith.addi %scan3A_1, %scan3A_2 : i32
    %scan3A_4 = arith.constant 1 : i32
    scf.for %scan3A_282 = %scan3A_1 to %scan3A_3 step %scan3A_4  : i32 {
      %broadcast_in_dim3A = arith.constant 0.000000e+00 : f32
      %broadcast_in_dim3A_283 = vector.broadcast %broadcast_in_dim3A : f32 to vector<16xf32>
      %swap3A = arith.index_cast %scan3A_282 : i32 to index
      %swap3A_284 = arith.constant 0 : index
      %swap3A_285 = tpu.vector_load %arg9[%swap3A, %swap3A_284] {strides = array<i32>} : memref<250x32xf32, #tpu.memory_space<vmem>>, vector<1x16xf32>,
      %swap3A_286 = vector.shape_cast %swap3A_285 : vector<1x16xf32> to vector<16xf32>
      %swap3A_287 = vector.shape_cast %broadcast_in_dim3A_283 : vector<16xf32> to vector<1x16xf32>
      tpu.vector_store %arg9[%swap3A, %swap3A_284], %swap3A_287 {strides = array<i32>} : memref<250x32xf32, #tpu.memory_space<vmem>>, vector<1x16xf32>,
      %broadcast_in_dim3A_288 = arith.constant 0.000000e+00 : f32
      %broadcast_in_dim3A_289 = vector.broadcast %broadcast_in_dim3A_288 : f32 to vector<16xf32>
      %swap3A_290 = arith.index_cast %scan3A_282 : i32 to index
      %swap3A_291 = arith.constant 16 : index
      %swap3A_292 = tpu.vector_load %arg9[%swap3A_290, %swap3A_291] {strides = array<i32>} : memref<250x32xf32, #tpu.memory_space<vmem>>, vector<1x16xf32>,
      %swap3A_293 = vector.shape_cast %swap3A_292 : vector<1x16xf32> to vector<16xf32>
      %swap3A_294 = vector.shape_cast %broadcast_in_dim3A_289 : vector<16xf32> to vector<1x16xf32>
      tpu.vector_store %arg9[%swap3A_290, %swap3A_291], %swap3A_294 {strides = array<i32>} : memref<250x32xf32, #tpu.memory_space<vmem>>, vector<1x16xf32>,
    }
    %scan3A_5 = arith.constant 250 : i32
    %scan3A_6 = arith.constant 0 : i32
    %scan3A_7 = arith.constant 0 : i32
    %scan3A_8 = arith.constant 10 : i32
    %scan3A_9 = arith.addi %scan3A_7, %scan3A_8 : i32
    %scan3A_10 = arith.constant 1 : i32
    scf.for %scan3A_282 = %scan3A_7 to %scan3A_9 step %scan3A_10  : i32 {
      %mul3A_283 = arith.constant 2500 : i32
      %mul3A_284 = arith.muli %arg1, %mul3A_283 : i32
      %mul3A_285 = arith.constant 250 : i32
      %mul3A_286 = arith.muli %scan3A_282, %mul3A_285 : i32
      %add3A_287 = arith.addi %mul3A_284, %mul3A_286 : i32
      "tpu.region"() ({
        %run_scoped3A = tpu.sem_alloc : memref<!tpu.dma_semaphore, #tpu.memory_space<semaphore_mem>>
        %dma_start3A_288 = arith.constant 0 : i32
        %dma_start3A_289 = tpu.memref_slice %arg10[%add3A_287, %dma_start3A_288] : memref<40000x32xf32, #tpu.memory_space<vmem_shared>> -> memref<250x32xf32, #tpu.memory_space<vmem_shared>>
        %dma_start3A_290 = arith.constant 0 : i32
        %dma_start3A_291 = tpu.memref_slice %arg10[%add3A_287, %dma_start3A_290] : memref<40000x32xf32, #tpu.memory_space<vmem_shared>> -> memref<250x32xf32, #tpu.memory_space<vmem_shared>>
        tpu.enqueue_dma source(%arg9 : memref<250x32xf32, #tpu.memory_space<vmem>>) target(%dma_start3A_291 : memref<250x32xf32, #tpu.memory_space<vmem_shared>>) target_semaphore(%run_scoped3A : memref<!tpu.dma_semaphore, #tpu.memory_space<semaphore_mem>>)
        %dma_wait3A_292 = arith.constant 0 : i32
        %dma_wait3A_293 = tpu.memref_slice %arg10[%add3A_287, %dma_wait3A_292] : memref<40000x32xf32, #tpu.memory_space<vmem_shared>> -> memref<250x32xf32, #tpu.memory_space<vmem_shared>>
        %dma_wait3A_294 = arith.constant 0 : i32
        %dma_wait3A_295 = tpu.memref_slice %arg10[%add3A_287, %dma_wait3A_294] : memref<40000x32xf32, #tpu.memory_space<vmem_shared>> -> memref<250x32xf32, #tpu.memory_space<vmem_shared>>
        tpu.wait_dma2 semaphore(%run_scoped3A : memref<!tpu.dma_semaphore, #tpu.memory_space<semaphore_mem>>) src(%arg9 : memref<250x32xf32, #tpu.memory_space<vmem>>) dst(%dma_wait3A_295 : memref<250x32xf32, #tpu.memory_space<vmem_shared>>)
        tpu.yield
      }) : () -> ()
    }
    %scan3A_11 = arith.constant 10 : i32
    %barrier3A = arith.constant 0 : index
    tpu.barrier barrier_id(%barrier3A)
    %mul3A_12 = arith.constant 320 : i32
    %mul3A_13 = arith.muli %add3A, %mul3A_12 : i32
    %add3A_14 = arith.constant 0 : i32
    %add3A_15 = arith.addi %mul3A_13, %add3A_14 : i32
    "tpu.region"() ({
      %run_scoped3A = tpu.sem_alloc : memref<!tpu.dma_semaphore, #tpu.memory_space<semaphore_mem>>
      %dma_start3A_282 = arith.constant 0 : i32
      %dma_start3A_283 = arith.constant 0 : i32
      %dma_start3A_284 = tpu.memref_slice %arg2[%dma_start3A_282, %add3A_15, %dma_start3A_283] : memref<2x10240x125xi32, #tpu.memory_space<hbm>> -> memref<2x5x125xi32, #tpu.memory_space<hbm>>
      %dma_start3A_285 = arith.constant 0 : i32
      %dma_start3A_286 = arith.constant 0 : i32
      %dma_start3A_287 = tpu.memref_slice %arg2[%dma_start3A_285, %add3A_15, %dma_start3A_286] : memref<2x10240x125xi32, #tpu.memory_space<hbm>> -> memref<2x5x125xi32, #tpu.memory_space<hbm>>
      tpu.enqueue_dma source(%dma_start3A_287 : memref<2x5x125xi32, #tpu.memory_space<hbm>>) target(%arg5 : memref<2x5x125xi32, #tpu.memory_space<vmem>>) target_semaphore(%run_scoped3A : memref<!tpu.dma_semaphore, #tpu.memory_space<semaphore_mem>>)
      %dma_wait3A_288 = arith.constant 0 : i32
      %dma_wait3A_289 = arith.constant 0 : i32
      %dma_wait3A_290 = tpu.memref_slice %arg2[%dma_wait3A_288, %add3A_15, %dma_wait3A_289] : memref<2x10240x125xi32, #tpu.memory_space<hbm>> -> memref<2x5x125xi32, #tpu.memory_space<hbm>>
      %dma_wait3A_291 = arith.constant 0 : i32
      %dma_wait3A_292 = arith.constant 0 : i32
      %dma_wait3A_293 = tpu.memref_slice %arg2[%dma_wait3A_291, %add3A_15, %dma_wait3A_292] : memref<2x10240x125xi32, #tpu.memory_space<hbm>> -> memref<2x5x125xi32, #tpu.memory_space<hbm>>
      tpu.wait_dma2 semaphore(%run_scoped3A : memref<!tpu.dma_semaphore, #tpu.memory_space<semaphore_mem>>) src(%dma_wait3A_293 : memref<2x5x125xi32, #tpu.memory_space<hbm>>) dst(%arg5 : memref<2x5x125xi32, #tpu.memory_space<vmem>>)
      tpu.yield
    }) : () -> ()
    %dma_start3A = arith.constant 0 : i32
    %dma_start3A_16 = arith.constant 0 : i32
    %dma_start3A_17 = arith.constant 0 : i32
    %dma_start3A_18 = arith.constant 0 : i32
    %dma_start3A_19 = arith.constant 0 : i32
    %dma_start3A_20 = tpu.memref_slice %arg7[%dma_start3A_17, %dma_start3A_18, %dma_start3A_19] : memref<5x125x32xf32, #tpu.memory_space<vmem>> -> memref<1x125x32xf32, #tpu.memory_space<vmem>>
    %dma_start3A_21 = tpu.memref_squeeze %dma_start3A_20 : memref<1x125x32xf32, #tpu.memory_space<vmem>> -> memref<125x32xf32, #tpu.memory_space<vmem>>
    %dma_start3A_22 = arith.constant 0 : i32
    %dma_start3A_23 = arith.constant 0 : i32
    %dma_start3A_24 = tpu.memref_slice %arg5[%dma_start3A, %dma_start3A_22, %dma_start3A_23] : memref<2x5x125xi32, #tpu.memory_space<vmem>> -> memref<1x5x125xi32, #tpu.memory_space<vmem>>
    %dma_start3A_25 = tpu.memref_squeeze %dma_start3A_24 : memref<1x5x125xi32, #tpu.memory_space<vmem>> -> memref<5x125xi32, #tpu.memory_space<vmem>>
    %dma_start3A_26 = arith.constant 0 : i32
    %dma_start3A_27 = tpu.memref_slice %dma_start3A_25[%dma_start3A_16, %dma_start3A_26] : memref<5x125xi32, #tpu.memory_space<vmem>> -> memref<1x125xi32, #tpu.memory_space<vmem>>
    %dma_start3A_28 = tpu.memref_squeeze %dma_start3A_27 : memref<1x125xi32, #tpu.memory_space<vmem>> -> memref<125xi32, #tpu.memory_space<vmem>>
    %dma_start3A_29 = arith.constant 0 : i32
    %dma_start3A_30 = arith.constant 0 : i32
    %dma_start3A_31 = tpu.memref_slice %arg3[%dma_start3A_29, %dma_start3A_30] : memref<40000x32xf32, #tpu.memory_space<hbm>> -> memref<40000x32xf32, #tpu.memory_space<hbm>>
    tpu.enqueue_indirect_dma source(%dma_start3A_31 : memref<40000x32xf32, #tpu.memory_space<hbm>>) target(%dma_start3A_21 : memref<125x32xf32, #tpu.memory_space<vmem>>) offsets(%dma_start3A_28 : memref<125xi32, #tpu.memory_space<vmem>>) semaphore(%arg11 : memref<!tpu.dma_semaphore, #tpu.memory_space<semaphore_mem>>)
    %dma_start3A_32 = arith.constant 0 : i32
    %dma_start3A_33 = arith.constant 1 : i32
    %dma_start3A_34 = arith.constant 1 : i32
    %dma_start3A_35 = arith.constant 0 : i32
    %dma_start3A_36 = arith.constant 0 : i32
    %dma_start3A_37 = tpu.memref_slice %arg7[%dma_start3A_34, %dma_start3A_35, %dma_start3A_36] : memref<5x125x32xf32, #tpu.memory_space<vmem>> -> memref<1x125x32xf32, #tpu.memory_space<vmem>>
    %dma_start3A_38 = tpu.memref_squeeze %dma_start3A_37 : memref<1x125x32xf32, #tpu.memory_space<vmem>> -> memref<125x32xf32, #tpu.memory_space<vmem>>
    %dma_start3A_39 = arith.constant 0 : i32
    %dma_start3A_40 = arith.constant 0 : i32
    %dma_start3A_41 = tpu.memref_slice %arg5[%dma_start3A_32, %dma_start3A_39, %dma_start3A_40] : memref<2x5x125xi32, #tpu.memory_space<vmem>> -> memref<1x5x125xi32, #tpu.memory_space<vmem>>
    %dma_start3A_42 = tpu.memref_squeeze %dma_start3A_41 : memref<1x5x125xi32, #tpu.memory_space<vmem>> -> memref<5x125xi32, #tpu.memory_space<vmem>>
    %dma_start3A_43 = arith.constant 0 : i32
    %dma_start3A_44 = tpu.memref_slice %dma_start3A_42[%dma_start3A_33, %dma_start3A_43] : memref<5x125xi32, #tpu.memory_space<vmem>> -> memref<1x125xi32, #tpu.memory_space<vmem>>
    %dma_start3A_45 = tpu.memref_squeeze %dma_start3A_44 : memref<1x125xi32, #tpu.memory_space<vmem>> -> memref<125xi32, #tpu.memory_space<vmem>>
    %dma_start3A_46 = arith.constant 0 : i32
    %dma_start3A_47 = arith.constant 0 : i32
    %dma_start3A_48 = tpu.memref_slice %arg3[%dma_start3A_46, %dma_start3A_47] : memref<40000x32xf32, #tpu.memory_space<hbm>> -> memref<40000x32xf32, #tpu.memory_space<hbm>>
    tpu.enqueue_indirect_dma source(%dma_start3A_48 : memref<40000x32xf32, #tpu.memory_space<hbm>>) target(%dma_start3A_38 : memref<125x32xf32, #tpu.memory_space<vmem>>) offsets(%dma_start3A_45 : memref<125xi32, #tpu.memory_space<vmem>>) semaphore(%arg11 : memref<!tpu.dma_semaphore, #tpu.memory_space<semaphore_mem>>)
    %dma_start3A_49 = arith.constant 0 : i32
    %dma_start3A_50 = arith.constant 2 : i32
    %dma_start3A_51 = arith.constant 2 : i32
    %dma_start3A_52 = arith.constant 0 : i32
    %dma_start3A_53 = arith.constant 0 : i32
    %dma_start3A_54 = tpu.memref_slice %arg7[%dma_start3A_51, %dma_start3A_52, %dma_start3A_53] : memref<5x125x32xf32, #tpu.memory_space<vmem>> -> memref<1x125x32xf32, #tpu.memory_space<vmem>>
    %dma_start3A_55 = tpu.memref_squeeze %dma_start3A_54 : memref<1x125x32xf32, #tpu.memory_space<vmem>> -> memref<125x32xf32, #tpu.memory_space<vmem>>
    %dma_start3A_56 = arith.constant 0 : i32
    %dma_start3A_57 = arith.constant 0 : i32
    %dma_start3A_58 = tpu.memref_slice %arg5[%dma_start3A_49, %dma_start3A_56, %dma_start3A_57] : memref<2x5x125xi32, #tpu.memory_space<vmem>> -> memref<1x5x125xi32, #tpu.memory_space<vmem>>
    %dma_start3A_59 = tpu.memref_squeeze %dma_start3A_58 : memref<1x5x125xi32, #tpu.memory_space<vmem>> -> memref<5x125xi32, #tpu.memory_space<vmem>>
    %dma_start3A_60 = arith.constant 0 : i32
    %dma_start3A_61 = tpu.memref_slice %dma_start3A_59[%dma_start3A_50, %dma_start3A_60] : memref<5x125xi32, #tpu.memory_space<vmem>> -> memref<1x125xi32, #tpu.memory_space<vmem>>
    %dma_start3A_62 = tpu.memref_squeeze %dma_start3A_61 : memref<1x125xi32, #tpu.memory_space<vmem>> -> memref<125xi32, #tpu.memory_space<vmem>>
    %dma_start3A_63 = arith.constant 0 : i32
    %dma_start3A_64 = arith.constant 0 : i32
    %dma_start3A_65 = tpu.memref_slice %arg3[%dma_start3A_63, %dma_start3A_64] : memref<40000x32xf32, #tpu.memory_space<hbm>> -> memref<40000x32xf32, #tpu.memory_space<hbm>>
    tpu.enqueue_indirect_dma source(%dma_start3A_65 : memref<40000x32xf32, #tpu.memory_space<hbm>>) target(%dma_start3A_55 : memref<125x32xf32, #tpu.memory_space<vmem>>) offsets(%dma_start3A_62 : memref<125xi32, #tpu.memory_space<vmem>>) semaphore(%arg11 : memref<!tpu.dma_semaphore, #tpu.memory_space<semaphore_mem>>)
    %dma_start3A_66 = arith.constant 0 : i32
    %dma_start3A_67 = arith.constant 3 : i32
    %dma_start3A_68 = arith.constant 3 : i32
    %dma_start3A_69 = arith.constant 0 : i32
    %dma_start3A_70 = arith.constant 0 : i32
    %dma_start3A_71 = tpu.memref_slice %arg7[%dma_start3A_68, %dma_start3A_69, %dma_start3A_70] : memref<5x125x32xf32, #tpu.memory_space<vmem>> -> memref<1x125x32xf32, #tpu.memory_space<vmem>>
    %dma_start3A_72 = tpu.memref_squeeze %dma_start3A_71 : memref<1x125x32xf32, #tpu.memory_space<vmem>> -> memref<125x32xf32, #tpu.memory_space<vmem>>
    %dma_start3A_73 = arith.constant 0 : i32
    %dma_start3A_74 = arith.constant 0 : i32
    %dma_start3A_75 = tpu.memref_slice %arg5[%dma_start3A_66, %dma_start3A_73, %dma_start3A_74] : memref<2x5x125xi32, #tpu.memory_space<vmem>> -> memref<1x5x125xi32, #tpu.memory_space<vmem>>
    %dma_start3A_76 = tpu.memref_squeeze %dma_start3A_75 : memref<1x5x125xi32, #tpu.memory_space<vmem>> -> memref<5x125xi32, #tpu.memory_space<vmem>>
    %dma_start3A_77 = arith.constant 0 : i32
    %dma_start3A_78 = tpu.memref_slice %dma_start3A_76[%dma_start3A_67, %dma_start3A_77] : memref<5x125xi32, #tpu.memory_space<vmem>> -> memref<1x125xi32, #tpu.memory_space<vmem>>
    %dma_start3A_79 = tpu.memref_squeeze %dma_start3A_78 : memref<1x125xi32, #tpu.memory_space<vmem>> -> memref<125xi32, #tpu.memory_space<vmem>>
    %dma_start3A_80 = arith.constant 0 : i32
    %dma_start3A_81 = arith.constant 0 : i32
    %dma_start3A_82 = tpu.memref_slice %arg3[%dma_start3A_80, %dma_start3A_81] : memref<40000x32xf32, #tpu.memory_space<hbm>> -> memref<40000x32xf32, #tpu.memory_space<hbm>>
    tpu.enqueue_indirect_dma source(%dma_start3A_82 : memref<40000x32xf32, #tpu.memory_space<hbm>>) target(%dma_start3A_72 : memref<125x32xf32, #tpu.memory_space<vmem>>) offsets(%dma_start3A_79 : memref<125xi32, #tpu.memory_space<vmem>>) semaphore(%arg11 : memref<!tpu.dma_semaphore, #tpu.memory_space<semaphore_mem>>)
    %dma_start3A_83 = arith.constant 0 : i32
    %dma_start3A_84 = arith.constant 4 : i32
    %dma_start3A_85 = arith.constant 4 : i32
    %dma_start3A_86 = arith.constant 0 : i32
    %dma_start3A_87 = arith.constant 0 : i32
    %dma_start3A_88 = tpu.memref_slice %arg7[%dma_start3A_85, %dma_start3A_86, %dma_start3A_87] : memref<5x125x32xf32, #tpu.memory_space<vmem>> -> memref<1x125x32xf32, #tpu.memory_space<vmem>>
    %dma_start3A_89 = tpu.memref_squeeze %dma_start3A_88 : memref<1x125x32xf32, #tpu.memory_space<vmem>> -> memref<125x32xf32, #tpu.memory_space<vmem>>
    %dma_start3A_90 = arith.constant 0 : i32
    %dma_start3A_91 = arith.constant 0 : i32
    %dma_start3A_92 = tpu.memref_slice %arg5[%dma_start3A_83, %dma_start3A_90, %dma_start3A_91] : memref<2x5x125xi32, #tpu.memory_space<vmem>> -> memref<1x5x125xi32, #tpu.memory_space<vmem>>
    %dma_start3A_93 = tpu.memref_squeeze %dma_start3A_92 : memref<1x5x125xi32, #tpu.memory_space<vmem>> -> memref<5x125xi32, #tpu.memory_space<vmem>>
    %dma_start3A_94 = arith.constant 0 : i32
    %dma_start3A_95 = tpu.memref_slice %dma_start3A_93[%dma_start3A_84, %dma_start3A_94] : memref<5x125xi32, #tpu.memory_space<vmem>> -> memref<1x125xi32, #tpu.memory_space<vmem>>
    %dma_start3A_96 = tpu.memref_squeeze %dma_start3A_95 : memref<1x125xi32, #tpu.memory_space<vmem>> -> memref<125xi32, #tpu.memory_space<vmem>>
    %dma_start3A_97 = arith.constant 0 : i32
    %dma_start3A_98 = arith.constant 0 : i32
    %dma_start3A_99 = tpu.memref_slice %arg3[%dma_start3A_97, %dma_start3A_98] : memref<40000x32xf32, #tpu.memory_space<hbm>> -> memref<40000x32xf32, #tpu.memory_space<hbm>>
    tpu.enqueue_indirect_dma source(%dma_start3A_99 : memref<40000x32xf32, #tpu.memory_space<hbm>>) target(%dma_start3A_89 : memref<125x32xf32, #tpu.memory_space<vmem>>) offsets(%dma_start3A_96 : memref<125xi32, #tpu.memory_space<vmem>>) semaphore(%arg11 : memref<!tpu.dma_semaphore, #tpu.memory_space<semaphore_mem>>)
    %scan3A_100 = arith.constant 0 : i32
    %scan3A_101 = arith.constant 0 : i32
    %scan3A_102 = arith.constant 32 : i32
    %scan3A_103 = arith.addi %scan3A_101, %scan3A_102 : i32
    %scan3A_104 = arith.constant 1 : i32
    scf.for %scan3A_282 = %scan3A_101 to %scan3A_103 step %scan3A_104  : i32 {
      %mul3A_283 = arith.constant 2 : i32
      %mul3A_284 = arith.muli %scan3A_282, %mul3A_283 : i32
      %add3A_285 = arith.constant 1 : i32
      %add3A_286 = arith.addi %mul3A_284, %add3A_285 : i32
      %ge3A = arith.constant 2 : i32
      %ge3A_287 = arith.cmpi sge, %add3A_286, %ge3A : i32
      %convert_element_type3A = arith.extui %ge3A_287 : i1 to i32
      %cond3A = arith.constant 0 : i32
      %cond3A_288 = arith.cmpi ne, %convert_element_type3A, %cond3A : i32
      scf.if %cond3A_288 {
        %dma_wait3A_721 = arith.constant 0 : i32
        %dma_wait3A_722 = arith.constant 1 : i32
        %dma_wait3A_723 = arith.constant 0 : i32
        %dma_wait3A_724 = arith.constant 0 : i32
        %dma_wait3A_725 = arith.constant 0 : i32
        %dma_wait3A_726 = tpu.memref_slice %arg8[%dma_wait3A_721, %dma_wait3A_724, %dma_wait3A_725] : memref<5x125x32xf32, #tpu.memory_space<vmem>> -> memref<1x125x32xf32, #tpu.memory_space<vmem>>
        %dma_wait3A_727 = tpu.memref_squeeze %dma_wait3A_726 : memref<1x125x32xf32, #tpu.memory_space<vmem>> -> memref<125x32xf32, #tpu.memory_space<vmem>>
        %dma_wait3A_728 = arith.constant 0 : i32
        %dma_wait3A_729 = arith.constant 0 : i32
        %dma_wait3A_730 = tpu.memref_slice %arg6[%dma_wait3A_722, %dma_wait3A_728, %dma_wait3A_729] : memref<2x5x125xi32, #tpu.memory_space<vmem>> -> memref<1x5x125xi32, #tpu.memory_space<vmem>>
        %dma_wait3A_731 = tpu.memref_squeeze %dma_wait3A_730 : memref<1x5x125xi32, #tpu.memory_space<vmem>> -> memref<5x125xi32, #tpu.memory_space<vmem>>
        %dma_wait3A_732 = arith.constant 0 : i32
        %dma_wait3A_733 = tpu.memref_slice %dma_wait3A_731[%dma_wait3A_723, %dma_wait3A_732] : memref<5x125xi32, #tpu.memory_space<vmem>> -> memref<1x125xi32, #tpu.memory_space<vmem>>
        %dma_wait3A_734 = tpu.memref_squeeze %dma_wait3A_733 : memref<1x125xi32, #tpu.memory_space<vmem>> -> memref<125xi32, #tpu.memory_space<vmem>>
        %dma_wait3A_735 = arith.constant 0 : i32
        %dma_wait3A_736 = arith.constant 0 : i32
        %dma_wait3A_737 = tpu.memref_slice %arg10[%dma_wait3A_735, %dma_wait3A_736] : memref<40000x32xf32, #tpu.memory_space<vmem_shared>> -> memref<40000x32xf32, #tpu.memory_space<vmem_shared>>
        tpu.wait_indirect_dma semaphore(%arg14 : memref<!tpu.dma_semaphore, #tpu.memory_space<semaphore_mem>>) src(%dma_wait3A_727 : memref<125x32xf32, #tpu.memory_space<vmem>>) dst(%dma_wait3A_737 : memref<40000x32xf32, #tpu.memory_space<vmem_shared>>)
        %dma_wait3A_738 = arith.constant 1 : i32
        %dma_wait3A_739 = arith.constant 1 : i32
        %dma_wait3A_740 = arith.constant 1 : i32
        %dma_wait3A_741 = arith.constant 0 : i32
        %dma_wait3A_742 = arith.constant 0 : i32
        %dma_wait3A_743 = tpu.memref_slice %arg8[%dma_wait3A_738, %dma_wait3A_741, %dma_wait3A_742] : memref<5x125x32xf32, #tpu.memory_space<vmem>> -> memref<1x125x32xf32, #tpu.memory_space<vmem>>
        %dma_wait3A_744 = tpu.memref_squeeze %dma_wait3A_743 : memref<1x125x32xf32, #tpu.memory_space<vmem>> -> memref<125x32xf32, #tpu.memory_space<vmem>>
        %dma_wait3A_745 = arith.constant 0 : i32
        %dma_wait3A_746 = arith.constant 0 : i32
        %dma_wait3A_747 = tpu.memref_slice %arg6[%dma_wait3A_739, %dma_wait3A_745, %dma_wait3A_746] : memref<2x5x125xi32, #tpu.memory_space<vmem>> -> memref<1x5x125xi32, #tpu.memory_space<vmem>>
        %dma_wait3A_748 = tpu.memref_squeeze %dma_wait3A_747 : memref<1x5x125xi32, #tpu.memory_space<vmem>> -> memref<5x125xi32, #tpu.memory_space<vmem>>
        %dma_wait3A_749 = arith.constant 0 : i32
        %dma_wait3A_750 = tpu.memref_slice %dma_wait3A_748[%dma_wait3A_740, %dma_wait3A_749] : memref<5x125xi32, #tpu.memory_space<vmem>> -> memref<1x125xi32, #tpu.memory_space<vmem>>
        %dma_wait3A_751 = tpu.memref_squeeze %dma_wait3A_750 : memref<1x125xi32, #tpu.memory_space<vmem>> -> memref<125xi32, #tpu.memory_space<vmem>>
        %dma_wait3A_752 = arith.constant 0 : i32
        %dma_wait3A_753 = arith.constant 0 : i32
        %dma_wait3A_754 = tpu.memref_slice %arg10[%dma_wait3A_752, %dma_wait3A_753] : memref<40000x32xf32, #tpu.memory_space<vmem_shared>> -> memref<40000x32xf32, #tpu.memory_space<vmem_shared>>
        tpu.wait_indirect_dma semaphore(%arg14 : memref<!tpu.dma_semaphore, #tpu.memory_space<semaphore_mem>>) src(%dma_wait3A_744 : memref<125x32xf32, #tpu.memory_space<vmem>>) dst(%dma_wait3A_754 : memref<40000x32xf32, #tpu.memory_space<vmem_shared>>)
        %dma_wait3A_755 = arith.constant 2 : i32
        %dma_wait3A_756 = arith.constant 1 : i32
        %dma_wait3A_757 = arith.constant 2 : i32
        %dma_wait3A_758 = arith.constant 0 : i32
        %dma_wait3A_759 = arith.constant 0 : i32
        %dma_wait3A_760 = tpu.memref_slice %arg8[%dma_wait3A_755, %dma_wait3A_758, %dma_wait3A_759] : memref<5x125x32xf32, #tpu.memory_space<vmem>> -> memref<1x125x32xf32, #tpu.memory_space<vmem>>
        %dma_wait3A_761 = tpu.memref_squeeze %dma_wait3A_760 : memref<1x125x32xf32, #tpu.memory_space<vmem>> -> memref<125x32xf32, #tpu.memory_space<vmem>>
        %dma_wait3A_762 = arith.constant 0 : i32
        %dma_wait3A_763 = arith.constant 0 : i32
        %dma_wait3A_764 = tpu.memref_slice %arg6[%dma_wait3A_756, %dma_wait3A_762, %dma_wait3A_763] : memref<2x5x125xi32, #tpu.memory_space<vmem>> -> memref<1x5x125xi32, #tpu.memory_space<vmem>>
        %dma_wait3A_765 = tpu.memref_squeeze %dma_wait3A_764 : memref<1x5x125xi32, #tpu.memory_space<vmem>> -> memref<5x125xi32, #tpu.memory_space<vmem>>
        %dma_wait3A_766 = arith.constant 0 : i32
        %dma_wait3A_767 = tpu.memref_slice %dma_wait3A_765[%dma_wait3A_757, %dma_wait3A_766] : memref<5x125xi32, #tpu.memory_space<vmem>> -> memref<1x125xi32, #tpu.memory_space<vmem>>
        %dma_wait3A_768 = tpu.memref_squeeze %dma_wait3A_767 : memref<1x125xi32, #tpu.memory_space<vmem>> -> memref<125xi32, #tpu.memory_space<vmem>>
        %dma_wait3A_769 = arith.constant 0 : i32
        %dma_wait3A_770 = arith.constant 0 : i32
        %dma_wait3A_771 = tpu.memref_slice %arg10[%dma_wait3A_769, %dma_wait3A_770] : memref<40000x32xf32, #tpu.memory_space<vmem_shared>> -> memref<40000x32xf32, #tpu.memory_space<vmem_shared>>
        tpu.wait_indirect_dma semaphore(%arg14 : memref<!tpu.dma_semaphore, #tpu.memory_space<semaphore_mem>>) src(%dma_wait3A_761 : memref<125x32xf32, #tpu.memory_space<vmem>>) dst(%dma_wait3A_771 : memref<40000x32xf32, #tpu.memory_space<vmem_shared>>)
        %dma_wait3A_772 = arith.constant 3 : i32
        %dma_wait3A_773 = arith.constant 1 : i32
        %dma_wait3A_774 = arith.constant 3 : i32
        %dma_wait3A_775 = arith.constant 0 : i32
        %dma_wait3A_776 = arith.constant 0 : i32
        %dma_wait3A_777 = tpu.memref_slice %arg8[%dma_wait3A_772, %dma_wait3A_775, %dma_wait3A_776] : memref<5x125x32xf32, #tpu.memory_space<vmem>> -> memref<1x125x32xf32, #tpu.memory_space<vmem>>
        %dma_wait3A_778 = tpu.memref_squeeze %dma_wait3A_777 : memref<1x125x32xf32, #tpu.memory_space<vmem>> -> memref<125x32xf32, #tpu.memory_space<vmem>>
        %dma_wait3A_779 = arith.constant 0 : i32
        %dma_wait3A_780 = arith.constant 0 : i32
        %dma_wait3A_781 = tpu.memref_slice %arg6[%dma_wait3A_773, %dma_wait3A_779, %dma_wait3A_780] : memref<2x5x125xi32, #tpu.memory_space<vmem>> -> memref<1x5x125xi32, #tpu.memory_space<vmem>>
        %dma_wait3A_782 = tpu.memref_squeeze %dma_wait3A_781 : memref<1x5x125xi32, #tpu.memory_space<vmem>> -> memref<5x125xi32, #tpu.memory_space<vmem>>
        %dma_wait3A_783 = arith.constant 0 : i32
        %dma_wait3A_784 = tpu.memref_slice %dma_wait3A_782[%dma_wait3A_774, %dma_wait3A_783] : memref<5x125xi32, #tpu.memory_space<vmem>> -> memref<1x125xi32, #tpu.memory_space<vmem>>
        %dma_wait3A_785 = tpu.memref_squeeze %dma_wait3A_784 : memref<1x125xi32, #tpu.memory_space<vmem>> -> memref<125xi32, #tpu.memory_space<vmem>>
        %dma_wait3A_786 = arith.constant 0 : i32
        %dma_wait3A_787 = arith.constant 0 : i32
        %dma_wait3A_788 = tpu.memref_slice %arg10[%dma_wait3A_786, %dma_wait3A_787] : memref<40000x32xf32, #tpu.memory_space<vmem_shared>> -> memref<40000x32xf32, #tpu.memory_space<vmem_shared>>
        tpu.wait_indirect_dma semaphore(%arg14 : memref<!tpu.dma_semaphore, #tpu.memory_space<semaphore_mem>>) src(%dma_wait3A_778 : memref<125x32xf32, #tpu.memory_space<vmem>>) dst(%dma_wait3A_788 : memref<40000x32xf32, #tpu.memory_space<vmem_shared>>)
        %dma_wait3A_789 = arith.constant 4 : i32
        %dma_wait3A_790 = arith.constant 1 : i32
        %dma_wait3A_791 = arith.constant 4 : i32
        %dma_wait3A_792 = arith.constant 0 : i32
        %dma_wait3A_793 = arith.constant 0 : i32
        %dma_wait3A_794 = tpu.memref_slice %arg8[%dma_wait3A_789, %dma_wait3A_792, %dma_wait3A_793] : memref<5x125x32xf32, #tpu.memory_space<vmem>> -> memref<1x125x32xf32, #tpu.memory_space<vmem>>
        %dma_wait3A_795 = tpu.memref_squeeze %dma_wait3A_794 : memref<1x125x32xf32, #tpu.memory_space<vmem>> -> memref<125x32xf32, #tpu.memory_space<vmem>>
        %dma_wait3A_796 = arith.constant 0 : i32
        %dma_wait3A_797 = arith.constant 0 : i32
        %dma_wait3A_798 = tpu.memref_slice %arg6[%dma_wait3A_790, %dma_wait3A_796, %dma_wait3A_797] : memref<2x5x125xi32, #tpu.memory_space<vmem>> -> memref<1x5x125xi32, #tpu.memory_space<vmem>>
        %dma_wait3A_799 = tpu.memref_squeeze %dma_wait3A_798 : memref<1x5x125xi32, #tpu.memory_space<vmem>> -> memref<5x125xi32, #tpu.memory_space<vmem>>
        %dma_wait3A_800 = arith.constant 0 : i32
        %dma_wait3A_801 = tpu.memref_slice %dma_wait3A_799[%dma_wait3A_791, %dma_wait3A_800] : memref<5x125xi32, #tpu.memory_space<vmem>> -> memref<1x125xi32, #tpu.memory_space<vmem>>
        %dma_wait3A_802 = tpu.memref_squeeze %dma_wait3A_801 : memref<1x125xi32, #tpu.memory_space<vmem>> -> memref<125xi32, #tpu.memory_space<vmem>>
        %dma_wait3A_803 = arith.constant 0 : i32
        %dma_wait3A_804 = arith.constant 0 : i32
        %dma_wait3A_805 = tpu.memref_slice %arg10[%dma_wait3A_803, %dma_wait3A_804] : memref<40000x32xf32, #tpu.memory_space<vmem_shared>> -> memref<40000x32xf32, #tpu.memory_space<vmem_shared>>
        tpu.wait_indirect_dma semaphore(%arg14 : memref<!tpu.dma_semaphore, #tpu.memory_space<semaphore_mem>>) src(%dma_wait3A_795 : memref<125x32xf32, #tpu.memory_space<vmem>>) dst(%dma_wait3A_805 : memref<40000x32xf32, #tpu.memory_space<vmem_shared>>)
      } else {
      }
      %mul3A_289 = arith.constant 5 : i32
      %mul3A_290 = arith.muli %add3A_286, %mul3A_289 : i32
      %add3A_291 = arith.addi %mul3A_13, %mul3A_290 : i32
      "tpu.region"() ({
        %run_scoped3A = tpu.sem_alloc : memref<!tpu.dma_semaphore, #tpu.memory_space<semaphore_mem>>
        %dma_start3A_721 = arith.constant 0 : i32
        %dma_start3A_722 = arith.constant 0 : i32
        %dma_start3A_723 = tpu.memref_slice %arg2[%dma_start3A_721, %add3A_291, %dma_start3A_722] : memref<2x10240x125xi32, #tpu.memory_space<hbm>> -> memref<2x5x125xi32, #tpu.memory_space<hbm>>
        %dma_start3A_724 = arith.constant 0 : i32
        %dma_start3A_725 = arith.constant 0 : i32
        %dma_start3A_726 = tpu.memref_slice %arg2[%dma_start3A_724, %add3A_291, %dma_start3A_725] : memref<2x10240x125xi32, #tpu.memory_space<hbm>> -> memref<2x5x125xi32, #tpu.memory_space<hbm>>
        tpu.enqueue_dma source(%dma_start3A_726 : memref<2x5x125xi32, #tpu.memory_space<hbm>>) target(%arg6 : memref<2x5x125xi32, #tpu.memory_space<vmem>>) target_semaphore(%run_scoped3A : memref<!tpu.dma_semaphore, #tpu.memory_space<semaphore_mem>>)
        %dma_wait3A_727 = arith.constant 0 : i32
        %dma_wait3A_728 = arith.constant 0 : i32
        %dma_wait3A_729 = tpu.memref_slice %arg2[%dma_wait3A_727, %add3A_291, %dma_wait3A_728] : memref<2x10240x125xi32, #tpu.memory_space<hbm>> -> memref<2x5x125xi32, #tpu.memory_space<hbm>>
        %dma_wait3A_730 = arith.constant 0 : i32
        %dma_wait3A_731 = arith.constant 0 : i32
        %dma_wait3A_732 = tpu.memref_slice %arg2[%dma_wait3A_730, %add3A_291, %dma_wait3A_731] : memref<2x10240x125xi32, #tpu.memory_space<hbm>> -> memref<2x5x125xi32, #tpu.memory_space<hbm>>
        tpu.wait_dma2 semaphore(%run_scoped3A : memref<!tpu.dma_semaphore, #tpu.memory_space<semaphore_mem>>) src(%dma_wait3A_732 : memref<2x5x125xi32, #tpu.memory_space<hbm>>) dst(%arg6 : memref<2x5x125xi32, #tpu.memory_space<vmem>>)
        tpu.yield
      }) : () -> ()
      %dma_start3A_292 = arith.constant 0 : i32
      %dma_start3A_293 = arith.constant 0 : i32
      %dma_start3A_294 = arith.constant 0 : i32
      %dma_start3A_295 = arith.constant 0 : i32
      %dma_start3A_296 = arith.constant 0 : i32
      %dma_start3A_297 = tpu.memref_slice %arg8[%dma_start3A_294, %dma_start3A_295, %dma_start3A_296] : memref<5x125x32xf32, #tpu.memory_space<vmem>> -> memref<1x125x32xf32, #tpu.memory_space<vmem>>
      %dma_start3A_298 = tpu.memref_squeeze %dma_start3A_297 : memref<1x125x32xf32, #tpu.memory_space<vmem>> -> memref<125x32xf32, #tpu.memory_space<vmem>>
      %dma_start3A_299 = arith.constant 0 : i32
      %dma_start3A_300 = arith.constant 0 : i32
      %dma_start3A_301 = tpu.memref_slice %arg6[%dma_start3A_292, %dma_start3A_299, %dma_start3A_300] : memref<2x5x125xi32, #tpu.memory_space<vmem>> -> memref<1x5x125xi32, #tpu.memory_space<vmem>>
      %dma_start3A_302 = tpu.memref_squeeze %dma_start3A_301 : memref<1x5x125xi32, #tpu.memory_space<vmem>> -> memref<5x125xi32, #tpu.memory_space<vmem>>
      %dma_start3A_303 = arith.constant 0 : i32
      %dma_start3A_304 = tpu.memref_slice %dma_start3A_302[%dma_start3A_293, %dma_start3A_303] : memref<5x125xi32, #tpu.memory_space<vmem>> -> memref<1x125xi32, #tpu.memory_space<vmem>>
      %dma_start3A_305 = tpu.memref_squeeze %dma_start3A_304 : memref<1x125xi32, #tpu.memory_space<vmem>> -> memref<125xi32, #tpu.memory_space<vmem>>
      %dma_start3A_306 = arith.constant 0 : i32
      %dma_start3A_307 = arith.constant 0 : i32
      %dma_start3A_308 = tpu.memref_slice %arg3[%dma_start3A_306, %dma_start3A_307] : memref<40000x32xf32, #tpu.memory_space<hbm>> -> memref<40000x32xf32, #tpu.memory_space<hbm>>
      tpu.enqueue_indirect_dma source(%dma_start3A_308 : memref<40000x32xf32, #tpu.memory_space<hbm>>) target(%dma_start3A_298 : memref<125x32xf32, #tpu.memory_space<vmem>>) offsets(%dma_start3A_305 : memref<125xi32, #tpu.memory_space<vmem>>) semaphore(%arg12 : memref<!tpu.dma_semaphore, #tpu.memory_space<semaphore_mem>>)
      %dma_start3A_309 = arith.constant 0 : i32
      %dma_start3A_310 = arith.constant 1 : i32
      %dma_start3A_311 = arith.constant 1 : i32
      %dma_start3A_312 = arith.constant 0 : i32
      %dma_start3A_313 = arith.constant 0 : i32
      %dma_start3A_314 = tpu.memref_slice %arg8[%dma_start3A_311, %dma_start3A_312, %dma_start3A_313] : memref<5x125x32xf32, #tpu.memory_space<vmem>> -> memref<1x125x32xf32, #tpu.memory_space<vmem>>
      %dma_start3A_315 = tpu.memref_squeeze %dma_start3A_314 : memref<1x125x32xf32, #tpu.memory_space<vmem>> -> memref<125x32xf32, #tpu.memory_space<vmem>>
      %dma_start3A_316 = arith.constant 0 : i32
      %dma_start3A_317 = arith.constant 0 : i32
      %dma_start3A_318 = tpu.memref_slice %arg6[%dma_start3A_309, %dma_start3A_316, %dma_start3A_317] : memref<2x5x125xi32, #tpu.memory_space<vmem>> -> memref<1x5x125xi32, #tpu.memory_space<vmem>>
      %dma_start3A_319 = tpu.memref_squeeze %dma_start3A_318 : memref<1x5x125xi32, #tpu.memory_space<vmem>> -> memref<5x125xi32, #tpu.memory_space<vmem>>
      %dma_start3A_320 = arith.constant 0 : i32
      %dma_start3A_321 = tpu.memref_slice %dma_start3A_319[%dma_start3A_310, %dma_start3A_320] : memref<5x125xi32, #tpu.memory_space<vmem>> -> memref<1x125xi32, #tpu.memory_space<vmem>>
      %dma_start3A_322 = tpu.memref_squeeze %dma_start3A_321 : memref<1x125xi32, #tpu.memory_space<vmem>> -> memref<125xi32, #tpu.memory_space<vmem>>
      %dma_start3A_323 = arith.constant 0 : i32
      %dma_start3A_324 = arith.constant 0 : i32
      %dma_start3A_325 = tpu.memref_slice %arg3[%dma_start3A_323, %dma_start3A_324] : memref<40000x32xf32, #tpu.memory_space<hbm>> -> memref<40000x32xf32, #tpu.memory_space<hbm>>
      tpu.enqueue_indirect_dma source(%dma_start3A_325 : memref<40000x32xf32, #tpu.memory_space<hbm>>) target(%dma_start3A_315 : memref<125x32xf32, #tpu.memory_space<vmem>>) offsets(%dma_start3A_322 : memref<125xi32, #tpu.memory_space<vmem>>) semaphore(%arg12 : memref<!tpu.dma_semaphore, #tpu.memory_space<semaphore_mem>>)
      %dma_start3A_326 = arith.constant 0 : i32
      %dma_start3A_327 = arith.constant 2 : i32
      %dma_start3A_328 = arith.constant 2 : i32
      %dma_start3A_329 = arith.constant 0 : i32
      %dma_start3A_330 = arith.constant 0 : i32
      %dma_start3A_331 = tpu.memref_slice %arg8[%dma_start3A_328, %dma_start3A_329, %dma_start3A_330] : memref<5x125x32xf32, #tpu.memory_space<vmem>> -> memref<1x125x32xf32, #tpu.memory_space<vmem>>
      %dma_start3A_332 = tpu.memref_squeeze %dma_start3A_331 : memref<1x125x32xf32, #tpu.memory_space<vmem>> -> memref<125x32xf32, #tpu.memory_space<vmem>>
      %dma_start3A_333 = arith.constant 0 : i32
      %dma_start3A_334 = arith.constant 0 : i32
      %dma_start3A_335 = tpu.memref_slice %arg6[%dma_start3A_326, %dma_start3A_333, %dma_start3A_334] : memref<2x5x125xi32, #tpu.memory_space<vmem>> -> memref<1x5x125xi32, #tpu.memory_space<vmem>>
      %dma_start3A_336 = tpu.memref_squeeze %dma_start3A_335 : memref<1x5x125xi32, #tpu.memory_space<vmem>> -> memref<5x125xi32, #tpu.memory_space<vmem>>
      %dma_start3A_337 = arith.constant 0 : i32
      %dma_start3A_338 = tpu.memref_slice %dma_start3A_336[%dma_start3A_327, %dma_start3A_337] : memref<5x125xi32, #tpu.memory_space<vmem>> -> memref<1x125xi32, #tpu.memory_space<vmem>>
      %dma_start3A_339 = tpu.memref_squeeze %dma_start3A_338 : memref<1x125xi32, #tpu.memory_space<vmem>> -> memref<125xi32, #tpu.memory_space<vmem>>
      %dma_start3A_340 = arith.constant 0 : i32
      %dma_start3A_341 = arith.constant 0 : i32
      %dma_start3A_342 = tpu.memref_slice %arg3[%dma_start3A_340, %dma_start3A_341] : memref<40000x32xf32, #tpu.memory_space<hbm>> -> memref<40000x32xf32, #tpu.memory_space<hbm>>
      tpu.enqueue_indirect_dma source(%dma_start3A_342 : memref<40000x32xf32, #tpu.memory_space<hbm>>) target(%dma_start3A_332 : memref<125x32xf32, #tpu.memory_space<vmem>>) offsets(%dma_start3A_339 : memref<125xi32, #tpu.memory_space<vmem>>) semaphore(%arg12 : memref<!tpu.dma_semaphore, #tpu.memory_space<semaphore_mem>>)
      %dma_start3A_343 = arith.constant 0 : i32
      %dma_start3A_344 = arith.constant 3 : i32
      %dma_start3A_345 = arith.constant 3 : i32
      %dma_start3A_346 = arith.constant 0 : i32
      %dma_start3A_347 = arith.constant 0 : i32
      %dma_start3A_348 = tpu.memref_slice %arg8[%dma_start3A_345, %dma_start3A_346, %dma_start3A_347] : memref<5x125x32xf32, #tpu.memory_space<vmem>> -> memref<1x125x32xf32, #tpu.memory_space<vmem>>
      %dma_start3A_349 = tpu.memref_squeeze %dma_start3A_348 : memref<1x125x32xf32, #tpu.memory_space<vmem>> -> memref<125x32xf32, #tpu.memory_space<vmem>>
      %dma_start3A_350 = arith.constant 0 : i32
      %dma_start3A_351 = arith.constant 0 : i32
      %dma_start3A_352 = tpu.memref_slice %arg6[%dma_start3A_343, %dma_start3A_350, %dma_start3A_351] : memref<2x5x125xi32, #tpu.memory_space<vmem>> -> memref<1x5x125xi32, #tpu.memory_space<vmem>>
      %dma_start3A_353 = tpu.memref_squeeze %dma_start3A_352 : memref<1x5x125xi32, #tpu.memory_space<vmem>> -> memref<5x125xi32, #tpu.memory_space<vmem>>
      %dma_start3A_354 = arith.constant 0 : i32
      %dma_start3A_355 = tpu.memref_slice %dma_start3A_353[%dma_start3A_344, %dma_start3A_354] : memref<5x125xi32, #tpu.memory_space<vmem>> -> memref<1x125xi32, #tpu.memory_space<vmem>>
      %dma_start3A_356 = tpu.memref_squeeze %dma_start3A_355 : memref<1x125xi32, #tpu.memory_space<vmem>> -> memref<125xi32, #tpu.memory_space<vmem>>
      %dma_start3A_357 = arith.constant 0 : i32
      %dma_start3A_358 = arith.constant 0 : i32
      %dma_start3A_359 = tpu.memref_slice %arg3[%dma_start3A_357, %dma_start3A_358] : memref<40000x32xf32, #tpu.memory_space<hbm>> -> memref<40000x32xf32, #tpu.memory_space<hbm>>
      tpu.enqueue_indirect_dma source(%dma_start3A_359 : memref<40000x32xf32, #tpu.memory_space<hbm>>) target(%dma_start3A_349 : memref<125x32xf32, #tpu.memory_space<vmem>>) offsets(%dma_start3A_356 : memref<125xi32, #tpu.memory_space<vmem>>) semaphore(%arg12 : memref<!tpu.dma_semaphore, #tpu.memory_space<semaphore_mem>>)
      %dma_start3A_360 = arith.constant 0 : i32
      %dma_start3A_361 = arith.constant 4 : i32
      %dma_start3A_362 = arith.constant 4 : i32
      %dma_start3A_363 = arith.constant 0 : i32
      %dma_start3A_364 = arith.constant 0 : i32
      %dma_start3A_365 = tpu.memref_slice %arg8[%dma_start3A_362, %dma_start3A_363, %dma_start3A_364] : memref<5x125x32xf32, #tpu.memory_space<vmem>> -> memref<1x125x32xf32, #tpu.memory_space<vmem>>
      %dma_start3A_366 = tpu.memref_squeeze %dma_start3A_365 : memref<1x125x32xf32, #tpu.memory_space<vmem>> -> memref<125x32xf32, #tpu.memory_space<vmem>>
      %dma_start3A_367 = arith.constant 0 : i32
      %dma_start3A_368 = arith.constant 0 : i32
      %dma_start3A_369 = tpu.memref_slice %arg6[%dma_start3A_360, %dma_start3A_367, %dma_start3A_368] : memref<2x5x125xi32, #tpu.memory_space<vmem>> -> memref<1x5x125xi32, #tpu.memory_space<vmem>>
      %dma_start3A_370 = tpu.memref_squeeze %dma_start3A_369 : memref<1x5x125xi32, #tpu.memory_space<vmem>> -> memref<5x125xi32, #tpu.memory_space<vmem>>
      %dma_start3A_371 = arith.constant 0 : i32
      %dma_start3A_372 = tpu.memref_slice %dma_start3A_370[%dma_start3A_361, %dma_start3A_371] : memref<5x125xi32, #tpu.memory_space<vmem>> -> memref<1x125xi32, #tpu.memory_space<vmem>>
      %dma_start3A_373 = tpu.memref_squeeze %dma_start3A_372 : memref<1x125xi32, #tpu.memory_space<vmem>> -> memref<125xi32, #tpu.memory_space<vmem>>
      %dma_start3A_374 = arith.constant 0 : i32
      %dma_start3A_375 = arith.constant 0 : i32
      %dma_start3A_376 = tpu.memref_slice %arg3[%dma_start3A_374, %dma_start3A_375] : memref<40000x32xf32, #tpu.memory_space<hbm>> -> memref<40000x32xf32, #tpu.memory_space<hbm>>
      tpu.enqueue_indirect_dma source(%dma_start3A_376 : memref<40000x32xf32, #tpu.memory_space<hbm>>) target(%dma_start3A_366 : memref<125x32xf32, #tpu.memory_space<vmem>>) offsets(%dma_start3A_373 : memref<125xi32, #tpu.memory_space<vmem>>) semaphore(%arg12 : memref<!tpu.dma_semaphore, #tpu.memory_space<semaphore_mem>>)
      %dma_wait3A_377 = arith.constant 0 : i32
      %dma_wait3A_378 = arith.constant 0 : i32
      %dma_wait3A_379 = arith.constant 0 : i32
      %dma_wait3A_380 = arith.constant 0 : i32
      %dma_wait3A_381 = arith.constant 0 : i32
      %dma_wait3A_382 = tpu.memref_slice %arg7[%dma_wait3A_379, %dma_wait3A_380, %dma_wait3A_381] : memref<5x125x32xf32, #tpu.memory_space<vmem>> -> memref<1x125x32xf32, #tpu.memory_space<vmem>>
      %dma_wait3A_383 = tpu.memref_squeeze %dma_wait3A_382 : memref<1x125x32xf32, #tpu.memory_space<vmem>> -> memref<125x32xf32, #tpu.memory_space<vmem>>
      %dma_wait3A_384 = arith.constant 0 : i32
      %dma_wait3A_385 = arith.constant 0 : i32
      %dma_wait3A_386 = tpu.memref_slice %arg5[%dma_wait3A_377, %dma_wait3A_384, %dma_wait3A_385] : memref<2x5x125xi32, #tpu.memory_space<vmem>> -> memref<1x5x125xi32, #tpu.memory_space<vmem>>
      %dma_wait3A_387 = tpu.memref_squeeze %dma_wait3A_386 : memref<1x5x125xi32, #tpu.memory_space<vmem>> -> memref<5x125xi32, #tpu.memory_space<vmem>>
      %dma_wait3A_388 = arith.constant 0 : i32
      %dma_wait3A_389 = tpu.memref_slice %dma_wait3A_387[%dma_wait3A_378, %dma_wait3A_388] : memref<5x125xi32, #tpu.memory_space<vmem>> -> memref<1x125xi32, #tpu.memory_space<vmem>>
      %dma_wait3A_390 = tpu.memref_squeeze %dma_wait3A_389 : memref<1x125xi32, #tpu.memory_space<vmem>> -> memref<125xi32, #tpu.memory_space<vmem>>
      %dma_wait3A_391 = arith.constant 0 : i32
      %dma_wait3A_392 = arith.constant 0 : i32
      %dma_wait3A_393 = tpu.memref_slice %arg3[%dma_wait3A_391, %dma_wait3A_392] : memref<40000x32xf32, #tpu.memory_space<hbm>> -> memref<40000x32xf32, #tpu.memory_space<hbm>>
      tpu.wait_indirect_dma semaphore(%arg11 : memref<!tpu.dma_semaphore, #tpu.memory_space<semaphore_mem>>) src(%dma_wait3A_393 : memref<40000x32xf32, #tpu.memory_space<hbm>>) dst(%dma_wait3A_383 : memref<125x32xf32, #tpu.memory_space<vmem>>)
      %dma_wait3A_394 = arith.constant 0 : i32
      %dma_wait3A_395 = arith.constant 1 : i32
      %dma_wait3A_396 = arith.constant 1 : i32
      %dma_wait3A_397 = arith.constant 0 : i32
      %dma_wait3A_398 = arith.constant 0 : i32
      %dma_wait3A_399 = tpu.memref_slice %arg7[%dma_wait3A_396, %dma_wait3A_397, %dma_wait3A_398] : memref<5x125x32xf32, #tpu.memory_space<vmem>> -> memref<1x125x32xf32, #tpu.memory_space<vmem>>
      %dma_wait3A_400 = tpu.memref_squeeze %dma_wait3A_399 : memref<1x125x32xf32, #tpu.memory_space<vmem>> -> memref<125x32xf32, #tpu.memory_space<vmem>>
      %dma_wait3A_401 = arith.constant 0 : i32
      %dma_wait3A_402 = arith.constant 0 : i32
      %dma_wait3A_403 = tpu.memref_slice %arg5[%dma_wait3A_394, %dma_wait3A_401, %dma_wait3A_402] : memref<2x5x125xi32, #tpu.memory_space<vmem>> -> memref<1x5x125xi32, #tpu.memory_space<vmem>>
      %dma_wait3A_404 = tpu.memref_squeeze %dma_wait3A_403 : memref<1x5x125xi32, #tpu.memory_space<vmem>> -> memref<5x125xi32, #tpu.memory_space<vmem>>
      %dma_wait3A_405 = arith.constant 0 : i32
      %dma_wait3A_406 = tpu.memref_slice %dma_wait3A_404[%dma_wait3A_395, %dma_wait3A_405] : memref<5x125xi32, #tpu.memory_space<vmem>> -> memref<1x125xi32, #tpu.memory_space<vmem>>
      %dma_wait3A_407 = tpu.memref_squeeze %dma_wait3A_406 : memref<1x125xi32, #tpu.memory_space<vmem>> -> memref<125xi32, #tpu.memory_space<vmem>>
      %dma_wait3A_408 = arith.constant 0 : i32
      %dma_wait3A_409 = arith.constant 0 : i32
      %dma_wait3A_410 = tpu.memref_slice %arg3[%dma_wait3A_408, %dma_wait3A_409] : memref<40000x32xf32, #tpu.memory_space<hbm>> -> memref<40000x32xf32, #tpu.memory_space<hbm>>
      tpu.wait_indirect_dma semaphore(%arg11 : memref<!tpu.dma_semaphore, #tpu.memory_space<semaphore_mem>>) src(%dma_wait3A_410 : memref<40000x32xf32, #tpu.memory_space<hbm>>) dst(%dma_wait3A_400 : memref<125x32xf32, #tpu.memory_space<vmem>>)
      %dma_wait3A_411 = arith.constant 0 : i32
      %dma_wait3A_412 = arith.constant 2 : i32
      %dma_wait3A_413 = arith.constant 2 : i32
      %dma_wait3A_414 = arith.constant 0 : i32
      %dma_wait3A_415 = arith.constant 0 : i32
      %dma_wait3A_416 = tpu.memref_slice %arg7[%dma_wait3A_413, %dma_wait3A_414, %dma_wait3A_415] : memref<5x125x32xf32, #tpu.memory_space<vmem>> -> memref<1x125x32xf32, #tpu.memory_space<vmem>>
      %dma_wait3A_417 = tpu.memref_squeeze %dma_wait3A_416 : memref<1x125x32xf32, #tpu.memory_space<vmem>> -> memref<125x32xf32, #tpu.memory_space<vmem>>
      %dma_wait3A_418 = arith.constant 0 : i32
      %dma_wait3A_419 = arith.constant 0 : i32
      %dma_wait3A_420 = tpu.memref_slice %arg5[%dma_wait3A_411, %dma_wait3A_418, %dma_wait3A_419] : memref<2x5x125xi32, #tpu.memory_space<vmem>> -> memref<1x5x125xi32, #tpu.memory_space<vmem>>
      %dma_wait3A_421 = tpu.memref_squeeze %dma_wait3A_420 : memref<1x5x125xi32, #tpu.memory_space<vmem>> -> memref<5x125xi32, #tpu.memory_space<vmem>>
      %dma_wait3A_422 = arith.constant 0 : i32
      %dma_wait3A_423 = tpu.memref_slice %dma_wait3A_421[%dma_wait3A_412, %dma_wait3A_422] : memref<5x125xi32, #tpu.memory_space<vmem>> -> memref<1x125xi32, #tpu.memory_space<vmem>>
      %dma_wait3A_424 = tpu.memref_squeeze %dma_wait3A_423 : memref<1x125xi32, #tpu.memory_space<vmem>> -> memref<125xi32, #tpu.memory_space<vmem>>
      %dma_wait3A_425 = arith.constant 0 : i32
      %dma_wait3A_426 = arith.constant 0 : i32
      %dma_wait3A_427 = tpu.memref_slice %arg3[%dma_wait3A_425, %dma_wait3A_426] : memref<40000x32xf32, #tpu.memory_space<hbm>> -> memref<40000x32xf32, #tpu.memory_space<hbm>>
      tpu.wait_indirect_dma semaphore(%arg11 : memref<!tpu.dma_semaphore, #tpu.memory_space<semaphore_mem>>) src(%dma_wait3A_427 : memref<40000x32xf32, #tpu.memory_space<hbm>>) dst(%dma_wait3A_417 : memref<125x32xf32, #tpu.memory_space<vmem>>)
      %dma_wait3A_428 = arith.constant 0 : i32
      %dma_wait3A_429 = arith.constant 3 : i32
      %dma_wait3A_430 = arith.constant 3 : i32
      %dma_wait3A_431 = arith.constant 0 : i32
      %dma_wait3A_432 = arith.constant 0 : i32
      %dma_wait3A_433 = tpu.memref_slice %arg7[%dma_wait3A_430, %dma_wait3A_431, %dma_wait3A_432] : memref<5x125x32xf32, #tpu.memory_space<vmem>> -> memref<1x125x32xf32, #tpu.memory_space<vmem>>
      %dma_wait3A_434 = tpu.memref_squeeze %dma_wait3A_433 : memref<1x125x32xf32, #tpu.memory_space<vmem>> -> memref<125x32xf32, #tpu.memory_space<vmem>>
      %dma_wait3A_435 = arith.constant 0 : i32
      %dma_wait3A_436 = arith.constant 0 : i32
      %dma_wait3A_437 = tpu.memref_slice %arg5[%dma_wait3A_428, %dma_wait3A_435, %dma_wait3A_436] : memref<2x5x125xi32, #tpu.memory_space<vmem>> -> memref<1x5x125xi32, #tpu.memory_space<vmem>>
      %dma_wait3A_438 = tpu.memref_squeeze %dma_wait3A_437 : memref<1x5x125xi32, #tpu.memory_space<vmem>> -> memref<5x125xi32, #tpu.memory_space<vmem>>
      %dma_wait3A_439 = arith.constant 0 : i32
      %dma_wait3A_440 = tpu.memref_slice %dma_wait3A_438[%dma_wait3A_429, %dma_wait3A_439] : memref<5x125xi32, #tpu.memory_space<vmem>> -> memref<1x125xi32, #tpu.memory_space<vmem>>
      %dma_wait3A_441 = tpu.memref_squeeze %dma_wait3A_440 : memref<1x125xi32, #tpu.memory_space<vmem>> -> memref<125xi32, #tpu.memory_space<vmem>>
      %dma_wait3A_442 = arith.constant 0 : i32
      %dma_wait3A_443 = arith.constant 0 : i32
      %dma_wait3A_444 = tpu.memref_slice %arg3[%dma_wait3A_442, %dma_wait3A_443] : memref<40000x32xf32, #tpu.memory_space<hbm>> -> memref<40000x32xf32, #tpu.memory_space<hbm>>
      tpu.wait_indirect_dma semaphore(%arg11 : memref<!tpu.dma_semaphore, #tpu.memory_space<semaphore_mem>>) src(%dma_wait3A_444 : memref<40000x32xf32, #tpu.memory_space<hbm>>) dst(%dma_wait3A_434 : memref<125x32xf32, #tpu.memory_space<vmem>>)
      %dma_wait3A_445 = arith.constant 0 : i32
      %dma_wait3A_446 = arith.constant 4 : i32
      %dma_wait3A_447 = arith.constant 4 : i32
      %dma_wait3A_448 = arith.constant 0 : i32
      %dma_wait3A_449 = arith.constant 0 : i32
      %dma_wait3A_450 = tpu.memref_slice %arg7[%dma_wait3A_447, %dma_wait3A_448, %dma_wait3A_449] : memref<5x125x32xf32, #tpu.memory_space<vmem>> -> memref<1x125x32xf32, #tpu.memory_space<vmem>>
      %dma_wait3A_451 = tpu.memref_squeeze %dma_wait3A_450 : memref<1x125x32xf32, #tpu.memory_space<vmem>> -> memref<125x32xf32, #tpu.memory_space<vmem>>
      %dma_wait3A_452 = arith.constant 0 : i32
      %dma_wait3A_453 = arith.constant 0 : i32
      %dma_wait3A_454 = tpu.memref_slice %arg5[%dma_wait3A_445, %dma_wait3A_452, %dma_wait3A_453] : memref<2x5x125xi32, #tpu.memory_space<vmem>> -> memref<1x5x125xi32, #tpu.memory_space<vmem>>
      %dma_wait3A_455 = tpu.memref_squeeze %dma_wait3A_454 : memref<1x5x125xi32, #tpu.memory_space<vmem>> -> memref<5x125xi32, #tpu.memory_space<vmem>>
      %dma_wait3A_456 = arith.constant 0 : i32
      %dma_wait3A_457 = tpu.memref_slice %dma_wait3A_455[%dma_wait3A_446, %dma_wait3A_456] : memref<5x125xi32, #tpu.memory_space<vmem>> -> memref<1x125xi32, #tpu.memory_space<vmem>>
      %dma_wait3A_458 = tpu.memref_squeeze %dma_wait3A_457 : memref<1x125xi32, #tpu.memory_space<vmem>> -> memref<125xi32, #tpu.memory_space<vmem>>
      %dma_wait3A_459 = arith.constant 0 : i32
      %dma_wait3A_460 = arith.constant 0 : i32
      %dma_wait3A_461 = tpu.memref_slice %arg3[%dma_wait3A_459, %dma_wait3A_460] : memref<40000x32xf32, #tpu.memory_space<hbm>> -> memref<40000x32xf32, #tpu.memory_space<hbm>>
      tpu.wait_indirect_dma semaphore(%arg11 : memref<!tpu.dma_semaphore, #tpu.memory_space<semaphore_mem>>) src(%dma_wait3A_461 : memref<40000x32xf32, #tpu.memory_space<hbm>>) dst(%dma_wait3A_451 : memref<125x32xf32, #tpu.memory_space<vmem>>)
      %dma_start3A_462 = arith.constant 0 : i32
      %dma_start3A_463 = arith.constant 1 : i32
      %dma_start3A_464 = arith.constant 0 : i32
      %dma_start3A_465 = arith.constant 0 : i32
      %dma_start3A_466 = arith.constant 0 : i32
      %dma_start3A_467 = tpu.memref_slice %arg7[%dma_start3A_462, %dma_start3A_465, %dma_start3A_466] : memref<5x125x32xf32, #tpu.memory_space<vmem>> -> memref<1x125x32xf32, #tpu.memory_space<vmem>>
      %dma_start3A_468 = tpu.memref_squeeze %dma_start3A_467 : memref<1x125x32xf32, #tpu.memory_space<vmem>> -> memref<125x32xf32, #tpu.memory_space<vmem>>
      %dma_start3A_469 = arith.constant 0 : i32
      %dma_start3A_470 = arith.constant 0 : i32
      %dma_start3A_471 = tpu.memref_slice %arg5[%dma_start3A_463, %dma_start3A_469, %dma_start3A_470] : memref<2x5x125xi32, #tpu.memory_space<vmem>> -> memref<1x5x125xi32, #tpu.memory_space<vmem>>
      %dma_start3A_472 = tpu.memref_squeeze %dma_start3A_471 : memref<1x5x125xi32, #tpu.memory_space<vmem>> -> memref<5x125xi32, #tpu.memory_space<vmem>>
      %dma_start3A_473 = arith.constant 0 : i32
      %dma_start3A_474 = tpu.memref_slice %dma_start3A_472[%dma_start3A_464, %dma_start3A_473] : memref<5x125xi32, #tpu.memory_space<vmem>> -> memref<1x125xi32, #tpu.memory_space<vmem>>
      %dma_start3A_475 = tpu.memref_squeeze %dma_start3A_474 : memref<1x125xi32, #tpu.memory_space<vmem>> -> memref<125xi32, #tpu.memory_space<vmem>>
      %dma_start3A_476 = arith.constant 0 : i32
      %dma_start3A_477 = arith.constant 0 : i32
      %dma_start3A_478 = tpu.memref_slice %arg10[%dma_start3A_476, %dma_start3A_477] : memref<40000x32xf32, #tpu.memory_space<vmem_shared>> -> memref<40000x32xf32, #tpu.memory_space<vmem_shared>>
      tpu.enqueue_indirect_dma source(%dma_start3A_468 : memref<125x32xf32, #tpu.memory_space<vmem>>) target(%dma_start3A_478 : memref<40000x32xf32, #tpu.memory_space<vmem_shared>>) offsets(%dma_start3A_475 : memref<125xi32, #tpu.memory_space<vmem>>) semaphore(%arg13 : memref<!tpu.dma_semaphore, #tpu.memory_space<semaphore_mem>>) {add = true}
      %dma_start3A_479 = arith.constant 1 : i32
      %dma_start3A_480 = arith.constant 1 : i32
      %dma_start3A_481 = arith.constant 1 : i32
      %dma_start3A_482 = arith.constant 0 : i32
      %dma_start3A_483 = arith.constant 0 : i32
      %dma_start3A_484 = tpu.memref_slice %arg7[%dma_start3A_479, %dma_start3A_482, %dma_start3A_483] : memref<5x125x32xf32, #tpu.memory_space<vmem>> -> memref<1x125x32xf32, #tpu.memory_space<vmem>>
      %dma_start3A_485 = tpu.memref_squeeze %dma_start3A_484 : memref<1x125x32xf32, #tpu.memory_space<vmem>> -> memref<125x32xf32, #tpu.memory_space<vmem>>
      %dma_start3A_486 = arith.constant 0 : i32
      %dma_start3A_487 = arith.constant 0 : i32
      %dma_start3A_488 = tpu.memref_slice %arg5[%dma_start3A_480, %dma_start3A_486, %dma_start3A_487] : memref<2x5x125xi32, #tpu.memory_space<vmem>> -> memref<1x5x125xi32, #tpu.memory_space<vmem>>
      %dma_start3A_489 = tpu.memref_squeeze %dma_start3A_488 : memref<1x5x125xi32, #tpu.memory_space<vmem>> -> memref<5x125xi32, #tpu.memory_space<vmem>>
      %dma_start3A_490 = arith.constant 0 : i32
      %dma_start3A_491 = tpu.memref_slice %dma_start3A_489[%dma_start3A_481, %dma_start3A_490] : memref<5x125xi32, #tpu.memory_space<vmem>> -> memref<1x125xi32, #tpu.memory_space<vmem>>
      %dma_start3A_492 = tpu.memref_squeeze %dma_start3A_491 : memref<1x125xi32, #tpu.memory_space<vmem>> -> memref<125xi32, #tpu.memory_space<vmem>>
      %dma_start3A_493 = arith.constant 0 : i32
      %dma_start3A_494 = arith.constant 0 : i32
      %dma_start3A_495 = tpu.memref_slice %arg10[%dma_start3A_493, %dma_start3A_494] : memref<40000x32xf32, #tpu.memory_space<vmem_shared>> -> memref<40000x32xf32, #tpu.memory_space<vmem_shared>>
      tpu.enqueue_indirect_dma source(%dma_start3A_485 : memref<125x32xf32, #tpu.memory_space<vmem>>) target(%dma_start3A_495 : memref<40000x32xf32, #tpu.memory_space<vmem_shared>>) offsets(%dma_start3A_492 : memref<125xi32, #tpu.memory_space<vmem>>) semaphore(%arg13 : memref<!tpu.dma_semaphore, #tpu.memory_space<semaphore_mem>>) {add = true}
      %dma_start3A_496 = arith.constant 2 : i32
      %dma_start3A_497 = arith.constant 1 : i32
      %dma_start3A_498 = arith.constant 2 : i32
      %dma_start3A_499 = arith.constant 0 : i32
      %dma_start3A_500 = arith.constant 0 : i32
      %dma_start3A_501 = tpu.memref_slice %arg7[%dma_start3A_496, %dma_start3A_499, %dma_start3A_500] : memref<5x125x32xf32, #tpu.memory_space<vmem>> -> memref<1x125x32xf32, #tpu.memory_space<vmem>>
      %dma_start3A_502 = tpu.memref_squeeze %dma_start3A_501 : memref<1x125x32xf32, #tpu.memory_space<vmem>> -> memref<125x32xf32, #tpu.memory_space<vmem>>
      %dma_start3A_503 = arith.constant 0 : i32
      %dma_start3A_504 = arith.constant 0 : i32
      %dma_start3A_505 = tpu.memref_slice %arg5[%dma_start3A_497, %dma_start3A_503, %dma_start3A_504] : memref<2x5x125xi32, #tpu.memory_space<vmem>> -> memref<1x5x125xi32, #tpu.memory_space<vmem>>
      %dma_start3A_506 = tpu.memref_squeeze %dma_start3A_505 : memref<1x5x125xi32, #tpu.memory_space<vmem>> -> memref<5x125xi32, #tpu.memory_space<vmem>>
      %dma_start3A_507 = arith.constant 0 : i32
      %dma_start3A_508 = tpu.memref_slice %dma_start3A_506[%dma_start3A_498, %dma_start3A_507] : memref<5x125xi32, #tpu.memory_space<vmem>> -> memref<1x125xi32, #tpu.memory_space<vmem>>
      %dma_start3A_509 = tpu.memref_squeeze %dma_start3A_508 : memref<1x125xi32, #tpu.memory_space<vmem>> -> memref<125xi32, #tpu.memory_space<vmem>>
      %dma_start3A_510 = arith.constant 0 : i32
      %dma_start3A_511 = arith.constant 0 : i32
      %dma_start3A_512 = tpu.memref_slice %arg10[%dma_start3A_510, %dma_start3A_511] : memref<40000x32xf32, #tpu.memory_space<vmem_shared>> -> memref<40000x32xf32, #tpu.memory_space<vmem_shared>>
      tpu.enqueue_indirect_dma source(%dma_start3A_502 : memref<125x32xf32, #tpu.memory_space<vmem>>) target(%dma_start3A_512 : memref<40000x32xf32, #tpu.memory_space<vmem_shared>>) offsets(%dma_start3A_509 : memref<125xi32, #tpu.memory_space<vmem>>) semaphore(%arg13 : memref<!tpu.dma_semaphore, #tpu.memory_space<semaphore_mem>>) {add = true}
      %dma_start3A_513 = arith.constant 3 : i32
      %dma_start3A_514 = arith.constant 1 : i32
      %dma_start3A_515 = arith.constant 3 : i32
      %dma_start3A_516 = arith.constant 0 : i32
      %dma_start3A_517 = arith.constant 0 : i32
      %dma_start3A_518 = tpu.memref_slice %arg7[%dma_start3A_513, %dma_start3A_516, %dma_start3A_517] : memref<5x125x32xf32, #tpu.memory_space<vmem>> -> memref<1x125x32xf32, #tpu.memory_space<vmem>>
      %dma_start3A_519 = tpu.memref_squeeze %dma_start3A_518 : memref<1x125x32xf32, #tpu.memory_space<vmem>> -> memref<125x32xf32, #tpu.memory_space<vmem>>
      %dma_start3A_520 = arith.constant 0 : i32
      %dma_start3A_521 = arith.constant 0 : i32
      %dma_start3A_522 = tpu.memref_slice %arg5[%dma_start3A_514, %dma_start3A_520, %dma_start3A_521] : memref<2x5x125xi32, #tpu.memory_space<vmem>> -> memref<1x5x125xi32, #tpu.memory_space<vmem>>
      %dma_start3A_523 = tpu.memref_squeeze %dma_start3A_522 : memref<1x5x125xi32, #tpu.memory_space<vmem>> -> memref<5x125xi32, #tpu.memory_space<vmem>>
      %dma_start3A_524 = arith.constant 0 : i32
      %dma_start3A_525 = tpu.memref_slice %dma_start3A_523[%dma_start3A_515, %dma_start3A_524] : memref<5x125xi32, #tpu.memory_space<vmem>> -> memref<1x125xi32, #tpu.memory_space<vmem>>
      %dma_start3A_526 = tpu.memref_squeeze %dma_start3A_525 : memref<1x125xi32, #tpu.memory_space<vmem>> -> memref<125xi32, #tpu.memory_space<vmem>>
      %dma_start3A_527 = arith.constant 0 : i32
      %dma_start3A_528 = arith.constant 0 : i32
      %dma_start3A_529 = tpu.memref_slice %arg10[%dma_start3A_527, %dma_start3A_528] : memref<40000x32xf32, #tpu.memory_space<vmem_shared>> -> memref<40000x32xf32, #tpu.memory_space<vmem_shared>>
      tpu.enqueue_indirect_dma source(%dma_start3A_519 : memref<125x32xf32, #tpu.memory_space<vmem>>) target(%dma_start3A_529 : memref<40000x32xf32, #tpu.memory_space<vmem_shared>>) offsets(%dma_start3A_526 : memref<125xi32, #tpu.memory_space<vmem>>) semaphore(%arg13 : memref<!tpu.dma_semaphore, #tpu.memory_space<semaphore_mem>>) {add = true}
      %dma_start3A_530 = arith.constant 4 : i32
      %dma_start3A_531 = arith.constant 1 : i32
      %dma_start3A_532 = arith.constant 4 : i32
      %dma_start3A_533 = arith.constant 0 : i32
      %dma_start3A_534 = arith.constant 0 : i32
      %dma_start3A_535 = tpu.memref_slice %arg7[%dma_start3A_530, %dma_start3A_533, %dma_start3A_534] : memref<5x125x32xf32, #tpu.memory_space<vmem>> -> memref<1x125x32xf32, #tpu.memory_space<vmem>>
      %dma_start3A_536 = tpu.memref_squeeze %dma_start3A_535 : memref<1x125x32xf32, #tpu.memory_space<vmem>> -> memref<125x32xf32, #tpu.memory_space<vmem>>
      %dma_start3A_537 = arith.constant 0 : i32
      %dma_start3A_538 = arith.constant 0 : i32
      %dma_start3A_539 = tpu.memref_slice %arg5[%dma_start3A_531, %dma_start3A_537, %dma_start3A_538] : memref<2x5x125xi32, #tpu.memory_space<vmem>> -> memref<1x5x125xi32, #tpu.memory_space<vmem>>
      %dma_start3A_540 = tpu.memref_squeeze %dma_start3A_539 : memref<1x5x125xi32, #tpu.memory_space<vmem>> -> memref<5x125xi32, #tpu.memory_space<vmem>>
      %dma_start3A_541 = arith.constant 0 : i32
      %dma_start3A_542 = tpu.memref_slice %dma_start3A_540[%dma_start3A_532, %dma_start3A_541] : memref<5x125xi32, #tpu.memory_space<vmem>> -> memref<1x125xi32, #tpu.memory_space<vmem>>
      %dma_start3A_543 = tpu.memref_squeeze %dma_start3A_542 : memref<1x125xi32, #tpu.memory_space<vmem>> -> memref<125xi32, #tpu.memory_space<vmem>>
      %dma_start3A_544 = arith.constant 0 : i32
      %dma_start3A_545 = arith.constant 0 : i32
      %dma_start3A_546 = tpu.memref_slice %arg10[%dma_start3A_544, %dma_start3A_545] : memref<40000x32xf32, #tpu.memory_space<vmem_shared>> -> memref<40000x32xf32, #tpu.memory_space<vmem_shared>>
      tpu.enqueue_indirect_dma source(%dma_start3A_536 : memref<125x32xf32, #tpu.memory_space<vmem>>) target(%dma_start3A_546 : memref<40000x32xf32, #tpu.memory_space<vmem_shared>>) offsets(%dma_start3A_543 : memref<125xi32, #tpu.memory_space<vmem>>) semaphore(%arg13 : memref<!tpu.dma_semaphore, #tpu.memory_space<semaphore_mem>>) {add = true}
      %lt3A = arith.constant 31 : i32
      %lt3A_547 = arith.cmpi slt, %scan3A_282, %lt3A : i32
      %convert_element_type3A_548 = arith.extui %lt3A_547 : i1 to i32
      %cond3A_549 = arith.constant 0 : i32
      %cond3A_550 = arith.cmpi ne, %convert_element_type3A_548, %cond3A_549 : i32
      scf.if %cond3A_550 {
        %add3A_721 = arith.constant 2 : i32
        %add3A_722 = arith.addi %mul3A_284, %add3A_721 : i32
        %ge3A_723 = arith.constant 2 : i32
        %ge3A_724 = arith.cmpi sge, %add3A_722, %ge3A_723 : i32
        %convert_element_type3A_725 = arith.extui %ge3A_724 : i1 to i32
        %cond3A_726 = arith.constant 0 : i32
        %cond3A_727 = arith.cmpi ne, %convert_element_type3A_725, %cond3A_726 : i32
        scf.if %cond3A_727 {
          %dma_wait3A_816 = arith.constant 0 : i32
          %dma_wait3A_817 = arith.constant 1 : i32
          %dma_wait3A_818 = arith.constant 0 : i32
          %dma_wait3A_819 = arith.constant 0 : i32
          %dma_wait3A_820 = arith.constant 0 : i32
          %dma_wait3A_821 = tpu.memref_slice %arg7[%dma_wait3A_816, %dma_wait3A_819, %dma_wait3A_820] : memref<5x125x32xf32, #tpu.memory_space<vmem>> -> memref<1x125x32xf32, #tpu.memory_space<vmem>>
          %dma_wait3A_822 = tpu.memref_squeeze %dma_wait3A_821 : memref<1x125x32xf32, #tpu.memory_space<vmem>> -> memref<125x32xf32, #tpu.memory_space<vmem>>
          %dma_wait3A_823 = arith.constant 0 : i32
          %dma_wait3A_824 = arith.constant 0 : i32
          %dma_wait3A_825 = tpu.memref_slice %arg5[%dma_wait3A_817, %dma_wait3A_823, %dma_wait3A_824] : memref<2x5x125xi32, #tpu.memory_space<vmem>> -> memref<1x5x125xi32, #tpu.memory_space<vmem>>
          %dma_wait3A_826 = tpu.memref_squeeze %dma_wait3A_825 : memref<1x5x125xi32, #tpu.memory_space<vmem>> -> memref<5x125xi32, #tpu.memory_space<vmem>>
          %dma_wait3A_827 = arith.constant 0 : i32
          %dma_wait3A_828 = tpu.memref_slice %dma_wait3A_826[%dma_wait3A_818, %dma_wait3A_827] : memref<5x125xi32, #tpu.memory_space<vmem>> -> memref<1x125xi32, #tpu.memory_space<vmem>>
          %dma_wait3A_829 = tpu.memref_squeeze %dma_wait3A_828 : memref<1x125xi32, #tpu.memory_space<vmem>> -> memref<125xi32, #tpu.memory_space<vmem>>
          %dma_wait3A_830 = arith.constant 0 : i32
          %dma_wait3A_831 = arith.constant 0 : i32
          %dma_wait3A_832 = tpu.memref_slice %arg10[%dma_wait3A_830, %dma_wait3A_831] : memref<40000x32xf32, #tpu.memory_space<vmem_shared>> -> memref<40000x32xf32, #tpu.memory_space<vmem_shared>>
          tpu.wait_indirect_dma semaphore(%arg13 : memref<!tpu.dma_semaphore, #tpu.memory_space<semaphore_mem>>) src(%dma_wait3A_822 : memref<125x32xf32, #tpu.memory_space<vmem>>) dst(%dma_wait3A_832 : memref<40000x32xf32, #tpu.memory_space<vmem_shared>>)
          %dma_wait3A_833 = arith.constant 1 : i32
          %dma_wait3A_834 = arith.constant 1 : i32
          %dma_wait3A_835 = arith.constant 1 : i32
          %dma_wait3A_836 = arith.constant 0 : i32
          %dma_wait3A_837 = arith.constant 0 : i32
          %dma_wait3A_838 = tpu.memref_slice %arg7[%dma_wait3A_833, %dma_wait3A_836, %dma_wait3A_837] : memref<5x125x32xf32, #tpu.memory_space<vmem>> -> memref<1x125x32xf32, #tpu.memory_space<vmem>>
          %dma_wait3A_839 = tpu.memref_squeeze %dma_wait3A_838 : memref<1x125x32xf32, #tpu.memory_space<vmem>> -> memref<125x32xf32, #tpu.memory_space<vmem>>
          %dma_wait3A_840 = arith.constant 0 : i32
          %dma_wait3A_841 = arith.constant 0 : i32
          %dma_wait3A_842 = tpu.memref_slice %arg5[%dma_wait3A_834, %dma_wait3A_840, %dma_wait3A_841] : memref<2x5x125xi32, #tpu.memory_space<vmem>> -> memref<1x5x125xi32, #tpu.memory_space<vmem>>
          %dma_wait3A_843 = tpu.memref_squeeze %dma_wait3A_842 : memref<1x5x125xi32, #tpu.memory_space<vmem>> -> memref<5x125xi32, #tpu.memory_space<vmem>>
          %dma_wait3A_844 = arith.constant 0 : i32
          %dma_wait3A_845 = tpu.memref_slice %dma_wait3A_843[%dma_wait3A_835, %dma_wait3A_844] : memref<5x125xi32, #tpu.memory_space<vmem>> -> memref<1x125xi32, #tpu.memory_space<vmem>>
          %dma_wait3A_846 = tpu.memref_squeeze %dma_wait3A_845 : memref<1x125xi32, #tpu.memory_space<vmem>> -> memref<125xi32, #tpu.memory_space<vmem>>
          %dma_wait3A_847 = arith.constant 0 : i32
          %dma_wait3A_848 = arith.constant 0 : i32
          %dma_wait3A_849 = tpu.memref_slice %arg10[%dma_wait3A_847, %dma_wait3A_848] : memref<40000x32xf32, #tpu.memory_space<vmem_shared>> -> memref<40000x32xf32, #tpu.memory_space<vmem_shared>>
          tpu.wait_indirect_dma semaphore(%arg13 : memref<!tpu.dma_semaphore, #tpu.memory_space<semaphore_mem>>) src(%dma_wait3A_839 : memref<125x32xf32, #tpu.memory_space<vmem>>) dst(%dma_wait3A_849 : memref<40000x32xf32, #tpu.memory_space<vmem_shared>>)
          %dma_wait3A_850 = arith.constant 2 : i32
          %dma_wait3A_851 = arith.constant 1 : i32
          %dma_wait3A_852 = arith.constant 2 : i32
          %dma_wait3A_853 = arith.constant 0 : i32
          %dma_wait3A_854 = arith.constant 0 : i32
          %dma_wait3A_855 = tpu.memref_slice %arg7[%dma_wait3A_850, %dma_wait3A_853, %dma_wait3A_854] : memref<5x125x32xf32, #tpu.memory_space<vmem>> -> memref<1x125x32xf32, #tpu.memory_space<vmem>>
          %dma_wait3A_856 = tpu.memref_squeeze %dma_wait3A_855 : memref<1x125x32xf32, #tpu.memory_space<vmem>> -> memref<125x32xf32, #tpu.memory_space<vmem>>
          %dma_wait3A_857 = arith.constant 0 : i32
          %dma_wait3A_858 = arith.constant 0 : i32
          %dma_wait3A_859 = tpu.memref_slice %arg5[%dma_wait3A_851, %dma_wait3A_857, %dma_wait3A_858] : memref<2x5x125xi32, #tpu.memory_space<vmem>> -> memref<1x5x125xi32, #tpu.memory_space<vmem>>
          %dma_wait3A_860 = tpu.memref_squeeze %dma_wait3A_859 : memref<1x5x125xi32, #tpu.memory_space<vmem>> -> memref<5x125xi32, #tpu.memory_space<vmem>>
          %dma_wait3A_861 = arith.constant 0 : i32
          %dma_wait3A_862 = tpu.memref_slice %dma_wait3A_860[%dma_wait3A_852, %dma_wait3A_861] : memref<5x125xi32, #tpu.memory_space<vmem>> -> memref<1x125xi32, #tpu.memory_space<vmem>>
          %dma_wait3A_863 = tpu.memref_squeeze %dma_wait3A_862 : memref<1x125xi32, #tpu.memory_space<vmem>> -> memref<125xi32, #tpu.memory_space<vmem>>
          %dma_wait3A_864 = arith.constant 0 : i32
          %dma_wait3A_865 = arith.constant 0 : i32
          %dma_wait3A_866 = tpu.memref_slice %arg10[%dma_wait3A_864, %dma_wait3A_865] : memref<40000x32xf32, #tpu.memory_space<vmem_shared>> -> memref<40000x32xf32, #tpu.memory_space<vmem_shared>>
          tpu.wait_indirect_dma semaphore(%arg13 : memref<!tpu.dma_semaphore, #tpu.memory_space<semaphore_mem>>) src(%dma_wait3A_856 : memref<125x32xf32, #tpu.memory_space<vmem>>) dst(%dma_wait3A_866 : memref<40000x32xf32, #tpu.memory_space<vmem_shared>>)
          %dma_wait3A_867 = arith.constant 3 : i32
          %dma_wait3A_868 = arith.constant 1 : i32
          %dma_wait3A_869 = arith.constant 3 : i32
          %dma_wait3A_870 = arith.constant 0 : i32
          %dma_wait3A_871 = arith.constant 0 : i32
          %dma_wait3A_872 = tpu.memref_slice %arg7[%dma_wait3A_867, %dma_wait3A_870, %dma_wait3A_871] : memref<5x125x32xf32, #tpu.memory_space<vmem>> -> memref<1x125x32xf32, #tpu.memory_space<vmem>>
          %dma_wait3A_873 = tpu.memref_squeeze %dma_wait3A_872 : memref<1x125x32xf32, #tpu.memory_space<vmem>> -> memref<125x32xf32, #tpu.memory_space<vmem>>
          %dma_wait3A_874 = arith.constant 0 : i32
          %dma_wait3A_875 = arith.constant 0 : i32
          %dma_wait3A_876 = tpu.memref_slice %arg5[%dma_wait3A_868, %dma_wait3A_874, %dma_wait3A_875] : memref<2x5x125xi32, #tpu.memory_space<vmem>> -> memref<1x5x125xi32, #tpu.memory_space<vmem>>
          %dma_wait3A_877 = tpu.memref_squeeze %dma_wait3A_876 : memref<1x5x125xi32, #tpu.memory_space<vmem>> -> memref<5x125xi32, #tpu.memory_space<vmem>>
          %dma_wait3A_878 = arith.constant 0 : i32
          %dma_wait3A_879 = tpu.memref_slice %dma_wait3A_877[%dma_wait3A_869, %dma_wait3A_878] : memref<5x125xi32, #tpu.memory_space<vmem>> -> memref<1x125xi32, #tpu.memory_space<vmem>>
          %dma_wait3A_880 = tpu.memref_squeeze %dma_wait3A_879 : memref<1x125xi32, #tpu.memory_space<vmem>> -> memref<125xi32, #tpu.memory_space<vmem>>
          %dma_wait3A_881 = arith.constant 0 : i32
          %dma_wait3A_882 = arith.constant 0 : i32
          %dma_wait3A_883 = tpu.memref_slice %arg10[%dma_wait3A_881, %dma_wait3A_882] : memref<40000x32xf32, #tpu.memory_space<vmem_shared>> -> memref<40000x32xf32, #tpu.memory_space<vmem_shared>>
          tpu.wait_indirect_dma semaphore(%arg13 : memref<!tpu.dma_semaphore, #tpu.memory_space<semaphore_mem>>) src(%dma_wait3A_873 : memref<125x32xf32, #tpu.memory_space<vmem>>) dst(%dma_wait3A_883 : memref<40000x32xf32, #tpu.memory_space<vmem_shared>>)
          %dma_wait3A_884 = arith.constant 4 : i32
          %dma_wait3A_885 = arith.constant 1 : i32
          %dma_wait3A_886 = arith.constant 4 : i32
          %dma_wait3A_887 = arith.constant 0 : i32
          %dma_wait3A_888 = arith.constant 0 : i32
          %dma_wait3A_889 = tpu.memref_slice %arg7[%dma_wait3A_884, %dma_wait3A_887, %dma_wait3A_888] : memref<5x125x32xf32, #tpu.memory_space<vmem>> -> memref<1x125x32xf32, #tpu.memory_space<vmem>>
          %dma_wait3A_890 = tpu.memref_squeeze %dma_wait3A_889 : memref<1x125x32xf32, #tpu.memory_space<vmem>> -> memref<125x32xf32, #tpu.memory_space<vmem>>
          %dma_wait3A_891 = arith.constant 0 : i32
          %dma_wait3A_892 = arith.constant 0 : i32
          %dma_wait3A_893 = tpu.memref_slice %arg5[%dma_wait3A_885, %dma_wait3A_891, %dma_wait3A_892] : memref<2x5x125xi32, #tpu.memory_space<vmem>> -> memref<1x5x125xi32, #tpu.memory_space<vmem>>
          %dma_wait3A_894 = tpu.memref_squeeze %dma_wait3A_893 : memref<1x5x125xi32, #tpu.memory_space<vmem>> -> memref<5x125xi32, #tpu.memory_space<vmem>>
          %dma_wait3A_895 = arith.constant 0 : i32
          %dma_wait3A_896 = tpu.memref_slice %dma_wait3A_894[%dma_wait3A_886, %dma_wait3A_895] : memref<5x125xi32, #tpu.memory_space<vmem>> -> memref<1x125xi32, #tpu.memory_space<vmem>>
          %dma_wait3A_897 = tpu.memref_squeeze %dma_wait3A_896 : memref<1x125xi32, #tpu.memory_space<vmem>> -> memref<125xi32, #tpu.memory_space<vmem>>
          %dma_wait3A_898 = arith.constant 0 : i32
          %dma_wait3A_899 = arith.constant 0 : i32
          %dma_wait3A_900 = tpu.memref_slice %arg10[%dma_wait3A_898, %dma_wait3A_899] : memref<40000x32xf32, #tpu.memory_space<vmem_shared>> -> memref<40000x32xf32, #tpu.memory_space<vmem_shared>>
          tpu.wait_indirect_dma semaphore(%arg13 : memref<!tpu.dma_semaphore, #tpu.memory_space<semaphore_mem>>) src(%dma_wait3A_890 : memref<125x32xf32, #tpu.memory_space<vmem>>) dst(%dma_wait3A_900 : memref<40000x32xf32, #tpu.memory_space<vmem_shared>>)
        } else {
        }
        %mul3A_728 = arith.constant 5 : i32
        %mul3A_729 = arith.muli %add3A_722, %mul3A_728 : i32
        %add3A_730 = arith.addi %mul3A_13, %mul3A_729 : i32
        "tpu.region"() ({
          %run_scoped3A = tpu.sem_alloc : memref<!tpu.dma_semaphore, #tpu.memory_space<semaphore_mem>>
          %dma_start3A_816 = arith.constant 0 : i32
          %dma_start3A_817 = arith.constant 0 : i32
          %dma_start3A_818 = tpu.memref_slice %arg2[%dma_start3A_816, %add3A_730, %dma_start3A_817] : memref<2x10240x125xi32, #tpu.memory_space<hbm>> -> memref<2x5x125xi32, #tpu.memory_space<hbm>>
          %dma_start3A_819 = arith.constant 0 : i32
          %dma_start3A_820 = arith.constant 0 : i32
          %dma_start3A_821 = tpu.memref_slice %arg2[%dma_start3A_819, %add3A_730, %dma_start3A_820] : memref<2x10240x125xi32, #tpu.memory_space<hbm>> -> memref<2x5x125xi32, #tpu.memory_space<hbm>>
          tpu.enqueue_dma source(%dma_start3A_821 : memref<2x5x125xi32, #tpu.memory_space<hbm>>) target(%arg5 : memref<2x5x125xi32, #tpu.memory_space<vmem>>) target_semaphore(%run_scoped3A : memref<!tpu.dma_semaphore, #tpu.memory_space<semaphore_mem>>)
          %dma_wait3A_822 = arith.constant 0 : i32
          %dma_wait3A_823 = arith.constant 0 : i32
          %dma_wait3A_824 = tpu.memref_slice %arg2[%dma_wait3A_822, %add3A_730, %dma_wait3A_823] : memref<2x10240x125xi32, #tpu.memory_space<hbm>> -> memref<2x5x125xi32, #tpu.memory_space<hbm>>
          %dma_wait3A_825 = arith.constant 0 : i32
          %dma_wait3A_826 = arith.constant 0 : i32
          %dma_wait3A_827 = tpu.memref_slice %arg2[%dma_wait3A_825, %add3A_730, %dma_wait3A_826] : memref<2x10240x125xi32, #tpu.memory_space<hbm>> -> memref<2x5x125xi32, #tpu.memory_space<hbm>>
          tpu.wait_dma2 semaphore(%run_scoped3A : memref<!tpu.dma_semaphore, #tpu.memory_space<semaphore_mem>>) src(%dma_wait3A_827 : memref<2x5x125xi32, #tpu.memory_space<hbm>>) dst(%arg5 : memref<2x5x125xi32, #tpu.memory_space<vmem>>)
          tpu.yield
        }) : () -> ()
        %dma_start3A_731 = arith.constant 0 : i32
        %dma_start3A_732 = arith.constant 0 : i32
        %dma_start3A_733 = arith.constant 0 : i32
        %dma_start3A_734 = arith.constant 0 : i32
        %dma_start3A_735 = arith.constant 0 : i32
        %dma_start3A_736 = tpu.memref_slice %arg7[%dma_start3A_733, %dma_start3A_734, %dma_start3A_735] : memref<5x125x32xf32, #tpu.memory_space<vmem>> -> memref<1x125x32xf32, #tpu.memory_space<vmem>>
        %dma_start3A_737 = tpu.memref_squeeze %dma_start3A_736 : memref<1x125x32xf32, #tpu.memory_space<vmem>> -> memref<125x32xf32, #tpu.memory_space<vmem>>
        %dma_start3A_738 = arith.constant 0 : i32
        %dma_start3A_739 = arith.constant 0 : i32
        %dma_start3A_740 = tpu.memref_slice %arg5[%dma_start3A_731, %dma_start3A_738, %dma_start3A_739] : memref<2x5x125xi32, #tpu.memory_space<vmem>> -> memref<1x5x125xi32, #tpu.memory_space<vmem>>
        %dma_start3A_741 = tpu.memref_squeeze %dma_start3A_740 : memref<1x5x125xi32, #tpu.memory_space<vmem>> -> memref<5x125xi32, #tpu.memory_space<vmem>>
        %dma_start3A_742 = arith.constant 0 : i32
        %dma_start3A_743 = tpu.memref_slice %dma_start3A_741[%dma_start3A_732, %dma_start3A_742] : memref<5x125xi32, #tpu.memory_space<vmem>> -> memref<1x125xi32, #tpu.memory_space<vmem>>
        %dma_start3A_744 = tpu.memref_squeeze %dma_start3A_743 : memref<1x125xi32, #tpu.memory_space<vmem>> -> memref<125xi32, #tpu.memory_space<vmem>>
        %dma_start3A_745 = arith.constant 0 : i32
        %dma_start3A_746 = arith.constant 0 : i32
        %dma_start3A_747 = tpu.memref_slice %arg3[%dma_start3A_745, %dma_start3A_746] : memref<40000x32xf32, #tpu.memory_space<hbm>> -> memref<40000x32xf32, #tpu.memory_space<hbm>>
        tpu.enqueue_indirect_dma source(%dma_start3A_747 : memref<40000x32xf32, #tpu.memory_space<hbm>>) target(%dma_start3A_737 : memref<125x32xf32, #tpu.memory_space<vmem>>) offsets(%dma_start3A_744 : memref<125xi32, #tpu.memory_space<vmem>>) semaphore(%arg11 : memref<!tpu.dma_semaphore, #tpu.memory_space<semaphore_mem>>)
        %dma_start3A_748 = arith.constant 0 : i32
        %dma_start3A_749 = arith.constant 1 : i32
        %dma_start3A_750 = arith.constant 1 : i32
        %dma_start3A_751 = arith.constant 0 : i32
        %dma_start3A_752 = arith.constant 0 : i32
        %dma_start3A_753 = tpu.memref_slice %arg7[%dma_start3A_750, %dma_start3A_751, %dma_start3A_752] : memref<5x125x32xf32, #tpu.memory_space<vmem>> -> memref<1x125x32xf32, #tpu.memory_space<vmem>>
        %dma_start3A_754 = tpu.memref_squeeze %dma_start3A_753 : memref<1x125x32xf32, #tpu.memory_space<vmem>> -> memref<125x32xf32, #tpu.memory_space<vmem>>
        %dma_start3A_755 = arith.constant 0 : i32
        %dma_start3A_756 = arith.constant 0 : i32
        %dma_start3A_757 = tpu.memref_slice %arg5[%dma_start3A_748, %dma_start3A_755, %dma_start3A_756] : memref<2x5x125xi32, #tpu.memory_space<vmem>> -> memref<1x5x125xi32, #tpu.memory_space<vmem>>
        %dma_start3A_758 = tpu.memref_squeeze %dma_start3A_757 : memref<1x5x125xi32, #tpu.memory_space<vmem>> -> memref<5x125xi32, #tpu.memory_space<vmem>>
        %dma_start3A_759 = arith.constant 0 : i32
        %dma_start3A_760 = tpu.memref_slice %dma_start3A_758[%dma_start3A_749, %dma_start3A_759] : memref<5x125xi32, #tpu.memory_space<vmem>> -> memref<1x125xi32, #tpu.memory_space<vmem>>
        %dma_start3A_761 = tpu.memref_squeeze %dma_start3A_760 : memref<1x125xi32, #tpu.memory_space<vmem>> -> memref<125xi32, #tpu.memory_space<vmem>>
        %dma_start3A_762 = arith.constant 0 : i32
        %dma_start3A_763 = arith.constant 0 : i32
        %dma_start3A_764 = tpu.memref_slice %arg3[%dma_start3A_762, %dma_start3A_763] : memref<40000x32xf32, #tpu.memory_space<hbm>> -> memref<40000x32xf32, #tpu.memory_space<hbm>>
        tpu.enqueue_indirect_dma source(%dma_start3A_764 : memref<40000x32xf32, #tpu.memory_space<hbm>>) target(%dma_start3A_754 : memref<125x32xf32, #tpu.memory_space<vmem>>) offsets(%dma_start3A_761 : memref<125xi32, #tpu.memory_space<vmem>>) semaphore(%arg11 : memref<!tpu.dma_semaphore, #tpu.memory_space<semaphore_mem>>)
        %dma_start3A_765 = arith.constant 0 : i32
        %dma_start3A_766 = arith.constant 2 : i32
        %dma_start3A_767 = arith.constant 2 : i32
        %dma_start3A_768 = arith.constant 0 : i32
        %dma_start3A_769 = arith.constant 0 : i32
        %dma_start3A_770 = tpu.memref_slice %arg7[%dma_start3A_767, %dma_start3A_768, %dma_start3A_769] : memref<5x125x32xf32, #tpu.memory_space<vmem>> -> memref<1x125x32xf32, #tpu.memory_space<vmem>>
        %dma_start3A_771 = tpu.memref_squeeze %dma_start3A_770 : memref<1x125x32xf32, #tpu.memory_space<vmem>> -> memref<125x32xf32, #tpu.memory_space<vmem>>
        %dma_start3A_772 = arith.constant 0 : i32
        %dma_start3A_773 = arith.constant 0 : i32
        %dma_start3A_774 = tpu.memref_slice %arg5[%dma_start3A_765, %dma_start3A_772, %dma_start3A_773] : memref<2x5x125xi32, #tpu.memory_space<vmem>> -> memref<1x5x125xi32, #tpu.memory_space<vmem>>
        %dma_start3A_775 = tpu.memref_squeeze %dma_start3A_774 : memref<1x5x125xi32, #tpu.memory_space<vmem>> -> memref<5x125xi32, #tpu.memory_space<vmem>>
        %dma_start3A_776 = arith.constant 0 : i32
        %dma_start3A_777 = tpu.memref_slice %dma_start3A_775[%dma_start3A_766, %dma_start3A_776] : memref<5x125xi32, #tpu.memory_space<vmem>> -> memref<1x125xi32, #tpu.memory_space<vmem>>
        %dma_start3A_778 = tpu.memref_squeeze %dma_start3A_777 : memref<1x125xi32, #tpu.memory_space<vmem>> -> memref<125xi32, #tpu.memory_space<vmem>>
        %dma_start3A_779 = arith.constant 0 : i32
        %dma_start3A_780 = arith.constant 0 : i32
        %dma_start3A_781 = tpu.memref_slice %arg3[%dma_start3A_779, %dma_start3A_780] : memref<40000x32xf32, #tpu.memory_space<hbm>> -> memref<40000x32xf32, #tpu.memory_space<hbm>>
        tpu.enqueue_indirect_dma source(%dma_start3A_781 : memref<40000x32xf32, #tpu.memory_space<hbm>>) target(%dma_start3A_771 : memref<125x32xf32, #tpu.memory_space<vmem>>) offsets(%dma_start3A_778 : memref<125xi32, #tpu.memory_space<vmem>>) semaphore(%arg11 : memref<!tpu.dma_semaphore, #tpu.memory_space<semaphore_mem>>)
        %dma_start3A_782 = arith.constant 0 : i32
        %dma_start3A_783 = arith.constant 3 : i32
        %dma_start3A_784 = arith.constant 3 : i32
        %dma_start3A_785 = arith.constant 0 : i32
        %dma_start3A_786 = arith.constant 0 : i32
        %dma_start3A_787 = tpu.memref_slice %arg7[%dma_start3A_784, %dma_start3A_785, %dma_start3A_786] : memref<5x125x32xf32, #tpu.memory_space<vmem>> -> memref<1x125x32xf32, #tpu.memory_space<vmem>>
        %dma_start3A_788 = tpu.memref_squeeze %dma_start3A_787 : memref<1x125x32xf32, #tpu.memory_space<vmem>> -> memref<125x32xf32, #tpu.memory_space<vmem>>
        %dma_start3A_789 = arith.constant 0 : i32
        %dma_start3A_790 = arith.constant 0 : i32
        %dma_start3A_791 = tpu.memref_slice %arg5[%dma_start3A_782, %dma_start3A_789, %dma_start3A_790] : memref<2x5x125xi32, #tpu.memory_space<vmem>> -> memref<1x5x125xi32, #tpu.memory_space<vmem>>
        %dma_start3A_792 = tpu.memref_squeeze %dma_start3A_791 : memref<1x5x125xi32, #tpu.memory_space<vmem>> -> memref<5x125xi32, #tpu.memory_space<vmem>>
        %dma_start3A_793 = arith.constant 0 : i32
        %dma_start3A_794 = tpu.memref_slice %dma_start3A_792[%dma_start3A_783, %dma_start3A_793] : memref<5x125xi32, #tpu.memory_space<vmem>> -> memref<1x125xi32, #tpu.memory_space<vmem>>
        %dma_start3A_795 = tpu.memref_squeeze %dma_start3A_794 : memref<1x125xi32, #tpu.memory_space<vmem>> -> memref<125xi32, #tpu.memory_space<vmem>>
        %dma_start3A_796 = arith.constant 0 : i32
        %dma_start3A_797 = arith.constant 0 : i32
        %dma_start3A_798 = tpu.memref_slice %arg3[%dma_start3A_796, %dma_start3A_797] : memref<40000x32xf32, #tpu.memory_space<hbm>> -> memref<40000x32xf32, #tpu.memory_space<hbm>>
        tpu.enqueue_indirect_dma source(%dma_start3A_798 : memref<40000x32xf32, #tpu.memory_space<hbm>>) target(%dma_start3A_788 : memref<125x32xf32, #tpu.memory_space<vmem>>) offsets(%dma_start3A_795 : memref<125xi32, #tpu.memory_space<vmem>>) semaphore(%arg11 : memref<!tpu.dma_semaphore, #tpu.memory_space<semaphore_mem>>)
        %dma_start3A_799 = arith.constant 0 : i32
        %dma_start3A_800 = arith.constant 4 : i32
        %dma_start3A_801 = arith.constant 4 : i32
        %dma_start3A_802 = arith.constant 0 : i32
        %dma_start3A_803 = arith.constant 0 : i32
        %dma_start3A_804 = tpu.memref_slice %arg7[%dma_start3A_801, %dma_start3A_802, %dma_start3A_803] : memref<5x125x32xf32, #tpu.memory_space<vmem>> -> memref<1x125x32xf32, #tpu.memory_space<vmem>>
        %dma_start3A_805 = tpu.memref_squeeze %dma_start3A_804 : memref<1x125x32xf32, #tpu.memory_space<vmem>> -> memref<125x32xf32, #tpu.memory_space<vmem>>
        %dma_start3A_806 = arith.constant 0 : i32
        %dma_start3A_807 = arith.constant 0 : i32
        %dma_start3A_808 = tpu.memref_slice %arg5[%dma_start3A_799, %dma_start3A_806, %dma_start3A_807] : memref<2x5x125xi32, #tpu.memory_space<vmem>> -> memref<1x5x125xi32, #tpu.memory_space<vmem>>
        %dma_start3A_809 = tpu.memref_squeeze %dma_start3A_808 : memref<1x5x125xi32, #tpu.memory_space<vmem>> -> memref<5x125xi32, #tpu.memory_space<vmem>>
        %dma_start3A_810 = arith.constant 0 : i32
        %dma_start3A_811 = tpu.memref_slice %dma_start3A_809[%dma_start3A_800, %dma_start3A_810] : memref<5x125xi32, #tpu.memory_space<vmem>> -> memref<1x125xi32, #tpu.memory_space<vmem>>
        %dma_start3A_812 = tpu.memref_squeeze %dma_start3A_811 : memref<1x125xi32, #tpu.memory_space<vmem>> -> memref<125xi32, #tpu.memory_space<vmem>>
        %dma_start3A_813 = arith.constant 0 : i32
        %dma_start3A_814 = arith.constant 0 : i32
        %dma_start3A_815 = tpu.memref_slice %arg3[%dma_start3A_813, %dma_start3A_814] : memref<40000x32xf32, #tpu.memory_space<hbm>> -> memref<40000x32xf32, #tpu.memory_space<hbm>>
        tpu.enqueue_indirect_dma source(%dma_start3A_815 : memref<40000x32xf32, #tpu.memory_space<hbm>>) target(%dma_start3A_805 : memref<125x32xf32, #tpu.memory_space<vmem>>) offsets(%dma_start3A_812 : memref<125xi32, #tpu.memory_space<vmem>>) semaphore(%arg11 : memref<!tpu.dma_semaphore, #tpu.memory_space<semaphore_mem>>)
      } else {
      }
      %dma_wait3A_551 = arith.constant 0 : i32
      %dma_wait3A_552 = arith.constant 0 : i32
      %dma_wait3A_553 = arith.constant 0 : i32
      %dma_wait3A_554 = arith.constant 0 : i32
      %dma_wait3A_555 = arith.constant 0 : i32
      %dma_wait3A_556 = tpu.memref_slice %arg8[%dma_wait3A_553, %dma_wait3A_554, %dma_wait3A_555] : memref<5x125x32xf32, #tpu.memory_space<vmem>> -> memref<1x125x32xf32, #tpu.memory_space<vmem>>
      %dma_wait3A_557 = tpu.memref_squeeze %dma_wait3A_556 : memref<1x125x32xf32, #tpu.memory_space<vmem>> -> memref<125x32xf32, #tpu.memory_space<vmem>>
      %dma_wait3A_558 = arith.constant 0 : i32
      %dma_wait3A_559 = arith.constant 0 : i32
      %dma_wait3A_560 = tpu.memref_slice %arg6[%dma_wait3A_551, %dma_wait3A_558, %dma_wait3A_559] : memref<2x5x125xi32, #tpu.memory_space<vmem>> -> memref<1x5x125xi32, #tpu.memory_space<vmem>>
      %dma_wait3A_561 = tpu.memref_squeeze %dma_wait3A_560 : memref<1x5x125xi32, #tpu.memory_space<vmem>> -> memref<5x125xi32, #tpu.memory_space<vmem>>
      %dma_wait3A_562 = arith.constant 0 : i32
      %dma_wait3A_563 = tpu.memref_slice %dma_wait3A_561[%dma_wait3A_552, %dma_wait3A_562] : memref<5x125xi32, #tpu.memory_space<vmem>> -> memref<1x125xi32, #tpu.memory_space<vmem>>
      %dma_wait3A_564 = tpu.memref_squeeze %dma_wait3A_563 : memref<1x125xi32, #tpu.memory_space<vmem>> -> memref<125xi32, #tpu.memory_space<vmem>>
      %dma_wait3A_565 = arith.constant 0 : i32
      %dma_wait3A_566 = arith.constant 0 : i32
      %dma_wait3A_567 = tpu.memref_slice %arg3[%dma_wait3A_565, %dma_wait3A_566] : memref<40000x32xf32, #tpu.memory_space<hbm>> -> memref<40000x32xf32, #tpu.memory_space<hbm>>
      tpu.wait_indirect_dma semaphore(%arg12 : memref<!tpu.dma_semaphore, #tpu.memory_space<semaphore_mem>>) src(%dma_wait3A_567 : memref<40000x32xf32, #tpu.memory_space<hbm>>) dst(%dma_wait3A_557 : memref<125x32xf32, #tpu.memory_space<vmem>>)
      %dma_wait3A_568 = arith.constant 0 : i32
      %dma_wait3A_569 = arith.constant 1 : i32
      %dma_wait3A_570 = arith.constant 1 : i32
      %dma_wait3A_571 = arith.constant 0 : i32
      %dma_wait3A_572 = arith.constant 0 : i32
      %dma_wait3A_573 = tpu.memref_slice %arg8[%dma_wait3A_570, %dma_wait3A_571, %dma_wait3A_572] : memref<5x125x32xf32, #tpu.memory_space<vmem>> -> memref<1x125x32xf32, #tpu.memory_space<vmem>>
      %dma_wait3A_574 = tpu.memref_squeeze %dma_wait3A_573 : memref<1x125x32xf32, #tpu.memory_space<vmem>> -> memref<125x32xf32, #tpu.memory_space<vmem>>
      %dma_wait3A_575 = arith.constant 0 : i32
      %dma_wait3A_576 = arith.constant 0 : i32
      %dma_wait3A_577 = tpu.memref_slice %arg6[%dma_wait3A_568, %dma_wait3A_575, %dma_wait3A_576] : memref<2x5x125xi32, #tpu.memory_space<vmem>> -> memref<1x5x125xi32, #tpu.memory_space<vmem>>
      %dma_wait3A_578 = tpu.memref_squeeze %dma_wait3A_577 : memref<1x5x125xi32, #tpu.memory_space<vmem>> -> memref<5x125xi32, #tpu.memory_space<vmem>>
      %dma_wait3A_579 = arith.constant 0 : i32
      %dma_wait3A_580 = tpu.memref_slice %dma_wait3A_578[%dma_wait3A_569, %dma_wait3A_579] : memref<5x125xi32, #tpu.memory_space<vmem>> -> memref<1x125xi32, #tpu.memory_space<vmem>>
      %dma_wait3A_581 = tpu.memref_squeeze %dma_wait3A_580 : memref<1x125xi32, #tpu.memory_space<vmem>> -> memref<125xi32, #tpu.memory_space<vmem>>
      %dma_wait3A_582 = arith.constant 0 : i32
      %dma_wait3A_583 = arith.constant 0 : i32
      %dma_wait3A_584 = tpu.memref_slice %arg3[%dma_wait3A_582, %dma_wait3A_583] : memref<40000x32xf32, #tpu.memory_space<hbm>> -> memref<40000x32xf32, #tpu.memory_space<hbm>>
      tpu.wait_indirect_dma semaphore(%arg12 : memref<!tpu.dma_semaphore, #tpu.memory_space<semaphore_mem>>) src(%dma_wait3A_584 : memref<40000x32xf32, #tpu.memory_space<hbm>>) dst(%dma_wait3A_574 : memref<125x32xf32, #tpu.memory_space<vmem>>)
      %dma_wait3A_585 = arith.constant 0 : i32
      %dma_wait3A_586 = arith.constant 2 : i32
      %dma_wait3A_587 = arith.constant 2 : i32
      %dma_wait3A_588 = arith.constant 0 : i32
      %dma_wait3A_589 = arith.constant 0 : i32
      %dma_wait3A_590 = tpu.memref_slice %arg8[%dma_wait3A_587, %dma_wait3A_588, %dma_wait3A_589] : memref<5x125x32xf32, #tpu.memory_space<vmem>> -> memref<1x125x32xf32, #tpu.memory_space<vmem>>
      %dma_wait3A_591 = tpu.memref_squeeze %dma_wait3A_590 : memref<1x125x32xf32, #tpu.memory_space<vmem>> -> memref<125x32xf32, #tpu.memory_space<vmem>>
      %dma_wait3A_592 = arith.constant 0 : i32
      %dma_wait3A_593 = arith.constant 0 : i32
      %dma_wait3A_594 = tpu.memref_slice %arg6[%dma_wait3A_585, %dma_wait3A_592, %dma_wait3A_593] : memref<2x5x125xi32, #tpu.memory_space<vmem>> -> memref<1x5x125xi32, #tpu.memory_space<vmem>>
      %dma_wait3A_595 = tpu.memref_squeeze %dma_wait3A_594 : memref<1x5x125xi32, #tpu.memory_space<vmem>> -> memref<5x125xi32, #tpu.memory_space<vmem>>
      %dma_wait3A_596 = arith.constant 0 : i32
      %dma_wait3A_597 = tpu.memref_slice %dma_wait3A_595[%dma_wait3A_586, %dma_wait3A_596] : memref<5x125xi32, #tpu.memory_space<vmem>> -> memref<1x125xi32, #tpu.memory_space<vmem>>
      %dma_wait3A_598 = tpu.memref_squeeze %dma_wait3A_597 : memref<1x125xi32, #tpu.memory_space<vmem>> -> memref<125xi32, #tpu.memory_space<vmem>>
      %dma_wait3A_599 = arith.constant 0 : i32
      %dma_wait3A_600 = arith.constant 0 : i32
      %dma_wait3A_601 = tpu.memref_slice %arg3[%dma_wait3A_599, %dma_wait3A_600] : memref<40000x32xf32, #tpu.memory_space<hbm>> -> memref<40000x32xf32, #tpu.memory_space<hbm>>
      tpu.wait_indirect_dma semaphore(%arg12 : memref<!tpu.dma_semaphore, #tpu.memory_space<semaphore_mem>>) src(%dma_wait3A_601 : memref<40000x32xf32, #tpu.memory_space<hbm>>) dst(%dma_wait3A_591 : memref<125x32xf32, #tpu.memory_space<vmem>>)
      %dma_wait3A_602 = arith.constant 0 : i32
      %dma_wait3A_603 = arith.constant 3 : i32
      %dma_wait3A_604 = arith.constant 3 : i32
      %dma_wait3A_605 = arith.constant 0 : i32
      %dma_wait3A_606 = arith.constant 0 : i32
      %dma_wait3A_607 = tpu.memref_slice %arg8[%dma_wait3A_604, %dma_wait3A_605, %dma_wait3A_606] : memref<5x125x32xf32, #tpu.memory_space<vmem>> -> memref<1x125x32xf32, #tpu.memory_space<vmem>>
      %dma_wait3A_608 = tpu.memref_squeeze %dma_wait3A_607 : memref<1x125x32xf32, #tpu.memory_space<vmem>> -> memref<125x32xf32, #tpu.memory_space<vmem>>
      %dma_wait3A_609 = arith.constant 0 : i32
      %dma_wait3A_610 = arith.constant 0 : i32
      %dma_wait3A_611 = tpu.memref_slice %arg6[%dma_wait3A_602, %dma_wait3A_609, %dma_wait3A_610] : memref<2x5x125xi32, #tpu.memory_space<vmem>> -> memref<1x5x125xi32, #tpu.memory_space<vmem>>
      %dma_wait3A_612 = tpu.memref_squeeze %dma_wait3A_611 : memref<1x5x125xi32, #tpu.memory_space<vmem>> -> memref<5x125xi32, #tpu.memory_space<vmem>>
      %dma_wait3A_613 = arith.constant 0 : i32
      %dma_wait3A_614 = tpu.memref_slice %dma_wait3A_612[%dma_wait3A_603, %dma_wait3A_613] : memref<5x125xi32, #tpu.memory_space<vmem>> -> memref<1x125xi32, #tpu.memory_space<vmem>>
      %dma_wait3A_615 = tpu.memref_squeeze %dma_wait3A_614 : memref<1x125xi32, #tpu.memory_space<vmem>> -> memref<125xi32, #tpu.memory_space<vmem>>
      %dma_wait3A_616 = arith.constant 0 : i32
      %dma_wait3A_617 = arith.constant 0 : i32
      %dma_wait3A_618 = tpu.memref_slice %arg3[%dma_wait3A_616, %dma_wait3A_617] : memref<40000x32xf32, #tpu.memory_space<hbm>> -> memref<40000x32xf32, #tpu.memory_space<hbm>>
      tpu.wait_indirect_dma semaphore(%arg12 : memref<!tpu.dma_semaphore, #tpu.memory_space<semaphore_mem>>) src(%dma_wait3A_618 : memref<40000x32xf32, #tpu.memory_space<hbm>>) dst(%dma_wait3A_608 : memref<125x32xf32, #tpu.memory_space<vmem>>)
      %dma_wait3A_619 = arith.constant 0 : i32
      %dma_wait3A_620 = arith.constant 4 : i32
      %dma_wait3A_621 = arith.constant 4 : i32
      %dma_wait3A_622 = arith.constant 0 : i32
      %dma_wait3A_623 = arith.constant 0 : i32
      %dma_wait3A_624 = tpu.memref_slice %arg8[%dma_wait3A_621, %dma_wait3A_622, %dma_wait3A_623] : memref<5x125x32xf32, #tpu.memory_space<vmem>> -> memref<1x125x32xf32, #tpu.memory_space<vmem>>
      %dma_wait3A_625 = tpu.memref_squeeze %dma_wait3A_624 : memref<1x125x32xf32, #tpu.memory_space<vmem>> -> memref<125x32xf32, #tpu.memory_space<vmem>>
      %dma_wait3A_626 = arith.constant 0 : i32
      %dma_wait3A_627 = arith.constant 0 : i32
      %dma_wait3A_628 = tpu.memref_slice %arg6[%dma_wait3A_619, %dma_wait3A_626, %dma_wait3A_627] : memref<2x5x125xi32, #tpu.memory_space<vmem>> -> memref<1x5x125xi32, #tpu.memory_space<vmem>>
      %dma_wait3A_629 = tpu.memref_squeeze %dma_wait3A_628 : memref<1x5x125xi32, #tpu.memory_space<vmem>> -> memref<5x125xi32, #tpu.memory_space<vmem>>
      %dma_wait3A_630 = arith.constant 0 : i32
      %dma_wait3A_631 = tpu.memref_slice %dma_wait3A_629[%dma_wait3A_620, %dma_wait3A_630] : memref<5x125xi32, #tpu.memory_space<vmem>> -> memref<1x125xi32, #tpu.memory_space<vmem>>
      %dma_wait3A_632 = tpu.memref_squeeze %dma_wait3A_631 : memref<1x125xi32, #tpu.memory_space<vmem>> -> memref<125xi32, #tpu.memory_space<vmem>>
      %dma_wait3A_633 = arith.constant 0 : i32
      %dma_wait3A_634 = arith.constant 0 : i32
      %dma_wait3A_635 = tpu.memref_slice %arg3[%dma_wait3A_633, %dma_wait3A_634] : memref<40000x32xf32, #tpu.memory_space<hbm>> -> memref<40000x32xf32, #tpu.memory_space<hbm>>
      tpu.wait_indirect_dma semaphore(%arg12 : memref<!tpu.dma_semaphore, #tpu.memory_space<semaphore_mem>>) src(%dma_wait3A_635 : memref<40000x32xf32, #tpu.memory_space<hbm>>) dst(%dma_wait3A_625 : memref<125x32xf32, #tpu.memory_space<vmem>>)
      %dma_start3A_636 = arith.constant 0 : i32
      %dma_start3A_637 = arith.constant 1 : i32
      %dma_start3A_638 = arith.constant 0 : i32
      %dma_start3A_639 = arith.constant 0 : i32
      %dma_start3A_640 = arith.constant 0 : i32
      %dma_start3A_641 = tpu.memref_slice %arg8[%dma_start3A_636, %dma_start3A_639, %dma_start3A_640] : memref<5x125x32xf32, #tpu.memory_space<vmem>> -> memref<1x125x32xf32, #tpu.memory_space<vmem>>
      %dma_start3A_642 = tpu.memref_squeeze %dma_start3A_641 : memref<1x125x32xf32, #tpu.memory_space<vmem>> -> memref<125x32xf32, #tpu.memory_space<vmem>>
      %dma_start3A_643 = arith.constant 0 : i32
      %dma_start3A_644 = arith.constant 0 : i32
      %dma_start3A_645 = tpu.memref_slice %arg6[%dma_start3A_637, %dma_start3A_643, %dma_start3A_644] : memref<2x5x125xi32, #tpu.memory_space<vmem>> -> memref<1x5x125xi32, #tpu.memory_space<vmem>>
      %dma_start3A_646 = tpu.memref_squeeze %dma_start3A_645 : memref<1x5x125xi32, #tpu.memory_space<vmem>> -> memref<5x125xi32, #tpu.memory_space<vmem>>
      %dma_start3A_647 = arith.constant 0 : i32
      %dma_start3A_648 = tpu.memref_slice %dma_start3A_646[%dma_start3A_638, %dma_start3A_647] : memref<5x125xi32, #tpu.memory_space<vmem>> -> memref<1x125xi32, #tpu.memory_space<vmem>>
      %dma_start3A_649 = tpu.memref_squeeze %dma_start3A_648 : memref<1x125xi32, #tpu.memory_space<vmem>> -> memref<125xi32, #tpu.memory_space<vmem>>
      %dma_start3A_650 = arith.constant 0 : i32
      %dma_start3A_651 = arith.constant 0 : i32
      %dma_start3A_652 = tpu.memref_slice %arg10[%dma_start3A_650, %dma_start3A_651] : memref<40000x32xf32, #tpu.memory_space<vmem_shared>> -> memref<40000x32xf32, #tpu.memory_space<vmem_shared>>
      tpu.enqueue_indirect_dma source(%dma_start3A_642 : memref<125x32xf32, #tpu.memory_space<vmem>>) target(%dma_start3A_652 : memref<40000x32xf32, #tpu.memory_space<vmem_shared>>) offsets(%dma_start3A_649 : memref<125xi32, #tpu.memory_space<vmem>>) semaphore(%arg14 : memref<!tpu.dma_semaphore, #tpu.memory_space<semaphore_mem>>) {add = true}
      %dma_start3A_653 = arith.constant 1 : i32
      %dma_start3A_654 = arith.constant 1 : i32
      %dma_start3A_655 = arith.constant 1 : i32
      %dma_start3A_656 = arith.constant 0 : i32
      %dma_start3A_657 = arith.constant 0 : i32
      %dma_start3A_658 = tpu.memref_slice %arg8[%dma_start3A_653, %dma_start3A_656, %dma_start3A_657] : memref<5x125x32xf32, #tpu.memory_space<vmem>> -> memref<1x125x32xf32, #tpu.memory_space<vmem>>
      %dma_start3A_659 = tpu.memref_squeeze %dma_start3A_658 : memref<1x125x32xf32, #tpu.memory_space<vmem>> -> memref<125x32xf32, #tpu.memory_space<vmem>>
      %dma_start3A_660 = arith.constant 0 : i32
      %dma_start3A_661 = arith.constant 0 : i32
      %dma_start3A_662 = tpu.memref_slice %arg6[%dma_start3A_654, %dma_start3A_660, %dma_start3A_661] : memref<2x5x125xi32, #tpu.memory_space<vmem>> -> memref<1x5x125xi32, #tpu.memory_space<vmem>>
      %dma_start3A_663 = tpu.memref_squeeze %dma_start3A_662 : memref<1x5x125xi32, #tpu.memory_space<vmem>> -> memref<5x125xi32, #tpu.memory_space<vmem>>
      %dma_start3A_664 = arith.constant 0 : i32
      %dma_start3A_665 = tpu.memref_slice %dma_start3A_663[%dma_start3A_655, %dma_start3A_664] : memref<5x125xi32, #tpu.memory_space<vmem>> -> memref<1x125xi32, #tpu.memory_space<vmem>>
      %dma_start3A_666 = tpu.memref_squeeze %dma_start3A_665 : memref<1x125xi32, #tpu.memory_space<vmem>> -> memref<125xi32, #tpu.memory_space<vmem>>
      %dma_start3A_667 = arith.constant 0 : i32
      %dma_start3A_668 = arith.constant 0 : i32
      %dma_start3A_669 = tpu.memref_slice %arg10[%dma_start3A_667, %dma_start3A_668] : memref<40000x32xf32, #tpu.memory_space<vmem_shared>> -> memref<40000x32xf32, #tpu.memory_space<vmem_shared>>
      tpu.enqueue_indirect_dma source(%dma_start3A_659 : memref<125x32xf32, #tpu.memory_space<vmem>>) target(%dma_start3A_669 : memref<40000x32xf32, #tpu.memory_space<vmem_shared>>) offsets(%dma_start3A_666 : memref<125xi32, #tpu.memory_space<vmem>>) semaphore(%arg14 : memref<!tpu.dma_semaphore, #tpu.memory_space<semaphore_mem>>) {add = true}
      %dma_start3A_670 = arith.constant 2 : i32
      %dma_start3A_671 = arith.constant 1 : i32
      %dma_start3A_672 = arith.constant 2 : i32
      %dma_start3A_673 = arith.constant 0 : i32
      %dma_start3A_674 = arith.constant 0 : i32
      %dma_start3A_675 = tpu.memref_slice %arg8[%dma_start3A_670, %dma_start3A_673, %dma_start3A_674] : memref<5x125x32xf32, #tpu.memory_space<vmem>> -> memref<1x125x32xf32, #tpu.memory_space<vmem>>
      %dma_start3A_676 = tpu.memref_squeeze %dma_start3A_675 : memref<1x125x32xf32, #tpu.memory_space<vmem>> -> memref<125x32xf32, #tpu.memory_space<vmem>>
      %dma_start3A_677 = arith.constant 0 : i32
      %dma_start3A_678 = arith.constant 0 : i32
      %dma_start3A_679 = tpu.memref_slice %arg6[%dma_start3A_671, %dma_start3A_677, %dma_start3A_678] : memref<2x5x125xi32, #tpu.memory_space<vmem>> -> memref<1x5x125xi32, #tpu.memory_space<vmem>>
      %dma_start3A_680 = tpu.memref_squeeze %dma_start3A_679 : memref<1x5x125xi32, #tpu.memory_space<vmem>> -> memref<5x125xi32, #tpu.memory_space<vmem>>
      %dma_start3A_681 = arith.constant 0 : i32
      %dma_start3A_682 = tpu.memref_slice %dma_start3A_680[%dma_start3A_672, %dma_start3A_681] : memref<5x125xi32, #tpu.memory_space<vmem>> -> memref<1x125xi32, #tpu.memory_space<vmem>>
      %dma_start3A_683 = tpu.memref_squeeze %dma_start3A_682 : memref<1x125xi32, #tpu.memory_space<vmem>> -> memref<125xi32, #tpu.memory_space<vmem>>
      %dma_start3A_684 = arith.constant 0 : i32
      %dma_start3A_685 = arith.constant 0 : i32
      %dma_start3A_686 = tpu.memref_slice %arg10[%dma_start3A_684, %dma_start3A_685] : memref<40000x32xf32, #tpu.memory_space<vmem_shared>> -> memref<40000x32xf32, #tpu.memory_space<vmem_shared>>
      tpu.enqueue_indirect_dma source(%dma_start3A_676 : memref<125x32xf32, #tpu.memory_space<vmem>>) target(%dma_start3A_686 : memref<40000x32xf32, #tpu.memory_space<vmem_shared>>) offsets(%dma_start3A_683 : memref<125xi32, #tpu.memory_space<vmem>>) semaphore(%arg14 : memref<!tpu.dma_semaphore, #tpu.memory_space<semaphore_mem>>) {add = true}
      %dma_start3A_687 = arith.constant 3 : i32
      %dma_start3A_688 = arith.constant 1 : i32
      %dma_start3A_689 = arith.constant 3 : i32
      %dma_start3A_690 = arith.constant 0 : i32
      %dma_start3A_691 = arith.constant 0 : i32
      %dma_start3A_692 = tpu.memref_slice %arg8[%dma_start3A_687, %dma_start3A_690, %dma_start3A_691] : memref<5x125x32xf32, #tpu.memory_space<vmem>> -> memref<1x125x32xf32, #tpu.memory_space<vmem>>
      %dma_start3A_693 = tpu.memref_squeeze %dma_start3A_692 : memref<1x125x32xf32, #tpu.memory_space<vmem>> -> memref<125x32xf32, #tpu.memory_space<vmem>>
      %dma_start3A_694 = arith.constant 0 : i32
      %dma_start3A_695 = arith.constant 0 : i32
      %dma_start3A_696 = tpu.memref_slice %arg6[%dma_start3A_688, %dma_start3A_694, %dma_start3A_695] : memref<2x5x125xi32, #tpu.memory_space<vmem>> -> memref<1x5x125xi32, #tpu.memory_space<vmem>>
      %dma_start3A_697 = tpu.memref_squeeze %dma_start3A_696 : memref<1x5x125xi32, #tpu.memory_space<vmem>> -> memref<5x125xi32, #tpu.memory_space<vmem>>
      %dma_start3A_698 = arith.constant 0 : i32
      %dma_start3A_699 = tpu.memref_slice %dma_start3A_697[%dma_start3A_689, %dma_start3A_698] : memref<5x125xi32, #tpu.memory_space<vmem>> -> memref<1x125xi32, #tpu.memory_space<vmem>>
      %dma_start3A_700 = tpu.memref_squeeze %dma_start3A_699 : memref<1x125xi32, #tpu.memory_space<vmem>> -> memref<125xi32, #tpu.memory_space<vmem>>
      %dma_start3A_701 = arith.constant 0 : i32
      %dma_start3A_702 = arith.constant 0 : i32
      %dma_start3A_703 = tpu.memref_slice %arg10[%dma_start3A_701, %dma_start3A_702] : memref<40000x32xf32, #tpu.memory_space<vmem_shared>> -> memref<40000x32xf32, #tpu.memory_space<vmem_shared>>
      tpu.enqueue_indirect_dma source(%dma_start3A_693 : memref<125x32xf32, #tpu.memory_space<vmem>>) target(%dma_start3A_703 : memref<40000x32xf32, #tpu.memory_space<vmem_shared>>) offsets(%dma_start3A_700 : memref<125xi32, #tpu.memory_space<vmem>>) semaphore(%arg14 : memref<!tpu.dma_semaphore, #tpu.memory_space<semaphore_mem>>) {add = true}
      %dma_start3A_704 = arith.constant 4 : i32
      %dma_start3A_705 = arith.constant 1 : i32
      %dma_start3A_706 = arith.constant 4 : i32
      %dma_start3A_707 = arith.constant 0 : i32
      %dma_start3A_708 = arith.constant 0 : i32
      %dma_start3A_709 = tpu.memref_slice %arg8[%dma_start3A_704, %dma_start3A_707, %dma_start3A_708] : memref<5x125x32xf32, #tpu.memory_space<vmem>> -> memref<1x125x32xf32, #tpu.memory_space<vmem>>
      %dma_start3A_710 = tpu.memref_squeeze %dma_start3A_709 : memref<1x125x32xf32, #tpu.memory_space<vmem>> -> memref<125x32xf32, #tpu.memory_space<vmem>>
      %dma_start3A_711 = arith.constant 0 : i32
      %dma_start3A_712 = arith.constant 0 : i32
      %dma_start3A_713 = tpu.memref_slice %arg6[%dma_start3A_705, %dma_start3A_711, %dma_start3A_712] : memref<2x5x125xi32, #tpu.memory_space<vmem>> -> memref<1x5x125xi32, #tpu.memory_space<vmem>>
      %dma_start3A_714 = tpu.memref_squeeze %dma_start3A_713 : memref<1x5x125xi32, #tpu.memory_space<vmem>> -> memref<5x125xi32, #tpu.memory_space<vmem>>
      %dma_start3A_715 = arith.constant 0 : i32
      %dma_start3A_716 = tpu.memref_slice %dma_start3A_714[%dma_start3A_706, %dma_start3A_715] : memref<5x125xi32, #tpu.memory_space<vmem>> -> memref<1x125xi32, #tpu.memory_space<vmem>>
      %dma_start3A_717 = tpu.memref_squeeze %dma_start3A_716 : memref<1x125xi32, #tpu.memory_space<vmem>> -> memref<125xi32, #tpu.memory_space<vmem>>
      %dma_start3A_718 = arith.constant 0 : i32
      %dma_start3A_719 = arith.constant 0 : i32
      %dma_start3A_720 = tpu.memref_slice %arg10[%dma_start3A_718, %dma_start3A_719] : memref<40000x32xf32, #tpu.memory_space<vmem_shared>> -> memref<40000x32xf32, #tpu.memory_space<vmem_shared>>
      tpu.enqueue_indirect_dma source(%dma_start3A_710 : memref<125x32xf32, #tpu.memory_space<vmem>>) target(%dma_start3A_720 : memref<40000x32xf32, #tpu.memory_space<vmem_shared>>) offsets(%dma_start3A_717 : memref<125xi32, #tpu.memory_space<vmem>>) semaphore(%arg14 : memref<!tpu.dma_semaphore, #tpu.memory_space<semaphore_mem>>) {add = true}
    }
    %scan3A_105 = arith.constant 32 : i32
    %dma_wait3A = arith.constant 0 : i32
    %dma_wait3A_106 = arith.constant 1 : i32
    %dma_wait3A_107 = arith.constant 0 : i32
    %dma_wait3A_108 = arith.constant 0 : i32
    %dma_wait3A_109 = arith.constant 0 : i32
    %dma_wait3A_110 = tpu.memref_slice %arg7[%dma_wait3A, %dma_wait3A_108, %dma_wait3A_109] : memref<5x125x32xf32, #tpu.memory_space<vmem>> -> memref<1x125x32xf32, #tpu.memory_space<vmem>>
    %dma_wait3A_111 = tpu.memref_squeeze %dma_wait3A_110 : memref<1x125x32xf32, #tpu.memory_space<vmem>> -> memref<125x32xf32, #tpu.memory_space<vmem>>
    %dma_wait3A_112 = arith.constant 0 : i32
    %dma_wait3A_113 = arith.constant 0 : i32
    %dma_wait3A_114 = tpu.memref_slice %arg5[%dma_wait3A_106, %dma_wait3A_112, %dma_wait3A_113] : memref<2x5x125xi32, #tpu.memory_space<vmem>> -> memref<1x5x125xi32, #tpu.memory_space<vmem>>
    %dma_wait3A_115 = tpu.memref_squeeze %dma_wait3A_114 : memref<1x5x125xi32, #tpu.memory_space<vmem>> -> memref<5x125xi32, #tpu.memory_space<vmem>>
    %dma_wait3A_116 = arith.constant 0 : i32
    %dma_wait3A_117 = tpu.memref_slice %dma_wait3A_115[%dma_wait3A_107, %dma_wait3A_116] : memref<5x125xi32, #tpu.memory_space<vmem>> -> memref<1x125xi32, #tpu.memory_space<vmem>>
    %dma_wait3A_118 = tpu.memref_squeeze %dma_wait3A_117 : memref<1x125xi32, #tpu.memory_space<vmem>> -> memref<125xi32, #tpu.memory_space<vmem>>
    %dma_wait3A_119 = arith.constant 0 : i32
    %dma_wait3A_120 = arith.constant 0 : i32
    %dma_wait3A_121 = tpu.memref_slice %arg10[%dma_wait3A_119, %dma_wait3A_120] : memref<40000x32xf32, #tpu.memory_space<vmem_shared>> -> memref<40000x32xf32, #tpu.memory_space<vmem_shared>>
    tpu.wait_indirect_dma semaphore(%arg13 : memref<!tpu.dma_semaphore, #tpu.memory_space<semaphore_mem>>) src(%dma_wait3A_111 : memref<125x32xf32, #tpu.memory_space<vmem>>) dst(%dma_wait3A_121 : memref<40000x32xf32, #tpu.memory_space<vmem_shared>>)
    %dma_wait3A_122 = arith.constant 1 : i32
    %dma_wait3A_123 = arith.constant 1 : i32
    %dma_wait3A_124 = arith.constant 1 : i32
    %dma_wait3A_125 = arith.constant 0 : i32
    %dma_wait3A_126 = arith.constant 0 : i32
    %dma_wait3A_127 = tpu.memref_slice %arg7[%dma_wait3A_122, %dma_wait3A_125, %dma_wait3A_126] : memref<5x125x32xf32, #tpu.memory_space<vmem>> -> memref<1x125x32xf32, #tpu.memory_space<vmem>>
    %dma_wait3A_128 = tpu.memref_squeeze %dma_wait3A_127 : memref<1x125x32xf32, #tpu.memory_space<vmem>> -> memref<125x32xf32, #tpu.memory_space<vmem>>
    %dma_wait3A_129 = arith.constant 0 : i32
    %dma_wait3A_130 = arith.constant 0 : i32
    %dma_wait3A_131 = tpu.memref_slice %arg5[%dma_wait3A_123, %dma_wait3A_129, %dma_wait3A_130] : memref<2x5x125xi32, #tpu.memory_space<vmem>> -> memref<1x5x125xi32, #tpu.memory_space<vmem>>
    %dma_wait3A_132 = tpu.memref_squeeze %dma_wait3A_131 : memref<1x5x125xi32, #tpu.memory_space<vmem>> -> memref<5x125xi32, #tpu.memory_space<vmem>>
    %dma_wait3A_133 = arith.constant 0 : i32
    %dma_wait3A_134 = tpu.memref_slice %dma_wait3A_132[%dma_wait3A_124, %dma_wait3A_133] : memref<5x125xi32, #tpu.memory_space<vmem>> -> memref<1x125xi32, #tpu.memory_space<vmem>>
    %dma_wait3A_135 = tpu.memref_squeeze %dma_wait3A_134 : memref<1x125xi32, #tpu.memory_space<vmem>> -> memref<125xi32, #tpu.memory_space<vmem>>
    %dma_wait3A_136 = arith.constant 0 : i32
    %dma_wait3A_137 = arith.constant 0 : i32
    %dma_wait3A_138 = tpu.memref_slice %arg10[%dma_wait3A_136, %dma_wait3A_137] : memref<40000x32xf32, #tpu.memory_space<vmem_shared>> -> memref<40000x32xf32, #tpu.memory_space<vmem_shared>>
    tpu.wait_indirect_dma semaphore(%arg13 : memref<!tpu.dma_semaphore, #tpu.memory_space<semaphore_mem>>) src(%dma_wait3A_128 : memref<125x32xf32, #tpu.memory_space<vmem>>) dst(%dma_wait3A_138 : memref<40000x32xf32, #tpu.memory_space<vmem_shared>>)
    %dma_wait3A_139 = arith.constant 2 : i32
    %dma_wait3A_140 = arith.constant 1 : i32
    %dma_wait3A_141 = arith.constant 2 : i32
    %dma_wait3A_142 = arith.constant 0 : i32
    %dma_wait3A_143 = arith.constant 0 : i32
    %dma_wait3A_144 = tpu.memref_slice %arg7[%dma_wait3A_139, %dma_wait3A_142, %dma_wait3A_143] : memref<5x125x32xf32, #tpu.memory_space<vmem>> -> memref<1x125x32xf32, #tpu.memory_space<vmem>>
    %dma_wait3A_145 = tpu.memref_squeeze %dma_wait3A_144 : memref<1x125x32xf32, #tpu.memory_space<vmem>> -> memref<125x32xf32, #tpu.memory_space<vmem>>
    %dma_wait3A_146 = arith.constant 0 : i32
    %dma_wait3A_147 = arith.constant 0 : i32
    %dma_wait3A_148 = tpu.memref_slice %arg5[%dma_wait3A_140, %dma_wait3A_146, %dma_wait3A_147] : memref<2x5x125xi32, #tpu.memory_space<vmem>> -> memref<1x5x125xi32, #tpu.memory_space<vmem>>
    %dma_wait3A_149 = tpu.memref_squeeze %dma_wait3A_148 : memref<1x5x125xi32, #tpu.memory_space<vmem>> -> memref<5x125xi32, #tpu.memory_space<vmem>>
    %dma_wait3A_150 = arith.constant 0 : i32
    %dma_wait3A_151 = tpu.memref_slice %dma_wait3A_149[%dma_wait3A_141, %dma_wait3A_150] : memref<5x125xi32, #tpu.memory_space<vmem>> -> memref<1x125xi32, #tpu.memory_space<vmem>>
    %dma_wait3A_152 = tpu.memref_squeeze %dma_wait3A_151 : memref<1x125xi32, #tpu.memory_space<vmem>> -> memref<125xi32, #tpu.memory_space<vmem>>
    %dma_wait3A_153 = arith.constant 0 : i32
    %dma_wait3A_154 = arith.constant 0 : i32
    %dma_wait3A_155 = tpu.memref_slice %arg10[%dma_wait3A_153, %dma_wait3A_154] : memref<40000x32xf32, #tpu.memory_space<vmem_shared>> -> memref<40000x32xf32, #tpu.memory_space<vmem_shared>>
    tpu.wait_indirect_dma semaphore(%arg13 : memref<!tpu.dma_semaphore, #tpu.memory_space<semaphore_mem>>) src(%dma_wait3A_145 : memref<125x32xf32, #tpu.memory_space<vmem>>) dst(%dma_wait3A_155 : memref<40000x32xf32, #tpu.memory_space<vmem_shared>>)
    %dma_wait3A_156 = arith.constant 3 : i32
    %dma_wait3A_157 = arith.constant 1 : i32
    %dma_wait3A_158 = arith.constant 3 : i32
    %dma_wait3A_159 = arith.constant 0 : i32
    %dma_wait3A_160 = arith.constant 0 : i32
    %dma_wait3A_161 = tpu.memref_slice %arg7[%dma_wait3A_156, %dma_wait3A_159, %dma_wait3A_160] : memref<5x125x32xf32, #tpu.memory_space<vmem>> -> memref<1x125x32xf32, #tpu.memory_space<vmem>>
    %dma_wait3A_162 = tpu.memref_squeeze %dma_wait3A_161 : memref<1x125x32xf32, #tpu.memory_space<vmem>> -> memref<125x32xf32, #tpu.memory_space<vmem>>
    %dma_wait3A_163 = arith.constant 0 : i32
    %dma_wait3A_164 = arith.constant 0 : i32
    %dma_wait3A_165 = tpu.memref_slice %arg5[%dma_wait3A_157, %dma_wait3A_163, %dma_wait3A_164] : memref<2x5x125xi32, #tpu.memory_space<vmem>> -> memref<1x5x125xi32, #tpu.memory_space<vmem>>
    %dma_wait3A_166 = tpu.memref_squeeze %dma_wait3A_165 : memref<1x5x125xi32, #tpu.memory_space<vmem>> -> memref<5x125xi32, #tpu.memory_space<vmem>>
    %dma_wait3A_167 = arith.constant 0 : i32
    %dma_wait3A_168 = tpu.memref_slice %dma_wait3A_166[%dma_wait3A_158, %dma_wait3A_167] : memref<5x125xi32, #tpu.memory_space<vmem>> -> memref<1x125xi32, #tpu.memory_space<vmem>>
    %dma_wait3A_169 = tpu.memref_squeeze %dma_wait3A_168 : memref<1x125xi32, #tpu.memory_space<vmem>> -> memref<125xi32, #tpu.memory_space<vmem>>
    %dma_wait3A_170 = arith.constant 0 : i32
    %dma_wait3A_171 = arith.constant 0 : i32
    %dma_wait3A_172 = tpu.memref_slice %arg10[%dma_wait3A_170, %dma_wait3A_171] : memref<40000x32xf32, #tpu.memory_space<vmem_shared>> -> memref<40000x32xf32, #tpu.memory_space<vmem_shared>>
    tpu.wait_indirect_dma semaphore(%arg13 : memref<!tpu.dma_semaphore, #tpu.memory_space<semaphore_mem>>) src(%dma_wait3A_162 : memref<125x32xf32, #tpu.memory_space<vmem>>) dst(%dma_wait3A_172 : memref<40000x32xf32, #tpu.memory_space<vmem_shared>>)
    %dma_wait3A_173 = arith.constant 4 : i32
    %dma_wait3A_174 = arith.constant 1 : i32
    %dma_wait3A_175 = arith.constant 4 : i32
    %dma_wait3A_176 = arith.constant 0 : i32
    %dma_wait3A_177 = arith.constant 0 : i32
    %dma_wait3A_178 = tpu.memref_slice %arg7[%dma_wait3A_173, %dma_wait3A_176, %dma_wait3A_177] : memref<5x125x32xf32, #tpu.memory_space<vmem>> -> memref<1x125x32xf32, #tpu.memory_space<vmem>>
    %dma_wait3A_179 = tpu.memref_squeeze %dma_wait3A_178 : memref<1x125x32xf32, #tpu.memory_space<vmem>> -> memref<125x32xf32, #tpu.memory_space<vmem>>
    %dma_wait3A_180 = arith.constant 0 : i32
    %dma_wait3A_181 = arith.constant 0 : i32
    %dma_wait3A_182 = tpu.memref_slice %arg5[%dma_wait3A_174, %dma_wait3A_180, %dma_wait3A_181] : memref<2x5x125xi32, #tpu.memory_space<vmem>> -> memref<1x5x125xi32, #tpu.memory_space<vmem>>
    %dma_wait3A_183 = tpu.memref_squeeze %dma_wait3A_182 : memref<1x5x125xi32, #tpu.memory_space<vmem>> -> memref<5x125xi32, #tpu.memory_space<vmem>>
    %dma_wait3A_184 = arith.constant 0 : i32
    %dma_wait3A_185 = tpu.memref_slice %dma_wait3A_183[%dma_wait3A_175, %dma_wait3A_184] : memref<5x125xi32, #tpu.memory_space<vmem>> -> memref<1x125xi32, #tpu.memory_space<vmem>>
    %dma_wait3A_186 = tpu.memref_squeeze %dma_wait3A_185 : memref<1x125xi32, #tpu.memory_space<vmem>> -> memref<125xi32, #tpu.memory_space<vmem>>
    %dma_wait3A_187 = arith.constant 0 : i32
    %dma_wait3A_188 = arith.constant 0 : i32
    %dma_wait3A_189 = tpu.memref_slice %arg10[%dma_wait3A_187, %dma_wait3A_188] : memref<40000x32xf32, #tpu.memory_space<vmem_shared>> -> memref<40000x32xf32, #tpu.memory_space<vmem_shared>>
    tpu.wait_indirect_dma semaphore(%arg13 : memref<!tpu.dma_semaphore, #tpu.memory_space<semaphore_mem>>) src(%dma_wait3A_179 : memref<125x32xf32, #tpu.memory_space<vmem>>) dst(%dma_wait3A_189 : memref<40000x32xf32, #tpu.memory_space<vmem_shared>>)
    %dma_wait3A_190 = arith.constant 0 : i32
    %dma_wait3A_191 = arith.constant 1 : i32
    %dma_wait3A_192 = arith.constant 0 : i32
    %dma_wait3A_193 = arith.constant 0 : i32
    %dma_wait3A_194 = arith.constant 0 : i32
    %dma_wait3A_195 = tpu.memref_slice %arg8[%dma_wait3A_190, %dma_wait3A_193, %dma_wait3A_194] : memref<5x125x32xf32, #tpu.memory_space<vmem>> -> memref<1x125x32xf32, #tpu.memory_space<vmem>>
    %dma_wait3A_196 = tpu.memref_squeeze %dma_wait3A_195 : memref<1x125x32xf32, #tpu.memory_space<vmem>> -> memref<125x32xf32, #tpu.memory_space<vmem>>
    %dma_wait3A_197 = arith.constant 0 : i32
    %dma_wait3A_198 = arith.constant 0 : i32
    %dma_wait3A_199 = tpu.memref_slice %arg6[%dma_wait3A_191, %dma_wait3A_197, %dma_wait3A_198] : memref<2x5x125xi32, #tpu.memory_space<vmem>> -> memref<1x5x125xi32, #tpu.memory_space<vmem>>
    %dma_wait3A_200 = tpu.memref_squeeze %dma_wait3A_199 : memref<1x5x125xi32, #tpu.memory_space<vmem>> -> memref<5x125xi32, #tpu.memory_space<vmem>>
    %dma_wait3A_201 = arith.constant 0 : i32
    %dma_wait3A_202 = tpu.memref_slice %dma_wait3A_200[%dma_wait3A_192, %dma_wait3A_201] : memref<5x125xi32, #tpu.memory_space<vmem>> -> memref<1x125xi32, #tpu.memory_space<vmem>>
    %dma_wait3A_203 = tpu.memref_squeeze %dma_wait3A_202 : memref<1x125xi32, #tpu.memory_space<vmem>> -> memref<125xi32, #tpu.memory_space<vmem>>
    %dma_wait3A_204 = arith.constant 0 : i32
    %dma_wait3A_205 = arith.constant 0 : i32
    %dma_wait3A_206 = tpu.memref_slice %arg10[%dma_wait3A_204, %dma_wait3A_205] : memref<40000x32xf32, #tpu.memory_space<vmem_shared>> -> memref<40000x32xf32, #tpu.memory_space<vmem_shared>>
    tpu.wait_indirect_dma semaphore(%arg14 : memref<!tpu.dma_semaphore, #tpu.memory_space<semaphore_mem>>) src(%dma_wait3A_196 : memref<125x32xf32, #tpu.memory_space<vmem>>) dst(%dma_wait3A_206 : memref<40000x32xf32, #tpu.memory_space<vmem_shared>>)
    %dma_wait3A_207 = arith.constant 1 : i32
    %dma_wait3A_208 = arith.constant 1 : i32
    %dma_wait3A_209 = arith.constant 1 : i32
    %dma_wait3A_210 = arith.constant 0 : i32
    %dma_wait3A_211 = arith.constant 0 : i32
    %dma_wait3A_212 = tpu.memref_slice %arg8[%dma_wait3A_207, %dma_wait3A_210, %dma_wait3A_211] : memref<5x125x32xf32, #tpu.memory_space<vmem>> -> memref<1x125x32xf32, #tpu.memory_space<vmem>>
    %dma_wait3A_213 = tpu.memref_squeeze %dma_wait3A_212 : memref<1x125x32xf32, #tpu.memory_space<vmem>> -> memref<125x32xf32, #tpu.memory_space<vmem>>
    %dma_wait3A_214 = arith.constant 0 : i32
    %dma_wait3A_215 = arith.constant 0 : i32
    %dma_wait3A_216 = tpu.memref_slice %arg6[%dma_wait3A_208, %dma_wait3A_214, %dma_wait3A_215] : memref<2x5x125xi32, #tpu.memory_space<vmem>> -> memref<1x5x125xi32, #tpu.memory_space<vmem>>
    %dma_wait3A_217 = tpu.memref_squeeze %dma_wait3A_216 : memref<1x5x125xi32, #tpu.memory_space<vmem>> -> memref<5x125xi32, #tpu.memory_space<vmem>>
    %dma_wait3A_218 = arith.constant 0 : i32
    %dma_wait3A_219 = tpu.memref_slice %dma_wait3A_217[%dma_wait3A_209, %dma_wait3A_218] : memref<5x125xi32, #tpu.memory_space<vmem>> -> memref<1x125xi32, #tpu.memory_space<vmem>>
    %dma_wait3A_220 = tpu.memref_squeeze %dma_wait3A_219 : memref<1x125xi32, #tpu.memory_space<vmem>> -> memref<125xi32, #tpu.memory_space<vmem>>
    %dma_wait3A_221 = arith.constant 0 : i32
    %dma_wait3A_222 = arith.constant 0 : i32
    %dma_wait3A_223 = tpu.memref_slice %arg10[%dma_wait3A_221, %dma_wait3A_222] : memref<40000x32xf32, #tpu.memory_space<vmem_shared>> -> memref<40000x32xf32, #tpu.memory_space<vmem_shared>>
    tpu.wait_indirect_dma semaphore(%arg14 : memref<!tpu.dma_semaphore, #tpu.memory_space<semaphore_mem>>) src(%dma_wait3A_213 : memref<125x32xf32, #tpu.memory_space<vmem>>) dst(%dma_wait3A_223 : memref<40000x32xf32, #tpu.memory_space<vmem_shared>>)
    %dma_wait3A_224 = arith.constant 2 : i32
    %dma_wait3A_225 = arith.constant 1 : i32
    %dma_wait3A_226 = arith.constant 2 : i32
    %dma_wait3A_227 = arith.constant 0 : i32
    %dma_wait3A_228 = arith.constant 0 : i32
    %dma_wait3A_229 = tpu.memref_slice %arg8[%dma_wait3A_224, %dma_wait3A_227, %dma_wait3A_228] : memref<5x125x32xf32, #tpu.memory_space<vmem>> -> memref<1x125x32xf32, #tpu.memory_space<vmem>>
    %dma_wait3A_230 = tpu.memref_squeeze %dma_wait3A_229 : memref<1x125x32xf32, #tpu.memory_space<vmem>> -> memref<125x32xf32, #tpu.memory_space<vmem>>
    %dma_wait3A_231 = arith.constant 0 : i32
    %dma_wait3A_232 = arith.constant 0 : i32
    %dma_wait3A_233 = tpu.memref_slice %arg6[%dma_wait3A_225, %dma_wait3A_231, %dma_wait3A_232] : memref<2x5x125xi32, #tpu.memory_space<vmem>> -> memref<1x5x125xi32, #tpu.memory_space<vmem>>
    %dma_wait3A_234 = tpu.memref_squeeze %dma_wait3A_233 : memref<1x5x125xi32, #tpu.memory_space<vmem>> -> memref<5x125xi32, #tpu.memory_space<vmem>>
    %dma_wait3A_235 = arith.constant 0 : i32
    %dma_wait3A_236 = tpu.memref_slice %dma_wait3A_234[%dma_wait3A_226, %dma_wait3A_235] : memref<5x125xi32, #tpu.memory_space<vmem>> -> memref<1x125xi32, #tpu.memory_space<vmem>>
    %dma_wait3A_237 = tpu.memref_squeeze %dma_wait3A_236 : memref<1x125xi32, #tpu.memory_space<vmem>> -> memref<125xi32, #tpu.memory_space<vmem>>
    %dma_wait3A_238 = arith.constant 0 : i32
    %dma_wait3A_239 = arith.constant 0 : i32
    %dma_wait3A_240 = tpu.memref_slice %arg10[%dma_wait3A_238, %dma_wait3A_239] : memref<40000x32xf32, #tpu.memory_space<vmem_shared>> -> memref<40000x32xf32, #tpu.memory_space<vmem_shared>>
    tpu.wait_indirect_dma semaphore(%arg14 : memref<!tpu.dma_semaphore, #tpu.memory_space<semaphore_mem>>) src(%dma_wait3A_230 : memref<125x32xf32, #tpu.memory_space<vmem>>) dst(%dma_wait3A_240 : memref<40000x32xf32, #tpu.memory_space<vmem_shared>>)
    %dma_wait3A_241 = arith.constant 3 : i32
    %dma_wait3A_242 = arith.constant 1 : i32
    %dma_wait3A_243 = arith.constant 3 : i32
    %dma_wait3A_244 = arith.constant 0 : i32
    %dma_wait3A_245 = arith.constant 0 : i32
    %dma_wait3A_246 = tpu.memref_slice %arg8[%dma_wait3A_241, %dma_wait3A_244, %dma_wait3A_245] : memref<5x125x32xf32, #tpu.memory_space<vmem>> -> memref<1x125x32xf32, #tpu.memory_space<vmem>>
    %dma_wait3A_247 = tpu.memref_squeeze %dma_wait3A_246 : memref<1x125x32xf32, #tpu.memory_space<vmem>> -> memref<125x32xf32, #tpu.memory_space<vmem>>
    %dma_wait3A_248 = arith.constant 0 : i32
    %dma_wait3A_249 = arith.constant 0 : i32
    %dma_wait3A_250 = tpu.memref_slice %arg6[%dma_wait3A_242, %dma_wait3A_248, %dma_wait3A_249] : memref<2x5x125xi32, #tpu.memory_space<vmem>> -> memref<1x5x125xi32, #tpu.memory_space<vmem>>
    %dma_wait3A_251 = tpu.memref_squeeze %dma_wait3A_250 : memref<1x5x125xi32, #tpu.memory_space<vmem>> -> memref<5x125xi32, #tpu.memory_space<vmem>>
    %dma_wait3A_252 = arith.constant 0 : i32
    %dma_wait3A_253 = tpu.memref_slice %dma_wait3A_251[%dma_wait3A_243, %dma_wait3A_252] : memref<5x125xi32, #tpu.memory_space<vmem>> -> memref<1x125xi32, #tpu.memory_space<vmem>>
    %dma_wait3A_254 = tpu.memref_squeeze %dma_wait3A_253 : memref<1x125xi32, #tpu.memory_space<vmem>> -> memref<125xi32, #tpu.memory_space<vmem>>
    %dma_wait3A_255 = arith.constant 0 : i32
    %dma_wait3A_256 = arith.constant 0 : i32
    %dma_wait3A_257 = tpu.memref_slice %arg10[%dma_wait3A_255, %dma_wait3A_256] : memref<40000x32xf32, #tpu.memory_space<vmem_shared>> -> memref<40000x32xf32, #tpu.memory_space<vmem_shared>>
    tpu.wait_indirect_dma semaphore(%arg14 : memref<!tpu.dma_semaphore, #tpu.memory_space<semaphore_mem>>) src(%dma_wait3A_247 : memref<125x32xf32, #tpu.memory_space<vmem>>) dst(%dma_wait3A_257 : memref<40000x32xf32, #tpu.memory_space<vmem_shared>>)
    %dma_wait3A_258 = arith.constant 4 : i32
    %dma_wait3A_259 = arith.constant 1 : i32
    %dma_wait3A_260 = arith.constant 4 : i32
    %dma_wait3A_261 = arith.constant 0 : i32
    %dma_wait3A_262 = arith.constant 0 : i32
    %dma_wait3A_263 = tpu.memref_slice %arg8[%dma_wait3A_258, %dma_wait3A_261, %dma_wait3A_262] : memref<5x125x32xf32, #tpu.memory_space<vmem>> -> memref<1x125x32xf32, #tpu.memory_space<vmem>>
    %dma_wait3A_264 = tpu.memref_squeeze %dma_wait3A_263 : memref<1x125x32xf32, #tpu.memory_space<vmem>> -> memref<125x32xf32, #tpu.memory_space<vmem>>
    %dma_wait3A_265 = arith.constant 0 : i32
    %dma_wait3A_266 = arith.constant 0 : i32
    %dma_wait3A_267 = tpu.memref_slice %arg6[%dma_wait3A_259, %dma_wait3A_265, %dma_wait3A_266] : memref<2x5x125xi32, #tpu.memory_space<vmem>> -> memref<1x5x125xi32, #tpu.memory_space<vmem>>
    %dma_wait3A_268 = tpu.memref_squeeze %dma_wait3A_267 : memref<1x5x125xi32, #tpu.memory_space<vmem>> -> memref<5x125xi32, #tpu.memory_space<vmem>>
    %dma_wait3A_269 = arith.constant 0 : i32
    %dma_wait3A_270 = tpu.memref_slice %dma_wait3A_268[%dma_wait3A_260, %dma_wait3A_269] : memref<5x125xi32, #tpu.memory_space<vmem>> -> memref<1x125xi32, #tpu.memory_space<vmem>>
    %dma_wait3A_271 = tpu.memref_squeeze %dma_wait3A_270 : memref<1x125xi32, #tpu.memory_space<vmem>> -> memref<125xi32, #tpu.memory_space<vmem>>
    %dma_wait3A_272 = arith.constant 0 : i32
    %dma_wait3A_273 = arith.constant 0 : i32
    %dma_wait3A_274 = tpu.memref_slice %arg10[%dma_wait3A_272, %dma_wait3A_273] : memref<40000x32xf32, #tpu.memory_space<vmem_shared>> -> memref<40000x32xf32, #tpu.memory_space<vmem_shared>>
    tpu.wait_indirect_dma semaphore(%arg14 : memref<!tpu.dma_semaphore, #tpu.memory_space<semaphore_mem>>) src(%dma_wait3A_264 : memref<125x32xf32, #tpu.memory_space<vmem>>) dst(%dma_wait3A_274 : memref<40000x32xf32, #tpu.memory_space<vmem_shared>>)
    %barrier3A_275 = arith.constant 0 : index
    tpu.barrier barrier_id(%barrier3A_275)
    %scan3A_276 = arith.constant 0 : i32
    %scan3A_277 = arith.constant 0 : i32
    %scan3A_278 = arith.constant 10 : i32
    %scan3A_279 = arith.addi %scan3A_277, %scan3A_278 : i32
    %scan3A_280 = arith.constant 1 : i32
    scf.for %scan3A_282 = %scan3A_277 to %scan3A_279 step %scan3A_280  : i32 {
      %mul3A_283 = arith.constant 2500 : i32
      %mul3A_284 = arith.muli %arg1, %mul3A_283 : i32
      %mul3A_285 = arith.constant 250 : i32
      %mul3A_286 = arith.muli %scan3A_282, %mul3A_285 : i32
      %add3A_287 = arith.addi %mul3A_284, %mul3A_286 : i32
      "tpu.region"() ({
        %run_scoped3A = tpu.sem_alloc : memref<!tpu.dma_semaphore, #tpu.memory_space<semaphore_mem>>
        %dma_start3A_288 = arith.constant 0 : i32
        %dma_start3A_289 = tpu.memref_slice %arg10[%add3A_287, %dma_start3A_288] : memref<40000x32xf32, #tpu.memory_space<vmem_shared>> -> memref<250x32xf32, #tpu.memory_space<vmem_shared>>
        %dma_start3A_290 = arith.constant 0 : i32
        %dma_start3A_291 = tpu.memref_slice %arg10[%add3A_287, %dma_start3A_290] : memref<40000x32xf32, #tpu.memory_space<vmem_shared>> -> memref<250x32xf32, #tpu.memory_space<vmem_shared>>
        tpu.enqueue_dma source(%dma_start3A_291 : memref<250x32xf32, #tpu.memory_space<vmem_shared>>) target(%arg9 : memref<250x32xf32, #tpu.memory_space<vmem>>) target_semaphore(%run_scoped3A : memref<!tpu.dma_semaphore, #tpu.memory_space<semaphore_mem>>)
        %dma_wait3A_292 = arith.constant 0 : i32
        %dma_wait3A_293 = tpu.memref_slice %arg10[%add3A_287, %dma_wait3A_292] : memref<40000x32xf32, #tpu.memory_space<vmem_shared>> -> memref<250x32xf32, #tpu.memory_space<vmem_shared>>
        %dma_wait3A_294 = arith.constant 0 : i32
        %dma_wait3A_295 = tpu.memref_slice %arg10[%add3A_287, %dma_wait3A_294] : memref<40000x32xf32, #tpu.memory_space<vmem_shared>> -> memref<250x32xf32, #tpu.memory_space<vmem_shared>>
        tpu.wait_dma2 semaphore(%run_scoped3A : memref<!tpu.dma_semaphore, #tpu.memory_space<semaphore_mem>>) src(%dma_wait3A_295 : memref<250x32xf32, #tpu.memory_space<vmem_shared>>) dst(%arg9 : memref<250x32xf32, #tpu.memory_space<vmem>>)
        tpu.yield
      }) : () -> ()
      "tpu.region"() ({
        %run_scoped3A = tpu.sem_alloc : memref<!tpu.dma_semaphore, #tpu.memory_space<semaphore_mem>>
        %dma_start3A_288 = arith.constant 0 : i32
        %dma_start3A_289 = tpu.memref_slice %arg4[%arg0, %add3A_287, %dma_start3A_288] : memref<2x40000x32xf32, #tpu.memory_space<hbm>> -> memref<1x250x32xf32, #tpu.memory_space<hbm>>
        %dma_start3A_290 = tpu.memref_squeeze %dma_start3A_289 : memref<1x250x32xf32, #tpu.memory_space<hbm>> -> memref<250x32xf32, #tpu.memory_space<hbm>>
        %dma_start3A_291 = arith.constant 0 : i32
        %dma_start3A_292 = tpu.memref_slice %arg4[%arg0, %add3A_287, %dma_start3A_291] : memref<2x40000x32xf32, #tpu.memory_space<hbm>> -> memref<1x250x32xf32, #tpu.memory_space<hbm>>
        %dma_start3A_293 = tpu.memref_squeeze %dma_start3A_292 : memref<1x250x32xf32, #tpu.memory_space<hbm>> -> memref<250x32xf32, #tpu.memory_space<hbm>>
        tpu.enqueue_dma source(%arg9 : memref<250x32xf32, #tpu.memory_space<vmem>>) target(%dma_start3A_293 : memref<250x32xf32, #tpu.memory_space<hbm>>) target_semaphore(%run_scoped3A : memref<!tpu.dma_semaphore, #tpu.memory_space<semaphore_mem>>)
        %dma_wait3A_294 = arith.constant 0 : i32
        %dma_wait3A_295 = tpu.memref_slice %arg4[%arg0, %add3A_287, %dma_wait3A_294] : memref<2x40000x32xf32, #tpu.memory_space<hbm>> -> memref<1x250x32xf32, #tpu.memory_space<hbm>>
        %dma_wait3A_296 = tpu.memref_squeeze %dma_wait3A_295 : memref<1x250x32xf32, #tpu.memory_space<hbm>> -> memref<250x32xf32, #tpu.memory_space<hbm>>
        %dma_wait3A_297 = arith.constant 0 : i32
        %dma_wait3A_298 = tpu.memref_slice %arg4[%arg0, %add3A_287, %dma_wait3A_297] : memref<2x40000x32xf32, #tpu.memory_space<hbm>> -> memref<1x250x32xf32, #tpu.memory_space<hbm>>
        %dma_wait3A_299 = tpu.memref_squeeze %dma_wait3A_298 : memref<1x250x32xf32, #tpu.memory_space<hbm>> -> memref<250x32xf32, #tpu.memory_space<hbm>>
        tpu.wait_dma2 semaphore(%run_scoped3A : memref<!tpu.dma_semaphore, #tpu.memory_space<semaphore_mem>>) src(%arg9 : memref<250x32xf32, #tpu.memory_space<vmem>>) dst(%dma_wait3A_299 : memref<250x32xf32, #tpu.memory_space<hbm>>)
        tpu.yield
      }) : () -> ()
    }
    %scan3A_281 = arith.constant 10 : i32
    return
  }
}

module attributes {stable_mosaic.version = 14 : i64} {
  func.func @_proj_body(%arg0: i32, %arg1: i32, %arg2: memref<1x2000x64xf32, #tpu.memory_space<vmem>>, %arg3: memref<1x64xf32, #tpu.memory_space<vmem>>, %arg4: memref<64x1xf32, #tpu.memory_space<vmem>>, %arg5: memref<2000x1xf32, #tpu.memory_space<vmem>>) attributes {dimension_semantics = [#tpu.dimension_semantics<arbitrary>, #tpu.dimension_semantics<arbitrary>], iteration_bounds = array<i64: 4, 5>, scalar_prefetch = 0 : i64, scratch_operands = 0 : i64, tpu.core_type = #tpu.core_type<tc>, window_params = [{transform_indices = @transform_0, window_bounds = array<i64: 1, 2000, 64>}, {pipeline_mode = #tpu.pipeline_mode<synchronous>, transform_indices = @transform_1, window_bounds = array<i64: 1, 64>}, {pipeline_mode = #tpu.pipeline_mode<synchronous>, transform_indices = @transform_2, window_bounds = array<i64: 64, 1>}, {transform_indices = @transform_3, window_bounds = array<i64: 2000, 1>}]} {
    %get3A = arith.constant 0 : index
    %get3A_0 = arith.constant 0 : index
    %get3A_1 = vector.load %arg3[%get3A, %get3A_0] : memref<1x64xf32, #tpu.memory_space<vmem>>, vector<1x64xf32>
    %mul3A = arith.mulf %get3A_1, %get3A_1 : vector<1x64xf32>
    %reduce_sum3A = vector.shape_cast %mul3A : vector<1x64xf32> to vector<1x1x64xf32>
    %reduce_sum3A_2 = arith.constant dense<0.000000e+00> : vector<1xf32>
    %reduce_sum3A_3 = vector.multi_reduction <add>, %reduce_sum3A, %reduce_sum3A_2 [1, 2] : vector<1x1x64xf32> to vector<1xf32>
    %reduce_sum3A_4 = vector.shape_cast %reduce_sum3A_3 : vector<1xf32> to vector<1x1x1xf32>
    %reduce_sum3A_5 = vector.extract %reduce_sum3A_4[0, 0, 0] : f32 from vector<1x1x1xf32>
    %rsqrt3A = math.rsqrt %reduce_sum3A_5 : f32
    %get3A_6 = arith.constant 0 : index
    %get3A_7 = arith.constant 0 : index
    %get3A_8 = arith.constant 0 : index
    %get3A_9 = vector.load %arg2[%get3A_6, %get3A_7, %get3A_8] : memref<1x2000x64xf32, #tpu.memory_space<vmem>>, vector<1x2000x64xf32>
    %get3A_10 = vector.shape_cast %get3A_9 : vector<1x2000x64xf32> to vector<2000x64xf32>
    %get3A_11 = arith.constant 0 : index
    %get3A_12 = arith.constant 0 : index
    %get3A_13 = vector.load %arg4[%get3A_11, %get3A_12] : memref<64x1xf32, #tpu.memory_space<vmem>>, vector<64x1xf32>
    %dot_general3A = arith.constant dense<0.000000e+00> : vector<2000x1xf32>
    %dot_general3A_14 = tpu.matmul %get3A_10, %get3A_13, %dot_general3A {dimension_numbers = #tpu.dot_dimension_numbers<[1], [0], [0], [1], [0, 0, 1, 1], [], []>, transpose_lhs_hint = false} : vector<2000x64xf32>, vector<64x1xf32>, vector<2000x1xf32> -> vector<2000x1xf32>
    %mul3A_15 = vector.broadcast %rsqrt3A : f32 to vector<2000x1xf32>
    %mul3A_16 = arith.mulf %dot_general3A_14, %mul3A_15 : vector<2000x1xf32>
    %swap3A = arith.constant 0 : index
    %swap3A_17 = arith.constant 0 : index
    %swap3A_18 = vector.load %arg5[%swap3A, %swap3A_17] : memref<2000x1xf32, #tpu.memory_space<vmem>>, vector<2000x1xf32>
    tpu.vector_store %arg5[%swap3A, %swap3A_17], %mul3A_16 {strides = array<i32>} : memref<2000x1xf32, #tpu.memory_space<vmem>>, vector<2000x1xf32>,
    return
  }
  func.func @transform_0(%arg0: i32, %arg1: i32) -> (i32, i32, i32) {
    %c0_i32 = arith.constant 0 : i32
    %c0_i32_0 = arith.constant 0 : i32
    return %arg0, %arg1, %c0_i32 : i32, i32, i32
  }
  func.func @transform_1(%arg0: i32, %arg1: i32) -> (i32, i32) {
    %c0_i32 = arith.constant 0 : i32
    %c0_i32_0 = arith.constant 0 : i32
    %c0_i32_1 = arith.constant 0 : i32
    return %c0_i32, %c0_i32_0 : i32, i32
  }
  func.func @transform_2(%arg0: i32, %arg1: i32) -> (i32, i32) {
    %c0_i32 = arith.constant 0 : i32
    %c0_i32_0 = arith.constant 0 : i32
    %c0_i32_1 = arith.constant 0 : i32
    return %c0_i32, %c0_i32_0 : i32, i32
  }
  func.func @transform_3(%arg0: i32, %arg1: i32) -> (i32, i32) {
    %mul3A = arith.constant 5 : i32
    %mul3A_0 = arith.muli %arg0, %mul3A : i32
    %add3A = arith.addi %mul3A_0, %arg1 : i32
    %c0_i32 = arith.constant 0 : i32
    %c0_i32_1 = arith.constant 0 : i32
    return %add3A, %c0_i32 : i32, i32
  }
}

module attributes {stable_mosaic.version = 14 : i64} {
  func.func @_topk_body(%arg0: memref<4x10000x64xf32, #tpu.memory_space<vmem>>, %arg1: memref<4x10000xf32, #tpu.memory_space<vmem>>, %arg2: memref<4x16x64xf32, #tpu.memory_space<vmem>>) attributes {dimension_semantics = [], scalar_prefetch = 0 : i64, scratch_operands = 0 : i64, tpu.core_type = #tpu.core_type<tc>} {
    %get3A = arith.constant 0 : index
    %get3A_0 = arith.constant 0 : index
    %get3A_1 = vector.load %arg1[%get3A, %get3A_0] : memref<4x10000xf32, #tpu.memory_space<vmem>>, vector<4x10000xf32>
    %iota3A = tpu.iota {dimensions = array<i32: 1>} : vector<4x10000xi32>
    %reduce_max3A = arith.constant dense<0xFF800000> : vector<4xf32>
    %reduce_max3A_2 = vector.multi_reduction <maximumf>, %get3A_1, %reduce_max3A [1] : vector<4x10000xf32> to vector<4xf32>
    %broadcast_in_dim3A = vector.shape_cast %reduce_max3A_2 : vector<4xf32> to vector<4x1xf32>
    %eq3A = vector.broadcast %broadcast_in_dim3A : vector<4x1xf32> to vector<4x10000xf32>
    %eq3A_3 = arith.cmpf oeq, %get3A_1, %eq3A : vector<4x10000xf32>
    %jit3A = arith.constant 10000 : i32
    %broadcast_in_dim3A_4 = vector.broadcast %jit3A : i32 to vector<4x10000xi32>
    %select_n3A = arith.select %eq3A_3, %iota3A, %broadcast_in_dim3A_4 : vector<4x10000xi1>, vector<4x10000xi32>
    %reduce_min3A = arith.constant dense<2147483647> : vector<4xi32>
    %reduce_min3A_5 = vector.multi_reduction <minsi>, %select_n3A, %reduce_min3A [1] : vector<4x10000xi32> to vector<4xi32>
    %broadcast_in_dim3A_6 = vector.shape_cast %reduce_min3A_5 : vector<4xi32> to vector<4x1xi32>
    %eq3A_7 = vector.broadcast %broadcast_in_dim3A_6 : vector<4x1xi32> to vector<4x10000xi32>
    %eq3A_8 = arith.cmpi eq, %iota3A, %eq3A_7 : vector<4x10000xi32>
    %convert_element_type3A = arith.extui %eq3A_8 : vector<4x10000xi1> to vector<4x10000xi32>
    %convert_element_type3A_9 = arith.sitofp %convert_element_type3A : vector<4x10000xi32> to vector<4x10000xf32>
    %slice3A = vector.extract_strided_slice %convert_element_type3A_9 {offsets = [0, 0], sizes = [1, 10000], strides = [1, 1]} : vector<4x10000xf32> to vector<1x10000xf32>
    %get3A_10 = arith.constant 0 : index
    %get3A_11 = arith.constant 0 : index
    %get3A_12 = arith.constant 0 : index
    %get3A_13 = vector.load %arg0[%get3A_10, %get3A_11, %get3A_12] : memref<4x10000x64xf32, #tpu.memory_space<vmem>>, vector<1x10000x64xf32>
    %get3A_14 = vector.shape_cast %get3A_13 : vector<1x10000x64xf32> to vector<10000x64xf32>
    %dot_general3A = arith.constant dense<0.000000e+00> : vector<1x64xf32>
    %dot_general3A_15 = tpu.matmul %slice3A, %get3A_14, %dot_general3A {dimension_numbers = #tpu.dot_dimension_numbers<[1], [0], [0], [1], [0, 0, 1, 1], [], []>, transpose_lhs_hint = false} : vector<1x10000xf32>, vector<10000x64xf32>, vector<1x64xf32> -> vector<1x64xf32>
    %slice3A_16 = vector.extract_strided_slice %broadcast_in_dim3A {offsets = [0, 0], sizes = [1, 1], strides = [1, 1]} : vector<4x1xf32> to vector<1x1xf32>
    %tanh3A = math.tanh %slice3A_16 : vector<1x1xf32>
    %mul3A = vector.broadcast %tanh3A : vector<1x1xf32> to vector<1x64xf32>
    %mul3A_17 = arith.mulf %dot_general3A_15, %mul3A : vector<1x64xf32>
    %swap3A = arith.constant 0 : index
    %swap3A_18 = arith.constant 0 : index
    %swap3A_19 = arith.constant 0 : index
    %swap3A_20 = vector.load %arg2[%swap3A, %swap3A_18, %swap3A_19] : memref<4x16x64xf32, #tpu.memory_space<vmem>>, vector<1x1x64xf32>
    %swap3A_21 = vector.shape_cast %swap3A_20 : vector<1x1x64xf32> to vector<1x64xf32>
    %swap3A_22 = vector.shape_cast %mul3A_17 : vector<1x64xf32> to vector<1x1x64xf32>
    tpu.vector_store %arg2[%swap3A, %swap3A_18, %swap3A_19], %swap3A_22 {strides = array<i32>} : memref<4x16x64xf32, #tpu.memory_space<vmem>>, vector<1x1x64xf32>,
    %slice3A_23 = vector.extract_strided_slice %convert_element_type3A_9 {offsets = [1, 0], sizes = [1, 10000], strides = [1, 1]} : vector<4x10000xf32> to vector<1x10000xf32>
    %get3A_24 = arith.constant 1 : index
    %get3A_25 = arith.constant 0 : index
    %get3A_26 = arith.constant 0 : index
    %get3A_27 = vector.load %arg0[%get3A_24, %get3A_25, %get3A_26] : memref<4x10000x64xf32, #tpu.memory_space<vmem>>, vector<1x10000x64xf32>
    %get3A_28 = vector.shape_cast %get3A_27 : vector<1x10000x64xf32> to vector<10000x64xf32>
    %dot_general3A_29 = arith.constant dense<0.000000e+00> : vector<1x64xf32>
    %dot_general3A_30 = tpu.matmul %slice3A_23, %get3A_28, %dot_general3A_29 {dimension_numbers = #tpu.dot_dimension_numbers<[1], [0], [0], [1], [0, 0, 1, 1], [], []>, transpose_lhs_hint = false} : vector<1x10000xf32>, vector<10000x64xf32>, vector<1x64xf32> -> vector<1x64xf32>
    %slice3A_31 = vector.extract_strided_slice %broadcast_in_dim3A {offsets = [1, 0], sizes = [1, 1], strides = [1, 1]} : vector<4x1xf32> to vector<1x1xf32>
    %tanh3A_32 = math.tanh %slice3A_31 : vector<1x1xf32>
    %mul3A_33 = vector.broadcast %tanh3A_32 : vector<1x1xf32> to vector<1x64xf32>
    %mul3A_34 = arith.mulf %dot_general3A_30, %mul3A_33 : vector<1x64xf32>
    %swap3A_35 = arith.constant 1 : index
    %swap3A_36 = arith.constant 0 : index
    %swap3A_37 = arith.constant 0 : index
    %swap3A_38 = vector.load %arg2[%swap3A_35, %swap3A_36, %swap3A_37] : memref<4x16x64xf32, #tpu.memory_space<vmem>>, vector<1x1x64xf32>
    %swap3A_39 = vector.shape_cast %swap3A_38 : vector<1x1x64xf32> to vector<1x64xf32>
    %swap3A_40 = vector.shape_cast %mul3A_34 : vector<1x64xf32> to vector<1x1x64xf32>
    tpu.vector_store %arg2[%swap3A_35, %swap3A_36, %swap3A_37], %swap3A_40 {strides = array<i32>} : memref<4x16x64xf32, #tpu.memory_space<vmem>>, vector<1x1x64xf32>,
    %slice3A_41 = vector.extract_strided_slice %convert_element_type3A_9 {offsets = [2, 0], sizes = [1, 10000], strides = [1, 1]} : vector<4x10000xf32> to vector<1x10000xf32>
    %get3A_42 = arith.constant 2 : index
    %get3A_43 = arith.constant 0 : index
    %get3A_44 = arith.constant 0 : index
    %get3A_45 = vector.load %arg0[%get3A_42, %get3A_43, %get3A_44] : memref<4x10000x64xf32, #tpu.memory_space<vmem>>, vector<1x10000x64xf32>
    %get3A_46 = vector.shape_cast %get3A_45 : vector<1x10000x64xf32> to vector<10000x64xf32>
    %dot_general3A_47 = arith.constant dense<0.000000e+00> : vector<1x64xf32>
    %dot_general3A_48 = tpu.matmul %slice3A_41, %get3A_46, %dot_general3A_47 {dimension_numbers = #tpu.dot_dimension_numbers<[1], [0], [0], [1], [0, 0, 1, 1], [], []>, transpose_lhs_hint = false} : vector<1x10000xf32>, vector<10000x64xf32>, vector<1x64xf32> -> vector<1x64xf32>
    %slice3A_49 = vector.extract_strided_slice %broadcast_in_dim3A {offsets = [2, 0], sizes = [1, 1], strides = [1, 1]} : vector<4x1xf32> to vector<1x1xf32>
    %tanh3A_50 = math.tanh %slice3A_49 : vector<1x1xf32>
    %mul3A_51 = vector.broadcast %tanh3A_50 : vector<1x1xf32> to vector<1x64xf32>
    %mul3A_52 = arith.mulf %dot_general3A_48, %mul3A_51 : vector<1x64xf32>
    %swap3A_53 = arith.constant 2 : index
    %swap3A_54 = arith.constant 0 : index
    %swap3A_55 = arith.constant 0 : index
    %swap3A_56 = vector.load %arg2[%swap3A_53, %swap3A_54, %swap3A_55] : memref<4x16x64xf32, #tpu.memory_space<vmem>>, vector<1x1x64xf32>
    %swap3A_57 = vector.shape_cast %swap3A_56 : vector<1x1x64xf32> to vector<1x64xf32>
    %swap3A_58 = vector.shape_cast %mul3A_52 : vector<1x64xf32> to vector<1x1x64xf32>
    tpu.vector_store %arg2[%swap3A_53, %swap3A_54, %swap3A_55], %swap3A_58 {strides = array<i32>} : memref<4x16x64xf32, #tpu.memory_space<vmem>>, vector<1x1x64xf32>,
    %slice3A_59 = vector.extract_strided_slice %convert_element_type3A_9 {offsets = [3, 0], sizes = [1, 10000], strides = [1, 1]} : vector<4x10000xf32> to vector<1x10000xf32>
    %get3A_60 = arith.constant 3 : index
    %get3A_61 = arith.constant 0 : index
    %get3A_62 = arith.constant 0 : index
    %get3A_63 = vector.load %arg0[%get3A_60, %get3A_61, %get3A_62] : memref<4x10000x64xf32, #tpu.memory_space<vmem>>, vector<1x10000x64xf32>
    %get3A_64 = vector.shape_cast %get3A_63 : vector<1x10000x64xf32> to vector<10000x64xf32>
    %dot_general3A_65 = arith.constant dense<0.000000e+00> : vector<1x64xf32>
    %dot_general3A_66 = tpu.matmul %slice3A_59, %get3A_64, %dot_general3A_65 {dimension_numbers = #tpu.dot_dimension_numbers<[1], [0], [0], [1], [0, 0, 1, 1], [], []>, transpose_lhs_hint = false} : vector<1x10000xf32>, vector<10000x64xf32>, vector<1x64xf32> -> vector<1x64xf32>
    %slice3A_67 = vector.extract_strided_slice %broadcast_in_dim3A {offsets = [3, 0], sizes = [1, 1], strides = [1, 1]} : vector<4x1xf32> to vector<1x1xf32>
    %tanh3A_68 = math.tanh %slice3A_67 : vector<1x1xf32>
    %mul3A_69 = vector.broadcast %tanh3A_68 : vector<1x1xf32> to vector<1x64xf32>
    %mul3A_70 = arith.mulf %dot_general3A_66, %mul3A_69 : vector<1x64xf32>
    %swap3A_71 = arith.constant 3 : index
    %swap3A_72 = arith.constant 0 : index
    %swap3A_73 = arith.constant 0 : index
    %swap3A_74 = vector.load %arg2[%swap3A_71, %swap3A_72, %swap3A_73] : memref<4x16x64xf32, #tpu.memory_space<vmem>>, vector<1x1x64xf32>
    %swap3A_75 = vector.shape_cast %swap3A_74 : vector<1x1x64xf32> to vector<1x64xf32>
    %swap3A_76 = vector.shape_cast %mul3A_70 : vector<1x64xf32> to vector<1x1x64xf32>
    tpu.vector_store %arg2[%swap3A_71, %swap3A_72, %swap3A_73], %swap3A_76 {strides = array<i32>} : memref<4x16x64xf32, #tpu.memory_space<vmem>>, vector<1x1x64xf32>,
    %eq3A_77 = vector.broadcast %broadcast_in_dim3A_6 : vector<4x1xi32> to vector<4x10000xi32>
    %eq3A_78 = arith.cmpi eq, %iota3A, %eq3A_77 : vector<4x10000xi32>
    %jit3A_79 = arith.constant 0xFF800000 : f32
    %broadcast_in_dim3A_80 = vector.broadcast %jit3A_79 : f32 to vector<4x10000xf32>
    %select_n3A_81 = arith.select %eq3A_78, %broadcast_in_dim3A_80, %get3A_1 : vector<4x10000xi1>, vector<4x10000xf32>
    %reduce_max3A_82 = arith.constant dense<0xFF800000> : vector<4xf32>
    %reduce_max3A_83 = vector.multi_reduction <maximumf>, %select_n3A_81, %reduce_max3A_82 [1] : vector<4x10000xf32> to vector<4xf32>
    %broadcast_in_dim3A_84 = vector.shape_cast %reduce_max3A_83 : vector<4xf32> to vector<4x1xf32>
    %eq3A_85 = vector.broadcast %broadcast_in_dim3A_84 : vector<4x1xf32> to vector<4x10000xf32>
    %eq3A_86 = arith.cmpf oeq, %select_n3A_81, %eq3A_85 : vector<4x10000xf32>
    %jit3A_87 = arith.constant 10000 : i32
    %broadcast_in_dim3A_88 = vector.broadcast %jit3A_87 : i32 to vector<4x10000xi32>
    %select_n3A_89 = arith.select %eq3A_86, %iota3A, %broadcast_in_dim3A_88 : vector<4x10000xi1>, vector<4x10000xi32>
    %reduce_min3A_90 = arith.constant dense<2147483647> : vector<4xi32>
    %reduce_min3A_91 = vector.multi_reduction <minsi>, %select_n3A_89, %reduce_min3A_90 [1] : vector<4x10000xi32> to vector<4xi32>
    %broadcast_in_dim3A_92 = vector.shape_cast %reduce_min3A_91 : vector<4xi32> to vector<4x1xi32>
    %eq3A_93 = vector.broadcast %broadcast_in_dim3A_92 : vector<4x1xi32> to vector<4x10000xi32>
    %eq3A_94 = arith.cmpi eq, %iota3A, %eq3A_93 : vector<4x10000xi32>
    %convert_element_type3A_95 = arith.extui %eq3A_94 : vector<4x10000xi1> to vector<4x10000xi32>
    %convert_element_type3A_96 = arith.sitofp %convert_element_type3A_95 : vector<4x10000xi32> to vector<4x10000xf32>
    %slice3A_97 = vector.extract_strided_slice %convert_element_type3A_96 {offsets = [0, 0], sizes = [1, 10000], strides = [1, 1]} : vector<4x10000xf32> to vector<1x10000xf32>
    %get3A_98 = arith.constant 0 : index
    %get3A_99 = arith.constant 0 : index
    %get3A_100 = arith.constant 0 : index
    %get3A_101 = vector.load %arg0[%get3A_98, %get3A_99, %get3A_100] : memref<4x10000x64xf32, #tpu.memory_space<vmem>>, vector<1x10000x64xf32>
    %get3A_102 = vector.shape_cast %get3A_101 : vector<1x10000x64xf32> to vector<10000x64xf32>
    %dot_general3A_103 = arith.constant dense<0.000000e+00> : vector<1x64xf32>
    %dot_general3A_104 = tpu.matmul %slice3A_97, %get3A_102, %dot_general3A_103 {dimension_numbers = #tpu.dot_dimension_numbers<[1], [0], [0], [1], [0, 0, 1, 1], [], []>, transpose_lhs_hint = false} : vector<1x10000xf32>, vector<10000x64xf32>, vector<1x64xf32> -> vector<1x64xf32>
    %slice3A_105 = vector.extract_strided_slice %broadcast_in_dim3A_84 {offsets = [0, 0], sizes = [1, 1], strides = [1, 1]} : vector<4x1xf32> to vector<1x1xf32>
    %tanh3A_106 = math.tanh %slice3A_105 : vector<1x1xf32>
    %mul3A_107 = vector.broadcast %tanh3A_106 : vector<1x1xf32> to vector<1x64xf32>
    %mul3A_108 = arith.mulf %dot_general3A_104, %mul3A_107 : vector<1x64xf32>
    %swap3A_109 = arith.constant 0 : index
    %swap3A_110 = arith.constant 1 : index
    %swap3A_111 = arith.constant 0 : index
    %swap3A_112 = vector.load %arg2[%swap3A_109, %swap3A_110, %swap3A_111] : memref<4x16x64xf32, #tpu.memory_space<vmem>>, vector<1x1x64xf32>
    %swap3A_113 = vector.shape_cast %swap3A_112 : vector<1x1x64xf32> to vector<1x64xf32>
    %swap3A_114 = vector.shape_cast %mul3A_108 : vector<1x64xf32> to vector<1x1x64xf32>
    tpu.vector_store %arg2[%swap3A_109, %swap3A_110, %swap3A_111], %swap3A_114 {strides = array<i32>} : memref<4x16x64xf32, #tpu.memory_space<vmem>>, vector<1x1x64xf32>,
    %slice3A_115 = vector.extract_strided_slice %convert_element_type3A_96 {offsets = [1, 0], sizes = [1, 10000], strides = [1, 1]} : vector<4x10000xf32> to vector<1x10000xf32>
    %get3A_116 = arith.constant 1 : index
    %get3A_117 = arith.constant 0 : index
    %get3A_118 = arith.constant 0 : index
    %get3A_119 = vector.load %arg0[%get3A_116, %get3A_117, %get3A_118] : memref<4x10000x64xf32, #tpu.memory_space<vmem>>, vector<1x10000x64xf32>
    %get3A_120 = vector.shape_cast %get3A_119 : vector<1x10000x64xf32> to vector<10000x64xf32>
    %dot_general3A_121 = arith.constant dense<0.000000e+00> : vector<1x64xf32>
    %dot_general3A_122 = tpu.matmul %slice3A_115, %get3A_120, %dot_general3A_121 {dimension_numbers = #tpu.dot_dimension_numbers<[1], [0], [0], [1], [0, 0, 1, 1], [], []>, transpose_lhs_hint = false} : vector<1x10000xf32>, vector<10000x64xf32>, vector<1x64xf32> -> vector<1x64xf32>
    %slice3A_123 = vector.extract_strided_slice %broadcast_in_dim3A_84 {offsets = [1, 0], sizes = [1, 1], strides = [1, 1]} : vector<4x1xf32> to vector<1x1xf32>
    %tanh3A_124 = math.tanh %slice3A_123 : vector<1x1xf32>
    %mul3A_125 = vector.broadcast %tanh3A_124 : vector<1x1xf32> to vector<1x64xf32>
    %mul3A_126 = arith.mulf %dot_general3A_122, %mul3A_125 : vector<1x64xf32>
    %swap3A_127 = arith.constant 1 : index
    %swap3A_128 = arith.constant 1 : index
    %swap3A_129 = arith.constant 0 : index
    %swap3A_130 = vector.load %arg2[%swap3A_127, %swap3A_128, %swap3A_129] : memref<4x16x64xf32, #tpu.memory_space<vmem>>, vector<1x1x64xf32>
    %swap3A_131 = vector.shape_cast %swap3A_130 : vector<1x1x64xf32> to vector<1x64xf32>
    %swap3A_132 = vector.shape_cast %mul3A_126 : vector<1x64xf32> to vector<1x1x64xf32>
    tpu.vector_store %arg2[%swap3A_127, %swap3A_128, %swap3A_129], %swap3A_132 {strides = array<i32>} : memref<4x16x64xf32, #tpu.memory_space<vmem>>, vector<1x1x64xf32>,
    %slice3A_133 = vector.extract_strided_slice %convert_element_type3A_96 {offsets = [2, 0], sizes = [1, 10000], strides = [1, 1]} : vector<4x10000xf32> to vector<1x10000xf32>
    %get3A_134 = arith.constant 2 : index
    %get3A_135 = arith.constant 0 : index
    %get3A_136 = arith.constant 0 : index
    %get3A_137 = vector.load %arg0[%get3A_134, %get3A_135, %get3A_136] : memref<4x10000x64xf32, #tpu.memory_space<vmem>>, vector<1x10000x64xf32>
    %get3A_138 = vector.shape_cast %get3A_137 : vector<1x10000x64xf32> to vector<10000x64xf32>
    %dot_general3A_139 = arith.constant dense<0.000000e+00> : vector<1x64xf32>
    %dot_general3A_140 = tpu.matmul %slice3A_133, %get3A_138, %dot_general3A_139 {dimension_numbers = #tpu.dot_dimension_numbers<[1], [0], [0], [1], [0, 0, 1, 1], [], []>, transpose_lhs_hint = false} : vector<1x10000xf32>, vector<10000x64xf32>, vector<1x64xf32> -> vector<1x64xf32>
    %slice3A_141 = vector.extract_strided_slice %broadcast_in_dim3A_84 {offsets = [2, 0], sizes = [1, 1], strides = [1, 1]} : vector<4x1xf32> to vector<1x1xf32>
    %tanh3A_142 = math.tanh %slice3A_141 : vector<1x1xf32>
    %mul3A_143 = vector.broadcast %tanh3A_142 : vector<1x1xf32> to vector<1x64xf32>
    %mul3A_144 = arith.mulf %dot_general3A_140, %mul3A_143 : vector<1x64xf32>
    %swap3A_145 = arith.constant 2 : index
    %swap3A_146 = arith.constant 1 : index
    %swap3A_147 = arith.constant 0 : index
    %swap3A_148 = vector.load %arg2[%swap3A_145, %swap3A_146, %swap3A_147] : memref<4x16x64xf32, #tpu.memory_space<vmem>>, vector<1x1x64xf32>
    %swap3A_149 = vector.shape_cast %swap3A_148 : vector<1x1x64xf32> to vector<1x64xf32>
    %swap3A_150 = vector.shape_cast %mul3A_144 : vector<1x64xf32> to vector<1x1x64xf32>
    tpu.vector_store %arg2[%swap3A_145, %swap3A_146, %swap3A_147], %swap3A_150 {strides = array<i32>} : memref<4x16x64xf32, #tpu.memory_space<vmem>>, vector<1x1x64xf32>,
    %slice3A_151 = vector.extract_strided_slice %convert_element_type3A_96 {offsets = [3, 0], sizes = [1, 10000], strides = [1, 1]} : vector<4x10000xf32> to vector<1x10000xf32>
    %get3A_152 = arith.constant 3 : index
    %get3A_153 = arith.constant 0 : index
    %get3A_154 = arith.constant 0 : index
    %get3A_155 = vector.load %arg0[%get3A_152, %get3A_153, %get3A_154] : memref<4x10000x64xf32, #tpu.memory_space<vmem>>, vector<1x10000x64xf32>
    %get3A_156 = vector.shape_cast %get3A_155 : vector<1x10000x64xf32> to vector<10000x64xf32>
    %dot_general3A_157 = arith.constant dense<0.000000e+00> : vector<1x64xf32>
    %dot_general3A_158 = tpu.matmul %slice3A_151, %get3A_156, %dot_general3A_157 {dimension_numbers = #tpu.dot_dimension_numbers<[1], [0], [0], [1], [0, 0, 1, 1], [], []>, transpose_lhs_hint = false} : vector<1x10000xf32>, vector<10000x64xf32>, vector<1x64xf32> -> vector<1x64xf32>
    %slice3A_159 = vector.extract_strided_slice %broadcast_in_dim3A_84 {offsets = [3, 0], sizes = [1, 1], strides = [1, 1]} : vector<4x1xf32> to vector<1x1xf32>
    %tanh3A_160 = math.tanh %slice3A_159 : vector<1x1xf32>
    %mul3A_161 = vector.broadcast %tanh3A_160 : vector<1x1xf32> to vector<1x64xf32>
    %mul3A_162 = arith.mulf %dot_general3A_158, %mul3A_161 : vector<1x64xf32>
    %swap3A_163 = arith.constant 3 : index
    %swap3A_164 = arith.constant 1 : index
    %swap3A_165 = arith.constant 0 : index
    %swap3A_166 = vector.load %arg2[%swap3A_163, %swap3A_164, %swap3A_165] : memref<4x16x64xf32, #tpu.memory_space<vmem>>, vector<1x1x64xf32>
    %swap3A_167 = vector.shape_cast %swap3A_166 : vector<1x1x64xf32> to vector<1x64xf32>
    %swap3A_168 = vector.shape_cast %mul3A_162 : vector<1x64xf32> to vector<1x1x64xf32>
    tpu.vector_store %arg2[%swap3A_163, %swap3A_164, %swap3A_165], %swap3A_168 {strides = array<i32>} : memref<4x16x64xf32, #tpu.memory_space<vmem>>, vector<1x1x64xf32>,
    %eq3A_169 = vector.broadcast %broadcast_in_dim3A_92 : vector<4x1xi32> to vector<4x10000xi32>
    %eq3A_170 = arith.cmpi eq, %iota3A, %eq3A_169 : vector<4x10000xi32>
    %jit3A_171 = arith.constant 0xFF800000 : f32
    %broadcast_in_dim3A_172 = vector.broadcast %jit3A_171 : f32 to vector<4x10000xf32>
    %select_n3A_173 = arith.select %eq3A_170, %broadcast_in_dim3A_172, %select_n3A_81 : vector<4x10000xi1>, vector<4x10000xf32>
    %reduce_max3A_174 = arith.constant dense<0xFF800000> : vector<4xf32>
    %reduce_max3A_175 = vector.multi_reduction <maximumf>, %select_n3A_173, %reduce_max3A_174 [1] : vector<4x10000xf32> to vector<4xf32>
    %broadcast_in_dim3A_176 = vector.shape_cast %reduce_max3A_175 : vector<4xf32> to vector<4x1xf32>
    %eq3A_177 = vector.broadcast %broadcast_in_dim3A_176 : vector<4x1xf32> to vector<4x10000xf32>
    %eq3A_178 = arith.cmpf oeq, %select_n3A_173, %eq3A_177 : vector<4x10000xf32>
    %jit3A_179 = arith.constant 10000 : i32
    %broadcast_in_dim3A_180 = vector.broadcast %jit3A_179 : i32 to vector<4x10000xi32>
    %select_n3A_181 = arith.select %eq3A_178, %iota3A, %broadcast_in_dim3A_180 : vector<4x10000xi1>, vector<4x10000xi32>
    %reduce_min3A_182 = arith.constant dense<2147483647> : vector<4xi32>
    %reduce_min3A_183 = vector.multi_reduction <minsi>, %select_n3A_181, %reduce_min3A_182 [1] : vector<4x10000xi32> to vector<4xi32>
    %broadcast_in_dim3A_184 = vector.shape_cast %reduce_min3A_183 : vector<4xi32> to vector<4x1xi32>
    %eq3A_185 = vector.broadcast %broadcast_in_dim3A_184 : vector<4x1xi32> to vector<4x10000xi32>
    %eq3A_186 = arith.cmpi eq, %iota3A, %eq3A_185 : vector<4x10000xi32>
    %convert_element_type3A_187 = arith.extui %eq3A_186 : vector<4x10000xi1> to vector<4x10000xi32>
    %convert_element_type3A_188 = arith.sitofp %convert_element_type3A_187 : vector<4x10000xi32> to vector<4x10000xf32>
    %slice3A_189 = vector.extract_strided_slice %convert_element_type3A_188 {offsets = [0, 0], sizes = [1, 10000], strides = [1, 1]} : vector<4x10000xf32> to vector<1x10000xf32>
    %get3A_190 = arith.constant 0 : index
    %get3A_191 = arith.constant 0 : index
    %get3A_192 = arith.constant 0 : index
    %get3A_193 = vector.load %arg0[%get3A_190, %get3A_191, %get3A_192] : memref<4x10000x64xf32, #tpu.memory_space<vmem>>, vector<1x10000x64xf32>
    %get3A_194 = vector.shape_cast %get3A_193 : vector<1x10000x64xf32> to vector<10000x64xf32>
    %dot_general3A_195 = arith.constant dense<0.000000e+00> : vector<1x64xf32>
    %dot_general3A_196 = tpu.matmul %slice3A_189, %get3A_194, %dot_general3A_195 {dimension_numbers = #tpu.dot_dimension_numbers<[1], [0], [0], [1], [0, 0, 1, 1], [], []>, transpose_lhs_hint = false} : vector<1x10000xf32>, vector<10000x64xf32>, vector<1x64xf32> -> vector<1x64xf32>
    %slice3A_197 = vector.extract_strided_slice %broadcast_in_dim3A_176 {offsets = [0, 0], sizes = [1, 1], strides = [1, 1]} : vector<4x1xf32> to vector<1x1xf32>
    %tanh3A_198 = math.tanh %slice3A_197 : vector<1x1xf32>
    %mul3A_199 = vector.broadcast %tanh3A_198 : vector<1x1xf32> to vector<1x64xf32>
    %mul3A_200 = arith.mulf %dot_general3A_196, %mul3A_199 : vector<1x64xf32>
    %swap3A_201 = arith.constant 0 : index
    %swap3A_202 = arith.constant 2 : index
    %swap3A_203 = arith.constant 0 : index
    %swap3A_204 = vector.load %arg2[%swap3A_201, %swap3A_202, %swap3A_203] : memref<4x16x64xf32, #tpu.memory_space<vmem>>, vector<1x1x64xf32>
    %swap3A_205 = vector.shape_cast %swap3A_204 : vector<1x1x64xf32> to vector<1x64xf32>
    %swap3A_206 = vector.shape_cast %mul3A_200 : vector<1x64xf32> to vector<1x1x64xf32>
    tpu.vector_store %arg2[%swap3A_201, %swap3A_202, %swap3A_203], %swap3A_206 {strides = array<i32>} : memref<4x16x64xf32, #tpu.memory_space<vmem>>, vector<1x1x64xf32>,
    %slice3A_207 = vector.extract_strided_slice %convert_element_type3A_188 {offsets = [1, 0], sizes = [1, 10000], strides = [1, 1]} : vector<4x10000xf32> to vector<1x10000xf32>
    %get3A_208 = arith.constant 1 : index
    %get3A_209 = arith.constant 0 : index
    %get3A_210 = arith.constant 0 : index
    %get3A_211 = vector.load %arg0[%get3A_208, %get3A_209, %get3A_210] : memref<4x10000x64xf32, #tpu.memory_space<vmem>>, vector<1x10000x64xf32>
    %get3A_212 = vector.shape_cast %get3A_211 : vector<1x10000x64xf32> to vector<10000x64xf32>
    %dot_general3A_213 = arith.constant dense<0.000000e+00> : vector<1x64xf32>
    %dot_general3A_214 = tpu.matmul %slice3A_207, %get3A_212, %dot_general3A_213 {dimension_numbers = #tpu.dot_dimension_numbers<[1], [0], [0], [1], [0, 0, 1, 1], [], []>, transpose_lhs_hint = false} : vector<1x10000xf32>, vector<10000x64xf32>, vector<1x64xf32> -> vector<1x64xf32>
    %slice3A_215 = vector.extract_strided_slice %broadcast_in_dim3A_176 {offsets = [1, 0], sizes = [1, 1], strides = [1, 1]} : vector<4x1xf32> to vector<1x1xf32>
    %tanh3A_216 = math.tanh %slice3A_215 : vector<1x1xf32>
    %mul3A_217 = vector.broadcast %tanh3A_216 : vector<1x1xf32> to vector<1x64xf32>
    %mul3A_218 = arith.mulf %dot_general3A_214, %mul3A_217 : vector<1x64xf32>
    %swap3A_219 = arith.constant 1 : index
    %swap3A_220 = arith.constant 2 : index
    %swap3A_221 = arith.constant 0 : index
    %swap3A_222 = vector.load %arg2[%swap3A_219, %swap3A_220, %swap3A_221] : memref<4x16x64xf32, #tpu.memory_space<vmem>>, vector<1x1x64xf32>
    %swap3A_223 = vector.shape_cast %swap3A_222 : vector<1x1x64xf32> to vector<1x64xf32>
    %swap3A_224 = vector.shape_cast %mul3A_218 : vector<1x64xf32> to vector<1x1x64xf32>
    tpu.vector_store %arg2[%swap3A_219, %swap3A_220, %swap3A_221], %swap3A_224 {strides = array<i32>} : memref<4x16x64xf32, #tpu.memory_space<vmem>>, vector<1x1x64xf32>,
    %slice3A_225 = vector.extract_strided_slice %convert_element_type3A_188 {offsets = [2, 0], sizes = [1, 10000], strides = [1, 1]} : vector<4x10000xf32> to vector<1x10000xf32>
    %get3A_226 = arith.constant 2 : index
    %get3A_227 = arith.constant 0 : index
    %get3A_228 = arith.constant 0 : index
    %get3A_229 = vector.load %arg0[%get3A_226, %get3A_227, %get3A_228] : memref<4x10000x64xf32, #tpu.memory_space<vmem>>, vector<1x10000x64xf32>
    %get3A_230 = vector.shape_cast %get3A_229 : vector<1x10000x64xf32> to vector<10000x64xf32>
    %dot_general3A_231 = arith.constant dense<0.000000e+00> : vector<1x64xf32>
    %dot_general3A_232 = tpu.matmul %slice3A_225, %get3A_230, %dot_general3A_231 {dimension_numbers = #tpu.dot_dimension_numbers<[1], [0], [0], [1], [0, 0, 1, 1], [], []>, transpose_lhs_hint = false} : vector<1x10000xf32>, vector<10000x64xf32>, vector<1x64xf32> -> vector<1x64xf32>
    %slice3A_233 = vector.extract_strided_slice %broadcast_in_dim3A_176 {offsets = [2, 0], sizes = [1, 1], strides = [1, 1]} : vector<4x1xf32> to vector<1x1xf32>
    %tanh3A_234 = math.tanh %slice3A_233 : vector<1x1xf32>
    %mul3A_235 = vector.broadcast %tanh3A_234 : vector<1x1xf32> to vector<1x64xf32>
    %mul3A_236 = arith.mulf %dot_general3A_232, %mul3A_235 : vector<1x64xf32>
    %swap3A_237 = arith.constant 2 : index
    %swap3A_238 = arith.constant 2 : index
    %swap3A_239 = arith.constant 0 : index
    %swap3A_240 = vector.load %arg2[%swap3A_237, %swap3A_238, %swap3A_239] : memref<4x16x64xf32, #tpu.memory_space<vmem>>, vector<1x1x64xf32>
    %swap3A_241 = vector.shape_cast %swap3A_240 : vector<1x1x64xf32> to vector<1x64xf32>
    %swap3A_242 = vector.shape_cast %mul3A_236 : vector<1x64xf32> to vector<1x1x64xf32>
    tpu.vector_store %arg2[%swap3A_237, %swap3A_238, %swap3A_239], %swap3A_242 {strides = array<i32>} : memref<4x16x64xf32, #tpu.memory_space<vmem>>, vector<1x1x64xf32>,
    %slice3A_243 = vector.extract_strided_slice %convert_element_type3A_188 {offsets = [3, 0], sizes = [1, 10000], strides = [1, 1]} : vector<4x10000xf32> to vector<1x10000xf32>
    %get3A_244 = arith.constant 3 : index
    %get3A_245 = arith.constant 0 : index
    %get3A_246 = arith.constant 0 : index
    %get3A_247 = vector.load %arg0[%get3A_244, %get3A_245, %get3A_246] : memref<4x10000x64xf32, #tpu.memory_space<vmem>>, vector<1x10000x64xf32>
    %get3A_248 = vector.shape_cast %get3A_247 : vector<1x10000x64xf32> to vector<10000x64xf32>
    %dot_general3A_249 = arith.constant dense<0.000000e+00> : vector<1x64xf32>
    %dot_general3A_250 = tpu.matmul %slice3A_243, %get3A_248, %dot_general3A_249 {dimension_numbers = #tpu.dot_dimension_numbers<[1], [0], [0], [1], [0, 0, 1, 1], [], []>, transpose_lhs_hint = false} : vector<1x10000xf32>, vector<10000x64xf32>, vector<1x64xf32> -> vector<1x64xf32>
    %slice3A_251 = vector.extract_strided_slice %broadcast_in_dim3A_176 {offsets = [3, 0], sizes = [1, 1], strides = [1, 1]} : vector<4x1xf32> to vector<1x1xf32>
    %tanh3A_252 = math.tanh %slice3A_251 : vector<1x1xf32>
    %mul3A_253 = vector.broadcast %tanh3A_252 : vector<1x1xf32> to vector<1x64xf32>
    %mul3A_254 = arith.mulf %dot_general3A_250, %mul3A_253 : vector<1x64xf32>
    %swap3A_255 = arith.constant 3 : index
    %swap3A_256 = arith.constant 2 : index
    %swap3A_257 = arith.constant 0 : index
    %swap3A_258 = vector.load %arg2[%swap3A_255, %swap3A_256, %swap3A_257] : memref<4x16x64xf32, #tpu.memory_space<vmem>>, vector<1x1x64xf32>
    %swap3A_259 = vector.shape_cast %swap3A_258 : vector<1x1x64xf32> to vector<1x64xf32>
    %swap3A_260 = vector.shape_cast %mul3A_254 : vector<1x64xf32> to vector<1x1x64xf32>
    tpu.vector_store %arg2[%swap3A_255, %swap3A_256, %swap3A_257], %swap3A_260 {strides = array<i32>} : memref<4x16x64xf32, #tpu.memory_space<vmem>>, vector<1x1x64xf32>,
    %eq3A_261 = vector.broadcast %broadcast_in_dim3A_184 : vector<4x1xi32> to vector<4x10000xi32>
    %eq3A_262 = arith.cmpi eq, %iota3A, %eq3A_261 : vector<4x10000xi32>
    %jit3A_263 = arith.constant 0xFF800000 : f32
    %broadcast_in_dim3A_264 = vector.broadcast %jit3A_263 : f32 to vector<4x10000xf32>
    %select_n3A_265 = arith.select %eq3A_262, %broadcast_in_dim3A_264, %select_n3A_173 : vector<4x10000xi1>, vector<4x10000xf32>
    %reduce_max3A_266 = arith.constant dense<0xFF800000> : vector<4xf32>
    %reduce_max3A_267 = vector.multi_reduction <maximumf>, %select_n3A_265, %reduce_max3A_266 [1] : vector<4x10000xf32> to vector<4xf32>
    %broadcast_in_dim3A_268 = vector.shape_cast %reduce_max3A_267 : vector<4xf32> to vector<4x1xf32>
    %eq3A_269 = vector.broadcast %broadcast_in_dim3A_268 : vector<4x1xf32> to vector<4x10000xf32>
    %eq3A_270 = arith.cmpf oeq, %select_n3A_265, %eq3A_269 : vector<4x10000xf32>
    %jit3A_271 = arith.constant 10000 : i32
    %broadcast_in_dim3A_272 = vector.broadcast %jit3A_271 : i32 to vector<4x10000xi32>
    %select_n3A_273 = arith.select %eq3A_270, %iota3A, %broadcast_in_dim3A_272 : vector<4x10000xi1>, vector<4x10000xi32>
    %reduce_min3A_274 = arith.constant dense<2147483647> : vector<4xi32>
    %reduce_min3A_275 = vector.multi_reduction <minsi>, %select_n3A_273, %reduce_min3A_274 [1] : vector<4x10000xi32> to vector<4xi32>
    %broadcast_in_dim3A_276 = vector.shape_cast %reduce_min3A_275 : vector<4xi32> to vector<4x1xi32>
    %eq3A_277 = vector.broadcast %broadcast_in_dim3A_276 : vector<4x1xi32> to vector<4x10000xi32>
    %eq3A_278 = arith.cmpi eq, %iota3A, %eq3A_277 : vector<4x10000xi32>
    %convert_element_type3A_279 = arith.extui %eq3A_278 : vector<4x10000xi1> to vector<4x10000xi32>
    %convert_element_type3A_280 = arith.sitofp %convert_element_type3A_279 : vector<4x10000xi32> to vector<4x10000xf32>
    %slice3A_281 = vector.extract_strided_slice %convert_element_type3A_280 {offsets = [0, 0], sizes = [1, 10000], strides = [1, 1]} : vector<4x10000xf32> to vector<1x10000xf32>
    %get3A_282 = arith.constant 0 : index
    %get3A_283 = arith.constant 0 : index
    %get3A_284 = arith.constant 0 : index
    %get3A_285 = vector.load %arg0[%get3A_282, %get3A_283, %get3A_284] : memref<4x10000x64xf32, #tpu.memory_space<vmem>>, vector<1x10000x64xf32>
    %get3A_286 = vector.shape_cast %get3A_285 : vector<1x10000x64xf32> to vector<10000x64xf32>
    %dot_general3A_287 = arith.constant dense<0.000000e+00> : vector<1x64xf32>
    %dot_general3A_288 = tpu.matmul %slice3A_281, %get3A_286, %dot_general3A_287 {dimension_numbers = #tpu.dot_dimension_numbers<[1], [0], [0], [1], [0, 0, 1, 1], [], []>, transpose_lhs_hint = false} : vector<1x10000xf32>, vector<10000x64xf32>, vector<1x64xf32> -> vector<1x64xf32>
    %slice3A_289 = vector.extract_strided_slice %broadcast_in_dim3A_268 {offsets = [0, 0], sizes = [1, 1], strides = [1, 1]} : vector<4x1xf32> to vector<1x1xf32>
    %tanh3A_290 = math.tanh %slice3A_289 : vector<1x1xf32>
    %mul3A_291 = vector.broadcast %tanh3A_290 : vector<1x1xf32> to vector<1x64xf32>
    %mul3A_292 = arith.mulf %dot_general3A_288, %mul3A_291 : vector<1x64xf32>
    %swap3A_293 = arith.constant 0 : index
    %swap3A_294 = arith.constant 3 : index
    %swap3A_295 = arith.constant 0 : index
    %swap3A_296 = vector.load %arg2[%swap3A_293, %swap3A_294, %swap3A_295] : memref<4x16x64xf32, #tpu.memory_space<vmem>>, vector<1x1x64xf32>
    %swap3A_297 = vector.shape_cast %swap3A_296 : vector<1x1x64xf32> to vector<1x64xf32>
    %swap3A_298 = vector.shape_cast %mul3A_292 : vector<1x64xf32> to vector<1x1x64xf32>
    tpu.vector_store %arg2[%swap3A_293, %swap3A_294, %swap3A_295], %swap3A_298 {strides = array<i32>} : memref<4x16x64xf32, #tpu.memory_space<vmem>>, vector<1x1x64xf32>,
    %slice3A_299 = vector.extract_strided_slice %convert_element_type3A_280 {offsets = [1, 0], sizes = [1, 10000], strides = [1, 1]} : vector<4x10000xf32> to vector<1x10000xf32>
    %get3A_300 = arith.constant 1 : index
    %get3A_301 = arith.constant 0 : index
    %get3A_302 = arith.constant 0 : index
    %get3A_303 = vector.load %arg0[%get3A_300, %get3A_301, %get3A_302] : memref<4x10000x64xf32, #tpu.memory_space<vmem>>, vector<1x10000x64xf32>
    %get3A_304 = vector.shape_cast %get3A_303 : vector<1x10000x64xf32> to vector<10000x64xf32>
    %dot_general3A_305 = arith.constant dense<0.000000e+00> : vector<1x64xf32>
    %dot_general3A_306 = tpu.matmul %slice3A_299, %get3A_304, %dot_general3A_305 {dimension_numbers = #tpu.dot_dimension_numbers<[1], [0], [0], [1], [0, 0, 1, 1], [], []>, transpose_lhs_hint = false} : vector<1x10000xf32>, vector<10000x64xf32>, vector<1x64xf32> -> vector<1x64xf32>
    %slice3A_307 = vector.extract_strided_slice %broadcast_in_dim3A_268 {offsets = [1, 0], sizes = [1, 1], strides = [1, 1]} : vector<4x1xf32> to vector<1x1xf32>
    %tanh3A_308 = math.tanh %slice3A_307 : vector<1x1xf32>
    %mul3A_309 = vector.broadcast %tanh3A_308 : vector<1x1xf32> to vector<1x64xf32>
    %mul3A_310 = arith.mulf %dot_general3A_306, %mul3A_309 : vector<1x64xf32>
    %swap3A_311 = arith.constant 1 : index
    %swap3A_312 = arith.constant 3 : index
    %swap3A_313 = arith.constant 0 : index
    %swap3A_314 = vector.load %arg2[%swap3A_311, %swap3A_312, %swap3A_313] : memref<4x16x64xf32, #tpu.memory_space<vmem>>, vector<1x1x64xf32>
    %swap3A_315 = vector.shape_cast %swap3A_314 : vector<1x1x64xf32> to vector<1x64xf32>
    %swap3A_316 = vector.shape_cast %mul3A_310 : vector<1x64xf32> to vector<1x1x64xf32>
    tpu.vector_store %arg2[%swap3A_311, %swap3A_312, %swap3A_313], %swap3A_316 {strides = array<i32>} : memref<4x16x64xf32, #tpu.memory_space<vmem>>, vector<1x1x64xf32>,
    %slice3A_317 = vector.extract_strided_slice %convert_element_type3A_280 {offsets = [2, 0], sizes = [1, 10000], strides = [1, 1]} : vector<4x10000xf32> to vector<1x10000xf32>
    %get3A_318 = arith.constant 2 : index
    %get3A_319 = arith.constant 0 : index
    %get3A_320 = arith.constant 0 : index
    %get3A_321 = vector.load %arg0[%get3A_318, %get3A_319, %get3A_320] : memref<4x10000x64xf32, #tpu.memory_space<vmem>>, vector<1x10000x64xf32>
    %get3A_322 = vector.shape_cast %get3A_321 : vector<1x10000x64xf32> to vector<10000x64xf32>
    %dot_general3A_323 = arith.constant dense<0.000000e+00> : vector<1x64xf32>
    %dot_general3A_324 = tpu.matmul %slice3A_317, %get3A_322, %dot_general3A_323 {dimension_numbers = #tpu.dot_dimension_numbers<[1], [0], [0], [1], [0, 0, 1, 1], [], []>, transpose_lhs_hint = false} : vector<1x10000xf32>, vector<10000x64xf32>, vector<1x64xf32> -> vector<1x64xf32>
    %slice3A_325 = vector.extract_strided_slice %broadcast_in_dim3A_268 {offsets = [2, 0], sizes = [1, 1], strides = [1, 1]} : vector<4x1xf32> to vector<1x1xf32>
    %tanh3A_326 = math.tanh %slice3A_325 : vector<1x1xf32>
    %mul3A_327 = vector.broadcast %tanh3A_326 : vector<1x1xf32> to vector<1x64xf32>
    %mul3A_328 = arith.mulf %dot_general3A_324, %mul3A_327 : vector<1x64xf32>
    %swap3A_329 = arith.constant 2 : index
    %swap3A_330 = arith.constant 3 : index
    %swap3A_331 = arith.constant 0 : index
    %swap3A_332 = vector.load %arg2[%swap3A_329, %swap3A_330, %swap3A_331] : memref<4x16x64xf32, #tpu.memory_space<vmem>>, vector<1x1x64xf32>
    %swap3A_333 = vector.shape_cast %swap3A_332 : vector<1x1x64xf32> to vector<1x64xf32>
    %swap3A_334 = vector.shape_cast %mul3A_328 : vector<1x64xf32> to vector<1x1x64xf32>
    tpu.vector_store %arg2[%swap3A_329, %swap3A_330, %swap3A_331], %swap3A_334 {strides = array<i32>} : memref<4x16x64xf32, #tpu.memory_space<vmem>>, vector<1x1x64xf32>,
    %slice3A_335 = vector.extract_strided_slice %convert_element_type3A_280 {offsets = [3, 0], sizes = [1, 10000], strides = [1, 1]} : vector<4x10000xf32> to vector<1x10000xf32>
    %get3A_336 = arith.constant 3 : index
    %get3A_337 = arith.constant 0 : index
    %get3A_338 = arith.constant 0 : index
    %get3A_339 = vector.load %arg0[%get3A_336, %get3A_337, %get3A_338] : memref<4x10000x64xf32, #tpu.memory_space<vmem>>, vector<1x10000x64xf32>
    %get3A_340 = vector.shape_cast %get3A_339 : vector<1x10000x64xf32> to vector<10000x64xf32>
    %dot_general3A_341 = arith.constant dense<0.000000e+00> : vector<1x64xf32>
    %dot_general3A_342 = tpu.matmul %slice3A_335, %get3A_340, %dot_general3A_341 {dimension_numbers = #tpu.dot_dimension_numbers<[1], [0], [0], [1], [0, 0, 1, 1], [], []>, transpose_lhs_hint = false} : vector<1x10000xf32>, vector<10000x64xf32>, vector<1x64xf32> -> vector<1x64xf32>
    %slice3A_343 = vector.extract_strided_slice %broadcast_in_dim3A_268 {offsets = [3, 0], sizes = [1, 1], strides = [1, 1]} : vector<4x1xf32> to vector<1x1xf32>
    %tanh3A_344 = math.tanh %slice3A_343 : vector<1x1xf32>
    %mul3A_345 = vector.broadcast %tanh3A_344 : vector<1x1xf32> to vector<1x64xf32>
    %mul3A_346 = arith.mulf %dot_general3A_342, %mul3A_345 : vector<1x64xf32>
    %swap3A_347 = arith.constant 3 : index
    %swap3A_348 = arith.constant 3 : index
    %swap3A_349 = arith.constant 0 : index
    %swap3A_350 = vector.load %arg2[%swap3A_347, %swap3A_348, %swap3A_349] : memref<4x16x64xf32, #tpu.memory_space<vmem>>, vector<1x1x64xf32>
    %swap3A_351 = vector.shape_cast %swap3A_350 : vector<1x1x64xf32> to vector<1x64xf32>
    %swap3A_352 = vector.shape_cast %mul3A_346 : vector<1x64xf32> to vector<1x1x64xf32>
    tpu.vector_store %arg2[%swap3A_347, %swap3A_348, %swap3A_349], %swap3A_352 {strides = array<i32>} : memref<4x16x64xf32, #tpu.memory_space<vmem>>, vector<1x1x64xf32>,
    %eq3A_353 = vector.broadcast %broadcast_in_dim3A_276 : vector<4x1xi32> to vector<4x10000xi32>
    %eq3A_354 = arith.cmpi eq, %iota3A, %eq3A_353 : vector<4x10000xi32>
    %jit3A_355 = arith.constant 0xFF800000 : f32
    %broadcast_in_dim3A_356 = vector.broadcast %jit3A_355 : f32 to vector<4x10000xf32>
    %select_n3A_357 = arith.select %eq3A_354, %broadcast_in_dim3A_356, %select_n3A_265 : vector<4x10000xi1>, vector<4x10000xf32>
    %reduce_max3A_358 = arith.constant dense<0xFF800000> : vector<4xf32>
    %reduce_max3A_359 = vector.multi_reduction <maximumf>, %select_n3A_357, %reduce_max3A_358 [1] : vector<4x10000xf32> to vector<4xf32>
    %broadcast_in_dim3A_360 = vector.shape_cast %reduce_max3A_359 : vector<4xf32> to vector<4x1xf32>
    %eq3A_361 = vector.broadcast %broadcast_in_dim3A_360 : vector<4x1xf32> to vector<4x10000xf32>
    %eq3A_362 = arith.cmpf oeq, %select_n3A_357, %eq3A_361 : vector<4x10000xf32>
    %jit3A_363 = arith.constant 10000 : i32
    %broadcast_in_dim3A_364 = vector.broadcast %jit3A_363 : i32 to vector<4x10000xi32>
    %select_n3A_365 = arith.select %eq3A_362, %iota3A, %broadcast_in_dim3A_364 : vector<4x10000xi1>, vector<4x10000xi32>
    %reduce_min3A_366 = arith.constant dense<2147483647> : vector<4xi32>
    %reduce_min3A_367 = vector.multi_reduction <minsi>, %select_n3A_365, %reduce_min3A_366 [1] : vector<4x10000xi32> to vector<4xi32>
    %broadcast_in_dim3A_368 = vector.shape_cast %reduce_min3A_367 : vector<4xi32> to vector<4x1xi32>
    %eq3A_369 = vector.broadcast %broadcast_in_dim3A_368 : vector<4x1xi32> to vector<4x10000xi32>
    %eq3A_370 = arith.cmpi eq, %iota3A, %eq3A_369 : vector<4x10000xi32>
    %convert_element_type3A_371 = arith.extui %eq3A_370 : vector<4x10000xi1> to vector<4x10000xi32>
    %convert_element_type3A_372 = arith.sitofp %convert_element_type3A_371 : vector<4x10000xi32> to vector<4x10000xf32>
    %slice3A_373 = vector.extract_strided_slice %convert_element_type3A_372 {offsets = [0, 0], sizes = [1, 10000], strides = [1, 1]} : vector<4x10000xf32> to vector<1x10000xf32>
    %get3A_374 = arith.constant 0 : index
    %get3A_375 = arith.constant 0 : index
    %get3A_376 = arith.constant 0 : index
    %get3A_377 = vector.load %arg0[%get3A_374, %get3A_375, %get3A_376] : memref<4x10000x64xf32, #tpu.memory_space<vmem>>, vector<1x10000x64xf32>
    %get3A_378 = vector.shape_cast %get3A_377 : vector<1x10000x64xf32> to vector<10000x64xf32>
    %dot_general3A_379 = arith.constant dense<0.000000e+00> : vector<1x64xf32>
    %dot_general3A_380 = tpu.matmul %slice3A_373, %get3A_378, %dot_general3A_379 {dimension_numbers = #tpu.dot_dimension_numbers<[1], [0], [0], [1], [0, 0, 1, 1], [], []>, transpose_lhs_hint = false} : vector<1x10000xf32>, vector<10000x64xf32>, vector<1x64xf32> -> vector<1x64xf32>
    %slice3A_381 = vector.extract_strided_slice %broadcast_in_dim3A_360 {offsets = [0, 0], sizes = [1, 1], strides = [1, 1]} : vector<4x1xf32> to vector<1x1xf32>
    %tanh3A_382 = math.tanh %slice3A_381 : vector<1x1xf32>
    %mul3A_383 = vector.broadcast %tanh3A_382 : vector<1x1xf32> to vector<1x64xf32>
    %mul3A_384 = arith.mulf %dot_general3A_380, %mul3A_383 : vector<1x64xf32>
    %swap3A_385 = arith.constant 0 : index
    %swap3A_386 = arith.constant 4 : index
    %swap3A_387 = arith.constant 0 : index
    %swap3A_388 = vector.load %arg2[%swap3A_385, %swap3A_386, %swap3A_387] : memref<4x16x64xf32, #tpu.memory_space<vmem>>, vector<1x1x64xf32>
    %swap3A_389 = vector.shape_cast %swap3A_388 : vector<1x1x64xf32> to vector<1x64xf32>
    %swap3A_390 = vector.shape_cast %mul3A_384 : vector<1x64xf32> to vector<1x1x64xf32>
    tpu.vector_store %arg2[%swap3A_385, %swap3A_386, %swap3A_387], %swap3A_390 {strides = array<i32>} : memref<4x16x64xf32, #tpu.memory_space<vmem>>, vector<1x1x64xf32>,
    %slice3A_391 = vector.extract_strided_slice %convert_element_type3A_372 {offsets = [1, 0], sizes = [1, 10000], strides = [1, 1]} : vector<4x10000xf32> to vector<1x10000xf32>
    %get3A_392 = arith.constant 1 : index
    %get3A_393 = arith.constant 0 : index
    %get3A_394 = arith.constant 0 : index
    %get3A_395 = vector.load %arg0[%get3A_392, %get3A_393, %get3A_394] : memref<4x10000x64xf32, #tpu.memory_space<vmem>>, vector<1x10000x64xf32>
    %get3A_396 = vector.shape_cast %get3A_395 : vector<1x10000x64xf32> to vector<10000x64xf32>
    %dot_general3A_397 = arith.constant dense<0.000000e+00> : vector<1x64xf32>
    %dot_general3A_398 = tpu.matmul %slice3A_391, %get3A_396, %dot_general3A_397 {dimension_numbers = #tpu.dot_dimension_numbers<[1], [0], [0], [1], [0, 0, 1, 1], [], []>, transpose_lhs_hint = false} : vector<1x10000xf32>, vector<10000x64xf32>, vector<1x64xf32> -> vector<1x64xf32>
    %slice3A_399 = vector.extract_strided_slice %broadcast_in_dim3A_360 {offsets = [1, 0], sizes = [1, 1], strides = [1, 1]} : vector<4x1xf32> to vector<1x1xf32>
    %tanh3A_400 = math.tanh %slice3A_399 : vector<1x1xf32>
    %mul3A_401 = vector.broadcast %tanh3A_400 : vector<1x1xf32> to vector<1x64xf32>
    %mul3A_402 = arith.mulf %dot_general3A_398, %mul3A_401 : vector<1x64xf32>
    %swap3A_403 = arith.constant 1 : index
    %swap3A_404 = arith.constant 4 : index
    %swap3A_405 = arith.constant 0 : index
    %swap3A_406 = vector.load %arg2[%swap3A_403, %swap3A_404, %swap3A_405] : memref<4x16x64xf32, #tpu.memory_space<vmem>>, vector<1x1x64xf32>
    %swap3A_407 = vector.shape_cast %swap3A_406 : vector<1x1x64xf32> to vector<1x64xf32>
    %swap3A_408 = vector.shape_cast %mul3A_402 : vector<1x64xf32> to vector<1x1x64xf32>
    tpu.vector_store %arg2[%swap3A_403, %swap3A_404, %swap3A_405], %swap3A_408 {strides = array<i32>} : memref<4x16x64xf32, #tpu.memory_space<vmem>>, vector<1x1x64xf32>,
    %slice3A_409 = vector.extract_strided_slice %convert_element_type3A_372 {offsets = [2, 0], sizes = [1, 10000], strides = [1, 1]} : vector<4x10000xf32> to vector<1x10000xf32>
    %get3A_410 = arith.constant 2 : index
    %get3A_411 = arith.constant 0 : index
    %get3A_412 = arith.constant 0 : index
    %get3A_413 = vector.load %arg0[%get3A_410, %get3A_411, %get3A_412] : memref<4x10000x64xf32, #tpu.memory_space<vmem>>, vector<1x10000x64xf32>
    %get3A_414 = vector.shape_cast %get3A_413 : vector<1x10000x64xf32> to vector<10000x64xf32>
    %dot_general3A_415 = arith.constant dense<0.000000e+00> : vector<1x64xf32>
    %dot_general3A_416 = tpu.matmul %slice3A_409, %get3A_414, %dot_general3A_415 {dimension_numbers = #tpu.dot_dimension_numbers<[1], [0], [0], [1], [0, 0, 1, 1], [], []>, transpose_lhs_hint = false} : vector<1x10000xf32>, vector<10000x64xf32>, vector<1x64xf32> -> vector<1x64xf32>
    %slice3A_417 = vector.extract_strided_slice %broadcast_in_dim3A_360 {offsets = [2, 0], sizes = [1, 1], strides = [1, 1]} : vector<4x1xf32> to vector<1x1xf32>
    %tanh3A_418 = math.tanh %slice3A_417 : vector<1x1xf32>
    %mul3A_419 = vector.broadcast %tanh3A_418 : vector<1x1xf32> to vector<1x64xf32>
    %mul3A_420 = arith.mulf %dot_general3A_416, %mul3A_419 : vector<1x64xf32>
    %swap3A_421 = arith.constant 2 : index
    %swap3A_422 = arith.constant 4 : index
    %swap3A_423 = arith.constant 0 : index
    %swap3A_424 = vector.load %arg2[%swap3A_421, %swap3A_422, %swap3A_423] : memref<4x16x64xf32, #tpu.memory_space<vmem>>, vector<1x1x64xf32>
    %swap3A_425 = vector.shape_cast %swap3A_424 : vector<1x1x64xf32> to vector<1x64xf32>
    %swap3A_426 = vector.shape_cast %mul3A_420 : vector<1x64xf32> to vector<1x1x64xf32>
    tpu.vector_store %arg2[%swap3A_421, %swap3A_422, %swap3A_423], %swap3A_426 {strides = array<i32>} : memref<4x16x64xf32, #tpu.memory_space<vmem>>, vector<1x1x64xf32>,
    %slice3A_427 = vector.extract_strided_slice %convert_element_type3A_372 {offsets = [3, 0], sizes = [1, 10000], strides = [1, 1]} : vector<4x10000xf32> to vector<1x10000xf32>
    %get3A_428 = arith.constant 3 : index
    %get3A_429 = arith.constant 0 : index
    %get3A_430 = arith.constant 0 : index
    %get3A_431 = vector.load %arg0[%get3A_428, %get3A_429, %get3A_430] : memref<4x10000x64xf32, #tpu.memory_space<vmem>>, vector<1x10000x64xf32>
    %get3A_432 = vector.shape_cast %get3A_431 : vector<1x10000x64xf32> to vector<10000x64xf32>
    %dot_general3A_433 = arith.constant dense<0.000000e+00> : vector<1x64xf32>
    %dot_general3A_434 = tpu.matmul %slice3A_427, %get3A_432, %dot_general3A_433 {dimension_numbers = #tpu.dot_dimension_numbers<[1], [0], [0], [1], [0, 0, 1, 1], [], []>, transpose_lhs_hint = false} : vector<1x10000xf32>, vector<10000x64xf32>, vector<1x64xf32> -> vector<1x64xf32>
    %slice3A_435 = vector.extract_strided_slice %broadcast_in_dim3A_360 {offsets = [3, 0], sizes = [1, 1], strides = [1, 1]} : vector<4x1xf32> to vector<1x1xf32>
    %tanh3A_436 = math.tanh %slice3A_435 : vector<1x1xf32>
    %mul3A_437 = vector.broadcast %tanh3A_436 : vector<1x1xf32> to vector<1x64xf32>
    %mul3A_438 = arith.mulf %dot_general3A_434, %mul3A_437 : vector<1x64xf32>
    %swap3A_439 = arith.constant 3 : index
    %swap3A_440 = arith.constant 4 : index
    %swap3A_441 = arith.constant 0 : index
    %swap3A_442 = vector.load %arg2[%swap3A_439, %swap3A_440, %swap3A_441] : memref<4x16x64xf32, #tpu.memory_space<vmem>>, vector<1x1x64xf32>
    %swap3A_443 = vector.shape_cast %swap3A_442 : vector<1x1x64xf32> to vector<1x64xf32>
    %swap3A_444 = vector.shape_cast %mul3A_438 : vector<1x64xf32> to vector<1x1x64xf32>
    tpu.vector_store %arg2[%swap3A_439, %swap3A_440, %swap3A_441], %swap3A_444 {strides = array<i32>} : memref<4x16x64xf32, #tpu.memory_space<vmem>>, vector<1x1x64xf32>,
    %eq3A_445 = vector.broadcast %broadcast_in_dim3A_368 : vector<4x1xi32> to vector<4x10000xi32>
    %eq3A_446 = arith.cmpi eq, %iota3A, %eq3A_445 : vector<4x10000xi32>
    %jit3A_447 = arith.constant 0xFF800000 : f32
    %broadcast_in_dim3A_448 = vector.broadcast %jit3A_447 : f32 to vector<4x10000xf32>
    %select_n3A_449 = arith.select %eq3A_446, %broadcast_in_dim3A_448, %select_n3A_357 : vector<4x10000xi1>, vector<4x10000xf32>
    %reduce_max3A_450 = arith.constant dense<0xFF800000> : vector<4xf32>
    %reduce_max3A_451 = vector.multi_reduction <maximumf>, %select_n3A_449, %reduce_max3A_450 [1] : vector<4x10000xf32> to vector<4xf32>
    %broadcast_in_dim3A_452 = vector.shape_cast %reduce_max3A_451 : vector<4xf32> to vector<4x1xf32>
    %eq3A_453 = vector.broadcast %broadcast_in_dim3A_452 : vector<4x1xf32> to vector<4x10000xf32>
    %eq3A_454 = arith.cmpf oeq, %select_n3A_449, %eq3A_453 : vector<4x10000xf32>
    %jit3A_455 = arith.constant 10000 : i32
    %broadcast_in_dim3A_456 = vector.broadcast %jit3A_455 : i32 to vector<4x10000xi32>
    %select_n3A_457 = arith.select %eq3A_454, %iota3A, %broadcast_in_dim3A_456 : vector<4x10000xi1>, vector<4x10000xi32>
    %reduce_min3A_458 = arith.constant dense<2147483647> : vector<4xi32>
    %reduce_min3A_459 = vector.multi_reduction <minsi>, %select_n3A_457, %reduce_min3A_458 [1] : vector<4x10000xi32> to vector<4xi32>
    %broadcast_in_dim3A_460 = vector.shape_cast %reduce_min3A_459 : vector<4xi32> to vector<4x1xi32>
    %eq3A_461 = vector.broadcast %broadcast_in_dim3A_460 : vector<4x1xi32> to vector<4x10000xi32>
    %eq3A_462 = arith.cmpi eq, %iota3A, %eq3A_461 : vector<4x10000xi32>
    %convert_element_type3A_463 = arith.extui %eq3A_462 : vector<4x10000xi1> to vector<4x10000xi32>
    %convert_element_type3A_464 = arith.sitofp %convert_element_type3A_463 : vector<4x10000xi32> to vector<4x10000xf32>
    %slice3A_465 = vector.extract_strided_slice %convert_element_type3A_464 {offsets = [0, 0], sizes = [1, 10000], strides = [1, 1]} : vector<4x10000xf32> to vector<1x10000xf32>
    %get3A_466 = arith.constant 0 : index
    %get3A_467 = arith.constant 0 : index
    %get3A_468 = arith.constant 0 : index
    %get3A_469 = vector.load %arg0[%get3A_466, %get3A_467, %get3A_468] : memref<4x10000x64xf32, #tpu.memory_space<vmem>>, vector<1x10000x64xf32>
    %get3A_470 = vector.shape_cast %get3A_469 : vector<1x10000x64xf32> to vector<10000x64xf32>
    %dot_general3A_471 = arith.constant dense<0.000000e+00> : vector<1x64xf32>
    %dot_general3A_472 = tpu.matmul %slice3A_465, %get3A_470, %dot_general3A_471 {dimension_numbers = #tpu.dot_dimension_numbers<[1], [0], [0], [1], [0, 0, 1, 1], [], []>, transpose_lhs_hint = false} : vector<1x10000xf32>, vector<10000x64xf32>, vector<1x64xf32> -> vector<1x64xf32>
    %slice3A_473 = vector.extract_strided_slice %broadcast_in_dim3A_452 {offsets = [0, 0], sizes = [1, 1], strides = [1, 1]} : vector<4x1xf32> to vector<1x1xf32>
    %tanh3A_474 = math.tanh %slice3A_473 : vector<1x1xf32>
    %mul3A_475 = vector.broadcast %tanh3A_474 : vector<1x1xf32> to vector<1x64xf32>
    %mul3A_476 = arith.mulf %dot_general3A_472, %mul3A_475 : vector<1x64xf32>
    %swap3A_477 = arith.constant 0 : index
    %swap3A_478 = arith.constant 5 : index
    %swap3A_479 = arith.constant 0 : index
    %swap3A_480 = vector.load %arg2[%swap3A_477, %swap3A_478, %swap3A_479] : memref<4x16x64xf32, #tpu.memory_space<vmem>>, vector<1x1x64xf32>
    %swap3A_481 = vector.shape_cast %swap3A_480 : vector<1x1x64xf32> to vector<1x64xf32>
    %swap3A_482 = vector.shape_cast %mul3A_476 : vector<1x64xf32> to vector<1x1x64xf32>
    tpu.vector_store %arg2[%swap3A_477, %swap3A_478, %swap3A_479], %swap3A_482 {strides = array<i32>} : memref<4x16x64xf32, #tpu.memory_space<vmem>>, vector<1x1x64xf32>,
    %slice3A_483 = vector.extract_strided_slice %convert_element_type3A_464 {offsets = [1, 0], sizes = [1, 10000], strides = [1, 1]} : vector<4x10000xf32> to vector<1x10000xf32>
    %get3A_484 = arith.constant 1 : index
    %get3A_485 = arith.constant 0 : index
    %get3A_486 = arith.constant 0 : index
    %get3A_487 = vector.load %arg0[%get3A_484, %get3A_485, %get3A_486] : memref<4x10000x64xf32, #tpu.memory_space<vmem>>, vector<1x10000x64xf32>
    %get3A_488 = vector.shape_cast %get3A_487 : vector<1x10000x64xf32> to vector<10000x64xf32>
    %dot_general3A_489 = arith.constant dense<0.000000e+00> : vector<1x64xf32>
    %dot_general3A_490 = tpu.matmul %slice3A_483, %get3A_488, %dot_general3A_489 {dimension_numbers = #tpu.dot_dimension_numbers<[1], [0], [0], [1], [0, 0, 1, 1], [], []>, transpose_lhs_hint = false} : vector<1x10000xf32>, vector<10000x64xf32>, vector<1x64xf32> -> vector<1x64xf32>
    %slice3A_491 = vector.extract_strided_slice %broadcast_in_dim3A_452 {offsets = [1, 0], sizes = [1, 1], strides = [1, 1]} : vector<4x1xf32> to vector<1x1xf32>
    %tanh3A_492 = math.tanh %slice3A_491 : vector<1x1xf32>
    %mul3A_493 = vector.broadcast %tanh3A_492 : vector<1x1xf32> to vector<1x64xf32>
    %mul3A_494 = arith.mulf %dot_general3A_490, %mul3A_493 : vector<1x64xf32>
    %swap3A_495 = arith.constant 1 : index
    %swap3A_496 = arith.constant 5 : index
    %swap3A_497 = arith.constant 0 : index
    %swap3A_498 = vector.load %arg2[%swap3A_495, %swap3A_496, %swap3A_497] : memref<4x16x64xf32, #tpu.memory_space<vmem>>, vector<1x1x64xf32>
    %swap3A_499 = vector.shape_cast %swap3A_498 : vector<1x1x64xf32> to vector<1x64xf32>
    %swap3A_500 = vector.shape_cast %mul3A_494 : vector<1x64xf32> to vector<1x1x64xf32>
    tpu.vector_store %arg2[%swap3A_495, %swap3A_496, %swap3A_497], %swap3A_500 {strides = array<i32>} : memref<4x16x64xf32, #tpu.memory_space<vmem>>, vector<1x1x64xf32>,
    %slice3A_501 = vector.extract_strided_slice %convert_element_type3A_464 {offsets = [2, 0], sizes = [1, 10000], strides = [1, 1]} : vector<4x10000xf32> to vector<1x10000xf32>
    %get3A_502 = arith.constant 2 : index
    %get3A_503 = arith.constant 0 : index
    %get3A_504 = arith.constant 0 : index
    %get3A_505 = vector.load %arg0[%get3A_502, %get3A_503, %get3A_504] : memref<4x10000x64xf32, #tpu.memory_space<vmem>>, vector<1x10000x64xf32>
    %get3A_506 = vector.shape_cast %get3A_505 : vector<1x10000x64xf32> to vector<10000x64xf32>
    %dot_general3A_507 = arith.constant dense<0.000000e+00> : vector<1x64xf32>
    %dot_general3A_508 = tpu.matmul %slice3A_501, %get3A_506, %dot_general3A_507 {dimension_numbers = #tpu.dot_dimension_numbers<[1], [0], [0], [1], [0, 0, 1, 1], [], []>, transpose_lhs_hint = false} : vector<1x10000xf32>, vector<10000x64xf32>, vector<1x64xf32> -> vector<1x64xf32>
    %slice3A_509 = vector.extract_strided_slice %broadcast_in_dim3A_452 {offsets = [2, 0], sizes = [1, 1], strides = [1, 1]} : vector<4x1xf32> to vector<1x1xf32>
    %tanh3A_510 = math.tanh %slice3A_509 : vector<1x1xf32>
    %mul3A_511 = vector.broadcast %tanh3A_510 : vector<1x1xf32> to vector<1x64xf32>
    %mul3A_512 = arith.mulf %dot_general3A_508, %mul3A_511 : vector<1x64xf32>
    %swap3A_513 = arith.constant 2 : index
    %swap3A_514 = arith.constant 5 : index
    %swap3A_515 = arith.constant 0 : index
    %swap3A_516 = vector.load %arg2[%swap3A_513, %swap3A_514, %swap3A_515] : memref<4x16x64xf32, #tpu.memory_space<vmem>>, vector<1x1x64xf32>
    %swap3A_517 = vector.shape_cast %swap3A_516 : vector<1x1x64xf32> to vector<1x64xf32>
    %swap3A_518 = vector.shape_cast %mul3A_512 : vector<1x64xf32> to vector<1x1x64xf32>
    tpu.vector_store %arg2[%swap3A_513, %swap3A_514, %swap3A_515], %swap3A_518 {strides = array<i32>} : memref<4x16x64xf32, #tpu.memory_space<vmem>>, vector<1x1x64xf32>,
    %slice3A_519 = vector.extract_strided_slice %convert_element_type3A_464 {offsets = [3, 0], sizes = [1, 10000], strides = [1, 1]} : vector<4x10000xf32> to vector<1x10000xf32>
    %get3A_520 = arith.constant 3 : index
    %get3A_521 = arith.constant 0 : index
    %get3A_522 = arith.constant 0 : index
    %get3A_523 = vector.load %arg0[%get3A_520, %get3A_521, %get3A_522] : memref<4x10000x64xf32, #tpu.memory_space<vmem>>, vector<1x10000x64xf32>
    %get3A_524 = vector.shape_cast %get3A_523 : vector<1x10000x64xf32> to vector<10000x64xf32>
    %dot_general3A_525 = arith.constant dense<0.000000e+00> : vector<1x64xf32>
    %dot_general3A_526 = tpu.matmul %slice3A_519, %get3A_524, %dot_general3A_525 {dimension_numbers = #tpu.dot_dimension_numbers<[1], [0], [0], [1], [0, 0, 1, 1], [], []>, transpose_lhs_hint = false} : vector<1x10000xf32>, vector<10000x64xf32>, vector<1x64xf32> -> vector<1x64xf32>
    %slice3A_527 = vector.extract_strided_slice %broadcast_in_dim3A_452 {offsets = [3, 0], sizes = [1, 1], strides = [1, 1]} : vector<4x1xf32> to vector<1x1xf32>
    %tanh3A_528 = math.tanh %slice3A_527 : vector<1x1xf32>
    %mul3A_529 = vector.broadcast %tanh3A_528 : vector<1x1xf32> to vector<1x64xf32>
    %mul3A_530 = arith.mulf %dot_general3A_526, %mul3A_529 : vector<1x64xf32>
    %swap3A_531 = arith.constant 3 : index
    %swap3A_532 = arith.constant 5 : index
    %swap3A_533 = arith.constant 0 : index
    %swap3A_534 = vector.load %arg2[%swap3A_531, %swap3A_532, %swap3A_533] : memref<4x16x64xf32, #tpu.memory_space<vmem>>, vector<1x1x64xf32>
    %swap3A_535 = vector.shape_cast %swap3A_534 : vector<1x1x64xf32> to vector<1x64xf32>
    %swap3A_536 = vector.shape_cast %mul3A_530 : vector<1x64xf32> to vector<1x1x64xf32>
    tpu.vector_store %arg2[%swap3A_531, %swap3A_532, %swap3A_533], %swap3A_536 {strides = array<i32>} : memref<4x16x64xf32, #tpu.memory_space<vmem>>, vector<1x1x64xf32>,
    %eq3A_537 = vector.broadcast %broadcast_in_dim3A_460 : vector<4x1xi32> to vector<4x10000xi32>
    %eq3A_538 = arith.cmpi eq, %iota3A, %eq3A_537 : vector<4x10000xi32>
    %jit3A_539 = arith.constant 0xFF800000 : f32
    %broadcast_in_dim3A_540 = vector.broadcast %jit3A_539 : f32 to vector<4x10000xf32>
    %select_n3A_541 = arith.select %eq3A_538, %broadcast_in_dim3A_540, %select_n3A_449 : vector<4x10000xi1>, vector<4x10000xf32>
    %reduce_max3A_542 = arith.constant dense<0xFF800000> : vector<4xf32>
    %reduce_max3A_543 = vector.multi_reduction <maximumf>, %select_n3A_541, %reduce_max3A_542 [1] : vector<4x10000xf32> to vector<4xf32>
    %broadcast_in_dim3A_544 = vector.shape_cast %reduce_max3A_543 : vector<4xf32> to vector<4x1xf32>
    %eq3A_545 = vector.broadcast %broadcast_in_dim3A_544 : vector<4x1xf32> to vector<4x10000xf32>
    %eq3A_546 = arith.cmpf oeq, %select_n3A_541, %eq3A_545 : vector<4x10000xf32>
    %jit3A_547 = arith.constant 10000 : i32
    %broadcast_in_dim3A_548 = vector.broadcast %jit3A_547 : i32 to vector<4x10000xi32>
    %select_n3A_549 = arith.select %eq3A_546, %iota3A, %broadcast_in_dim3A_548 : vector<4x10000xi1>, vector<4x10000xi32>
    %reduce_min3A_550 = arith.constant dense<2147483647> : vector<4xi32>
    %reduce_min3A_551 = vector.multi_reduction <minsi>, %select_n3A_549, %reduce_min3A_550 [1] : vector<4x10000xi32> to vector<4xi32>
    %broadcast_in_dim3A_552 = vector.shape_cast %reduce_min3A_551 : vector<4xi32> to vector<4x1xi32>
    %eq3A_553 = vector.broadcast %broadcast_in_dim3A_552 : vector<4x1xi32> to vector<4x10000xi32>
    %eq3A_554 = arith.cmpi eq, %iota3A, %eq3A_553 : vector<4x10000xi32>
    %convert_element_type3A_555 = arith.extui %eq3A_554 : vector<4x10000xi1> to vector<4x10000xi32>
    %convert_element_type3A_556 = arith.sitofp %convert_element_type3A_555 : vector<4x10000xi32> to vector<4x10000xf32>
    %slice3A_557 = vector.extract_strided_slice %convert_element_type3A_556 {offsets = [0, 0], sizes = [1, 10000], strides = [1, 1]} : vector<4x10000xf32> to vector<1x10000xf32>
    %get3A_558 = arith.constant 0 : index
    %get3A_559 = arith.constant 0 : index
    %get3A_560 = arith.constant 0 : index
    %get3A_561 = vector.load %arg0[%get3A_558, %get3A_559, %get3A_560] : memref<4x10000x64xf32, #tpu.memory_space<vmem>>, vector<1x10000x64xf32>
    %get3A_562 = vector.shape_cast %get3A_561 : vector<1x10000x64xf32> to vector<10000x64xf32>
    %dot_general3A_563 = arith.constant dense<0.000000e+00> : vector<1x64xf32>
    %dot_general3A_564 = tpu.matmul %slice3A_557, %get3A_562, %dot_general3A_563 {dimension_numbers = #tpu.dot_dimension_numbers<[1], [0], [0], [1], [0, 0, 1, 1], [], []>, transpose_lhs_hint = false} : vector<1x10000xf32>, vector<10000x64xf32>, vector<1x64xf32> -> vector<1x64xf32>
    %slice3A_565 = vector.extract_strided_slice %broadcast_in_dim3A_544 {offsets = [0, 0], sizes = [1, 1], strides = [1, 1]} : vector<4x1xf32> to vector<1x1xf32>
    %tanh3A_566 = math.tanh %slice3A_565 : vector<1x1xf32>
    %mul3A_567 = vector.broadcast %tanh3A_566 : vector<1x1xf32> to vector<1x64xf32>
    %mul3A_568 = arith.mulf %dot_general3A_564, %mul3A_567 : vector<1x64xf32>
    %swap3A_569 = arith.constant 0 : index
    %swap3A_570 = arith.constant 6 : index
    %swap3A_571 = arith.constant 0 : index
    %swap3A_572 = vector.load %arg2[%swap3A_569, %swap3A_570, %swap3A_571] : memref<4x16x64xf32, #tpu.memory_space<vmem>>, vector<1x1x64xf32>
    %swap3A_573 = vector.shape_cast %swap3A_572 : vector<1x1x64xf32> to vector<1x64xf32>
    %swap3A_574 = vector.shape_cast %mul3A_568 : vector<1x64xf32> to vector<1x1x64xf32>
    tpu.vector_store %arg2[%swap3A_569, %swap3A_570, %swap3A_571], %swap3A_574 {strides = array<i32>} : memref<4x16x64xf32, #tpu.memory_space<vmem>>, vector<1x1x64xf32>,
    %slice3A_575 = vector.extract_strided_slice %convert_element_type3A_556 {offsets = [1, 0], sizes = [1, 10000], strides = [1, 1]} : vector<4x10000xf32> to vector<1x10000xf32>
    %get3A_576 = arith.constant 1 : index
    %get3A_577 = arith.constant 0 : index
    %get3A_578 = arith.constant 0 : index
    %get3A_579 = vector.load %arg0[%get3A_576, %get3A_577, %get3A_578] : memref<4x10000x64xf32, #tpu.memory_space<vmem>>, vector<1x10000x64xf32>
    %get3A_580 = vector.shape_cast %get3A_579 : vector<1x10000x64xf32> to vector<10000x64xf32>
    %dot_general3A_581 = arith.constant dense<0.000000e+00> : vector<1x64xf32>
    %dot_general3A_582 = tpu.matmul %slice3A_575, %get3A_580, %dot_general3A_581 {dimension_numbers = #tpu.dot_dimension_numbers<[1], [0], [0], [1], [0, 0, 1, 1], [], []>, transpose_lhs_hint = false} : vector<1x10000xf32>, vector<10000x64xf32>, vector<1x64xf32> -> vector<1x64xf32>
    %slice3A_583 = vector.extract_strided_slice %broadcast_in_dim3A_544 {offsets = [1, 0], sizes = [1, 1], strides = [1, 1]} : vector<4x1xf32> to vector<1x1xf32>
    %tanh3A_584 = math.tanh %slice3A_583 : vector<1x1xf32>
    %mul3A_585 = vector.broadcast %tanh3A_584 : vector<1x1xf32> to vector<1x64xf32>
    %mul3A_586 = arith.mulf %dot_general3A_582, %mul3A_585 : vector<1x64xf32>
    %swap3A_587 = arith.constant 1 : index
    %swap3A_588 = arith.constant 6 : index
    %swap3A_589 = arith.constant 0 : index
    %swap3A_590 = vector.load %arg2[%swap3A_587, %swap3A_588, %swap3A_589] : memref<4x16x64xf32, #tpu.memory_space<vmem>>, vector<1x1x64xf32>
    %swap3A_591 = vector.shape_cast %swap3A_590 : vector<1x1x64xf32> to vector<1x64xf32>
    %swap3A_592 = vector.shape_cast %mul3A_586 : vector<1x64xf32> to vector<1x1x64xf32>
    tpu.vector_store %arg2[%swap3A_587, %swap3A_588, %swap3A_589], %swap3A_592 {strides = array<i32>} : memref<4x16x64xf32, #tpu.memory_space<vmem>>, vector<1x1x64xf32>,
    %slice3A_593 = vector.extract_strided_slice %convert_element_type3A_556 {offsets = [2, 0], sizes = [1, 10000], strides = [1, 1]} : vector<4x10000xf32> to vector<1x10000xf32>
    %get3A_594 = arith.constant 2 : index
    %get3A_595 = arith.constant 0 : index
    %get3A_596 = arith.constant 0 : index
    %get3A_597 = vector.load %arg0[%get3A_594, %get3A_595, %get3A_596] : memref<4x10000x64xf32, #tpu.memory_space<vmem>>, vector<1x10000x64xf32>
    %get3A_598 = vector.shape_cast %get3A_597 : vector<1x10000x64xf32> to vector<10000x64xf32>
    %dot_general3A_599 = arith.constant dense<0.000000e+00> : vector<1x64xf32>
    %dot_general3A_600 = tpu.matmul %slice3A_593, %get3A_598, %dot_general3A_599 {dimension_numbers = #tpu.dot_dimension_numbers<[1], [0], [0], [1], [0, 0, 1, 1], [], []>, transpose_lhs_hint = false} : vector<1x10000xf32>, vector<10000x64xf32>, vector<1x64xf32> -> vector<1x64xf32>
    %slice3A_601 = vector.extract_strided_slice %broadcast_in_dim3A_544 {offsets = [2, 0], sizes = [1, 1], strides = [1, 1]} : vector<4x1xf32> to vector<1x1xf32>
    %tanh3A_602 = math.tanh %slice3A_601 : vector<1x1xf32>
    %mul3A_603 = vector.broadcast %tanh3A_602 : vector<1x1xf32> to vector<1x64xf32>
    %mul3A_604 = arith.mulf %dot_general3A_600, %mul3A_603 : vector<1x64xf32>
    %swap3A_605 = arith.constant 2 : index
    %swap3A_606 = arith.constant 6 : index
    %swap3A_607 = arith.constant 0 : index
    %swap3A_608 = vector.load %arg2[%swap3A_605, %swap3A_606, %swap3A_607] : memref<4x16x64xf32, #tpu.memory_space<vmem>>, vector<1x1x64xf32>
    %swap3A_609 = vector.shape_cast %swap3A_608 : vector<1x1x64xf32> to vector<1x64xf32>
    %swap3A_610 = vector.shape_cast %mul3A_604 : vector<1x64xf32> to vector<1x1x64xf32>
    tpu.vector_store %arg2[%swap3A_605, %swap3A_606, %swap3A_607], %swap3A_610 {strides = array<i32>} : memref<4x16x64xf32, #tpu.memory_space<vmem>>, vector<1x1x64xf32>,
    %slice3A_611 = vector.extract_strided_slice %convert_element_type3A_556 {offsets = [3, 0], sizes = [1, 10000], strides = [1, 1]} : vector<4x10000xf32> to vector<1x10000xf32>
    %get3A_612 = arith.constant 3 : index
    %get3A_613 = arith.constant 0 : index
    %get3A_614 = arith.constant 0 : index
    %get3A_615 = vector.load %arg0[%get3A_612, %get3A_613, %get3A_614] : memref<4x10000x64xf32, #tpu.memory_space<vmem>>, vector<1x10000x64xf32>
    %get3A_616 = vector.shape_cast %get3A_615 : vector<1x10000x64xf32> to vector<10000x64xf32>
    %dot_general3A_617 = arith.constant dense<0.000000e+00> : vector<1x64xf32>
    %dot_general3A_618 = tpu.matmul %slice3A_611, %get3A_616, %dot_general3A_617 {dimension_numbers = #tpu.dot_dimension_numbers<[1], [0], [0], [1], [0, 0, 1, 1], [], []>, transpose_lhs_hint = false} : vector<1x10000xf32>, vector<10000x64xf32>, vector<1x64xf32> -> vector<1x64xf32>
    %slice3A_619 = vector.extract_strided_slice %broadcast_in_dim3A_544 {offsets = [3, 0], sizes = [1, 1], strides = [1, 1]} : vector<4x1xf32> to vector<1x1xf32>
    %tanh3A_620 = math.tanh %slice3A_619 : vector<1x1xf32>
    %mul3A_621 = vector.broadcast %tanh3A_620 : vector<1x1xf32> to vector<1x64xf32>
    %mul3A_622 = arith.mulf %dot_general3A_618, %mul3A_621 : vector<1x64xf32>
    %swap3A_623 = arith.constant 3 : index
    %swap3A_624 = arith.constant 6 : index
    %swap3A_625 = arith.constant 0 : index
    %swap3A_626 = vector.load %arg2[%swap3A_623, %swap3A_624, %swap3A_625] : memref<4x16x64xf32, #tpu.memory_space<vmem>>, vector<1x1x64xf32>
    %swap3A_627 = vector.shape_cast %swap3A_626 : vector<1x1x64xf32> to vector<1x64xf32>
    %swap3A_628 = vector.shape_cast %mul3A_622 : vector<1x64xf32> to vector<1x1x64xf32>
    tpu.vector_store %arg2[%swap3A_623, %swap3A_624, %swap3A_625], %swap3A_628 {strides = array<i32>} : memref<4x16x64xf32, #tpu.memory_space<vmem>>, vector<1x1x64xf32>,
    %eq3A_629 = vector.broadcast %broadcast_in_dim3A_552 : vector<4x1xi32> to vector<4x10000xi32>
    %eq3A_630 = arith.cmpi eq, %iota3A, %eq3A_629 : vector<4x10000xi32>
    %jit3A_631 = arith.constant 0xFF800000 : f32
    %broadcast_in_dim3A_632 = vector.broadcast %jit3A_631 : f32 to vector<4x10000xf32>
    %select_n3A_633 = arith.select %eq3A_630, %broadcast_in_dim3A_632, %select_n3A_541 : vector<4x10000xi1>, vector<4x10000xf32>
    %reduce_max3A_634 = arith.constant dense<0xFF800000> : vector<4xf32>
    %reduce_max3A_635 = vector.multi_reduction <maximumf>, %select_n3A_633, %reduce_max3A_634 [1] : vector<4x10000xf32> to vector<4xf32>
    %broadcast_in_dim3A_636 = vector.shape_cast %reduce_max3A_635 : vector<4xf32> to vector<4x1xf32>
    %eq3A_637 = vector.broadcast %broadcast_in_dim3A_636 : vector<4x1xf32> to vector<4x10000xf32>
    %eq3A_638 = arith.cmpf oeq, %select_n3A_633, %eq3A_637 : vector<4x10000xf32>
    %jit3A_639 = arith.constant 10000 : i32
    %broadcast_in_dim3A_640 = vector.broadcast %jit3A_639 : i32 to vector<4x10000xi32>
    %select_n3A_641 = arith.select %eq3A_638, %iota3A, %broadcast_in_dim3A_640 : vector<4x10000xi1>, vector<4x10000xi32>
    %reduce_min3A_642 = arith.constant dense<2147483647> : vector<4xi32>
    %reduce_min3A_643 = vector.multi_reduction <minsi>, %select_n3A_641, %reduce_min3A_642 [1] : vector<4x10000xi32> to vector<4xi32>
    %broadcast_in_dim3A_644 = vector.shape_cast %reduce_min3A_643 : vector<4xi32> to vector<4x1xi32>
    %eq3A_645 = vector.broadcast %broadcast_in_dim3A_644 : vector<4x1xi32> to vector<4x10000xi32>
    %eq3A_646 = arith.cmpi eq, %iota3A, %eq3A_645 : vector<4x10000xi32>
    %convert_element_type3A_647 = arith.extui %eq3A_646 : vector<4x10000xi1> to vector<4x10000xi32>
    %convert_element_type3A_648 = arith.sitofp %convert_element_type3A_647 : vector<4x10000xi32> to vector<4x10000xf32>
    %slice3A_649 = vector.extract_strided_slice %convert_element_type3A_648 {offsets = [0, 0], sizes = [1, 10000], strides = [1, 1]} : vector<4x10000xf32> to vector<1x10000xf32>
    %get3A_650 = arith.constant 0 : index
    %get3A_651 = arith.constant 0 : index
    %get3A_652 = arith.constant 0 : index
    %get3A_653 = vector.load %arg0[%get3A_650, %get3A_651, %get3A_652] : memref<4x10000x64xf32, #tpu.memory_space<vmem>>, vector<1x10000x64xf32>
    %get3A_654 = vector.shape_cast %get3A_653 : vector<1x10000x64xf32> to vector<10000x64xf32>
    %dot_general3A_655 = arith.constant dense<0.000000e+00> : vector<1x64xf32>
    %dot_general3A_656 = tpu.matmul %slice3A_649, %get3A_654, %dot_general3A_655 {dimension_numbers = #tpu.dot_dimension_numbers<[1], [0], [0], [1], [0, 0, 1, 1], [], []>, transpose_lhs_hint = false} : vector<1x10000xf32>, vector<10000x64xf32>, vector<1x64xf32> -> vector<1x64xf32>
    %slice3A_657 = vector.extract_strided_slice %broadcast_in_dim3A_636 {offsets = [0, 0], sizes = [1, 1], strides = [1, 1]} : vector<4x1xf32> to vector<1x1xf32>
    %tanh3A_658 = math.tanh %slice3A_657 : vector<1x1xf32>
    %mul3A_659 = vector.broadcast %tanh3A_658 : vector<1x1xf32> to vector<1x64xf32>
    %mul3A_660 = arith.mulf %dot_general3A_656, %mul3A_659 : vector<1x64xf32>
    %swap3A_661 = arith.constant 0 : index
    %swap3A_662 = arith.constant 7 : index
    %swap3A_663 = arith.constant 0 : index
    %swap3A_664 = vector.load %arg2[%swap3A_661, %swap3A_662, %swap3A_663] : memref<4x16x64xf32, #tpu.memory_space<vmem>>, vector<1x1x64xf32>
    %swap3A_665 = vector.shape_cast %swap3A_664 : vector<1x1x64xf32> to vector<1x64xf32>
    %swap3A_666 = vector.shape_cast %mul3A_660 : vector<1x64xf32> to vector<1x1x64xf32>
    tpu.vector_store %arg2[%swap3A_661, %swap3A_662, %swap3A_663], %swap3A_666 {strides = array<i32>} : memref<4x16x64xf32, #tpu.memory_space<vmem>>, vector<1x1x64xf32>,
    %slice3A_667 = vector.extract_strided_slice %convert_element_type3A_648 {offsets = [1, 0], sizes = [1, 10000], strides = [1, 1]} : vector<4x10000xf32> to vector<1x10000xf32>
    %get3A_668 = arith.constant 1 : index
    %get3A_669 = arith.constant 0 : index
    %get3A_670 = arith.constant 0 : index
    %get3A_671 = vector.load %arg0[%get3A_668, %get3A_669, %get3A_670] : memref<4x10000x64xf32, #tpu.memory_space<vmem>>, vector<1x10000x64xf32>
    %get3A_672 = vector.shape_cast %get3A_671 : vector<1x10000x64xf32> to vector<10000x64xf32>
    %dot_general3A_673 = arith.constant dense<0.000000e+00> : vector<1x64xf32>
    %dot_general3A_674 = tpu.matmul %slice3A_667, %get3A_672, %dot_general3A_673 {dimension_numbers = #tpu.dot_dimension_numbers<[1], [0], [0], [1], [0, 0, 1, 1], [], []>, transpose_lhs_hint = false} : vector<1x10000xf32>, vector<10000x64xf32>, vector<1x64xf32> -> vector<1x64xf32>
    %slice3A_675 = vector.extract_strided_slice %broadcast_in_dim3A_636 {offsets = [1, 0], sizes = [1, 1], strides = [1, 1]} : vector<4x1xf32> to vector<1x1xf32>
    %tanh3A_676 = math.tanh %slice3A_675 : vector<1x1xf32>
    %mul3A_677 = vector.broadcast %tanh3A_676 : vector<1x1xf32> to vector<1x64xf32>
    %mul3A_678 = arith.mulf %dot_general3A_674, %mul3A_677 : vector<1x64xf32>
    %swap3A_679 = arith.constant 1 : index
    %swap3A_680 = arith.constant 7 : index
    %swap3A_681 = arith.constant 0 : index
    %swap3A_682 = vector.load %arg2[%swap3A_679, %swap3A_680, %swap3A_681] : memref<4x16x64xf32, #tpu.memory_space<vmem>>, vector<1x1x64xf32>
    %swap3A_683 = vector.shape_cast %swap3A_682 : vector<1x1x64xf32> to vector<1x64xf32>
    %swap3A_684 = vector.shape_cast %mul3A_678 : vector<1x64xf32> to vector<1x1x64xf32>
    tpu.vector_store %arg2[%swap3A_679, %swap3A_680, %swap3A_681], %swap3A_684 {strides = array<i32>} : memref<4x16x64xf32, #tpu.memory_space<vmem>>, vector<1x1x64xf32>,
    %slice3A_685 = vector.extract_strided_slice %convert_element_type3A_648 {offsets = [2, 0], sizes = [1, 10000], strides = [1, 1]} : vector<4x10000xf32> to vector<1x10000xf32>
    %get3A_686 = arith.constant 2 : index
    %get3A_687 = arith.constant 0 : index
    %get3A_688 = arith.constant 0 : index
    %get3A_689 = vector.load %arg0[%get3A_686, %get3A_687, %get3A_688] : memref<4x10000x64xf32, #tpu.memory_space<vmem>>, vector<1x10000x64xf32>
    %get3A_690 = vector.shape_cast %get3A_689 : vector<1x10000x64xf32> to vector<10000x64xf32>
    %dot_general3A_691 = arith.constant dense<0.000000e+00> : vector<1x64xf32>
    %dot_general3A_692 = tpu.matmul %slice3A_685, %get3A_690, %dot_general3A_691 {dimension_numbers = #tpu.dot_dimension_numbers<[1], [0], [0], [1], [0, 0, 1, 1], [], []>, transpose_lhs_hint = false} : vector<1x10000xf32>, vector<10000x64xf32>, vector<1x64xf32> -> vector<1x64xf32>
    %slice3A_693 = vector.extract_strided_slice %broadcast_in_dim3A_636 {offsets = [2, 0], sizes = [1, 1], strides = [1, 1]} : vector<4x1xf32> to vector<1x1xf32>
    %tanh3A_694 = math.tanh %slice3A_693 : vector<1x1xf32>
    %mul3A_695 = vector.broadcast %tanh3A_694 : vector<1x1xf32> to vector<1x64xf32>
    %mul3A_696 = arith.mulf %dot_general3A_692, %mul3A_695 : vector<1x64xf32>
    %swap3A_697 = arith.constant 2 : index
    %swap3A_698 = arith.constant 7 : index
    %swap3A_699 = arith.constant 0 : index
    %swap3A_700 = vector.load %arg2[%swap3A_697, %swap3A_698, %swap3A_699] : memref<4x16x64xf32, #tpu.memory_space<vmem>>, vector<1x1x64xf32>
    %swap3A_701 = vector.shape_cast %swap3A_700 : vector<1x1x64xf32> to vector<1x64xf32>
    %swap3A_702 = vector.shape_cast %mul3A_696 : vector<1x64xf32> to vector<1x1x64xf32>
    tpu.vector_store %arg2[%swap3A_697, %swap3A_698, %swap3A_699], %swap3A_702 {strides = array<i32>} : memref<4x16x64xf32, #tpu.memory_space<vmem>>, vector<1x1x64xf32>,
    %slice3A_703 = vector.extract_strided_slice %convert_element_type3A_648 {offsets = [3, 0], sizes = [1, 10000], strides = [1, 1]} : vector<4x10000xf32> to vector<1x10000xf32>
    %get3A_704 = arith.constant 3 : index
    %get3A_705 = arith.constant 0 : index
    %get3A_706 = arith.constant 0 : index
    %get3A_707 = vector.load %arg0[%get3A_704, %get3A_705, %get3A_706] : memref<4x10000x64xf32, #tpu.memory_space<vmem>>, vector<1x10000x64xf32>
    %get3A_708 = vector.shape_cast %get3A_707 : vector<1x10000x64xf32> to vector<10000x64xf32>
    %dot_general3A_709 = arith.constant dense<0.000000e+00> : vector<1x64xf32>
    %dot_general3A_710 = tpu.matmul %slice3A_703, %get3A_708, %dot_general3A_709 {dimension_numbers = #tpu.dot_dimension_numbers<[1], [0], [0], [1], [0, 0, 1, 1], [], []>, transpose_lhs_hint = false} : vector<1x10000xf32>, vector<10000x64xf32>, vector<1x64xf32> -> vector<1x64xf32>
    %slice3A_711 = vector.extract_strided_slice %broadcast_in_dim3A_636 {offsets = [3, 0], sizes = [1, 1], strides = [1, 1]} : vector<4x1xf32> to vector<1x1xf32>
    %tanh3A_712 = math.tanh %slice3A_711 : vector<1x1xf32>
    %mul3A_713 = vector.broadcast %tanh3A_712 : vector<1x1xf32> to vector<1x64xf32>
    %mul3A_714 = arith.mulf %dot_general3A_710, %mul3A_713 : vector<1x64xf32>
    %swap3A_715 = arith.constant 3 : index
    %swap3A_716 = arith.constant 7 : index
    %swap3A_717 = arith.constant 0 : index
    %swap3A_718 = vector.load %arg2[%swap3A_715, %swap3A_716, %swap3A_717] : memref<4x16x64xf32, #tpu.memory_space<vmem>>, vector<1x1x64xf32>
    %swap3A_719 = vector.shape_cast %swap3A_718 : vector<1x1x64xf32> to vector<1x64xf32>
    %swap3A_720 = vector.shape_cast %mul3A_714 : vector<1x64xf32> to vector<1x1x64xf32>
    tpu.vector_store %arg2[%swap3A_715, %swap3A_716, %swap3A_717], %swap3A_720 {strides = array<i32>} : memref<4x16x64xf32, #tpu.memory_space<vmem>>, vector<1x1x64xf32>,
    %eq3A_721 = vector.broadcast %broadcast_in_dim3A_644 : vector<4x1xi32> to vector<4x10000xi32>
    %eq3A_722 = arith.cmpi eq, %iota3A, %eq3A_721 : vector<4x10000xi32>
    %jit3A_723 = arith.constant 0xFF800000 : f32
    %broadcast_in_dim3A_724 = vector.broadcast %jit3A_723 : f32 to vector<4x10000xf32>
    %select_n3A_725 = arith.select %eq3A_722, %broadcast_in_dim3A_724, %select_n3A_633 : vector<4x10000xi1>, vector<4x10000xf32>
    %reduce_max3A_726 = arith.constant dense<0xFF800000> : vector<4xf32>
    %reduce_max3A_727 = vector.multi_reduction <maximumf>, %select_n3A_725, %reduce_max3A_726 [1] : vector<4x10000xf32> to vector<4xf32>
    %broadcast_in_dim3A_728 = vector.shape_cast %reduce_max3A_727 : vector<4xf32> to vector<4x1xf32>
    %eq3A_729 = vector.broadcast %broadcast_in_dim3A_728 : vector<4x1xf32> to vector<4x10000xf32>
    %eq3A_730 = arith.cmpf oeq, %select_n3A_725, %eq3A_729 : vector<4x10000xf32>
    %jit3A_731 = arith.constant 10000 : i32
    %broadcast_in_dim3A_732 = vector.broadcast %jit3A_731 : i32 to vector<4x10000xi32>
    %select_n3A_733 = arith.select %eq3A_730, %iota3A, %broadcast_in_dim3A_732 : vector<4x10000xi1>, vector<4x10000xi32>
    %reduce_min3A_734 = arith.constant dense<2147483647> : vector<4xi32>
    %reduce_min3A_735 = vector.multi_reduction <minsi>, %select_n3A_733, %reduce_min3A_734 [1] : vector<4x10000xi32> to vector<4xi32>
    %broadcast_in_dim3A_736 = vector.shape_cast %reduce_min3A_735 : vector<4xi32> to vector<4x1xi32>
    %eq3A_737 = vector.broadcast %broadcast_in_dim3A_736 : vector<4x1xi32> to vector<4x10000xi32>
    %eq3A_738 = arith.cmpi eq, %iota3A, %eq3A_737 : vector<4x10000xi32>
    %convert_element_type3A_739 = arith.extui %eq3A_738 : vector<4x10000xi1> to vector<4x10000xi32>
    %convert_element_type3A_740 = arith.sitofp %convert_element_type3A_739 : vector<4x10000xi32> to vector<4x10000xf32>
    %slice3A_741 = vector.extract_strided_slice %convert_element_type3A_740 {offsets = [0, 0], sizes = [1, 10000], strides = [1, 1]} : vector<4x10000xf32> to vector<1x10000xf32>
    %get3A_742 = arith.constant 0 : index
    %get3A_743 = arith.constant 0 : index
    %get3A_744 = arith.constant 0 : index
    %get3A_745 = vector.load %arg0[%get3A_742, %get3A_743, %get3A_744] : memref<4x10000x64xf32, #tpu.memory_space<vmem>>, vector<1x10000x64xf32>
    %get3A_746 = vector.shape_cast %get3A_745 : vector<1x10000x64xf32> to vector<10000x64xf32>
    %dot_general3A_747 = arith.constant dense<0.000000e+00> : vector<1x64xf32>
    %dot_general3A_748 = tpu.matmul %slice3A_741, %get3A_746, %dot_general3A_747 {dimension_numbers = #tpu.dot_dimension_numbers<[1], [0], [0], [1], [0, 0, 1, 1], [], []>, transpose_lhs_hint = false} : vector<1x10000xf32>, vector<10000x64xf32>, vector<1x64xf32> -> vector<1x64xf32>
    %slice3A_749 = vector.extract_strided_slice %broadcast_in_dim3A_728 {offsets = [0, 0], sizes = [1, 1], strides = [1, 1]} : vector<4x1xf32> to vector<1x1xf32>
    %tanh3A_750 = math.tanh %slice3A_749 : vector<1x1xf32>
    %mul3A_751 = vector.broadcast %tanh3A_750 : vector<1x1xf32> to vector<1x64xf32>
    %mul3A_752 = arith.mulf %dot_general3A_748, %mul3A_751 : vector<1x64xf32>
    %swap3A_753 = arith.constant 0 : index
    %swap3A_754 = arith.constant 8 : index
    %swap3A_755 = arith.constant 0 : index
    %swap3A_756 = vector.load %arg2[%swap3A_753, %swap3A_754, %swap3A_755] : memref<4x16x64xf32, #tpu.memory_space<vmem>>, vector<1x1x64xf32>
    %swap3A_757 = vector.shape_cast %swap3A_756 : vector<1x1x64xf32> to vector<1x64xf32>
    %swap3A_758 = vector.shape_cast %mul3A_752 : vector<1x64xf32> to vector<1x1x64xf32>
    tpu.vector_store %arg2[%swap3A_753, %swap3A_754, %swap3A_755], %swap3A_758 {strides = array<i32>} : memref<4x16x64xf32, #tpu.memory_space<vmem>>, vector<1x1x64xf32>,
    %slice3A_759 = vector.extract_strided_slice %convert_element_type3A_740 {offsets = [1, 0], sizes = [1, 10000], strides = [1, 1]} : vector<4x10000xf32> to vector<1x10000xf32>
    %get3A_760 = arith.constant 1 : index
    %get3A_761 = arith.constant 0 : index
    %get3A_762 = arith.constant 0 : index
    %get3A_763 = vector.load %arg0[%get3A_760, %get3A_761, %get3A_762] : memref<4x10000x64xf32, #tpu.memory_space<vmem>>, vector<1x10000x64xf32>
    %get3A_764 = vector.shape_cast %get3A_763 : vector<1x10000x64xf32> to vector<10000x64xf32>
    %dot_general3A_765 = arith.constant dense<0.000000e+00> : vector<1x64xf32>
    %dot_general3A_766 = tpu.matmul %slice3A_759, %get3A_764, %dot_general3A_765 {dimension_numbers = #tpu.dot_dimension_numbers<[1], [0], [0], [1], [0, 0, 1, 1], [], []>, transpose_lhs_hint = false} : vector<1x10000xf32>, vector<10000x64xf32>, vector<1x64xf32> -> vector<1x64xf32>
    %slice3A_767 = vector.extract_strided_slice %broadcast_in_dim3A_728 {offsets = [1, 0], sizes = [1, 1], strides = [1, 1]} : vector<4x1xf32> to vector<1x1xf32>
    %tanh3A_768 = math.tanh %slice3A_767 : vector<1x1xf32>
    %mul3A_769 = vector.broadcast %tanh3A_768 : vector<1x1xf32> to vector<1x64xf32>
    %mul3A_770 = arith.mulf %dot_general3A_766, %mul3A_769 : vector<1x64xf32>
    %swap3A_771 = arith.constant 1 : index
    %swap3A_772 = arith.constant 8 : index
    %swap3A_773 = arith.constant 0 : index
    %swap3A_774 = vector.load %arg2[%swap3A_771, %swap3A_772, %swap3A_773] : memref<4x16x64xf32, #tpu.memory_space<vmem>>, vector<1x1x64xf32>
    %swap3A_775 = vector.shape_cast %swap3A_774 : vector<1x1x64xf32> to vector<1x64xf32>
    %swap3A_776 = vector.shape_cast %mul3A_770 : vector<1x64xf32> to vector<1x1x64xf32>
    tpu.vector_store %arg2[%swap3A_771, %swap3A_772, %swap3A_773], %swap3A_776 {strides = array<i32>} : memref<4x16x64xf32, #tpu.memory_space<vmem>>, vector<1x1x64xf32>,
    %slice3A_777 = vector.extract_strided_slice %convert_element_type3A_740 {offsets = [2, 0], sizes = [1, 10000], strides = [1, 1]} : vector<4x10000xf32> to vector<1x10000xf32>
    %get3A_778 = arith.constant 2 : index
    %get3A_779 = arith.constant 0 : index
    %get3A_780 = arith.constant 0 : index
    %get3A_781 = vector.load %arg0[%get3A_778, %get3A_779, %get3A_780] : memref<4x10000x64xf32, #tpu.memory_space<vmem>>, vector<1x10000x64xf32>
    %get3A_782 = vector.shape_cast %get3A_781 : vector<1x10000x64xf32> to vector<10000x64xf32>
    %dot_general3A_783 = arith.constant dense<0.000000e+00> : vector<1x64xf32>
    %dot_general3A_784 = tpu.matmul %slice3A_777, %get3A_782, %dot_general3A_783 {dimension_numbers = #tpu.dot_dimension_numbers<[1], [0], [0], [1], [0, 0, 1, 1], [], []>, transpose_lhs_hint = false} : vector<1x10000xf32>, vector<10000x64xf32>, vector<1x64xf32> -> vector<1x64xf32>
    %slice3A_785 = vector.extract_strided_slice %broadcast_in_dim3A_728 {offsets = [2, 0], sizes = [1, 1], strides = [1, 1]} : vector<4x1xf32> to vector<1x1xf32>
    %tanh3A_786 = math.tanh %slice3A_785 : vector<1x1xf32>
    %mul3A_787 = vector.broadcast %tanh3A_786 : vector<1x1xf32> to vector<1x64xf32>
    %mul3A_788 = arith.mulf %dot_general3A_784, %mul3A_787 : vector<1x64xf32>
    %swap3A_789 = arith.constant 2 : index
    %swap3A_790 = arith.constant 8 : index
    %swap3A_791 = arith.constant 0 : index
    %swap3A_792 = vector.load %arg2[%swap3A_789, %swap3A_790, %swap3A_791] : memref<4x16x64xf32, #tpu.memory_space<vmem>>, vector<1x1x64xf32>
    %swap3A_793 = vector.shape_cast %swap3A_792 : vector<1x1x64xf32> to vector<1x64xf32>
    %swap3A_794 = vector.shape_cast %mul3A_788 : vector<1x64xf32> to vector<1x1x64xf32>
    tpu.vector_store %arg2[%swap3A_789, %swap3A_790, %swap3A_791], %swap3A_794 {strides = array<i32>} : memref<4x16x64xf32, #tpu.memory_space<vmem>>, vector<1x1x64xf32>,
    %slice3A_795 = vector.extract_strided_slice %convert_element_type3A_740 {offsets = [3, 0], sizes = [1, 10000], strides = [1, 1]} : vector<4x10000xf32> to vector<1x10000xf32>
    %get3A_796 = arith.constant 3 : index
    %get3A_797 = arith.constant 0 : index
    %get3A_798 = arith.constant 0 : index
    %get3A_799 = vector.load %arg0[%get3A_796, %get3A_797, %get3A_798] : memref<4x10000x64xf32, #tpu.memory_space<vmem>>, vector<1x10000x64xf32>
    %get3A_800 = vector.shape_cast %get3A_799 : vector<1x10000x64xf32> to vector<10000x64xf32>
    %dot_general3A_801 = arith.constant dense<0.000000e+00> : vector<1x64xf32>
    %dot_general3A_802 = tpu.matmul %slice3A_795, %get3A_800, %dot_general3A_801 {dimension_numbers = #tpu.dot_dimension_numbers<[1], [0], [0], [1], [0, 0, 1, 1], [], []>, transpose_lhs_hint = false} : vector<1x10000xf32>, vector<10000x64xf32>, vector<1x64xf32> -> vector<1x64xf32>
    %slice3A_803 = vector.extract_strided_slice %broadcast_in_dim3A_728 {offsets = [3, 0], sizes = [1, 1], strides = [1, 1]} : vector<4x1xf32> to vector<1x1xf32>
    %tanh3A_804 = math.tanh %slice3A_803 : vector<1x1xf32>
    %mul3A_805 = vector.broadcast %tanh3A_804 : vector<1x1xf32> to vector<1x64xf32>
    %mul3A_806 = arith.mulf %dot_general3A_802, %mul3A_805 : vector<1x64xf32>
    %swap3A_807 = arith.constant 3 : index
    %swap3A_808 = arith.constant 8 : index
    %swap3A_809 = arith.constant 0 : index
    %swap3A_810 = vector.load %arg2[%swap3A_807, %swap3A_808, %swap3A_809] : memref<4x16x64xf32, #tpu.memory_space<vmem>>, vector<1x1x64xf32>
    %swap3A_811 = vector.shape_cast %swap3A_810 : vector<1x1x64xf32> to vector<1x64xf32>
    %swap3A_812 = vector.shape_cast %mul3A_806 : vector<1x64xf32> to vector<1x1x64xf32>
    tpu.vector_store %arg2[%swap3A_807, %swap3A_808, %swap3A_809], %swap3A_812 {strides = array<i32>} : memref<4x16x64xf32, #tpu.memory_space<vmem>>, vector<1x1x64xf32>,
    %eq3A_813 = vector.broadcast %broadcast_in_dim3A_736 : vector<4x1xi32> to vector<4x10000xi32>
    %eq3A_814 = arith.cmpi eq, %iota3A, %eq3A_813 : vector<4x10000xi32>
    %jit3A_815 = arith.constant 0xFF800000 : f32
    %broadcast_in_dim3A_816 = vector.broadcast %jit3A_815 : f32 to vector<4x10000xf32>
    %select_n3A_817 = arith.select %eq3A_814, %broadcast_in_dim3A_816, %select_n3A_725 : vector<4x10000xi1>, vector<4x10000xf32>
    %reduce_max3A_818 = arith.constant dense<0xFF800000> : vector<4xf32>
    %reduce_max3A_819 = vector.multi_reduction <maximumf>, %select_n3A_817, %reduce_max3A_818 [1] : vector<4x10000xf32> to vector<4xf32>
    %broadcast_in_dim3A_820 = vector.shape_cast %reduce_max3A_819 : vector<4xf32> to vector<4x1xf32>
    %eq3A_821 = vector.broadcast %broadcast_in_dim3A_820 : vector<4x1xf32> to vector<4x10000xf32>
    %eq3A_822 = arith.cmpf oeq, %select_n3A_817, %eq3A_821 : vector<4x10000xf32>
    %jit3A_823 = arith.constant 10000 : i32
    %broadcast_in_dim3A_824 = vector.broadcast %jit3A_823 : i32 to vector<4x10000xi32>
    %select_n3A_825 = arith.select %eq3A_822, %iota3A, %broadcast_in_dim3A_824 : vector<4x10000xi1>, vector<4x10000xi32>
    %reduce_min3A_826 = arith.constant dense<2147483647> : vector<4xi32>
    %reduce_min3A_827 = vector.multi_reduction <minsi>, %select_n3A_825, %reduce_min3A_826 [1] : vector<4x10000xi32> to vector<4xi32>
    %broadcast_in_dim3A_828 = vector.shape_cast %reduce_min3A_827 : vector<4xi32> to vector<4x1xi32>
    %eq3A_829 = vector.broadcast %broadcast_in_dim3A_828 : vector<4x1xi32> to vector<4x10000xi32>
    %eq3A_830 = arith.cmpi eq, %iota3A, %eq3A_829 : vector<4x10000xi32>
    %convert_element_type3A_831 = arith.extui %eq3A_830 : vector<4x10000xi1> to vector<4x10000xi32>
    %convert_element_type3A_832 = arith.sitofp %convert_element_type3A_831 : vector<4x10000xi32> to vector<4x10000xf32>
    %slice3A_833 = vector.extract_strided_slice %convert_element_type3A_832 {offsets = [0, 0], sizes = [1, 10000], strides = [1, 1]} : vector<4x10000xf32> to vector<1x10000xf32>
    %get3A_834 = arith.constant 0 : index
    %get3A_835 = arith.constant 0 : index
    %get3A_836 = arith.constant 0 : index
    %get3A_837 = vector.load %arg0[%get3A_834, %get3A_835, %get3A_836] : memref<4x10000x64xf32, #tpu.memory_space<vmem>>, vector<1x10000x64xf32>
    %get3A_838 = vector.shape_cast %get3A_837 : vector<1x10000x64xf32> to vector<10000x64xf32>
    %dot_general3A_839 = arith.constant dense<0.000000e+00> : vector<1x64xf32>
    %dot_general3A_840 = tpu.matmul %slice3A_833, %get3A_838, %dot_general3A_839 {dimension_numbers = #tpu.dot_dimension_numbers<[1], [0], [0], [1], [0, 0, 1, 1], [], []>, transpose_lhs_hint = false} : vector<1x10000xf32>, vector<10000x64xf32>, vector<1x64xf32> -> vector<1x64xf32>
    %slice3A_841 = vector.extract_strided_slice %broadcast_in_dim3A_820 {offsets = [0, 0], sizes = [1, 1], strides = [1, 1]} : vector<4x1xf32> to vector<1x1xf32>
    %tanh3A_842 = math.tanh %slice3A_841 : vector<1x1xf32>
    %mul3A_843 = vector.broadcast %tanh3A_842 : vector<1x1xf32> to vector<1x64xf32>
    %mul3A_844 = arith.mulf %dot_general3A_840, %mul3A_843 : vector<1x64xf32>
    %swap3A_845 = arith.constant 0 : index
    %swap3A_846 = arith.constant 9 : index
    %swap3A_847 = arith.constant 0 : index
    %swap3A_848 = vector.load %arg2[%swap3A_845, %swap3A_846, %swap3A_847] : memref<4x16x64xf32, #tpu.memory_space<vmem>>, vector<1x1x64xf32>
    %swap3A_849 = vector.shape_cast %swap3A_848 : vector<1x1x64xf32> to vector<1x64xf32>
    %swap3A_850 = vector.shape_cast %mul3A_844 : vector<1x64xf32> to vector<1x1x64xf32>
    tpu.vector_store %arg2[%swap3A_845, %swap3A_846, %swap3A_847], %swap3A_850 {strides = array<i32>} : memref<4x16x64xf32, #tpu.memory_space<vmem>>, vector<1x1x64xf32>,
    %slice3A_851 = vector.extract_strided_slice %convert_element_type3A_832 {offsets = [1, 0], sizes = [1, 10000], strides = [1, 1]} : vector<4x10000xf32> to vector<1x10000xf32>
    %get3A_852 = arith.constant 1 : index
    %get3A_853 = arith.constant 0 : index
    %get3A_854 = arith.constant 0 : index
    %get3A_855 = vector.load %arg0[%get3A_852, %get3A_853, %get3A_854] : memref<4x10000x64xf32, #tpu.memory_space<vmem>>, vector<1x10000x64xf32>
    %get3A_856 = vector.shape_cast %get3A_855 : vector<1x10000x64xf32> to vector<10000x64xf32>
    %dot_general3A_857 = arith.constant dense<0.000000e+00> : vector<1x64xf32>
    %dot_general3A_858 = tpu.matmul %slice3A_851, %get3A_856, %dot_general3A_857 {dimension_numbers = #tpu.dot_dimension_numbers<[1], [0], [0], [1], [0, 0, 1, 1], [], []>, transpose_lhs_hint = false} : vector<1x10000xf32>, vector<10000x64xf32>, vector<1x64xf32> -> vector<1x64xf32>
    %slice3A_859 = vector.extract_strided_slice %broadcast_in_dim3A_820 {offsets = [1, 0], sizes = [1, 1], strides = [1, 1]} : vector<4x1xf32> to vector<1x1xf32>
    %tanh3A_860 = math.tanh %slice3A_859 : vector<1x1xf32>
    %mul3A_861 = vector.broadcast %tanh3A_860 : vector<1x1xf32> to vector<1x64xf32>
    %mul3A_862 = arith.mulf %dot_general3A_858, %mul3A_861 : vector<1x64xf32>
    %swap3A_863 = arith.constant 1 : index
    %swap3A_864 = arith.constant 9 : index
    %swap3A_865 = arith.constant 0 : index
    %swap3A_866 = vector.load %arg2[%swap3A_863, %swap3A_864, %swap3A_865] : memref<4x16x64xf32, #tpu.memory_space<vmem>>, vector<1x1x64xf32>
    %swap3A_867 = vector.shape_cast %swap3A_866 : vector<1x1x64xf32> to vector<1x64xf32>
    %swap3A_868 = vector.shape_cast %mul3A_862 : vector<1x64xf32> to vector<1x1x64xf32>
    tpu.vector_store %arg2[%swap3A_863, %swap3A_864, %swap3A_865], %swap3A_868 {strides = array<i32>} : memref<4x16x64xf32, #tpu.memory_space<vmem>>, vector<1x1x64xf32>,
    %slice3A_869 = vector.extract_strided_slice %convert_element_type3A_832 {offsets = [2, 0], sizes = [1, 10000], strides = [1, 1]} : vector<4x10000xf32> to vector<1x10000xf32>
    %get3A_870 = arith.constant 2 : index
    %get3A_871 = arith.constant 0 : index
    %get3A_872 = arith.constant 0 : index
    %get3A_873 = vector.load %arg0[%get3A_870, %get3A_871, %get3A_872] : memref<4x10000x64xf32, #tpu.memory_space<vmem>>, vector<1x10000x64xf32>
    %get3A_874 = vector.shape_cast %get3A_873 : vector<1x10000x64xf32> to vector<10000x64xf32>
    %dot_general3A_875 = arith.constant dense<0.000000e+00> : vector<1x64xf32>
    %dot_general3A_876 = tpu.matmul %slice3A_869, %get3A_874, %dot_general3A_875 {dimension_numbers = #tpu.dot_dimension_numbers<[1], [0], [0], [1], [0, 0, 1, 1], [], []>, transpose_lhs_hint = false} : vector<1x10000xf32>, vector<10000x64xf32>, vector<1x64xf32> -> vector<1x64xf32>
    %slice3A_877 = vector.extract_strided_slice %broadcast_in_dim3A_820 {offsets = [2, 0], sizes = [1, 1], strides = [1, 1]} : vector<4x1xf32> to vector<1x1xf32>
    %tanh3A_878 = math.tanh %slice3A_877 : vector<1x1xf32>
    %mul3A_879 = vector.broadcast %tanh3A_878 : vector<1x1xf32> to vector<1x64xf32>
    %mul3A_880 = arith.mulf %dot_general3A_876, %mul3A_879 : vector<1x64xf32>
    %swap3A_881 = arith.constant 2 : index
    %swap3A_882 = arith.constant 9 : index
    %swap3A_883 = arith.constant 0 : index
    %swap3A_884 = vector.load %arg2[%swap3A_881, %swap3A_882, %swap3A_883] : memref<4x16x64xf32, #tpu.memory_space<vmem>>, vector<1x1x64xf32>
    %swap3A_885 = vector.shape_cast %swap3A_884 : vector<1x1x64xf32> to vector<1x64xf32>
    %swap3A_886 = vector.shape_cast %mul3A_880 : vector<1x64xf32> to vector<1x1x64xf32>
    tpu.vector_store %arg2[%swap3A_881, %swap3A_882, %swap3A_883], %swap3A_886 {strides = array<i32>} : memref<4x16x64xf32, #tpu.memory_space<vmem>>, vector<1x1x64xf32>,
    %slice3A_887 = vector.extract_strided_slice %convert_element_type3A_832 {offsets = [3, 0], sizes = [1, 10000], strides = [1, 1]} : vector<4x10000xf32> to vector<1x10000xf32>
    %get3A_888 = arith.constant 3 : index
    %get3A_889 = arith.constant 0 : index
    %get3A_890 = arith.constant 0 : index
    %get3A_891 = vector.load %arg0[%get3A_888, %get3A_889, %get3A_890] : memref<4x10000x64xf32, #tpu.memory_space<vmem>>, vector<1x10000x64xf32>
    %get3A_892 = vector.shape_cast %get3A_891 : vector<1x10000x64xf32> to vector<10000x64xf32>
    %dot_general3A_893 = arith.constant dense<0.000000e+00> : vector<1x64xf32>
    %dot_general3A_894 = tpu.matmul %slice3A_887, %get3A_892, %dot_general3A_893 {dimension_numbers = #tpu.dot_dimension_numbers<[1], [0], [0], [1], [0, 0, 1, 1], [], []>, transpose_lhs_hint = false} : vector<1x10000xf32>, vector<10000x64xf32>, vector<1x64xf32> -> vector<1x64xf32>
    %slice3A_895 = vector.extract_strided_slice %broadcast_in_dim3A_820 {offsets = [3, 0], sizes = [1, 1], strides = [1, 1]} : vector<4x1xf32> to vector<1x1xf32>
    %tanh3A_896 = math.tanh %slice3A_895 : vector<1x1xf32>
    %mul3A_897 = vector.broadcast %tanh3A_896 : vector<1x1xf32> to vector<1x64xf32>
    %mul3A_898 = arith.mulf %dot_general3A_894, %mul3A_897 : vector<1x64xf32>
    %swap3A_899 = arith.constant 3 : index
    %swap3A_900 = arith.constant 9 : index
    %swap3A_901 = arith.constant 0 : index
    %swap3A_902 = vector.load %arg2[%swap3A_899, %swap3A_900, %swap3A_901] : memref<4x16x64xf32, #tpu.memory_space<vmem>>, vector<1x1x64xf32>
    %swap3A_903 = vector.shape_cast %swap3A_902 : vector<1x1x64xf32> to vector<1x64xf32>
    %swap3A_904 = vector.shape_cast %mul3A_898 : vector<1x64xf32> to vector<1x1x64xf32>
    tpu.vector_store %arg2[%swap3A_899, %swap3A_900, %swap3A_901], %swap3A_904 {strides = array<i32>} : memref<4x16x64xf32, #tpu.memory_space<vmem>>, vector<1x1x64xf32>,
    %eq3A_905 = vector.broadcast %broadcast_in_dim3A_828 : vector<4x1xi32> to vector<4x10000xi32>
    %eq3A_906 = arith.cmpi eq, %iota3A, %eq3A_905 : vector<4x10000xi32>
    %jit3A_907 = arith.constant 0xFF800000 : f32
    %broadcast_in_dim3A_908 = vector.broadcast %jit3A_907 : f32 to vector<4x10000xf32>
    %select_n3A_909 = arith.select %eq3A_906, %broadcast_in_dim3A_908, %select_n3A_817 : vector<4x10000xi1>, vector<4x10000xf32>
    %reduce_max3A_910 = arith.constant dense<0xFF800000> : vector<4xf32>
    %reduce_max3A_911 = vector.multi_reduction <maximumf>, %select_n3A_909, %reduce_max3A_910 [1] : vector<4x10000xf32> to vector<4xf32>
    %broadcast_in_dim3A_912 = vector.shape_cast %reduce_max3A_911 : vector<4xf32> to vector<4x1xf32>
    %eq3A_913 = vector.broadcast %broadcast_in_dim3A_912 : vector<4x1xf32> to vector<4x10000xf32>
    %eq3A_914 = arith.cmpf oeq, %select_n3A_909, %eq3A_913 : vector<4x10000xf32>
    %jit3A_915 = arith.constant 10000 : i32
    %broadcast_in_dim3A_916 = vector.broadcast %jit3A_915 : i32 to vector<4x10000xi32>
    %select_n3A_917 = arith.select %eq3A_914, %iota3A, %broadcast_in_dim3A_916 : vector<4x10000xi1>, vector<4x10000xi32>
    %reduce_min3A_918 = arith.constant dense<2147483647> : vector<4xi32>
    %reduce_min3A_919 = vector.multi_reduction <minsi>, %select_n3A_917, %reduce_min3A_918 [1] : vector<4x10000xi32> to vector<4xi32>
    %broadcast_in_dim3A_920 = vector.shape_cast %reduce_min3A_919 : vector<4xi32> to vector<4x1xi32>
    %eq3A_921 = vector.broadcast %broadcast_in_dim3A_920 : vector<4x1xi32> to vector<4x10000xi32>
    %eq3A_922 = arith.cmpi eq, %iota3A, %eq3A_921 : vector<4x10000xi32>
    %convert_element_type3A_923 = arith.extui %eq3A_922 : vector<4x10000xi1> to vector<4x10000xi32>
    %convert_element_type3A_924 = arith.sitofp %convert_element_type3A_923 : vector<4x10000xi32> to vector<4x10000xf32>
    %slice3A_925 = vector.extract_strided_slice %convert_element_type3A_924 {offsets = [0, 0], sizes = [1, 10000], strides = [1, 1]} : vector<4x10000xf32> to vector<1x10000xf32>
    %get3A_926 = arith.constant 0 : index
    %get3A_927 = arith.constant 0 : index
    %get3A_928 = arith.constant 0 : index
    %get3A_929 = vector.load %arg0[%get3A_926, %get3A_927, %get3A_928] : memref<4x10000x64xf32, #tpu.memory_space<vmem>>, vector<1x10000x64xf32>
    %get3A_930 = vector.shape_cast %get3A_929 : vector<1x10000x64xf32> to vector<10000x64xf32>
    %dot_general3A_931 = arith.constant dense<0.000000e+00> : vector<1x64xf32>
    %dot_general3A_932 = tpu.matmul %slice3A_925, %get3A_930, %dot_general3A_931 {dimension_numbers = #tpu.dot_dimension_numbers<[1], [0], [0], [1], [0, 0, 1, 1], [], []>, transpose_lhs_hint = false} : vector<1x10000xf32>, vector<10000x64xf32>, vector<1x64xf32> -> vector<1x64xf32>
    %slice3A_933 = vector.extract_strided_slice %broadcast_in_dim3A_912 {offsets = [0, 0], sizes = [1, 1], strides = [1, 1]} : vector<4x1xf32> to vector<1x1xf32>
    %tanh3A_934 = math.tanh %slice3A_933 : vector<1x1xf32>
    %mul3A_935 = vector.broadcast %tanh3A_934 : vector<1x1xf32> to vector<1x64xf32>
    %mul3A_936 = arith.mulf %dot_general3A_932, %mul3A_935 : vector<1x64xf32>
    %swap3A_937 = arith.constant 0 : index
    %swap3A_938 = arith.constant 10 : index
    %swap3A_939 = arith.constant 0 : index
    %swap3A_940 = vector.load %arg2[%swap3A_937, %swap3A_938, %swap3A_939] : memref<4x16x64xf32, #tpu.memory_space<vmem>>, vector<1x1x64xf32>
    %swap3A_941 = vector.shape_cast %swap3A_940 : vector<1x1x64xf32> to vector<1x64xf32>
    %swap3A_942 = vector.shape_cast %mul3A_936 : vector<1x64xf32> to vector<1x1x64xf32>
    tpu.vector_store %arg2[%swap3A_937, %swap3A_938, %swap3A_939], %swap3A_942 {strides = array<i32>} : memref<4x16x64xf32, #tpu.memory_space<vmem>>, vector<1x1x64xf32>,
    %slice3A_943 = vector.extract_strided_slice %convert_element_type3A_924 {offsets = [1, 0], sizes = [1, 10000], strides = [1, 1]} : vector<4x10000xf32> to vector<1x10000xf32>
    %get3A_944 = arith.constant 1 : index
    %get3A_945 = arith.constant 0 : index
    %get3A_946 = arith.constant 0 : index
    %get3A_947 = vector.load %arg0[%get3A_944, %get3A_945, %get3A_946] : memref<4x10000x64xf32, #tpu.memory_space<vmem>>, vector<1x10000x64xf32>
    %get3A_948 = vector.shape_cast %get3A_947 : vector<1x10000x64xf32> to vector<10000x64xf32>
    %dot_general3A_949 = arith.constant dense<0.000000e+00> : vector<1x64xf32>
    %dot_general3A_950 = tpu.matmul %slice3A_943, %get3A_948, %dot_general3A_949 {dimension_numbers = #tpu.dot_dimension_numbers<[1], [0], [0], [1], [0, 0, 1, 1], [], []>, transpose_lhs_hint = false} : vector<1x10000xf32>, vector<10000x64xf32>, vector<1x64xf32> -> vector<1x64xf32>
    %slice3A_951 = vector.extract_strided_slice %broadcast_in_dim3A_912 {offsets = [1, 0], sizes = [1, 1], strides = [1, 1]} : vector<4x1xf32> to vector<1x1xf32>
    %tanh3A_952 = math.tanh %slice3A_951 : vector<1x1xf32>
    %mul3A_953 = vector.broadcast %tanh3A_952 : vector<1x1xf32> to vector<1x64xf32>
    %mul3A_954 = arith.mulf %dot_general3A_950, %mul3A_953 : vector<1x64xf32>
    %swap3A_955 = arith.constant 1 : index
    %swap3A_956 = arith.constant 10 : index
    %swap3A_957 = arith.constant 0 : index
    %swap3A_958 = vector.load %arg2[%swap3A_955, %swap3A_956, %swap3A_957] : memref<4x16x64xf32, #tpu.memory_space<vmem>>, vector<1x1x64xf32>
    %swap3A_959 = vector.shape_cast %swap3A_958 : vector<1x1x64xf32> to vector<1x64xf32>
    %swap3A_960 = vector.shape_cast %mul3A_954 : vector<1x64xf32> to vector<1x1x64xf32>
    tpu.vector_store %arg2[%swap3A_955, %swap3A_956, %swap3A_957], %swap3A_960 {strides = array<i32>} : memref<4x16x64xf32, #tpu.memory_space<vmem>>, vector<1x1x64xf32>,
    %slice3A_961 = vector.extract_strided_slice %convert_element_type3A_924 {offsets = [2, 0], sizes = [1, 10000], strides = [1, 1]} : vector<4x10000xf32> to vector<1x10000xf32>
    %get3A_962 = arith.constant 2 : index
    %get3A_963 = arith.constant 0 : index
    %get3A_964 = arith.constant 0 : index
    %get3A_965 = vector.load %arg0[%get3A_962, %get3A_963, %get3A_964] : memref<4x10000x64xf32, #tpu.memory_space<vmem>>, vector<1x10000x64xf32>
    %get3A_966 = vector.shape_cast %get3A_965 : vector<1x10000x64xf32> to vector<10000x64xf32>
    %dot_general3A_967 = arith.constant dense<0.000000e+00> : vector<1x64xf32>
    %dot_general3A_968 = tpu.matmul %slice3A_961, %get3A_966, %dot_general3A_967 {dimension_numbers = #tpu.dot_dimension_numbers<[1], [0], [0], [1], [0, 0, 1, 1], [], []>, transpose_lhs_hint = false} : vector<1x10000xf32>, vector<10000x64xf32>, vector<1x64xf32> -> vector<1x64xf32>
    %slice3A_969 = vector.extract_strided_slice %broadcast_in_dim3A_912 {offsets = [2, 0], sizes = [1, 1], strides = [1, 1]} : vector<4x1xf32> to vector<1x1xf32>
    %tanh3A_970 = math.tanh %slice3A_969 : vector<1x1xf32>
    %mul3A_971 = vector.broadcast %tanh3A_970 : vector<1x1xf32> to vector<1x64xf32>
    %mul3A_972 = arith.mulf %dot_general3A_968, %mul3A_971 : vector<1x64xf32>
    %swap3A_973 = arith.constant 2 : index
    %swap3A_974 = arith.constant 10 : index
    %swap3A_975 = arith.constant 0 : index
    %swap3A_976 = vector.load %arg2[%swap3A_973, %swap3A_974, %swap3A_975] : memref<4x16x64xf32, #tpu.memory_space<vmem>>, vector<1x1x64xf32>
    %swap3A_977 = vector.shape_cast %swap3A_976 : vector<1x1x64xf32> to vector<1x64xf32>
    %swap3A_978 = vector.shape_cast %mul3A_972 : vector<1x64xf32> to vector<1x1x64xf32>
    tpu.vector_store %arg2[%swap3A_973, %swap3A_974, %swap3A_975], %swap3A_978 {strides = array<i32>} : memref<4x16x64xf32, #tpu.memory_space<vmem>>, vector<1x1x64xf32>,
    %slice3A_979 = vector.extract_strided_slice %convert_element_type3A_924 {offsets = [3, 0], sizes = [1, 10000], strides = [1, 1]} : vector<4x10000xf32> to vector<1x10000xf32>
    %get3A_980 = arith.constant 3 : index
    %get3A_981 = arith.constant 0 : index
    %get3A_982 = arith.constant 0 : index
    %get3A_983 = vector.load %arg0[%get3A_980, %get3A_981, %get3A_982] : memref<4x10000x64xf32, #tpu.memory_space<vmem>>, vector<1x10000x64xf32>
    %get3A_984 = vector.shape_cast %get3A_983 : vector<1x10000x64xf32> to vector<10000x64xf32>
    %dot_general3A_985 = arith.constant dense<0.000000e+00> : vector<1x64xf32>
    %dot_general3A_986 = tpu.matmul %slice3A_979, %get3A_984, %dot_general3A_985 {dimension_numbers = #tpu.dot_dimension_numbers<[1], [0], [0], [1], [0, 0, 1, 1], [], []>, transpose_lhs_hint = false} : vector<1x10000xf32>, vector<10000x64xf32>, vector<1x64xf32> -> vector<1x64xf32>
    %slice3A_987 = vector.extract_strided_slice %broadcast_in_dim3A_912 {offsets = [3, 0], sizes = [1, 1], strides = [1, 1]} : vector<4x1xf32> to vector<1x1xf32>
    %tanh3A_988 = math.tanh %slice3A_987 : vector<1x1xf32>
    %mul3A_989 = vector.broadcast %tanh3A_988 : vector<1x1xf32> to vector<1x64xf32>
    %mul3A_990 = arith.mulf %dot_general3A_986, %mul3A_989 : vector<1x64xf32>
    %swap3A_991 = arith.constant 3 : index
    %swap3A_992 = arith.constant 10 : index
    %swap3A_993 = arith.constant 0 : index
    %swap3A_994 = vector.load %arg2[%swap3A_991, %swap3A_992, %swap3A_993] : memref<4x16x64xf32, #tpu.memory_space<vmem>>, vector<1x1x64xf32>
    %swap3A_995 = vector.shape_cast %swap3A_994 : vector<1x1x64xf32> to vector<1x64xf32>
    %swap3A_996 = vector.shape_cast %mul3A_990 : vector<1x64xf32> to vector<1x1x64xf32>
    tpu.vector_store %arg2[%swap3A_991, %swap3A_992, %swap3A_993], %swap3A_996 {strides = array<i32>} : memref<4x16x64xf32, #tpu.memory_space<vmem>>, vector<1x1x64xf32>,
    %eq3A_997 = vector.broadcast %broadcast_in_dim3A_920 : vector<4x1xi32> to vector<4x10000xi32>
    %eq3A_998 = arith.cmpi eq, %iota3A, %eq3A_997 : vector<4x10000xi32>
    %jit3A_999 = arith.constant 0xFF800000 : f32
    %broadcast_in_dim3A_1000 = vector.broadcast %jit3A_999 : f32 to vector<4x10000xf32>
    %select_n3A_1001 = arith.select %eq3A_998, %broadcast_in_dim3A_1000, %select_n3A_909 : vector<4x10000xi1>, vector<4x10000xf32>
    %reduce_max3A_1002 = arith.constant dense<0xFF800000> : vector<4xf32>
    %reduce_max3A_1003 = vector.multi_reduction <maximumf>, %select_n3A_1001, %reduce_max3A_1002 [1] : vector<4x10000xf32> to vector<4xf32>
    %broadcast_in_dim3A_1004 = vector.shape_cast %reduce_max3A_1003 : vector<4xf32> to vector<4x1xf32>
    %eq3A_1005 = vector.broadcast %broadcast_in_dim3A_1004 : vector<4x1xf32> to vector<4x10000xf32>
    %eq3A_1006 = arith.cmpf oeq, %select_n3A_1001, %eq3A_1005 : vector<4x10000xf32>
    %jit3A_1007 = arith.constant 10000 : i32
    %broadcast_in_dim3A_1008 = vector.broadcast %jit3A_1007 : i32 to vector<4x10000xi32>
    %select_n3A_1009 = arith.select %eq3A_1006, %iota3A, %broadcast_in_dim3A_1008 : vector<4x10000xi1>, vector<4x10000xi32>
    %reduce_min3A_1010 = arith.constant dense<2147483647> : vector<4xi32>
    %reduce_min3A_1011 = vector.multi_reduction <minsi>, %select_n3A_1009, %reduce_min3A_1010 [1] : vector<4x10000xi32> to vector<4xi32>
    %broadcast_in_dim3A_1012 = vector.shape_cast %reduce_min3A_1011 : vector<4xi32> to vector<4x1xi32>
    %eq3A_1013 = vector.broadcast %broadcast_in_dim3A_1012 : vector<4x1xi32> to vector<4x10000xi32>
    %eq3A_1014 = arith.cmpi eq, %iota3A, %eq3A_1013 : vector<4x10000xi32>
    %convert_element_type3A_1015 = arith.extui %eq3A_1014 : vector<4x10000xi1> to vector<4x10000xi32>
    %convert_element_type3A_1016 = arith.sitofp %convert_element_type3A_1015 : vector<4x10000xi32> to vector<4x10000xf32>
    %slice3A_1017 = vector.extract_strided_slice %convert_element_type3A_1016 {offsets = [0, 0], sizes = [1, 10000], strides = [1, 1]} : vector<4x10000xf32> to vector<1x10000xf32>
    %get3A_1018 = arith.constant 0 : index
    %get3A_1019 = arith.constant 0 : index
    %get3A_1020 = arith.constant 0 : index
    %get3A_1021 = vector.load %arg0[%get3A_1018, %get3A_1019, %get3A_1020] : memref<4x10000x64xf32, #tpu.memory_space<vmem>>, vector<1x10000x64xf32>
    %get3A_1022 = vector.shape_cast %get3A_1021 : vector<1x10000x64xf32> to vector<10000x64xf32>
    %dot_general3A_1023 = arith.constant dense<0.000000e+00> : vector<1x64xf32>
    %dot_general3A_1024 = tpu.matmul %slice3A_1017, %get3A_1022, %dot_general3A_1023 {dimension_numbers = #tpu.dot_dimension_numbers<[1], [0], [0], [1], [0, 0, 1, 1], [], []>, transpose_lhs_hint = false} : vector<1x10000xf32>, vector<10000x64xf32>, vector<1x64xf32> -> vector<1x64xf32>
    %slice3A_1025 = vector.extract_strided_slice %broadcast_in_dim3A_1004 {offsets = [0, 0], sizes = [1, 1], strides = [1, 1]} : vector<4x1xf32> to vector<1x1xf32>
    %tanh3A_1026 = math.tanh %slice3A_1025 : vector<1x1xf32>
    %mul3A_1027 = vector.broadcast %tanh3A_1026 : vector<1x1xf32> to vector<1x64xf32>
    %mul3A_1028 = arith.mulf %dot_general3A_1024, %mul3A_1027 : vector<1x64xf32>
    %swap3A_1029 = arith.constant 0 : index
    %swap3A_1030 = arith.constant 11 : index
    %swap3A_1031 = arith.constant 0 : index
    %swap3A_1032 = vector.load %arg2[%swap3A_1029, %swap3A_1030, %swap3A_1031] : memref<4x16x64xf32, #tpu.memory_space<vmem>>, vector<1x1x64xf32>
    %swap3A_1033 = vector.shape_cast %swap3A_1032 : vector<1x1x64xf32> to vector<1x64xf32>
    %swap3A_1034 = vector.shape_cast %mul3A_1028 : vector<1x64xf32> to vector<1x1x64xf32>
    tpu.vector_store %arg2[%swap3A_1029, %swap3A_1030, %swap3A_1031], %swap3A_1034 {strides = array<i32>} : memref<4x16x64xf32, #tpu.memory_space<vmem>>, vector<1x1x64xf32>,
    %slice3A_1035 = vector.extract_strided_slice %convert_element_type3A_1016 {offsets = [1, 0], sizes = [1, 10000], strides = [1, 1]} : vector<4x10000xf32> to vector<1x10000xf32>
    %get3A_1036 = arith.constant 1 : index
    %get3A_1037 = arith.constant 0 : index
    %get3A_1038 = arith.constant 0 : index
    %get3A_1039 = vector.load %arg0[%get3A_1036, %get3A_1037, %get3A_1038] : memref<4x10000x64xf32, #tpu.memory_space<vmem>>, vector<1x10000x64xf32>
    %get3A_1040 = vector.shape_cast %get3A_1039 : vector<1x10000x64xf32> to vector<10000x64xf32>
    %dot_general3A_1041 = arith.constant dense<0.000000e+00> : vector<1x64xf32>
    %dot_general3A_1042 = tpu.matmul %slice3A_1035, %get3A_1040, %dot_general3A_1041 {dimension_numbers = #tpu.dot_dimension_numbers<[1], [0], [0], [1], [0, 0, 1, 1], [], []>, transpose_lhs_hint = false} : vector<1x10000xf32>, vector<10000x64xf32>, vector<1x64xf32> -> vector<1x64xf32>
    %slice3A_1043 = vector.extract_strided_slice %broadcast_in_dim3A_1004 {offsets = [1, 0], sizes = [1, 1], strides = [1, 1]} : vector<4x1xf32> to vector<1x1xf32>
    %tanh3A_1044 = math.tanh %slice3A_1043 : vector<1x1xf32>
    %mul3A_1045 = vector.broadcast %tanh3A_1044 : vector<1x1xf32> to vector<1x64xf32>
    %mul3A_1046 = arith.mulf %dot_general3A_1042, %mul3A_1045 : vector<1x64xf32>
    %swap3A_1047 = arith.constant 1 : index
    %swap3A_1048 = arith.constant 11 : index
    %swap3A_1049 = arith.constant 0 : index
    %swap3A_1050 = vector.load %arg2[%swap3A_1047, %swap3A_1048, %swap3A_1049] : memref<4x16x64xf32, #tpu.memory_space<vmem>>, vector<1x1x64xf32>
    %swap3A_1051 = vector.shape_cast %swap3A_1050 : vector<1x1x64xf32> to vector<1x64xf32>
    %swap3A_1052 = vector.shape_cast %mul3A_1046 : vector<1x64xf32> to vector<1x1x64xf32>
    tpu.vector_store %arg2[%swap3A_1047, %swap3A_1048, %swap3A_1049], %swap3A_1052 {strides = array<i32>} : memref<4x16x64xf32, #tpu.memory_space<vmem>>, vector<1x1x64xf32>,
    %slice3A_1053 = vector.extract_strided_slice %convert_element_type3A_1016 {offsets = [2, 0], sizes = [1, 10000], strides = [1, 1]} : vector<4x10000xf32> to vector<1x10000xf32>
    %get3A_1054 = arith.constant 2 : index
    %get3A_1055 = arith.constant 0 : index
    %get3A_1056 = arith.constant 0 : index
    %get3A_1057 = vector.load %arg0[%get3A_1054, %get3A_1055, %get3A_1056] : memref<4x10000x64xf32, #tpu.memory_space<vmem>>, vector<1x10000x64xf32>
    %get3A_1058 = vector.shape_cast %get3A_1057 : vector<1x10000x64xf32> to vector<10000x64xf32>
    %dot_general3A_1059 = arith.constant dense<0.000000e+00> : vector<1x64xf32>
    %dot_general3A_1060 = tpu.matmul %slice3A_1053, %get3A_1058, %dot_general3A_1059 {dimension_numbers = #tpu.dot_dimension_numbers<[1], [0], [0], [1], [0, 0, 1, 1], [], []>, transpose_lhs_hint = false} : vector<1x10000xf32>, vector<10000x64xf32>, vector<1x64xf32> -> vector<1x64xf32>
    %slice3A_1061 = vector.extract_strided_slice %broadcast_in_dim3A_1004 {offsets = [2, 0], sizes = [1, 1], strides = [1, 1]} : vector<4x1xf32> to vector<1x1xf32>
    %tanh3A_1062 = math.tanh %slice3A_1061 : vector<1x1xf32>
    %mul3A_1063 = vector.broadcast %tanh3A_1062 : vector<1x1xf32> to vector<1x64xf32>
    %mul3A_1064 = arith.mulf %dot_general3A_1060, %mul3A_1063 : vector<1x64xf32>
    %swap3A_1065 = arith.constant 2 : index
    %swap3A_1066 = arith.constant 11 : index
    %swap3A_1067 = arith.constant 0 : index
    %swap3A_1068 = vector.load %arg2[%swap3A_1065, %swap3A_1066, %swap3A_1067] : memref<4x16x64xf32, #tpu.memory_space<vmem>>, vector<1x1x64xf32>
    %swap3A_1069 = vector.shape_cast %swap3A_1068 : vector<1x1x64xf32> to vector<1x64xf32>
    %swap3A_1070 = vector.shape_cast %mul3A_1064 : vector<1x64xf32> to vector<1x1x64xf32>
    tpu.vector_store %arg2[%swap3A_1065, %swap3A_1066, %swap3A_1067], %swap3A_1070 {strides = array<i32>} : memref<4x16x64xf32, #tpu.memory_space<vmem>>, vector<1x1x64xf32>,
    %slice3A_1071 = vector.extract_strided_slice %convert_element_type3A_1016 {offsets = [3, 0], sizes = [1, 10000], strides = [1, 1]} : vector<4x10000xf32> to vector<1x10000xf32>
    %get3A_1072 = arith.constant 3 : index
    %get3A_1073 = arith.constant 0 : index
    %get3A_1074 = arith.constant 0 : index
    %get3A_1075 = vector.load %arg0[%get3A_1072, %get3A_1073, %get3A_1074] : memref<4x10000x64xf32, #tpu.memory_space<vmem>>, vector<1x10000x64xf32>
    %get3A_1076 = vector.shape_cast %get3A_1075 : vector<1x10000x64xf32> to vector<10000x64xf32>
    %dot_general3A_1077 = arith.constant dense<0.000000e+00> : vector<1x64xf32>
    %dot_general3A_1078 = tpu.matmul %slice3A_1071, %get3A_1076, %dot_general3A_1077 {dimension_numbers = #tpu.dot_dimension_numbers<[1], [0], [0], [1], [0, 0, 1, 1], [], []>, transpose_lhs_hint = false} : vector<1x10000xf32>, vector<10000x64xf32>, vector<1x64xf32> -> vector<1x64xf32>
    %slice3A_1079 = vector.extract_strided_slice %broadcast_in_dim3A_1004 {offsets = [3, 0], sizes = [1, 1], strides = [1, 1]} : vector<4x1xf32> to vector<1x1xf32>
    %tanh3A_1080 = math.tanh %slice3A_1079 : vector<1x1xf32>
    %mul3A_1081 = vector.broadcast %tanh3A_1080 : vector<1x1xf32> to vector<1x64xf32>
    %mul3A_1082 = arith.mulf %dot_general3A_1078, %mul3A_1081 : vector<1x64xf32>
    %swap3A_1083 = arith.constant 3 : index
    %swap3A_1084 = arith.constant 11 : index
    %swap3A_1085 = arith.constant 0 : index
    %swap3A_1086 = vector.load %arg2[%swap3A_1083, %swap3A_1084, %swap3A_1085] : memref<4x16x64xf32, #tpu.memory_space<vmem>>, vector<1x1x64xf32>
    %swap3A_1087 = vector.shape_cast %swap3A_1086 : vector<1x1x64xf32> to vector<1x64xf32>
    %swap3A_1088 = vector.shape_cast %mul3A_1082 : vector<1x64xf32> to vector<1x1x64xf32>
    tpu.vector_store %arg2[%swap3A_1083, %swap3A_1084, %swap3A_1085], %swap3A_1088 {strides = array<i32>} : memref<4x16x64xf32, #tpu.memory_space<vmem>>, vector<1x1x64xf32>,
    %eq3A_1089 = vector.broadcast %broadcast_in_dim3A_1012 : vector<4x1xi32> to vector<4x10000xi32>
    %eq3A_1090 = arith.cmpi eq, %iota3A, %eq3A_1089 : vector<4x10000xi32>
    %jit3A_1091 = arith.constant 0xFF800000 : f32
    %broadcast_in_dim3A_1092 = vector.broadcast %jit3A_1091 : f32 to vector<4x10000xf32>
    %select_n3A_1093 = arith.select %eq3A_1090, %broadcast_in_dim3A_1092, %select_n3A_1001 : vector<4x10000xi1>, vector<4x10000xf32>
    %reduce_max3A_1094 = arith.constant dense<0xFF800000> : vector<4xf32>
    %reduce_max3A_1095 = vector.multi_reduction <maximumf>, %select_n3A_1093, %reduce_max3A_1094 [1] : vector<4x10000xf32> to vector<4xf32>
    %broadcast_in_dim3A_1096 = vector.shape_cast %reduce_max3A_1095 : vector<4xf32> to vector<4x1xf32>
    %eq3A_1097 = vector.broadcast %broadcast_in_dim3A_1096 : vector<4x1xf32> to vector<4x10000xf32>
    %eq3A_1098 = arith.cmpf oeq, %select_n3A_1093, %eq3A_1097 : vector<4x10000xf32>
    %jit3A_1099 = arith.constant 10000 : i32
    %broadcast_in_dim3A_1100 = vector.broadcast %jit3A_1099 : i32 to vector<4x10000xi32>
    %select_n3A_1101 = arith.select %eq3A_1098, %iota3A, %broadcast_in_dim3A_1100 : vector<4x10000xi1>, vector<4x10000xi32>
    %reduce_min3A_1102 = arith.constant dense<2147483647> : vector<4xi32>
    %reduce_min3A_1103 = vector.multi_reduction <minsi>, %select_n3A_1101, %reduce_min3A_1102 [1] : vector<4x10000xi32> to vector<4xi32>
    %broadcast_in_dim3A_1104 = vector.shape_cast %reduce_min3A_1103 : vector<4xi32> to vector<4x1xi32>
    %eq3A_1105 = vector.broadcast %broadcast_in_dim3A_1104 : vector<4x1xi32> to vector<4x10000xi32>
    %eq3A_1106 = arith.cmpi eq, %iota3A, %eq3A_1105 : vector<4x10000xi32>
    %convert_element_type3A_1107 = arith.extui %eq3A_1106 : vector<4x10000xi1> to vector<4x10000xi32>
    %convert_element_type3A_1108 = arith.sitofp %convert_element_type3A_1107 : vector<4x10000xi32> to vector<4x10000xf32>
    %slice3A_1109 = vector.extract_strided_slice %convert_element_type3A_1108 {offsets = [0, 0], sizes = [1, 10000], strides = [1, 1]} : vector<4x10000xf32> to vector<1x10000xf32>
    %get3A_1110 = arith.constant 0 : index
    %get3A_1111 = arith.constant 0 : index
    %get3A_1112 = arith.constant 0 : index
    %get3A_1113 = vector.load %arg0[%get3A_1110, %get3A_1111, %get3A_1112] : memref<4x10000x64xf32, #tpu.memory_space<vmem>>, vector<1x10000x64xf32>
    %get3A_1114 = vector.shape_cast %get3A_1113 : vector<1x10000x64xf32> to vector<10000x64xf32>
    %dot_general3A_1115 = arith.constant dense<0.000000e+00> : vector<1x64xf32>
    %dot_general3A_1116 = tpu.matmul %slice3A_1109, %get3A_1114, %dot_general3A_1115 {dimension_numbers = #tpu.dot_dimension_numbers<[1], [0], [0], [1], [0, 0, 1, 1], [], []>, transpose_lhs_hint = false} : vector<1x10000xf32>, vector<10000x64xf32>, vector<1x64xf32> -> vector<1x64xf32>
    %slice3A_1117 = vector.extract_strided_slice %broadcast_in_dim3A_1096 {offsets = [0, 0], sizes = [1, 1], strides = [1, 1]} : vector<4x1xf32> to vector<1x1xf32>
    %tanh3A_1118 = math.tanh %slice3A_1117 : vector<1x1xf32>
    %mul3A_1119 = vector.broadcast %tanh3A_1118 : vector<1x1xf32> to vector<1x64xf32>
    %mul3A_1120 = arith.mulf %dot_general3A_1116, %mul3A_1119 : vector<1x64xf32>
    %swap3A_1121 = arith.constant 0 : index
    %swap3A_1122 = arith.constant 12 : index
    %swap3A_1123 = arith.constant 0 : index
    %swap3A_1124 = vector.load %arg2[%swap3A_1121, %swap3A_1122, %swap3A_1123] : memref<4x16x64xf32, #tpu.memory_space<vmem>>, vector<1x1x64xf32>
    %swap3A_1125 = vector.shape_cast %swap3A_1124 : vector<1x1x64xf32> to vector<1x64xf32>
    %swap3A_1126 = vector.shape_cast %mul3A_1120 : vector<1x64xf32> to vector<1x1x64xf32>
    tpu.vector_store %arg2[%swap3A_1121, %swap3A_1122, %swap3A_1123], %swap3A_1126 {strides = array<i32>} : memref<4x16x64xf32, #tpu.memory_space<vmem>>, vector<1x1x64xf32>,
    %slice3A_1127 = vector.extract_strided_slice %convert_element_type3A_1108 {offsets = [1, 0], sizes = [1, 10000], strides = [1, 1]} : vector<4x10000xf32> to vector<1x10000xf32>
    %get3A_1128 = arith.constant 1 : index
    %get3A_1129 = arith.constant 0 : index
    %get3A_1130 = arith.constant 0 : index
    %get3A_1131 = vector.load %arg0[%get3A_1128, %get3A_1129, %get3A_1130] : memref<4x10000x64xf32, #tpu.memory_space<vmem>>, vector<1x10000x64xf32>
    %get3A_1132 = vector.shape_cast %get3A_1131 : vector<1x10000x64xf32> to vector<10000x64xf32>
    %dot_general3A_1133 = arith.constant dense<0.000000e+00> : vector<1x64xf32>
    %dot_general3A_1134 = tpu.matmul %slice3A_1127, %get3A_1132, %dot_general3A_1133 {dimension_numbers = #tpu.dot_dimension_numbers<[1], [0], [0], [1], [0, 0, 1, 1], [], []>, transpose_lhs_hint = false} : vector<1x10000xf32>, vector<10000x64xf32>, vector<1x64xf32> -> vector<1x64xf32>
    %slice3A_1135 = vector.extract_strided_slice %broadcast_in_dim3A_1096 {offsets = [1, 0], sizes = [1, 1], strides = [1, 1]} : vector<4x1xf32> to vector<1x1xf32>
    %tanh3A_1136 = math.tanh %slice3A_1135 : vector<1x1xf32>
    %mul3A_1137 = vector.broadcast %tanh3A_1136 : vector<1x1xf32> to vector<1x64xf32>
    %mul3A_1138 = arith.mulf %dot_general3A_1134, %mul3A_1137 : vector<1x64xf32>
    %swap3A_1139 = arith.constant 1 : index
    %swap3A_1140 = arith.constant 12 : index
    %swap3A_1141 = arith.constant 0 : index
    %swap3A_1142 = vector.load %arg2[%swap3A_1139, %swap3A_1140, %swap3A_1141] : memref<4x16x64xf32, #tpu.memory_space<vmem>>, vector<1x1x64xf32>
    %swap3A_1143 = vector.shape_cast %swap3A_1142 : vector<1x1x64xf32> to vector<1x64xf32>
    %swap3A_1144 = vector.shape_cast %mul3A_1138 : vector<1x64xf32> to vector<1x1x64xf32>
    tpu.vector_store %arg2[%swap3A_1139, %swap3A_1140, %swap3A_1141], %swap3A_1144 {strides = array<i32>} : memref<4x16x64xf32, #tpu.memory_space<vmem>>, vector<1x1x64xf32>,
    %slice3A_1145 = vector.extract_strided_slice %convert_element_type3A_1108 {offsets = [2, 0], sizes = [1, 10000], strides = [1, 1]} : vector<4x10000xf32> to vector<1x10000xf32>
    %get3A_1146 = arith.constant 2 : index
    %get3A_1147 = arith.constant 0 : index
    %get3A_1148 = arith.constant 0 : index
    %get3A_1149 = vector.load %arg0[%get3A_1146, %get3A_1147, %get3A_1148] : memref<4x10000x64xf32, #tpu.memory_space<vmem>>, vector<1x10000x64xf32>
    %get3A_1150 = vector.shape_cast %get3A_1149 : vector<1x10000x64xf32> to vector<10000x64xf32>
    %dot_general3A_1151 = arith.constant dense<0.000000e+00> : vector<1x64xf32>
    %dot_general3A_1152 = tpu.matmul %slice3A_1145, %get3A_1150, %dot_general3A_1151 {dimension_numbers = #tpu.dot_dimension_numbers<[1], [0], [0], [1], [0, 0, 1, 1], [], []>, transpose_lhs_hint = false} : vector<1x10000xf32>, vector<10000x64xf32>, vector<1x64xf32> -> vector<1x64xf32>
    %slice3A_1153 = vector.extract_strided_slice %broadcast_in_dim3A_1096 {offsets = [2, 0], sizes = [1, 1], strides = [1, 1]} : vector<4x1xf32> to vector<1x1xf32>
    %tanh3A_1154 = math.tanh %slice3A_1153 : vector<1x1xf32>
    %mul3A_1155 = vector.broadcast %tanh3A_1154 : vector<1x1xf32> to vector<1x64xf32>
    %mul3A_1156 = arith.mulf %dot_general3A_1152, %mul3A_1155 : vector<1x64xf32>
    %swap3A_1157 = arith.constant 2 : index
    %swap3A_1158 = arith.constant 12 : index
    %swap3A_1159 = arith.constant 0 : index
    %swap3A_1160 = vector.load %arg2[%swap3A_1157, %swap3A_1158, %swap3A_1159] : memref<4x16x64xf32, #tpu.memory_space<vmem>>, vector<1x1x64xf32>
    %swap3A_1161 = vector.shape_cast %swap3A_1160 : vector<1x1x64xf32> to vector<1x64xf32>
    %swap3A_1162 = vector.shape_cast %mul3A_1156 : vector<1x64xf32> to vector<1x1x64xf32>
    tpu.vector_store %arg2[%swap3A_1157, %swap3A_1158, %swap3A_1159], %swap3A_1162 {strides = array<i32>} : memref<4x16x64xf32, #tpu.memory_space<vmem>>, vector<1x1x64xf32>,
    %slice3A_1163 = vector.extract_strided_slice %convert_element_type3A_1108 {offsets = [3, 0], sizes = [1, 10000], strides = [1, 1]} : vector<4x10000xf32> to vector<1x10000xf32>
    %get3A_1164 = arith.constant 3 : index
    %get3A_1165 = arith.constant 0 : index
    %get3A_1166 = arith.constant 0 : index
    %get3A_1167 = vector.load %arg0[%get3A_1164, %get3A_1165, %get3A_1166] : memref<4x10000x64xf32, #tpu.memory_space<vmem>>, vector<1x10000x64xf32>
    %get3A_1168 = vector.shape_cast %get3A_1167 : vector<1x10000x64xf32> to vector<10000x64xf32>
    %dot_general3A_1169 = arith.constant dense<0.000000e+00> : vector<1x64xf32>
    %dot_general3A_1170 = tpu.matmul %slice3A_1163, %get3A_1168, %dot_general3A_1169 {dimension_numbers = #tpu.dot_dimension_numbers<[1], [0], [0], [1], [0, 0, 1, 1], [], []>, transpose_lhs_hint = false} : vector<1x10000xf32>, vector<10000x64xf32>, vector<1x64xf32> -> vector<1x64xf32>
    %slice3A_1171 = vector.extract_strided_slice %broadcast_in_dim3A_1096 {offsets = [3, 0], sizes = [1, 1], strides = [1, 1]} : vector<4x1xf32> to vector<1x1xf32>
    %tanh3A_1172 = math.tanh %slice3A_1171 : vector<1x1xf32>
    %mul3A_1173 = vector.broadcast %tanh3A_1172 : vector<1x1xf32> to vector<1x64xf32>
    %mul3A_1174 = arith.mulf %dot_general3A_1170, %mul3A_1173 : vector<1x64xf32>
    %swap3A_1175 = arith.constant 3 : index
    %swap3A_1176 = arith.constant 12 : index
    %swap3A_1177 = arith.constant 0 : index
    %swap3A_1178 = vector.load %arg2[%swap3A_1175, %swap3A_1176, %swap3A_1177] : memref<4x16x64xf32, #tpu.memory_space<vmem>>, vector<1x1x64xf32>
    %swap3A_1179 = vector.shape_cast %swap3A_1178 : vector<1x1x64xf32> to vector<1x64xf32>
    %swap3A_1180 = vector.shape_cast %mul3A_1174 : vector<1x64xf32> to vector<1x1x64xf32>
    tpu.vector_store %arg2[%swap3A_1175, %swap3A_1176, %swap3A_1177], %swap3A_1180 {strides = array<i32>} : memref<4x16x64xf32, #tpu.memory_space<vmem>>, vector<1x1x64xf32>,
    %eq3A_1181 = vector.broadcast %broadcast_in_dim3A_1104 : vector<4x1xi32> to vector<4x10000xi32>
    %eq3A_1182 = arith.cmpi eq, %iota3A, %eq3A_1181 : vector<4x10000xi32>
    %jit3A_1183 = arith.constant 0xFF800000 : f32
    %broadcast_in_dim3A_1184 = vector.broadcast %jit3A_1183 : f32 to vector<4x10000xf32>
    %select_n3A_1185 = arith.select %eq3A_1182, %broadcast_in_dim3A_1184, %select_n3A_1093 : vector<4x10000xi1>, vector<4x10000xf32>
    %reduce_max3A_1186 = arith.constant dense<0xFF800000> : vector<4xf32>
    %reduce_max3A_1187 = vector.multi_reduction <maximumf>, %select_n3A_1185, %reduce_max3A_1186 [1] : vector<4x10000xf32> to vector<4xf32>
    %broadcast_in_dim3A_1188 = vector.shape_cast %reduce_max3A_1187 : vector<4xf32> to vector<4x1xf32>
    %eq3A_1189 = vector.broadcast %broadcast_in_dim3A_1188 : vector<4x1xf32> to vector<4x10000xf32>
    %eq3A_1190 = arith.cmpf oeq, %select_n3A_1185, %eq3A_1189 : vector<4x10000xf32>
    %jit3A_1191 = arith.constant 10000 : i32
    %broadcast_in_dim3A_1192 = vector.broadcast %jit3A_1191 : i32 to vector<4x10000xi32>
    %select_n3A_1193 = arith.select %eq3A_1190, %iota3A, %broadcast_in_dim3A_1192 : vector<4x10000xi1>, vector<4x10000xi32>
    %reduce_min3A_1194 = arith.constant dense<2147483647> : vector<4xi32>
    %reduce_min3A_1195 = vector.multi_reduction <minsi>, %select_n3A_1193, %reduce_min3A_1194 [1] : vector<4x10000xi32> to vector<4xi32>
    %broadcast_in_dim3A_1196 = vector.shape_cast %reduce_min3A_1195 : vector<4xi32> to vector<4x1xi32>
    %eq3A_1197 = vector.broadcast %broadcast_in_dim3A_1196 : vector<4x1xi32> to vector<4x10000xi32>
    %eq3A_1198 = arith.cmpi eq, %iota3A, %eq3A_1197 : vector<4x10000xi32>
    %convert_element_type3A_1199 = arith.extui %eq3A_1198 : vector<4x10000xi1> to vector<4x10000xi32>
    %convert_element_type3A_1200 = arith.sitofp %convert_element_type3A_1199 : vector<4x10000xi32> to vector<4x10000xf32>
    %slice3A_1201 = vector.extract_strided_slice %convert_element_type3A_1200 {offsets = [0, 0], sizes = [1, 10000], strides = [1, 1]} : vector<4x10000xf32> to vector<1x10000xf32>
    %get3A_1202 = arith.constant 0 : index
    %get3A_1203 = arith.constant 0 : index
    %get3A_1204 = arith.constant 0 : index
    %get3A_1205 = vector.load %arg0[%get3A_1202, %get3A_1203, %get3A_1204] : memref<4x10000x64xf32, #tpu.memory_space<vmem>>, vector<1x10000x64xf32>
    %get3A_1206 = vector.shape_cast %get3A_1205 : vector<1x10000x64xf32> to vector<10000x64xf32>
    %dot_general3A_1207 = arith.constant dense<0.000000e+00> : vector<1x64xf32>
    %dot_general3A_1208 = tpu.matmul %slice3A_1201, %get3A_1206, %dot_general3A_1207 {dimension_numbers = #tpu.dot_dimension_numbers<[1], [0], [0], [1], [0, 0, 1, 1], [], []>, transpose_lhs_hint = false} : vector<1x10000xf32>, vector<10000x64xf32>, vector<1x64xf32> -> vector<1x64xf32>
    %slice3A_1209 = vector.extract_strided_slice %broadcast_in_dim3A_1188 {offsets = [0, 0], sizes = [1, 1], strides = [1, 1]} : vector<4x1xf32> to vector<1x1xf32>
    %tanh3A_1210 = math.tanh %slice3A_1209 : vector<1x1xf32>
    %mul3A_1211 = vector.broadcast %tanh3A_1210 : vector<1x1xf32> to vector<1x64xf32>
    %mul3A_1212 = arith.mulf %dot_general3A_1208, %mul3A_1211 : vector<1x64xf32>
    %swap3A_1213 = arith.constant 0 : index
    %swap3A_1214 = arith.constant 13 : index
    %swap3A_1215 = arith.constant 0 : index
    %swap3A_1216 = vector.load %arg2[%swap3A_1213, %swap3A_1214, %swap3A_1215] : memref<4x16x64xf32, #tpu.memory_space<vmem>>, vector<1x1x64xf32>
    %swap3A_1217 = vector.shape_cast %swap3A_1216 : vector<1x1x64xf32> to vector<1x64xf32>
    %swap3A_1218 = vector.shape_cast %mul3A_1212 : vector<1x64xf32> to vector<1x1x64xf32>
    tpu.vector_store %arg2[%swap3A_1213, %swap3A_1214, %swap3A_1215], %swap3A_1218 {strides = array<i32>} : memref<4x16x64xf32, #tpu.memory_space<vmem>>, vector<1x1x64xf32>,
    %slice3A_1219 = vector.extract_strided_slice %convert_element_type3A_1200 {offsets = [1, 0], sizes = [1, 10000], strides = [1, 1]} : vector<4x10000xf32> to vector<1x10000xf32>
    %get3A_1220 = arith.constant 1 : index
    %get3A_1221 = arith.constant 0 : index
    %get3A_1222 = arith.constant 0 : index
    %get3A_1223 = vector.load %arg0[%get3A_1220, %get3A_1221, %get3A_1222] : memref<4x10000x64xf32, #tpu.memory_space<vmem>>, vector<1x10000x64xf32>
    %get3A_1224 = vector.shape_cast %get3A_1223 : vector<1x10000x64xf32> to vector<10000x64xf32>
    %dot_general3A_1225 = arith.constant dense<0.000000e+00> : vector<1x64xf32>
    %dot_general3A_1226 = tpu.matmul %slice3A_1219, %get3A_1224, %dot_general3A_1225 {dimension_numbers = #tpu.dot_dimension_numbers<[1], [0], [0], [1], [0, 0, 1, 1], [], []>, transpose_lhs_hint = false} : vector<1x10000xf32>, vector<10000x64xf32>, vector<1x64xf32> -> vector<1x64xf32>
    %slice3A_1227 = vector.extract_strided_slice %broadcast_in_dim3A_1188 {offsets = [1, 0], sizes = [1, 1], strides = [1, 1]} : vector<4x1xf32> to vector<1x1xf32>
    %tanh3A_1228 = math.tanh %slice3A_1227 : vector<1x1xf32>
    %mul3A_1229 = vector.broadcast %tanh3A_1228 : vector<1x1xf32> to vector<1x64xf32>
    %mul3A_1230 = arith.mulf %dot_general3A_1226, %mul3A_1229 : vector<1x64xf32>
    %swap3A_1231 = arith.constant 1 : index
    %swap3A_1232 = arith.constant 13 : index
    %swap3A_1233 = arith.constant 0 : index
    %swap3A_1234 = vector.load %arg2[%swap3A_1231, %swap3A_1232, %swap3A_1233] : memref<4x16x64xf32, #tpu.memory_space<vmem>>, vector<1x1x64xf32>
    %swap3A_1235 = vector.shape_cast %swap3A_1234 : vector<1x1x64xf32> to vector<1x64xf32>
    %swap3A_1236 = vector.shape_cast %mul3A_1230 : vector<1x64xf32> to vector<1x1x64xf32>
    tpu.vector_store %arg2[%swap3A_1231, %swap3A_1232, %swap3A_1233], %swap3A_1236 {strides = array<i32>} : memref<4x16x64xf32, #tpu.memory_space<vmem>>, vector<1x1x64xf32>,
    %slice3A_1237 = vector.extract_strided_slice %convert_element_type3A_1200 {offsets = [2, 0], sizes = [1, 10000], strides = [1, 1]} : vector<4x10000xf32> to vector<1x10000xf32>
    %get3A_1238 = arith.constant 2 : index
    %get3A_1239 = arith.constant 0 : index
    %get3A_1240 = arith.constant 0 : index
    %get3A_1241 = vector.load %arg0[%get3A_1238, %get3A_1239, %get3A_1240] : memref<4x10000x64xf32, #tpu.memory_space<vmem>>, vector<1x10000x64xf32>
    %get3A_1242 = vector.shape_cast %get3A_1241 : vector<1x10000x64xf32> to vector<10000x64xf32>
    %dot_general3A_1243 = arith.constant dense<0.000000e+00> : vector<1x64xf32>
    %dot_general3A_1244 = tpu.matmul %slice3A_1237, %get3A_1242, %dot_general3A_1243 {dimension_numbers = #tpu.dot_dimension_numbers<[1], [0], [0], [1], [0, 0, 1, 1], [], []>, transpose_lhs_hint = false} : vector<1x10000xf32>, vector<10000x64xf32>, vector<1x64xf32> -> vector<1x64xf32>
    %slice3A_1245 = vector.extract_strided_slice %broadcast_in_dim3A_1188 {offsets = [2, 0], sizes = [1, 1], strides = [1, 1]} : vector<4x1xf32> to vector<1x1xf32>
    %tanh3A_1246 = math.tanh %slice3A_1245 : vector<1x1xf32>
    %mul3A_1247 = vector.broadcast %tanh3A_1246 : vector<1x1xf32> to vector<1x64xf32>
    %mul3A_1248 = arith.mulf %dot_general3A_1244, %mul3A_1247 : vector<1x64xf32>
    %swap3A_1249 = arith.constant 2 : index
    %swap3A_1250 = arith.constant 13 : index
    %swap3A_1251 = arith.constant 0 : index
    %swap3A_1252 = vector.load %arg2[%swap3A_1249, %swap3A_1250, %swap3A_1251] : memref<4x16x64xf32, #tpu.memory_space<vmem>>, vector<1x1x64xf32>
    %swap3A_1253 = vector.shape_cast %swap3A_1252 : vector<1x1x64xf32> to vector<1x64xf32>
    %swap3A_1254 = vector.shape_cast %mul3A_1248 : vector<1x64xf32> to vector<1x1x64xf32>
    tpu.vector_store %arg2[%swap3A_1249, %swap3A_1250, %swap3A_1251], %swap3A_1254 {strides = array<i32>} : memref<4x16x64xf32, #tpu.memory_space<vmem>>, vector<1x1x64xf32>,
    %slice3A_1255 = vector.extract_strided_slice %convert_element_type3A_1200 {offsets = [3, 0], sizes = [1, 10000], strides = [1, 1]} : vector<4x10000xf32> to vector<1x10000xf32>
    %get3A_1256 = arith.constant 3 : index
    %get3A_1257 = arith.constant 0 : index
    %get3A_1258 = arith.constant 0 : index
    %get3A_1259 = vector.load %arg0[%get3A_1256, %get3A_1257, %get3A_1258] : memref<4x10000x64xf32, #tpu.memory_space<vmem>>, vector<1x10000x64xf32>
    %get3A_1260 = vector.shape_cast %get3A_1259 : vector<1x10000x64xf32> to vector<10000x64xf32>
    %dot_general3A_1261 = arith.constant dense<0.000000e+00> : vector<1x64xf32>
    %dot_general3A_1262 = tpu.matmul %slice3A_1255, %get3A_1260, %dot_general3A_1261 {dimension_numbers = #tpu.dot_dimension_numbers<[1], [0], [0], [1], [0, 0, 1, 1], [], []>, transpose_lhs_hint = false} : vector<1x10000xf32>, vector<10000x64xf32>, vector<1x64xf32> -> vector<1x64xf32>
    %slice3A_1263 = vector.extract_strided_slice %broadcast_in_dim3A_1188 {offsets = [3, 0], sizes = [1, 1], strides = [1, 1]} : vector<4x1xf32> to vector<1x1xf32>
    %tanh3A_1264 = math.tanh %slice3A_1263 : vector<1x1xf32>
    %mul3A_1265 = vector.broadcast %tanh3A_1264 : vector<1x1xf32> to vector<1x64xf32>
    %mul3A_1266 = arith.mulf %dot_general3A_1262, %mul3A_1265 : vector<1x64xf32>
    %swap3A_1267 = arith.constant 3 : index
    %swap3A_1268 = arith.constant 13 : index
    %swap3A_1269 = arith.constant 0 : index
    %swap3A_1270 = vector.load %arg2[%swap3A_1267, %swap3A_1268, %swap3A_1269] : memref<4x16x64xf32, #tpu.memory_space<vmem>>, vector<1x1x64xf32>
    %swap3A_1271 = vector.shape_cast %swap3A_1270 : vector<1x1x64xf32> to vector<1x64xf32>
    %swap3A_1272 = vector.shape_cast %mul3A_1266 : vector<1x64xf32> to vector<1x1x64xf32>
    tpu.vector_store %arg2[%swap3A_1267, %swap3A_1268, %swap3A_1269], %swap3A_1272 {strides = array<i32>} : memref<4x16x64xf32, #tpu.memory_space<vmem>>, vector<1x1x64xf32>,
    %eq3A_1273 = vector.broadcast %broadcast_in_dim3A_1196 : vector<4x1xi32> to vector<4x10000xi32>
    %eq3A_1274 = arith.cmpi eq, %iota3A, %eq3A_1273 : vector<4x10000xi32>
    %jit3A_1275 = arith.constant 0xFF800000 : f32
    %broadcast_in_dim3A_1276 = vector.broadcast %jit3A_1275 : f32 to vector<4x10000xf32>
    %select_n3A_1277 = arith.select %eq3A_1274, %broadcast_in_dim3A_1276, %select_n3A_1185 : vector<4x10000xi1>, vector<4x10000xf32>
    %reduce_max3A_1278 = arith.constant dense<0xFF800000> : vector<4xf32>
    %reduce_max3A_1279 = vector.multi_reduction <maximumf>, %select_n3A_1277, %reduce_max3A_1278 [1] : vector<4x10000xf32> to vector<4xf32>
    %broadcast_in_dim3A_1280 = vector.shape_cast %reduce_max3A_1279 : vector<4xf32> to vector<4x1xf32>
    %eq3A_1281 = vector.broadcast %broadcast_in_dim3A_1280 : vector<4x1xf32> to vector<4x10000xf32>
    %eq3A_1282 = arith.cmpf oeq, %select_n3A_1277, %eq3A_1281 : vector<4x10000xf32>
    %jit3A_1283 = arith.constant 10000 : i32
    %broadcast_in_dim3A_1284 = vector.broadcast %jit3A_1283 : i32 to vector<4x10000xi32>
    %select_n3A_1285 = arith.select %eq3A_1282, %iota3A, %broadcast_in_dim3A_1284 : vector<4x10000xi1>, vector<4x10000xi32>
    %reduce_min3A_1286 = arith.constant dense<2147483647> : vector<4xi32>
    %reduce_min3A_1287 = vector.multi_reduction <minsi>, %select_n3A_1285, %reduce_min3A_1286 [1] : vector<4x10000xi32> to vector<4xi32>
    %broadcast_in_dim3A_1288 = vector.shape_cast %reduce_min3A_1287 : vector<4xi32> to vector<4x1xi32>
    %eq3A_1289 = vector.broadcast %broadcast_in_dim3A_1288 : vector<4x1xi32> to vector<4x10000xi32>
    %eq3A_1290 = arith.cmpi eq, %iota3A, %eq3A_1289 : vector<4x10000xi32>
    %convert_element_type3A_1291 = arith.extui %eq3A_1290 : vector<4x10000xi1> to vector<4x10000xi32>
    %convert_element_type3A_1292 = arith.sitofp %convert_element_type3A_1291 : vector<4x10000xi32> to vector<4x10000xf32>
    %slice3A_1293 = vector.extract_strided_slice %convert_element_type3A_1292 {offsets = [0, 0], sizes = [1, 10000], strides = [1, 1]} : vector<4x10000xf32> to vector<1x10000xf32>
    %get3A_1294 = arith.constant 0 : index
    %get3A_1295 = arith.constant 0 : index
    %get3A_1296 = arith.constant 0 : index
    %get3A_1297 = vector.load %arg0[%get3A_1294, %get3A_1295, %get3A_1296] : memref<4x10000x64xf32, #tpu.memory_space<vmem>>, vector<1x10000x64xf32>
    %get3A_1298 = vector.shape_cast %get3A_1297 : vector<1x10000x64xf32> to vector<10000x64xf32>
    %dot_general3A_1299 = arith.constant dense<0.000000e+00> : vector<1x64xf32>
    %dot_general3A_1300 = tpu.matmul %slice3A_1293, %get3A_1298, %dot_general3A_1299 {dimension_numbers = #tpu.dot_dimension_numbers<[1], [0], [0], [1], [0, 0, 1, 1], [], []>, transpose_lhs_hint = false} : vector<1x10000xf32>, vector<10000x64xf32>, vector<1x64xf32> -> vector<1x64xf32>
    %slice3A_1301 = vector.extract_strided_slice %broadcast_in_dim3A_1280 {offsets = [0, 0], sizes = [1, 1], strides = [1, 1]} : vector<4x1xf32> to vector<1x1xf32>
    %tanh3A_1302 = math.tanh %slice3A_1301 : vector<1x1xf32>
    %mul3A_1303 = vector.broadcast %tanh3A_1302 : vector<1x1xf32> to vector<1x64xf32>
    %mul3A_1304 = arith.mulf %dot_general3A_1300, %mul3A_1303 : vector<1x64xf32>
    %swap3A_1305 = arith.constant 0 : index
    %swap3A_1306 = arith.constant 14 : index
    %swap3A_1307 = arith.constant 0 : index
    %swap3A_1308 = vector.load %arg2[%swap3A_1305, %swap3A_1306, %swap3A_1307] : memref<4x16x64xf32, #tpu.memory_space<vmem>>, vector<1x1x64xf32>
    %swap3A_1309 = vector.shape_cast %swap3A_1308 : vector<1x1x64xf32> to vector<1x64xf32>
    %swap3A_1310 = vector.shape_cast %mul3A_1304 : vector<1x64xf32> to vector<1x1x64xf32>
    tpu.vector_store %arg2[%swap3A_1305, %swap3A_1306, %swap3A_1307], %swap3A_1310 {strides = array<i32>} : memref<4x16x64xf32, #tpu.memory_space<vmem>>, vector<1x1x64xf32>,
    %slice3A_1311 = vector.extract_strided_slice %convert_element_type3A_1292 {offsets = [1, 0], sizes = [1, 10000], strides = [1, 1]} : vector<4x10000xf32> to vector<1x10000xf32>
    %get3A_1312 = arith.constant 1 : index
    %get3A_1313 = arith.constant 0 : index
    %get3A_1314 = arith.constant 0 : index
    %get3A_1315 = vector.load %arg0[%get3A_1312, %get3A_1313, %get3A_1314] : memref<4x10000x64xf32, #tpu.memory_space<vmem>>, vector<1x10000x64xf32>
    %get3A_1316 = vector.shape_cast %get3A_1315 : vector<1x10000x64xf32> to vector<10000x64xf32>
    %dot_general3A_1317 = arith.constant dense<0.000000e+00> : vector<1x64xf32>
    %dot_general3A_1318 = tpu.matmul %slice3A_1311, %get3A_1316, %dot_general3A_1317 {dimension_numbers = #tpu.dot_dimension_numbers<[1], [0], [0], [1], [0, 0, 1, 1], [], []>, transpose_lhs_hint = false} : vector<1x10000xf32>, vector<10000x64xf32>, vector<1x64xf32> -> vector<1x64xf32>
    %slice3A_1319 = vector.extract_strided_slice %broadcast_in_dim3A_1280 {offsets = [1, 0], sizes = [1, 1], strides = [1, 1]} : vector<4x1xf32> to vector<1x1xf32>
    %tanh3A_1320 = math.tanh %slice3A_1319 : vector<1x1xf32>
    %mul3A_1321 = vector.broadcast %tanh3A_1320 : vector<1x1xf32> to vector<1x64xf32>
    %mul3A_1322 = arith.mulf %dot_general3A_1318, %mul3A_1321 : vector<1x64xf32>
    %swap3A_1323 = arith.constant 1 : index
    %swap3A_1324 = arith.constant 14 : index
    %swap3A_1325 = arith.constant 0 : index
    %swap3A_1326 = vector.load %arg2[%swap3A_1323, %swap3A_1324, %swap3A_1325] : memref<4x16x64xf32, #tpu.memory_space<vmem>>, vector<1x1x64xf32>
    %swap3A_1327 = vector.shape_cast %swap3A_1326 : vector<1x1x64xf32> to vector<1x64xf32>
    %swap3A_1328 = vector.shape_cast %mul3A_1322 : vector<1x64xf32> to vector<1x1x64xf32>
    tpu.vector_store %arg2[%swap3A_1323, %swap3A_1324, %swap3A_1325], %swap3A_1328 {strides = array<i32>} : memref<4x16x64xf32, #tpu.memory_space<vmem>>, vector<1x1x64xf32>,
    %slice3A_1329 = vector.extract_strided_slice %convert_element_type3A_1292 {offsets = [2, 0], sizes = [1, 10000], strides = [1, 1]} : vector<4x10000xf32> to vector<1x10000xf32>
    %get3A_1330 = arith.constant 2 : index
    %get3A_1331 = arith.constant 0 : index
    %get3A_1332 = arith.constant 0 : index
    %get3A_1333 = vector.load %arg0[%get3A_1330, %get3A_1331, %get3A_1332] : memref<4x10000x64xf32, #tpu.memory_space<vmem>>, vector<1x10000x64xf32>
    %get3A_1334 = vector.shape_cast %get3A_1333 : vector<1x10000x64xf32> to vector<10000x64xf32>
    %dot_general3A_1335 = arith.constant dense<0.000000e+00> : vector<1x64xf32>
    %dot_general3A_1336 = tpu.matmul %slice3A_1329, %get3A_1334, %dot_general3A_1335 {dimension_numbers = #tpu.dot_dimension_numbers<[1], [0], [0], [1], [0, 0, 1, 1], [], []>, transpose_lhs_hint = false} : vector<1x10000xf32>, vector<10000x64xf32>, vector<1x64xf32> -> vector<1x64xf32>
    %slice3A_1337 = vector.extract_strided_slice %broadcast_in_dim3A_1280 {offsets = [2, 0], sizes = [1, 1], strides = [1, 1]} : vector<4x1xf32> to vector<1x1xf32>
    %tanh3A_1338 = math.tanh %slice3A_1337 : vector<1x1xf32>
    %mul3A_1339 = vector.broadcast %tanh3A_1338 : vector<1x1xf32> to vector<1x64xf32>
    %mul3A_1340 = arith.mulf %dot_general3A_1336, %mul3A_1339 : vector<1x64xf32>
    %swap3A_1341 = arith.constant 2 : index
    %swap3A_1342 = arith.constant 14 : index
    %swap3A_1343 = arith.constant 0 : index
    %swap3A_1344 = vector.load %arg2[%swap3A_1341, %swap3A_1342, %swap3A_1343] : memref<4x16x64xf32, #tpu.memory_space<vmem>>, vector<1x1x64xf32>
    %swap3A_1345 = vector.shape_cast %swap3A_1344 : vector<1x1x64xf32> to vector<1x64xf32>
    %swap3A_1346 = vector.shape_cast %mul3A_1340 : vector<1x64xf32> to vector<1x1x64xf32>
    tpu.vector_store %arg2[%swap3A_1341, %swap3A_1342, %swap3A_1343], %swap3A_1346 {strides = array<i32>} : memref<4x16x64xf32, #tpu.memory_space<vmem>>, vector<1x1x64xf32>,
    %slice3A_1347 = vector.extract_strided_slice %convert_element_type3A_1292 {offsets = [3, 0], sizes = [1, 10000], strides = [1, 1]} : vector<4x10000xf32> to vector<1x10000xf32>
    %get3A_1348 = arith.constant 3 : index
    %get3A_1349 = arith.constant 0 : index
    %get3A_1350 = arith.constant 0 : index
    %get3A_1351 = vector.load %arg0[%get3A_1348, %get3A_1349, %get3A_1350] : memref<4x10000x64xf32, #tpu.memory_space<vmem>>, vector<1x10000x64xf32>
    %get3A_1352 = vector.shape_cast %get3A_1351 : vector<1x10000x64xf32> to vector<10000x64xf32>
    %dot_general3A_1353 = arith.constant dense<0.000000e+00> : vector<1x64xf32>
    %dot_general3A_1354 = tpu.matmul %slice3A_1347, %get3A_1352, %dot_general3A_1353 {dimension_numbers = #tpu.dot_dimension_numbers<[1], [0], [0], [1], [0, 0, 1, 1], [], []>, transpose_lhs_hint = false} : vector<1x10000xf32>, vector<10000x64xf32>, vector<1x64xf32> -> vector<1x64xf32>
    %slice3A_1355 = vector.extract_strided_slice %broadcast_in_dim3A_1280 {offsets = [3, 0], sizes = [1, 1], strides = [1, 1]} : vector<4x1xf32> to vector<1x1xf32>
    %tanh3A_1356 = math.tanh %slice3A_1355 : vector<1x1xf32>
    %mul3A_1357 = vector.broadcast %tanh3A_1356 : vector<1x1xf32> to vector<1x64xf32>
    %mul3A_1358 = arith.mulf %dot_general3A_1354, %mul3A_1357 : vector<1x64xf32>
    %swap3A_1359 = arith.constant 3 : index
    %swap3A_1360 = arith.constant 14 : index
    %swap3A_1361 = arith.constant 0 : index
    %swap3A_1362 = vector.load %arg2[%swap3A_1359, %swap3A_1360, %swap3A_1361] : memref<4x16x64xf32, #tpu.memory_space<vmem>>, vector<1x1x64xf32>
    %swap3A_1363 = vector.shape_cast %swap3A_1362 : vector<1x1x64xf32> to vector<1x64xf32>
    %swap3A_1364 = vector.shape_cast %mul3A_1358 : vector<1x64xf32> to vector<1x1x64xf32>
    tpu.vector_store %arg2[%swap3A_1359, %swap3A_1360, %swap3A_1361], %swap3A_1364 {strides = array<i32>} : memref<4x16x64xf32, #tpu.memory_space<vmem>>, vector<1x1x64xf32>,
    %eq3A_1365 = vector.broadcast %broadcast_in_dim3A_1288 : vector<4x1xi32> to vector<4x10000xi32>
    %eq3A_1366 = arith.cmpi eq, %iota3A, %eq3A_1365 : vector<4x10000xi32>
    %jit3A_1367 = arith.constant 0xFF800000 : f32
    %broadcast_in_dim3A_1368 = vector.broadcast %jit3A_1367 : f32 to vector<4x10000xf32>
    %select_n3A_1369 = arith.select %eq3A_1366, %broadcast_in_dim3A_1368, %select_n3A_1277 : vector<4x10000xi1>, vector<4x10000xf32>
    %reduce_max3A_1370 = arith.constant dense<0xFF800000> : vector<4xf32>
    %reduce_max3A_1371 = vector.multi_reduction <maximumf>, %select_n3A_1369, %reduce_max3A_1370 [1] : vector<4x10000xf32> to vector<4xf32>
    %broadcast_in_dim3A_1372 = vector.shape_cast %reduce_max3A_1371 : vector<4xf32> to vector<4x1xf32>
    %eq3A_1373 = vector.broadcast %broadcast_in_dim3A_1372 : vector<4x1xf32> to vector<4x10000xf32>
    %eq3A_1374 = arith.cmpf oeq, %select_n3A_1369, %eq3A_1373 : vector<4x10000xf32>
    %jit3A_1375 = arith.constant 10000 : i32
    %broadcast_in_dim3A_1376 = vector.broadcast %jit3A_1375 : i32 to vector<4x10000xi32>
    %select_n3A_1377 = arith.select %eq3A_1374, %iota3A, %broadcast_in_dim3A_1376 : vector<4x10000xi1>, vector<4x10000xi32>
    %reduce_min3A_1378 = arith.constant dense<2147483647> : vector<4xi32>
    %reduce_min3A_1379 = vector.multi_reduction <minsi>, %select_n3A_1377, %reduce_min3A_1378 [1] : vector<4x10000xi32> to vector<4xi32>
    %broadcast_in_dim3A_1380 = vector.shape_cast %reduce_min3A_1379 : vector<4xi32> to vector<4x1xi32>
    %eq3A_1381 = vector.broadcast %broadcast_in_dim3A_1380 : vector<4x1xi32> to vector<4x10000xi32>
    %eq3A_1382 = arith.cmpi eq, %iota3A, %eq3A_1381 : vector<4x10000xi32>
    %convert_element_type3A_1383 = arith.extui %eq3A_1382 : vector<4x10000xi1> to vector<4x10000xi32>
    %convert_element_type3A_1384 = arith.sitofp %convert_element_type3A_1383 : vector<4x10000xi32> to vector<4x10000xf32>
    %slice3A_1385 = vector.extract_strided_slice %convert_element_type3A_1384 {offsets = [0, 0], sizes = [1, 10000], strides = [1, 1]} : vector<4x10000xf32> to vector<1x10000xf32>
    %get3A_1386 = arith.constant 0 : index
    %get3A_1387 = arith.constant 0 : index
    %get3A_1388 = arith.constant 0 : index
    %get3A_1389 = vector.load %arg0[%get3A_1386, %get3A_1387, %get3A_1388] : memref<4x10000x64xf32, #tpu.memory_space<vmem>>, vector<1x10000x64xf32>
    %get3A_1390 = vector.shape_cast %get3A_1389 : vector<1x10000x64xf32> to vector<10000x64xf32>
    %dot_general3A_1391 = arith.constant dense<0.000000e+00> : vector<1x64xf32>
    %dot_general3A_1392 = tpu.matmul %slice3A_1385, %get3A_1390, %dot_general3A_1391 {dimension_numbers = #tpu.dot_dimension_numbers<[1], [0], [0], [1], [0, 0, 1, 1], [], []>, transpose_lhs_hint = false} : vector<1x10000xf32>, vector<10000x64xf32>, vector<1x64xf32> -> vector<1x64xf32>
    %slice3A_1393 = vector.extract_strided_slice %broadcast_in_dim3A_1372 {offsets = [0, 0], sizes = [1, 1], strides = [1, 1]} : vector<4x1xf32> to vector<1x1xf32>
    %tanh3A_1394 = math.tanh %slice3A_1393 : vector<1x1xf32>
    %mul3A_1395 = vector.broadcast %tanh3A_1394 : vector<1x1xf32> to vector<1x64xf32>
    %mul3A_1396 = arith.mulf %dot_general3A_1392, %mul3A_1395 : vector<1x64xf32>
    %swap3A_1397 = arith.constant 0 : index
    %swap3A_1398 = arith.constant 15 : index
    %swap3A_1399 = arith.constant 0 : index
    %swap3A_1400 = vector.load %arg2[%swap3A_1397, %swap3A_1398, %swap3A_1399] : memref<4x16x64xf32, #tpu.memory_space<vmem>>, vector<1x1x64xf32>
    %swap3A_1401 = vector.shape_cast %swap3A_1400 : vector<1x1x64xf32> to vector<1x64xf32>
    %swap3A_1402 = vector.shape_cast %mul3A_1396 : vector<1x64xf32> to vector<1x1x64xf32>
    tpu.vector_store %arg2[%swap3A_1397, %swap3A_1398, %swap3A_1399], %swap3A_1402 {strides = array<i32>} : memref<4x16x64xf32, #tpu.memory_space<vmem>>, vector<1x1x64xf32>,
    %slice3A_1403 = vector.extract_strided_slice %convert_element_type3A_1384 {offsets = [1, 0], sizes = [1, 10000], strides = [1, 1]} : vector<4x10000xf32> to vector<1x10000xf32>
    %get3A_1404 = arith.constant 1 : index
    %get3A_1405 = arith.constant 0 : index
    %get3A_1406 = arith.constant 0 : index
    %get3A_1407 = vector.load %arg0[%get3A_1404, %get3A_1405, %get3A_1406] : memref<4x10000x64xf32, #tpu.memory_space<vmem>>, vector<1x10000x64xf32>
    %get3A_1408 = vector.shape_cast %get3A_1407 : vector<1x10000x64xf32> to vector<10000x64xf32>
    %dot_general3A_1409 = arith.constant dense<0.000000e+00> : vector<1x64xf32>
    %dot_general3A_1410 = tpu.matmul %slice3A_1403, %get3A_1408, %dot_general3A_1409 {dimension_numbers = #tpu.dot_dimension_numbers<[1], [0], [0], [1], [0, 0, 1, 1], [], []>, transpose_lhs_hint = false} : vector<1x10000xf32>, vector<10000x64xf32>, vector<1x64xf32> -> vector<1x64xf32>
    %slice3A_1411 = vector.extract_strided_slice %broadcast_in_dim3A_1372 {offsets = [1, 0], sizes = [1, 1], strides = [1, 1]} : vector<4x1xf32> to vector<1x1xf32>
    %tanh3A_1412 = math.tanh %slice3A_1411 : vector<1x1xf32>
    %mul3A_1413 = vector.broadcast %tanh3A_1412 : vector<1x1xf32> to vector<1x64xf32>
    %mul3A_1414 = arith.mulf %dot_general3A_1410, %mul3A_1413 : vector<1x64xf32>
    %swap3A_1415 = arith.constant 1 : index
    %swap3A_1416 = arith.constant 15 : index
    %swap3A_1417 = arith.constant 0 : index
    %swap3A_1418 = vector.load %arg2[%swap3A_1415, %swap3A_1416, %swap3A_1417] : memref<4x16x64xf32, #tpu.memory_space<vmem>>, vector<1x1x64xf32>
    %swap3A_1419 = vector.shape_cast %swap3A_1418 : vector<1x1x64xf32> to vector<1x64xf32>
    %swap3A_1420 = vector.shape_cast %mul3A_1414 : vector<1x64xf32> to vector<1x1x64xf32>
    tpu.vector_store %arg2[%swap3A_1415, %swap3A_1416, %swap3A_1417], %swap3A_1420 {strides = array<i32>} : memref<4x16x64xf32, #tpu.memory_space<vmem>>, vector<1x1x64xf32>,
    %slice3A_1421 = vector.extract_strided_slice %convert_element_type3A_1384 {offsets = [2, 0], sizes = [1, 10000], strides = [1, 1]} : vector<4x10000xf32> to vector<1x10000xf32>
    %get3A_1422 = arith.constant 2 : index
    %get3A_1423 = arith.constant 0 : index
    %get3A_1424 = arith.constant 0 : index
    %get3A_1425 = vector.load %arg0[%get3A_1422, %get3A_1423, %get3A_1424] : memref<4x10000x64xf32, #tpu.memory_space<vmem>>, vector<1x10000x64xf32>
    %get3A_1426 = vector.shape_cast %get3A_1425 : vector<1x10000x64xf32> to vector<10000x64xf32>
    %dot_general3A_1427 = arith.constant dense<0.000000e+00> : vector<1x64xf32>
    %dot_general3A_1428 = tpu.matmul %slice3A_1421, %get3A_1426, %dot_general3A_1427 {dimension_numbers = #tpu.dot_dimension_numbers<[1], [0], [0], [1], [0, 0, 1, 1], [], []>, transpose_lhs_hint = false} : vector<1x10000xf32>, vector<10000x64xf32>, vector<1x64xf32> -> vector<1x64xf32>
    %slice3A_1429 = vector.extract_strided_slice %broadcast_in_dim3A_1372 {offsets = [2, 0], sizes = [1, 1], strides = [1, 1]} : vector<4x1xf32> to vector<1x1xf32>
    %tanh3A_1430 = math.tanh %slice3A_1429 : vector<1x1xf32>
    %mul3A_1431 = vector.broadcast %tanh3A_1430 : vector<1x1xf32> to vector<1x64xf32>
    %mul3A_1432 = arith.mulf %dot_general3A_1428, %mul3A_1431 : vector<1x64xf32>
    %swap3A_1433 = arith.constant 2 : index
    %swap3A_1434 = arith.constant 15 : index
    %swap3A_1435 = arith.constant 0 : index
    %swap3A_1436 = vector.load %arg2[%swap3A_1433, %swap3A_1434, %swap3A_1435] : memref<4x16x64xf32, #tpu.memory_space<vmem>>, vector<1x1x64xf32>
    %swap3A_1437 = vector.shape_cast %swap3A_1436 : vector<1x1x64xf32> to vector<1x64xf32>
    %swap3A_1438 = vector.shape_cast %mul3A_1432 : vector<1x64xf32> to vector<1x1x64xf32>
    tpu.vector_store %arg2[%swap3A_1433, %swap3A_1434, %swap3A_1435], %swap3A_1438 {strides = array<i32>} : memref<4x16x64xf32, #tpu.memory_space<vmem>>, vector<1x1x64xf32>,
    %slice3A_1439 = vector.extract_strided_slice %convert_element_type3A_1384 {offsets = [3, 0], sizes = [1, 10000], strides = [1, 1]} : vector<4x10000xf32> to vector<1x10000xf32>
    %get3A_1440 = arith.constant 3 : index
    %get3A_1441 = arith.constant 0 : index
    %get3A_1442 = arith.constant 0 : index
    %get3A_1443 = vector.load %arg0[%get3A_1440, %get3A_1441, %get3A_1442] : memref<4x10000x64xf32, #tpu.memory_space<vmem>>, vector<1x10000x64xf32>
    %get3A_1444 = vector.shape_cast %get3A_1443 : vector<1x10000x64xf32> to vector<10000x64xf32>
    %dot_general3A_1445 = arith.constant dense<0.000000e+00> : vector<1x64xf32>
    %dot_general3A_1446 = tpu.matmul %slice3A_1439, %get3A_1444, %dot_general3A_1445 {dimension_numbers = #tpu.dot_dimension_numbers<[1], [0], [0], [1], [0, 0, 1, 1], [], []>, transpose_lhs_hint = false} : vector<1x10000xf32>, vector<10000x64xf32>, vector<1x64xf32> -> vector<1x64xf32>
    %slice3A_1447 = vector.extract_strided_slice %broadcast_in_dim3A_1372 {offsets = [3, 0], sizes = [1, 1], strides = [1, 1]} : vector<4x1xf32> to vector<1x1xf32>
    %tanh3A_1448 = math.tanh %slice3A_1447 : vector<1x1xf32>
    %mul3A_1449 = vector.broadcast %tanh3A_1448 : vector<1x1xf32> to vector<1x64xf32>
    %mul3A_1450 = arith.mulf %dot_general3A_1446, %mul3A_1449 : vector<1x64xf32>
    %swap3A_1451 = arith.constant 3 : index
    %swap3A_1452 = arith.constant 15 : index
    %swap3A_1453 = arith.constant 0 : index
    %swap3A_1454 = vector.load %arg2[%swap3A_1451, %swap3A_1452, %swap3A_1453] : memref<4x16x64xf32, #tpu.memory_space<vmem>>, vector<1x1x64xf32>
    %swap3A_1455 = vector.shape_cast %swap3A_1454 : vector<1x1x64xf32> to vector<1x64xf32>
    %swap3A_1456 = vector.shape_cast %mul3A_1450 : vector<1x64xf32> to vector<1x1x64xf32>
    tpu.vector_store %arg2[%swap3A_1451, %swap3A_1452, %swap3A_1453], %swap3A_1456 {strides = array<i32>} : memref<4x16x64xf32, #tpu.memory_space<vmem>>, vector<1x1x64xf32>,
    return
  }
}

module attributes {stable_mosaic.version = 14 : i64} {
  func.func @_gru_body(%arg0: i32, %arg1: memref<4x1024xf32, #tpu.memory_space<vmem>>, %arg2: memref<4x2048xf32, #tpu.memory_space<vmem>>, %arg3: memref<4x256xf32, #tpu.memory_space<vmem>>, %arg4: memref<3x256x1024xf32, #tpu.memory_space<vmem>>, %arg5: memref<3x256x2048xf32, #tpu.memory_space<vmem>>, %arg6: memref<3x1x256xf32, #tpu.memory_space<vmem>>, %arg7: memref<3x1x256xf32, #tpu.memory_space<vmem>>, %arg8: memref<4x256xf32, #tpu.memory_space<vmem>>) attributes {dimension_semantics = [#tpu.dimension_semantics<arbitrary>], iteration_bounds = array<i64: 8>, scalar_prefetch = 0 : i64, scratch_operands = 0 : i64, tpu.core_type = #tpu.core_type<tc>, window_params = [{pipeline_mode = #tpu.pipeline_mode<synchronous>, transform_indices = @transform_0, window_bounds = array<i64: 4, 1024>}, {pipeline_mode = #tpu.pipeline_mode<synchronous>, transform_indices = @transform_1, window_bounds = array<i64: 4, 2048>}, {transform_indices = @transform_2, window_bounds = array<i64: 4, 256>}, {transform_indices = @transform_3, window_bounds = array<i64: 3, 256, 1024>}, {transform_indices = @transform_4, window_bounds = array<i64: 3, 256, 2048>}, {transform_indices = @transform_5, window_bounds = array<i64: 3, 1, 256>}, {transform_indices = @transform_6, window_bounds = array<i64: 3, 1, 256>}, {transform_indices = @transform_7, window_bounds = array<i64: 4, 256>}]} {
    %get3A = arith.constant 0 : index
    %get3A_0 = arith.constant 0 : index
    %get3A_1 = vector.load %arg1[%get3A, %get3A_0] : memref<4x1024xf32, #tpu.memory_space<vmem>>, vector<4x1024xf32>
    %get3A_2 = arith.constant 0 : index
    %get3A_3 = arith.constant 0 : index
    %get3A_4 = vector.load %arg2[%get3A_2, %get3A_3] : memref<4x2048xf32, #tpu.memory_space<vmem>>, vector<4x2048xf32>
    %get3A_5 = arith.constant 0 : index
    %get3A_6 = arith.constant 0 : index
    %get3A_7 = arith.constant 0 : index
    %get3A_8 = vector.load %arg4[%get3A_5, %get3A_6, %get3A_7] : memref<3x256x1024xf32, #tpu.memory_space<vmem>>, vector<1x256x1024xf32>
    %get3A_9 = vector.shape_cast %get3A_8 : vector<1x256x1024xf32> to vector<256x1024xf32>
    %dot_general3A = arith.constant dense<0.000000e+00> : vector<4x256xf32>
    %dot_general3A_10 = tpu.matmul %get3A_1, %get3A_9, %dot_general3A {dimension_numbers = #tpu.dot_dimension_numbers<[1], [1], [0], [0], [0, 0, 1, 0], [], []>, transpose_lhs_hint = false} : vector<4x1024xf32>, vector<256x1024xf32>, vector<4x256xf32> -> vector<4x256xf32>
    %get3A_11 = arith.constant 0 : index
    %get3A_12 = arith.constant 0 : index
    %get3A_13 = arith.constant 0 : index
    %get3A_14 = vector.load %arg6[%get3A_11, %get3A_12, %get3A_13] : memref<3x1x256xf32, #tpu.memory_space<vmem>>, vector<1x1x256xf32>
    %get3A_15 = vector.shape_cast %get3A_14 : vector<1x1x256xf32> to vector<1x256xf32>
    %add3A = vector.broadcast %get3A_15 : vector<1x256xf32> to vector<4x256xf32>
    %add3A_16 = arith.addf %dot_general3A_10, %add3A : vector<4x256xf32>
    %get3A_17 = arith.constant 0 : index
    %get3A_18 = arith.constant 0 : index
    %get3A_19 = arith.constant 0 : index
    %get3A_20 = vector.load %arg5[%get3A_17, %get3A_18, %get3A_19] : memref<3x256x2048xf32, #tpu.memory_space<vmem>>, vector<1x256x2048xf32>
    %get3A_21 = vector.shape_cast %get3A_20 : vector<1x256x2048xf32> to vector<256x2048xf32>
    %dot_general3A_22 = arith.constant dense<0.000000e+00> : vector<4x256xf32>
    %dot_general3A_23 = tpu.matmul %get3A_4, %get3A_21, %dot_general3A_22 {dimension_numbers = #tpu.dot_dimension_numbers<[1], [1], [0], [0], [0, 0, 1, 0], [], []>, transpose_lhs_hint = false} : vector<4x2048xf32>, vector<256x2048xf32>, vector<4x256xf32> -> vector<4x256xf32>
    %get3A_24 = arith.constant 0 : index
    %get3A_25 = arith.constant 0 : index
    %get3A_26 = arith.constant 0 : index
    %get3A_27 = vector.load %arg7[%get3A_24, %get3A_25, %get3A_26] : memref<3x1x256xf32, #tpu.memory_space<vmem>>, vector<1x1x256xf32>
    %get3A_28 = vector.shape_cast %get3A_27 : vector<1x1x256xf32> to vector<1x256xf32>
    %add3A_29 = vector.broadcast %get3A_28 : vector<1x256xf32> to vector<4x256xf32>
    %add3A_30 = arith.addf %dot_general3A_23, %add3A_29 : vector<4x256xf32>
    %get3A_31 = arith.constant 1 : index
    %get3A_32 = arith.constant 0 : index
    %get3A_33 = arith.constant 0 : index
    %get3A_34 = vector.load %arg4[%get3A_31, %get3A_32, %get3A_33] : memref<3x256x1024xf32, #tpu.memory_space<vmem>>, vector<1x256x1024xf32>
    %get3A_35 = vector.shape_cast %get3A_34 : vector<1x256x1024xf32> to vector<256x1024xf32>
    %dot_general3A_36 = arith.constant dense<0.000000e+00> : vector<4x256xf32>
    %dot_general3A_37 = tpu.matmul %get3A_1, %get3A_35, %dot_general3A_36 {dimension_numbers = #tpu.dot_dimension_numbers<[1], [1], [0], [0], [0, 0, 1, 0], [], []>, transpose_lhs_hint = false} : vector<4x1024xf32>, vector<256x1024xf32>, vector<4x256xf32> -> vector<4x256xf32>
    %get3A_38 = arith.constant 1 : index
    %get3A_39 = arith.constant 0 : index
    %get3A_40 = arith.constant 0 : index
    %get3A_41 = vector.load %arg6[%get3A_38, %get3A_39, %get3A_40] : memref<3x1x256xf32, #tpu.memory_space<vmem>>, vector<1x1x256xf32>
    %get3A_42 = vector.shape_cast %get3A_41 : vector<1x1x256xf32> to vector<1x256xf32>
    %add3A_43 = vector.broadcast %get3A_42 : vector<1x256xf32> to vector<4x256xf32>
    %add3A_44 = arith.addf %dot_general3A_37, %add3A_43 : vector<4x256xf32>
    %get3A_45 = arith.constant 1 : index
    %get3A_46 = arith.constant 0 : index
    %get3A_47 = arith.constant 0 : index
    %get3A_48 = vector.load %arg5[%get3A_45, %get3A_46, %get3A_47] : memref<3x256x2048xf32, #tpu.memory_space<vmem>>, vector<1x256x2048xf32>
    %get3A_49 = vector.shape_cast %get3A_48 : vector<1x256x2048xf32> to vector<256x2048xf32>
    %dot_general3A_50 = arith.constant dense<0.000000e+00> : vector<4x256xf32>
    %dot_general3A_51 = tpu.matmul %get3A_4, %get3A_49, %dot_general3A_50 {dimension_numbers = #tpu.dot_dimension_numbers<[1], [1], [0], [0], [0, 0, 1, 0], [], []>, transpose_lhs_hint = false} : vector<4x2048xf32>, vector<256x2048xf32>, vector<4x256xf32> -> vector<4x256xf32>
    %get3A_52 = arith.constant 1 : index
    %get3A_53 = arith.constant 0 : index
    %get3A_54 = arith.constant 0 : index
    %get3A_55 = vector.load %arg7[%get3A_52, %get3A_53, %get3A_54] : memref<3x1x256xf32, #tpu.memory_space<vmem>>, vector<1x1x256xf32>
    %get3A_56 = vector.shape_cast %get3A_55 : vector<1x1x256xf32> to vector<1x256xf32>
    %add3A_57 = vector.broadcast %get3A_56 : vector<1x256xf32> to vector<4x256xf32>
    %add3A_58 = arith.addf %dot_general3A_51, %add3A_57 : vector<4x256xf32>
    %get3A_59 = arith.constant 2 : index
    %get3A_60 = arith.constant 0 : index
    %get3A_61 = arith.constant 0 : index
    %get3A_62 = vector.load %arg4[%get3A_59, %get3A_60, %get3A_61] : memref<3x256x1024xf32, #tpu.memory_space<vmem>>, vector<1x256x1024xf32>
    %get3A_63 = vector.shape_cast %get3A_62 : vector<1x256x1024xf32> to vector<256x1024xf32>
    %dot_general3A_64 = arith.constant dense<0.000000e+00> : vector<4x256xf32>
    %dot_general3A_65 = tpu.matmul %get3A_1, %get3A_63, %dot_general3A_64 {dimension_numbers = #tpu.dot_dimension_numbers<[1], [1], [0], [0], [0, 0, 1, 0], [], []>, transpose_lhs_hint = false} : vector<4x1024xf32>, vector<256x1024xf32>, vector<4x256xf32> -> vector<4x256xf32>
    %get3A_66 = arith.constant 2 : index
    %get3A_67 = arith.constant 0 : index
    %get3A_68 = arith.constant 0 : index
    %get3A_69 = vector.load %arg6[%get3A_66, %get3A_67, %get3A_68] : memref<3x1x256xf32, #tpu.memory_space<vmem>>, vector<1x1x256xf32>
    %get3A_70 = vector.shape_cast %get3A_69 : vector<1x1x256xf32> to vector<1x256xf32>
    %add3A_71 = vector.broadcast %get3A_70 : vector<1x256xf32> to vector<4x256xf32>
    %add3A_72 = arith.addf %dot_general3A_65, %add3A_71 : vector<4x256xf32>
    %get3A_73 = arith.constant 2 : index
    %get3A_74 = arith.constant 0 : index
    %get3A_75 = arith.constant 0 : index
    %get3A_76 = vector.load %arg5[%get3A_73, %get3A_74, %get3A_75] : memref<3x256x2048xf32, #tpu.memory_space<vmem>>, vector<1x256x2048xf32>
    %get3A_77 = vector.shape_cast %get3A_76 : vector<1x256x2048xf32> to vector<256x2048xf32>
    %dot_general3A_78 = arith.constant dense<0.000000e+00> : vector<4x256xf32>
    %dot_general3A_79 = tpu.matmul %get3A_4, %get3A_77, %dot_general3A_78 {dimension_numbers = #tpu.dot_dimension_numbers<[1], [1], [0], [0], [0, 0, 1, 0], [], []>, transpose_lhs_hint = false} : vector<4x2048xf32>, vector<256x2048xf32>, vector<4x256xf32> -> vector<4x256xf32>
    %get3A_80 = arith.constant 2 : index
    %get3A_81 = arith.constant 0 : index
    %get3A_82 = arith.constant 0 : index
    %get3A_83 = vector.load %arg7[%get3A_80, %get3A_81, %get3A_82] : memref<3x1x256xf32, #tpu.memory_space<vmem>>, vector<1x1x256xf32>
    %get3A_84 = vector.shape_cast %get3A_83 : vector<1x1x256xf32> to vector<1x256xf32>
    %add3A_85 = vector.broadcast %get3A_84 : vector<1x256xf32> to vector<4x256xf32>
    %add3A_86 = arith.addf %dot_general3A_79, %add3A_85 : vector<4x256xf32>
    %add3A_87 = arith.addf %add3A_16, %add3A_30 : vector<4x256xf32>
    %logistic3A = arith.negf %add3A_87 : vector<4x256xf32>
    %logistic3A_88 = math.exp %logistic3A : vector<4x256xf32>
    %logistic3A_89 = arith.constant 1.000000e+00 : f32
    %logistic3A_90 = vector.broadcast %logistic3A_89 : f32 to vector<4x256xf32>
    %logistic3A_91 = arith.addf %logistic3A_90, %logistic3A_88 : vector<4x256xf32>
    %logistic3A_92 = arith.divf %logistic3A_90, %logistic3A_91 : vector<4x256xf32>
    %add3A_93 = arith.addf %add3A_44, %add3A_58 : vector<4x256xf32>
    %logistic3A_94 = arith.negf %add3A_93 : vector<4x256xf32>
    %logistic3A_95 = math.exp %logistic3A_94 : vector<4x256xf32>
    %logistic3A_96 = arith.constant 1.000000e+00 : f32
    %logistic3A_97 = vector.broadcast %logistic3A_96 : f32 to vector<4x256xf32>
    %logistic3A_98 = arith.addf %logistic3A_97, %logistic3A_95 : vector<4x256xf32>
    %logistic3A_99 = arith.divf %logistic3A_97, %logistic3A_98 : vector<4x256xf32>
    %mul3A = arith.mulf %logistic3A_92, %add3A_86 : vector<4x256xf32>
    %add3A_100 = arith.addf %add3A_72, %mul3A : vector<4x256xf32>
    %tanh3A = math.tanh %add3A_100 : vector<4x256xf32>
    %sub3A = arith.constant 1.000000e+00 : f32
    %sub3A_101 = vector.broadcast %sub3A : f32 to vector<4x256xf32>
    %sub3A_102 = arith.subf %sub3A_101, %logistic3A_99 : vector<4x256xf32>
    %mul3A_103 = arith.mulf %sub3A_102, %tanh3A : vector<4x256xf32>
    %get3A_104 = arith.constant 0 : index
    %get3A_105 = arith.constant 0 : index
    %get3A_106 = vector.load %arg3[%get3A_104, %get3A_105] : memref<4x256xf32, #tpu.memory_space<vmem>>, vector<4x256xf32>
    %mul3A_107 = arith.mulf %logistic3A_99, %get3A_106 : vector<4x256xf32>
    %add3A_108 = arith.addf %mul3A_103, %mul3A_107 : vector<4x256xf32>
    %swap3A = arith.constant 0 : index
    %swap3A_109 = arith.constant 0 : index
    %swap3A_110 = vector.load %arg8[%swap3A, %swap3A_109] : memref<4x256xf32, #tpu.memory_space<vmem>>, vector<4x256xf32>
    tpu.vector_store %arg8[%swap3A, %swap3A_109], %add3A_108 {strides = array<i32>} : memref<4x256xf32, #tpu.memory_space<vmem>>, vector<4x256xf32>,
    return
  }
  func.func @transform_0(%arg0: i32) -> (i32, i32) {
    %c0_i32 = arith.constant 0 : i32
    %c0_i32_0 = arith.constant 0 : i32
    %c0_i32_1 = arith.constant 0 : i32
    return %c0_i32, %c0_i32_0 : i32, i32
  }
  func.func @transform_1(%arg0: i32) -> (i32, i32) {
    %c0_i32 = arith.constant 0 : i32
    %c0_i32_0 = arith.constant 0 : i32
    %c0_i32_1 = arith.constant 0 : i32
    return %c0_i32, %c0_i32_0 : i32, i32
  }
  func.func @transform_2(%arg0: i32) -> (i32, i32) {
    %c0_i32 = arith.constant 0 : i32
    %c0_i32_0 = arith.constant 0 : i32
    return %c0_i32, %arg0 : i32, i32
  }
  func.func @transform_3(%arg0: i32) -> (i32, i32, i32) {
    %c0_i32 = arith.constant 0 : i32
    %c0_i32_0 = arith.constant 0 : i32
    %c0_i32_1 = arith.constant 0 : i32
    return %c0_i32, %arg0, %c0_i32_0 : i32, i32, i32
  }
  func.func @transform_4(%arg0: i32) -> (i32, i32, i32) {
    %c0_i32 = arith.constant 0 : i32
    %c0_i32_0 = arith.constant 0 : i32
    %c0_i32_1 = arith.constant 0 : i32
    return %c0_i32, %arg0, %c0_i32_0 : i32, i32, i32
  }
  func.func @transform_5(%arg0: i32) -> (i32, i32, i32) {
    %c0_i32 = arith.constant 0 : i32
    %c0_i32_0 = arith.constant 0 : i32
    %c0_i32_1 = arith.constant 0 : i32
    return %c0_i32, %c0_i32_0, %arg0 : i32, i32, i32
  }
  func.func @transform_6(%arg0: i32) -> (i32, i32, i32) {
    %c0_i32 = arith.constant 0 : i32
    %c0_i32_0 = arith.constant 0 : i32
    %c0_i32_1 = arith.constant 0 : i32
    return %c0_i32, %c0_i32_0, %arg0 : i32, i32, i32
  }
  func.func @transform_7(%arg0: i32) -> (i32, i32) {
    %c0_i32 = arith.constant 0 : i32
    %c0_i32_0 = arith.constant 0 : i32
    return %c0_i32, %arg0 : i32, i32
  }
}

module attributes {stable_mosaic.version = 14 : i64} {
  func.func @_bmm_body(%arg0: i32, %arg1: i32, %arg2: memref<1x2000x64xf32, #tpu.memory_space<vmem>>, %arg3: memref<1x64x32xf32, #tpu.memory_space<vmem>>, %arg4: memref<32x32xf32, #tpu.memory_space<vmem>>, %arg5: memref<2000x32xf32, #tpu.memory_space<vmem>>, %arg6: memref<2000x32xf32, #tpu.memory_space<vmem>>, %arg7: memref<2000x32xf32, #tpu.memory_space<vmem>>) attributes {dimension_semantics = [#tpu.dimension_semantics<arbitrary>, #tpu.dimension_semantics<arbitrary>], iteration_bounds = array<i64: 4, 5>, scalar_prefetch = 0 : i64, scratch_operands = 0 : i64, tpu.core_type = #tpu.core_type<tc>, window_params = [{transform_indices = @transform_0, window_bounds = array<i64: 1, 2000, 64>}, {transform_indices = @transform_1, window_bounds = array<i64: 1, 64, 32>}, {pipeline_mode = #tpu.pipeline_mode<synchronous>, transform_indices = @transform_2, window_bounds = array<i64: 32, 32>}, {transform_indices = @transform_3, window_bounds = array<i64: 2000, 32>}, {transform_indices = @transform_4, window_bounds = array<i64: 2000, 32>}, {transform_indices = @transform_5, window_bounds = array<i64: 2000, 32>}]} {
    %get3A = arith.constant 0 : index
    %get3A_0 = arith.constant 0 : index
    %get3A_1 = arith.constant 0 : index
    %get3A_2 = vector.load %arg2[%get3A, %get3A_0, %get3A_1] : memref<1x2000x64xf32, #tpu.memory_space<vmem>>, vector<1x2000x64xf32>
    %get3A_3 = vector.shape_cast %get3A_2 : vector<1x2000x64xf32> to vector<2000x64xf32>
    %get3A_4 = arith.constant 0 : index
    %get3A_5 = arith.constant 0 : index
    %get3A_6 = arith.constant 0 : index
    %get3A_7 = vector.load %arg3[%get3A_4, %get3A_5, %get3A_6] : memref<1x64x32xf32, #tpu.memory_space<vmem>>, vector<1x64x32xf32>
    %get3A_8 = vector.shape_cast %get3A_7 : vector<1x64x32xf32> to vector<64x32xf32>
    %dot_general3A = arith.constant dense<0.000000e+00> : vector<2000x32xf32>
    %dot_general3A_9 = tpu.matmul %get3A_3, %get3A_8, %dot_general3A {dimension_numbers = #tpu.dot_dimension_numbers<[1], [0], [0], [1], [0, 0, 1, 1], [], []>, transpose_lhs_hint = false} : vector<2000x64xf32>, vector<64x32xf32>, vector<2000x32xf32> -> vector<2000x32xf32>
    %get3A_10 = arith.constant 0 : index
    %get3A_11 = arith.constant 0 : index
    %get3A_12 = vector.load %arg4[%get3A_10, %get3A_11] : memref<32x32xf32, #tpu.memory_space<vmem>>, vector<32x32xf32>
    %dot_general3A_13 = arith.constant dense<0.000000e+00> : vector<2000x32xf32>
    %dot_general3A_14 = tpu.matmul %dot_general3A_9, %get3A_12, %dot_general3A_13 {dimension_numbers = #tpu.dot_dimension_numbers<[1], [0], [0], [1], [0, 0, 1, 1], [], []>, transpose_lhs_hint = false} : vector<2000x32xf32>, vector<32x32xf32>, vector<2000x32xf32> -> vector<2000x32xf32>
    %swap3A = arith.constant 0 : index
    %swap3A_15 = arith.constant 0 : index
    %swap3A_16 = vector.load %arg6[%swap3A, %swap3A_15] : memref<2000x32xf32, #tpu.memory_space<vmem>>, vector<2000x32xf32>
    tpu.vector_store %arg6[%swap3A, %swap3A_15], %dot_general3A_14 {strides = array<i32>} : memref<2000x32xf32, #tpu.memory_space<vmem>>, vector<2000x32xf32>,
    %get3A_17 = arith.constant 0 : index
    %get3A_18 = arith.constant 0 : index
    %get3A_19 = vector.load %arg5[%get3A_17, %get3A_18] : memref<2000x32xf32, #tpu.memory_space<vmem>>, vector<2000x32xf32>
    %mul3A = arith.mulf %dot_general3A_14, %get3A_19 : vector<2000x32xf32>
    %swap3A_20 = arith.constant 0 : index
    %swap3A_21 = arith.constant 0 : index
    %swap3A_22 = vector.load %arg7[%swap3A_20, %swap3A_21] : memref<2000x32xf32, #tpu.memory_space<vmem>>, vector<2000x32xf32>
    tpu.vector_store %arg7[%swap3A_20, %swap3A_21], %mul3A {strides = array<i32>} : memref<2000x32xf32, #tpu.memory_space<vmem>>, vector<2000x32xf32>,
    return
  }
  func.func @transform_0(%arg0: i32, %arg1: i32) -> (i32, i32, i32) {
    %c0_i32 = arith.constant 0 : i32
    %c0_i32_0 = arith.constant 0 : i32
    return %arg0, %arg1, %c0_i32 : i32, i32, i32
  }
  func.func @transform_1(%arg0: i32, %arg1: i32) -> (i32, i32, i32) {
    %c0_i32 = arith.constant 0 : i32
    %c0_i32_0 = arith.constant 0 : i32
    %c0_i32_1 = arith.constant 0 : i32
    return %arg0, %c0_i32, %c0_i32_0 : i32, i32, i32
  }
  func.func @transform_2(%arg0: i32, %arg1: i32) -> (i32, i32) {
    %c0_i32 = arith.constant 0 : i32
    %c0_i32_0 = arith.constant 0 : i32
    %c0_i32_1 = arith.constant 0 : i32
    return %c0_i32, %c0_i32_0 : i32, i32
  }
  func.func @transform_3(%arg0: i32, %arg1: i32) -> (i32, i32) {
    %mul3A = arith.constant 5 : i32
    %mul3A_0 = arith.muli %arg0, %mul3A : i32
    %add3A = arith.addi %mul3A_0, %arg1 : i32
    %c0_i32 = arith.constant 0 : i32
    %c0_i32_1 = arith.constant 0 : i32
    return %add3A, %c0_i32 : i32, i32
  }
  func.func @transform_4(%arg0: i32, %arg1: i32) -> (i32, i32) {
    %mul3A = arith.constant 5 : i32
    %mul3A_0 = arith.muli %arg0, %mul3A : i32
    %add3A = arith.addi %mul3A_0, %arg1 : i32
    %c0_i32 = arith.constant 0 : i32
    %c0_i32_1 = arith.constant 0 : i32
    return %add3A, %c0_i32 : i32, i32
  }
  func.func @transform_5(%arg0: i32, %arg1: i32) -> (i32, i32) {
    %mul3A = arith.constant 5 : i32
    %mul3A_0 = arith.muli %arg0, %mul3A : i32
    %add3A = arith.addi %mul3A_0, %arg1 : i32
    %c0_i32 = arith.constant 0 : i32
    %c0_i32_1 = arith.constant 0 : i32
    return %add3A, %c0_i32 : i32, i32
  }
}

module attributes {stable_mosaic.version = 14 : i64} {
  func.func @_fin_body(%arg0: i32, %arg1: memref<2x2000x32xf32, #tpu.memory_space<vmem>>, %arg2: memref<2000x32xf32, #tpu.memory_space<vmem>>, %arg3: memref<2000x32xf32, #tpu.memory_space<vmem>>, %arg4: memref<1x32xf32, #tpu.memory_space<vmem>>, %arg5: memref<2000x32xf32, #tpu.memory_space<vmem>>) attributes {dimension_semantics = [#tpu.dimension_semantics<arbitrary>], iteration_bounds = array<i64: 20>, scalar_prefetch = 0 : i64, scratch_operands = 0 : i64, tpu.core_type = #tpu.core_type<tc>, window_params = [{transform_indices = @transform_0, window_bounds = array<i64: 2, 2000, 32>}, {transform_indices = @transform_1, window_bounds = array<i64: 2000, 32>}, {transform_indices = @transform_2, window_bounds = array<i64: 2000, 32>}, {pipeline_mode = #tpu.pipeline_mode<synchronous>, transform_indices = @transform_3, window_bounds = array<i64: 1, 32>}, {transform_indices = @transform_4, window_bounds = array<i64: 2000, 32>}]} {
    %get3A = arith.constant 0 : index
    %get3A_0 = arith.constant 0 : index
    %get3A_1 = vector.load %arg2[%get3A, %get3A_0] : memref<2000x32xf32, #tpu.memory_space<vmem>>, vector<2000x32xf32>
    %get3A_2 = arith.constant 0 : index
    %get3A_3 = arith.constant 0 : index
    %get3A_4 = arith.constant 0 : index
    %get3A_5 = vector.load %arg1[%get3A_2, %get3A_3, %get3A_4] : memref<2x2000x32xf32, #tpu.memory_space<vmem>>, vector<1x2000x32xf32>
    %get3A_6 = vector.shape_cast %get3A_5 : vector<1x2000x32xf32> to vector<2000x32xf32>
    %get3A_7 = arith.constant 1 : index
    %get3A_8 = arith.constant 0 : index
    %get3A_9 = arith.constant 0 : index
    %get3A_10 = vector.load %arg1[%get3A_7, %get3A_8, %get3A_9] : memref<2x2000x32xf32, #tpu.memory_space<vmem>>, vector<1x2000x32xf32>
    %get3A_11 = vector.shape_cast %get3A_10 : vector<1x2000x32xf32> to vector<2000x32xf32>
    %add3A = arith.addf %get3A_6, %get3A_11 : vector<2000x32xf32>
    %mul3A = arith.mulf %get3A_1, %add3A : vector<2000x32xf32>
    %mul3A_12 = arith.constant 2.000000e+00 : f32
    %mul3A_13 = vector.broadcast %mul3A_12 : f32 to vector<2000x32xf32>
    %mul3A_14 = arith.mulf %mul3A_13, %get3A_1 : vector<2000x32xf32>
    %mul3A_15 = arith.mulf %mul3A_14, %get3A_1 : vector<2000x32xf32>
    %get3A_16 = arith.constant 0 : index
    %get3A_17 = arith.constant 0 : index
    %get3A_18 = vector.load %arg3[%get3A_16, %get3A_17] : memref<2000x32xf32, #tpu.memory_space<vmem>>, vector<2000x32xf32>
    %mul3A_19 = arith.mulf %mul3A_15, %get3A_18 : vector<2000x32xf32>
    %add3A_20 = arith.addf %mul3A, %mul3A_19 : vector<2000x32xf32>
    %get3A_21 = arith.constant 0 : index
    %get3A_22 = arith.constant 0 : index
    %get3A_23 = vector.load %arg4[%get3A_21, %get3A_22] : memref<1x32xf32, #tpu.memory_space<vmem>>, vector<1x32xf32>
    %add3A_24 = vector.broadcast %get3A_23 : vector<1x32xf32> to vector<2000x32xf32>
    %add3A_25 = arith.addf %add3A_20, %add3A_24 : vector<2000x32xf32>
    %swap3A = arith.constant 0 : index
    %swap3A_26 = arith.constant 0 : index
    %swap3A_27 = vector.load %arg5[%swap3A, %swap3A_26] : memref<2000x32xf32, #tpu.memory_space<vmem>>, vector<2000x32xf32>
    tpu.vector_store %arg5[%swap3A, %swap3A_26], %add3A_25 {strides = array<i32>} : memref<2000x32xf32, #tpu.memory_space<vmem>>, vector<2000x32xf32>,
    return
  }
  func.func @transform_0(%arg0: i32) -> (i32, i32, i32) {
    %c0_i32 = arith.constant 0 : i32
    %c0_i32_0 = arith.constant 0 : i32
    %c0_i32_1 = arith.constant 0 : i32
    return %c0_i32, %arg0, %c0_i32_0 : i32, i32, i32
  }
  func.func @transform_1(%arg0: i32) -> (i32, i32) {
    %c0_i32 = arith.constant 0 : i32
    %c0_i32_0 = arith.constant 0 : i32
    return %arg0, %c0_i32 : i32, i32
  }
  func.func @transform_2(%arg0: i32) -> (i32, i32) {
    %c0_i32 = arith.constant 0 : i32
    %c0_i32_0 = arith.constant 0 : i32
    return %arg0, %c0_i32 : i32, i32
  }
  func.func @transform_3(%arg0: i32) -> (i32, i32) {
    %c0_i32 = arith.constant 0 : i32
    %c0_i32_0 = arith.constant 0 : i32
    %c0_i32_1 = arith.constant 0 : i32
    return %c0_i32, %c0_i32_0 : i32, i32
  }
  func.func @transform_4(%arg0: i32) -> (i32, i32) {
    %c0_i32 = arith.constant 0 : i32
    %c0_i32_0 = arith.constant 0 : i32
    return %arg0, %c0_i32 : i32, i32
  }
}

</mosaic_0001>

<sc_bundles>
// kernel: kernel.12.cloned.1.call-start
scs
__scs_entry_jumppad:
0x0: {  	(pc) =	sbr.rel $0x88, $3  }
0x1: {  	(tag) =	ssettag $0x0;
	lr =	simm.s32 $0x1  }
0x2: {  	[smem:$0x3F97] =	sst lr;
	_ =	strace $0xD0000000  }
0x3: {  	_ = 	snop  }
0x4: {  	_ = 	snop  }
0x5: {  	_ = 	snop  }
0x6: {  	_ = 	snop  }
0x7: {  	_ = 	snop  }
__scs_overlays_trampoline_lowered:
0x8: {  	[smem:$0x3FA6] =	sst s0  }
0x9: {  	[smem:$0x3FA7] =	sst s1  }
0xa: {  	[smem:$0x3FA8] =	sst s2  }
0xb: {  	[smem:$0x3FA9] =	sst s3  }
0xc: {  	[smem:$0x3FAA] =	sst s4  }
0xd: {  	[smem:$0x3FAB] =	sst s5  }
0xe: {  	[smem:$0x3FAC] =	sst s6  }
0xf: {  	[smem:$0x3FAD] =	sst s7  }
0x10: {  	[smem:$0x3FAE] =	sst s8  }
0x11: {  	[smem:$0x3FAF] =	sst s9;
	s0 =	simm.s32 @!p0 $0x0  }
0x12: {  	s1 =	sld [smem:$0x3F95];
	s0 =	simm.s32 @p0 $0x1  }
0x13: {  	[smem:$0x3FB0] =	sst s0;
	s0 =	simm.s32 @!p1 $0x0  }
0x14: {  	s2 =	sld [smem:$0x3F94];
	s0 =	simm.s32 @p1 $0x1  }
0x15: {  	[smem:$0x3FB1] =	sst s0;
	s0 =	simm.s32 @!p2 $0x0  }
0x16: {  	s3 =	sld [smem:$0x3FDB];
	s0 =	simm.s32 @p2 $0x1  }
0x17: {  	s4 =	simm.s32 $0x1BF5;
	[smem:$0x3FB3] =	sst s0  }
0x18: {  	s0 =	sld [smem:$0x3F96];
	_ =	swait.ge [sflag:s4], $0x0  }
0x19: {  	s7 =	sld [smem:$0x3F97]  }
0x1a: {  	s8 =	sadd.s32 $0xFFFFE003, lr  }
0x1b: {  	s9 =	sadd.s32 $0xFFFFFEF7, lr;
	s5 =	simm.s32 $0xFFFFFFFF;
	p2 =	slt.u32 s8, $0xFFFFF086  }
0x1c: {  	p1 =	slt.u32 s9, $0xF7A;
	s5 =	simm.s32 @!p2 $0x0  }
0x1d: {  	s5 =	simm.s32 @p1 $0x1;
	p0 =	seq.s32 s7, s2  }
0x1e: {  	s7 =	smul.u32 @!p0 $0xF7A, s2;
	p2 =	seq.s32 @!p0 s5, $0x0  }
0x1f: {  	s9 =	smul.u32 $0xF7A, s1;
	s8 =	simm.s32 @!p0 $0x1BF5;
	p2 =	por !p2, p0  }
0x20: {  	[sflag:s8] =	ssyncset.s32 @!p0 $0xFFFFF086;
	s6 =	sadd.s32 @!p0 s3, s7;
	s7 =	simm.s32 @!p0 $0x108  }
0x21: {  	s3 =	sadd.s32 s3, s9;
	s6 =	sadd.s32 @!p0 $0x88, s6;
	s7 =	simm.s32 @p2 $0x1082  }
0x22: {  	[simem:s7], [sflag:s8] =	dma.local @!p0 [hbm:s6], $0xF7A  }
0x23: {  	s9 =	sor.u32 $0xD0000000, s2;
	s6 =	simm.s32 $0x108;
	_ =	swait.ge @!p0 [sflag:s8], $0x0  }
0x24: {  	s3 =	sadd.s32 $0x88, s3;
	s6 =	simm.s32 @!p1 $0x1082;
	[sflag:s4] =	ssyncset.s32 $0xFFFFF086  }
0x25: {  	[simem:s6], [sflag:s4] =	dma.local [hbm:s3], $0xF7A  }
0x26: {  	[smem:$0x3F97] =	sst s1;
	(tag) =	ssettag s2;
	_ =	strace s9  }
0x27: {  	s1 =	sld [smem:$0x3FA7]  }
0x28: {  	s2 =	sld [smem:$0x3FA8]  }
0x29: {  	s4 =	sld [smem:$0x3FAA]  }
0x2a: {  	p0 =	seq.s32 s5, $0x0;
	s5 =	sld [smem:$0x3FAB]  }
0x2b: {  	s6 =	sld [smem:$0x3FAC]  }
0x2c: {  	s7 =	sld [smem:$0x3FAD]  }
0x2d: {  	s3 =	simm.s32 $0x108;
	s8 =	sld [smem:$0x3FAE]  }
0x2e: {  	s3 =	simm.s32 @!p0 $0x1082;
	s9 =	sld [smem:$0x3FAF]  }
0x2f: {  	lr =	sadd.s32 s0, s3;
	s0 =	sld [smem:$0x3FA6]  }
0x30: {  	s3 =	sld [smem:$0x3FA9]  }
0x31: {  	[smem:$0x3FB2] =	sst s10  }
0x32: {  	s10 =	sld [smem:$0x3FB0];
	_ =	sdelay $0x3  }
0x33: {  	p0 =	seq.s32 s10, $0x1;
	s10 =	sld [smem:$0x3FB2];
	_ =	sdelay $0x3  }
0x34: {  	[smem:$0x3FB2] =	sst s10  }
0x35: {  	s10 =	sld [smem:$0x3FB1];
	_ =	sdelay $0x3  }
0x36: {  	p1 =	seq.s32 s10, $0x1;
	s10 =	sld [smem:$0x3FB2];
	_ =	sdelay $0x3  }
0x37: {  	[smem:$0x3FB2] =	sst s10  }
0x38: {  	s10 =	sld [smem:$0x3FB3]  }
0x39: {  	_ = 	snop;
	(pc) =	sbr.ind lr, $3  }
0x3a: {  	_ = 	snop  }
0x3b: {  	_ = 	snop  }
0x3c: {  	p2 =	seq.s32 s10, $0x1;
	s10 =	sld [smem:$0x3FB2]  }
0x3d: {  	_ =	shalt  }
0x3e: {  	_ =	shalt  }
0x3f: {  	_ =	shalt  }
0x40: {  	_ =	shalt  }
0x41: {  	_ =	shalt  }
0x42: {  	_ =	shalt  }
0x43: {  	_ =	shalt  }
0x44: {  	_ =	shalt  }
0x45: {  	_ =	shalt  }
0x46: {  	_ =	shalt  }
0x47: {  	_ =	shalt  }
0x48: {  	_ =	shalt  }
0x49: {  	_ =	shalt  }
0x4a: {  	_ =	shalt  }
0x4b: {  	_ =	shalt  }
0x4c: {  	_ =	shalt  }
0x4d: {  	_ =	shalt  }
0x4e: {  	_ =	shalt  }
0x4f: {  	_ =	shalt  }
0x50: {  	_ =	shalt  }
0x51: {  	_ =	shalt  }
0x52: {  	_ =	shalt  }
0x53: {  	_ =	shalt  }
0x54: {  	_ =	shalt  }
0x55: {  	_ =	shalt  }
0x56: {  	_ =	shalt  }
0x57: {  	_ =	shalt  }
0x58: {  	_ =	shalt  }
0x59: {  	_ =	shalt  }
0x5a: {  	_ =	shalt  }
0x5b: {  	_ =	shalt  }
0x5c: {  	_ =	shalt  }
0x5d: {  	_ =	shalt  }
0x5e: {  	_ =	shalt  }
0x5f: {  	_ =	shalt  }
0x60: {  	_ =	shalt  }
0x61: {  	_ =	shalt  }
0x62: {  	_ =	shalt  }
0x63: {  	_ =	shalt  }
0x64: {  	_ =	shalt  }
0x65: {  	_ =	shalt  }
0x66: {  	_ =	shalt  }
0x67: {  	_ =	shalt  }
0x68: {  	_ =	shalt  }
0x69: {  	_ =	shalt  }
0x6a: {  	_ =	shalt  }
0x6b: {  	_ =	shalt  }
0x6c: {  	_ =	shalt  }
0x6d: {  	_ =	shalt  }
0x6e: {  	_ =	shalt  }
0x6f: {  	_ =	shalt  }
0x70: {  	_ =	shalt  }
0x71: {  	_ =	shalt  }
0x72: {  	_ =	shalt  }
0x73: {  	_ =	shalt  }
0x74: {  	_ =	shalt  }
0x75: {  	_ =	shalt  }
0x76: {  	_ =	shalt  }
0x77: {  	_ =	shalt  }
0x78: {  	_ =	shalt  }
0x79: {  	_ =	shalt  }
0x7a: {  	_ =	shalt  }
0x7b: {  	_ =	shalt  }
0x7c: {  	_ =	shalt  }
0x7d: {  	_ =	shalt  }
0x7e: {  	_ =	shalt  }
0x7f: {  	_ =	shalt  }
0x80: {  	_ =	shalt  }
0x81: {  	_ =	shalt  }
0x82: {  	_ =	shalt  }
0x83: {  	_ =	shalt  }
0x84: {  	_ =	shalt  }
0x85: {  	_ =	shalt  }
0x86: {  	_ =	shalt  }
0x87: {  	_ =	shalt  }
.Lfunc_end0:
.L_simem_size_0:
called_computation.1_lowered:
.L_overlay_start_0:
0x88: {  	s2 =	sld [smem:$0x3FD9]  }
0x89: {  	s3 =	sld [smem:$0x3FFE];
	_ =	sdelay $0x1  }
0x8a: {  	s1 =	srdreg.scid  }
0x8b: {  	s0 =	sand.u32 $0x1, s1  }
0x8c: {  	s14 =	sshll.u32 s0, $0xA;
	s2 =	sadd.s32 s3, s2  }
0x8d: {  	s2 =	sadd.s32 s2, s14  }
0x8e: {  	[smem:$0x3FBE] =	sst s2  }
0x8f: {  	_ = 	snop  }
0x90: {  	s2 =	sld [smem:$0x3FD0];
	_ =	sdelay $0x2  }
0x91: {  	s15 =	simm.s32 $0xA;
	s4 =	simm.s32 $0x10  }
0x92: {  	[smem:s4], [sflag:s15] =	dma.local [hbm:s2], $0x1  }
0x93: {  	_ =	swait.eq [sflag:s15], $0x1  }
0x94: {  	[sflag:s15] =	ssyncset.done $0x0  }
0x95: {  	[sflag:s15] =	ssyncadd.s32 $0xFFFFFFFF  }
0x96: {  	s16 =	sld [smem:$0x10];
	(tm) =	ssettm $0x1  }
0x97: {  	s17 =	sld [smem:$0x3FFB];
	_ =	sdelay $0x3  }
0x98: {  	_ =	strace s17  }
0x99: {  	s3 =	sld [smem:$0x3FFC];
	_ =	sdelay $0x3  }
0x9a: {  	_ =	strace s3  }
0x9b: {  	s3 =	sld [smem:$0x3FFD];
	_ =	sdelay $0x3  }
0x9c: {  	_ =	strace s3  }
0x9d: {  	_ =	strace $0x8FFFFFFF  }
0x9e: {  	s18 =	sld [smem:$0x3FDB];
	_ =	sdelay $0x1  }
0x9f: {  	s19 =	simm.s32 $_scs_section_size  }
0xa0: {  	s5 =	simm.s32 $_size__tile_overlayer_lowered;
	s6 =	simm.s32 $_tile_overlayer_lowered  }
0xa1: {  	s22 =	simm.s32 $0x1BFF;
	s21 =	sshll.u32 s6, $0x1;
	s3 =	sadd.s32 s19, s18  }
0xa2: {  	s7 =	simm.s32 $0x0;
	s20 =	sshll.u32 s5, $0x1;
	s5 =	sadd.s32 s21, s3  }
0xa3: {  	[timem:s7], [sflag:s22] =	dma.local [hbm:s5], s20  }
0xa4: {  	_ =	swait.ge [sflag:s22], s20  }
0xa5: {  	s4 =	ssub.s32 $0x0, s20;
	[sflag:s22] =	ssyncset.done $0x0  }
0xa6: {  	[sflag:s22] =	ssyncadd.s32 s4;
	_ =	sdelay $0x1  }
0xa7: {  	s23 =	simm.s32 $0x1B8B  }
0xa8: {  	_ =	swait.ge [sflag:s23], $0x1  }
0xa9: {  	[sflag:s23] =	ssyncset.done $0x0  }
0xaa: {  	s25 =	simm.s32 $0x1B8E;
	s24 =	sld [smem:$0x3FFE];
	[sflag:s23] =	ssyncadd.s32 $0xFFFFFFFF  }
0xab: {  	s26 =	simm.s32 $execute0_lowered;
	[smem:$0x3FD2] =	sst s25  }
0xac: {  	s5 =	sshll.u32 s26, $0x1;
	_ =	strace $0x80000049;
	[dreg:$0x1] =	wrdreg $0xFFFFFFFF  }
0xad: {  	s28 =	simm.s32 $_size_execute0_lowered;
	s3 =	sadd.s32 s3, s5;
	[dreg:$0x0] =	wrdreg $0x0  }
0xae: {  	s5 =	sshll.u32 s28, $0x1;
	[dreg:$0x2] =	wrdreg s3  }
0xaf: {  	[dreg:$0x3] =	wrdreg s5  }
0xb0: {  	[dreg:$0x4] =	wrdreg $0xC0  }
0xb1: {  	_ =	task [dreg:s7], $0x5FFFF  }
0xb2: {  	[dreg:$0x1] =	wrdreg $0xFFFFFFFF  }
0xb3: {  	[dreg:$0x0] =	wrdreg $0x60  }
0xb4: {  	[dreg:$0x2] =	wrdreg s24  }
0xb5: {  	[dreg:$0x3] =	wrdreg s16  }
0xb6: {  	[dreg:$0x4] =	wrdreg $0xC5800  }
0xb7: {  	[dreg:$0x5] =	wrdreg $0x9  }
0xb8: {  	_ =	task.clear_ibuf [dreg:s7], $0x6FFFF;
	_ =	strace $0x90000049  }
0xb9: {  	s29 =	simm.s32 $0x9;
	_ =	strace $0x8000004B  }
0xba: {  	_ =	swait.ge [sflag:s29], $0x1  }
0xbb: {  	[sflag:s29] =	ssyncadd.s32 $0xFFFFFFFF  }
0xbc: {  	_ =	strace $0x9000004B  }
0xbd: {  	_ =	sfence  }
0xbe: {  	s30 =	sld [smem:$0x0];
	_ =	sdelay $0x2  }
0xbf: {  	s31 =	sshll.u32 s1, $0xD;
	s1 =	sshrl.u32 s1, $0x2  }
0xc0: {  	s3 =	sand.u32 $0x4000, s31;
	s1 =	sadd.s32 s1, s30  }
0xc1: {  	s0 =	sor.u32 s3, s0;
	s1 =	sshll.u32 s1, $0x11  }
0xc2: {  	s0 =	sor.u32 s1, s0  }
0xc3: {  	s0 =	sadd.s32 $0x8F2B, s0  }
0xc4: {  	[sflag:s0] =	ssyncadd.remote.s32 $0x1  }
0xc5: {  	_ =	sfence.sel $0xFFFF  }
0xc6: {  	[dreg:$0x0] =	wrdreg $0xFFFFFFFF;
	(pc) =	sbr.abs _section_cstart, $3  }
0xc7: {  	[dreg:$0x1] =	wrdreg $0xFFFFFFFF  }
0xc8: {  	_ =	task.clear_ibuf [dreg:s7], $0x2FFFF;
	_ =	strace $0x9FFFFFFF  }
0xc9: {  	(tm) =	ssettm $0x7FFFFFFF  }
tec
execute0_lowered:
.L_overlay_start_1:
0x0: {  	(tag) =	ssettag $0x1  }
0x1: {  	s0 =	rddreg [dreg:$0x0]  }
0x2: {  	s2 =	rddreg [dreg:$0x1]  }
0x3: {  	s3 =	rddreg [dreg:$0x2]  }
0x4: {  	s1 =	srdreg.scid;
	s4 =	stileid.u32  }
0x5: {  	s5 =	simm.s32 $0x0;
	s29 =	simm.s32 $0xA640;
	s30 =	simm.s32 $0x5  }
0x6: {  	s31 =	simm.s32 $0x280;
	s10 =	sand.u32 $0x1, s1;
	s16 =	smul.u32 $0x280, s4  }
0x7: {  	s18 =	sshll.u32 s4, $0x1;
	[smem:$0x7FF] =	sst s5;
	s14 =	smul.u32 $0x138800, s10  }
0x8: {  	s15 =	sadd.s32 $0x2400, s0;
	s1 =	sor.u32 s10, s18;
	s17 =	smul.u32 $0x140, s10  }
0x9: {  	s12 =	sadd.s32 $0x18AC00, s0;
	s19 =	ssub.s32 $0x2, s10;
	s6 =	smul.u32 $0x1400, s1  }
0xa: {  	_ =	strace $0x8000004A;
	s7 =	sshrl.u32 s19, $0x1;
	s1 =	smul.u32 $0x13880, s4  }
0xb: {  	s0 =	ssub.s32 s19, s7;
	s16 =	sadd.s32 s17, s16;
	s19 =	simm.s32 $0x600  }
0xc: {  	s20 =	sadd.s32 s15, s6;
	s5 =	sadd.s32 $0x1F40, s1;
	s6 =	sadd.s32 $0x3E80, s1  }
0xd: {  	s7 =	sadd.s32 $0x5DC0, s1;
	s8 =	sadd.s32 $0x7D00, s1;
	s9 =	sadd.s32 $0x9C40, s1  }
0xe: {  	s13 =	sadd.s32 s14, s1;
	s10 =	sadd.s32 $0xBB80, s1;
	s11 =	sadd.s32 $0xDAC0, s1  }
0xf: {  	s16 =	sshll.u32 s16, $0x4;
	[dreg:$0x7] =	wrdreg s19;
	s19 =	simm.s32 $0x800  }
0x10: {  	s0 =	smax.u32 s0, $0x1;
	[dreg:$0x13] =	wrdreg s20;
	s18 =	sshrl.u32 s13, $0x3  }
0x11: {  	s13 =	sadd.s32 $0xFA00, s1;
	s21 =	sadd.s32 s14, s5;
	[dreg:$0xf] =	wrdreg s19  }
0x12: {  	s22 =	sadd.s32 s14, s6;
	[dreg:$0x1f] =	wrdreg s0;
	s19 =	sadd.s32 s9, s3  }
0x13: {  	s15 =	sadd.s32 s16, s15;
	s28 =	sadd.s32 s8, s3;
	[smem:$0x7F5] =	sst s19  }
0x14: {  	s26 =	sadd.s32 s14, s7;
	s18 =	sadd.s32 s12, s18;
	[smem:$0x7FD] =	sst s28  }
0x15: {  	s20 =	sadd.s32 s14, s8;
	s25 =	sadd.s32 $0xA0, s15;
	[dreg:$0x14] =	wrdreg s18  }
0x16: {  	s0 =	simm.s32 $0x140000;
	s15 =	sadd.s32 $0x50, s15;
	[dreg:$0x4] =	wrdreg s25  }
0x17: {  	s17 =	sshrl.u32 s21, $0x3;
	s21 =	simm.s32 $0x680;
	[dreg:$0x5] =	wrdreg s15  }
0x18: {  	s8 =	simm.s32 $0x38E0;
	s23 =	sadd.s32 s12, s17;
	[dreg:$0x8] =	wrdreg s21  }
0x19: {  	s18 =	sshrl.u32 s22, $0x3;
	s22 =	simm.s32 $0x700;
	[dreg:$0x15] =	wrdreg s23  }
0x1a: {  	s19 =	simm.s32 $0x4;
	s25 =	simm.s32 $0x380;
	[dreg:$0x9] =	wrdreg s22  }
0x1b: {  	s17 =	sshrl.u32 s26, $0x3;
	s26 =	simm.s32 $0x400;
	[dreg:$0xb] =	wrdreg s25  }
0x1c: {  	s21 =	sadd.s32 s14, s11;
	s24 =	sadd.s32 s12, s18;
	[dreg:$0xc] =	wrdreg s26  }
0x1d: {  	s18 =	simm.s32 $0x580;
	s16 =	sadd.s32 s12, s17;
	[dreg:$0x16] =	wrdreg s24  }
0x1e: {  	s23 =	simm.s32 $0x300;
	s17 =	sadd.s32 s14, s10;
	[dreg:$0x17] =	wrdreg s16  }
0x1f: {  	s22 =	sadd.s32 s14, s13;
	s15 =	sshrl.u32 s21, $0x3;
	[dreg:$0x6] =	wrdreg s18  }
0x20: {  	s25 =	smul.u32 $0x4E200, s4;
	s26 =	simm.s32 $0x900;
	[dreg:$0xa] =	wrdreg s23  }
0x21: {  	s21 =	sadd.s32 s11, s3;
	s11 =	simm.s32 $0x5820;
	[dreg:$0x11] =	wrdreg s26  }
0x22: {  	s16 =	sshrl.u32 s20, $0x3;
	s18 =	simm.s32 $0x780;
	[smem:$0x7F7] =	sst s21  }
0x23: {  	s24 =	sadd.s32 s14, s9;
	s20 =	simm.s32 $0x880;
	[dreg:$0xe] =	wrdreg s18  }
0x24: {  	s23 =	sadd.s32 $0x11940, s1;
	s15 =	sadd.s32 s12, s15;
	[dreg:$0x10] =	wrdreg s20  }
0x25: {  	s1 =	sadd.s32 s1, s3;
	s26 =	sadd.s32 s7, s3;
	[dreg:$0x1b] =	wrdreg s15  }
0x26: {  	s7 =	simm.s32 $0x2940;
	s9 =	simm.s32 $0x4880;
	[dreg:$0x1e] =	wrdreg s1  }
0x27: {  	s16 =	sadd.s32 s12, s16;
	s14 =	sadd.s32 s14, s23;
	[smem:$0x7FC] =	sst s26  }
0x28: {  	s20 =	sadd.s32 s10, s3;
	s23 =	sadd.s32 s23, s3;
	[dreg:$0x18] =	wrdreg s16  }
0x29: {  	s1 =	simm.s32 $0x7D;
	s16 =	sshrl.u32 s24, $0x3;
	[smem:$0x7F6] =	sst s20  }
0x2a: {  	s10 =	simm.s32 $0x500;
	[smem:$0x7F9] =	sst s23;
	s16 =	sadd.s32 s12, s16  }
0x2b: {  	s15 =	simm.s32 $0x96A0;
	[dreg:$0x19] =	wrdreg s16;
	s16 =	simm.s32 $0x480  }
0x2c: {  	s14 =	sshrl.u32 s14, $0x3;
	[dreg:$0xd] =	wrdreg s16;
	s16 =	sshrl.u32 s17, $0x3  }
0x2d: {  	s20 =	simm.s32 $0x0;
	s17 =	simm.s32 $0x2;
	s16 =	sadd.s32 s12, s16  }
0x2e: {  	[dreg:$0x1a] =	wrdreg s16;
	s16 =	sshrl.u32 s22, $0x3;
	s22 =	sadd.s32 s13, s3  }
0x2f: {  	s13 =	simm.s32 $0x7760;
	s24 =	sadd.s32 s12, s16;
	[smem:$0x7F8] =	sst s22  }
0x30: {  	s12 =	sadd.s32 s12, s14;
	s14 =	simm.s32 $0x980;
	[dreg:$0x1c] =	wrdreg s24  }
0x31: {  	s16 =	sshrl.u32 s25, $0x2;
	s25 =	sadd.s32 s6, s3;
	[dreg:$0x1d] =	wrdreg s12  }
0x32: {  	s6 =	simm.s32 $0x19A0;
	[dreg:$0x12] =	wrdreg s14;
	s18 =	sadd.s32 s16, s3  }
0x33: {  	s24 =	sadd.s32 s5, s3;
	s5 =	simm.s32 $0xA00;
	[smem:$0x7FB] =	sst s25  }
0x34: {  	s12 =	simm.s32 $0x67C0;
	s14 =	simm.s32 $0x8700;
	[smem:$0x7F4] =	sst s18  }
0x35: {  	v0 =	vimm.f32 $0.0e+00;
	s16 =	simm.s32 $0x1;
	s18 =	simm.s32 $0x3;
	[smem:$0x7FA] =	sst s24  }
.LBB2_1:
0x36: {  	s21 =	simm.s32 $0x80;
	s22 =	simm.s32 $0x0  }
.LBB2_2:
0x37: {  	p0 =	sne.s32 s21, $0x7C80;
	[tilespmem:s22+$0xA640] =	vst v0;
	s23 =	smov.u32 s21;
	s21 =	sadd.s32 $0x80, s21  }
.Ltmp0:
0x38: {  	[tilespmem:s22+$0xA650] =	vst v0;
	(pc) =	sbr.rel @p0 .LBB2_2-.Ltmp0, $2  }
0x39: {  	_ =	sdelay $0x2  }
0x3a: {  	s22 =	sshra.s32 s23, $0x2  }
0x3b: {  	s4 =	sld [smem:$0x7F4]  }
0x3c: {  	[tilespmem:s22+$0xA640] =	vst v0  }
0x3d: {  	[tilespmem:s22+$0xA650] =	vst v0  }
0x3e: {  	[spmem:s4] =	stream.linear.scatter [tilespmem:s29], [sflag:$0x5], $0x1F40, $0x38;
	[tilespmem:$0x1FE00] =	vst v63  }
0x3f: {  	_ =	swait.ge [sflag:s30], $0x1F40  }
0x40: {  	[sflag:s30] =	ssyncset.done $0x0  }
0x41: {  	[sflag:s30] =	ssyncadd.s32 $0xFFFFE0C0  }
0x42: {  	[spmem:s24] =	stream.linear.scatter [tilespmem:s29], [sflag:$0x5], $0x1F40, $0x38;
	[tilespmem:$0x1FE00] =	vst v63  }
0x43: {  	_ =	swait.ge [sflag:s30], $0x1F40  }
0x44: {  	[sflag:s30] =	ssyncset.done $0x0  }
0x45: {  	[sflag:s30] =	ssyncadd.s32 $0xFFFFE0C0  }
0x46: {  	[spmem:s25] =	stream.linear.scatter [tilespmem:s29], [sflag:$0x5], $0x1F40, $0x38;
	[tilespmem:$0x1FE00] =	vst v63  }
0x47: {  	_ =	swait.ge [sflag:s30], $0x1F40  }
0x48: {  	[sflag:s30] =	ssyncset.done $0x0  }
0x49: {  	[sflag:s30] =	ssyncadd.s32 $0xFFFFE0C0  }
0x4a: {  	[spmem:s26] =	stream.linear.scatter [tilespmem:s29], [sflag:$0x5], $0x1F40, $0x38;
	[tilespmem:$0x1FE00] =	vst v63  }
0x4b: {  	_ =	swait.ge [sflag:s30], $0x1F40  }
0x4c: {  	[sflag:s30] =	ssyncset.done $0x0  }
0x4d: {  	[sflag:s30] =	ssyncadd.s32 $0xFFFFE0C0  }
0x4e: {  	[spmem:s28] =	stream.linear.scatter [tilespmem:s29], [sflag:$0x5], $0x1F40, $0x38;
	[tilespmem:$0x1FE00] =	vst v63  }
0x4f: {  	_ =	swait.ge [sflag:s30], $0x1F40  }
0x50: {  	s24 =	sld [smem:$0x7F5]  }
0x51: {  	[sflag:s30] =	ssyncset.done $0x0  }
0x52: {  	[sflag:s30] =	ssyncadd.s32 $0xFFFFE0C0  }
0x53: {  	[spmem:s24] =	stream.linear.scatter [tilespmem:s29], [sflag:$0x5], $0x1F40, $0x38;
	[tilespmem:$0x1FE00] =	vst v63  }
0x54: {  	_ =	swait.ge [sflag:s30], $0x1F40  }
0x55: {  	s25 =	sld [smem:$0x7F6]  }
0x56: {  	[sflag:s30] =	ssyncset.done $0x0  }
0x57: {  	[sflag:s30] =	ssyncadd.s32 $0xFFFFE0C0  }
0x58: {  	[spmem:s25] =	stream.linear.scatter [tilespmem:s29], [sflag:$0x5], $0x1F40, $0x38;
	[tilespmem:$0x1FE00] =	vst v63  }
0x59: {  	_ =	swait.ge [sflag:s30], $0x1F40  }
0x5a: {  	s26 =	sld [smem:$0x7F7]  }
0x5b: {  	[sflag:s30] =	ssyncset.done $0x0  }
0x5c: {  	[sflag:s30] =	ssyncadd.s32 $0xFFFFE0C0  }
0x5d: {  	[spmem:s26] =	stream.linear.scatter [tilespmem:s29], [sflag:$0x5], $0x1F40, $0x38;
	[tilespmem:$0x1FE00] =	vst v63  }
0x5e: {  	_ =	swait.ge [sflag:s30], $0x1F40  }
0x5f: {  	s28 =	sld [smem:$0x7F8]  }
0x60: {  	[sflag:s30] =	ssyncset.done $0x0  }
0x61: {  	[sflag:s30] =	ssyncadd.s32 $0xFFFFE0C0  }
0x62: {  	[spmem:s28] =	stream.linear.scatter [tilespmem:s29], [sflag:$0x5], $0x1F40, $0x38;
	[tilespmem:$0x1FE00] =	vst v63  }
0x63: {  	_ =	swait.ge [sflag:s30], $0x1F40  }
0x64: {  	s21 =	sld [smem:$0x7F9]  }
0x65: {  	[sflag:s30] =	ssyncset.done $0x0  }
0x66: {  	[sflag:s30] =	ssyncadd.s32 $0xFFFFE0C0  }
0x67: {  	[spmem:s21] =	stream.linear.scatter [tilespmem:s29], [sflag:$0x5], $0x1F40, $0x38;
	[tilespmem:$0x1FE00] =	vst v63  }
0x68: {  	_ =	swait.ge [sflag:s30], $0x1F40  }
0x69: {  	[sflag:s30] =	ssyncset.done $0x0  }
0x6a: {  	[sflag:s30] =	ssyncadd.s32 $0xFFFFE0C0  }
0x6b: {  	[bflag:$0x0] =	sbarrier.arrive $0xFFFF  }
0x6c: {  	s21 =	simm.s32 $0x0;
	s22 =	rddreg [dreg:$0x13]  }
0x6d: {  	[tilespmem:s21], [sflag:$0x5] =	stream.strided.gather [hbm4b:s22+s31], $0x500, s0, s31, $0x38;
	[tilespmem:$0x1FE00] =	vst v63  }
0x6e: {  	_ =	swait.ge [sflag:s30], $0x500  }
0x6f: {  	[sflag:s30] =	ssyncset.done $0x0  }
0x70: {  	[sflag:s30] =	ssyncadd.s32 $0xFFFFFB00  }
0x71: {  	[tilespmem:s5], [sflag:$0x1] =	stream.indirect.gather [hbm4b:s2+s1], $0x20, s21, s1, $0xb8;
	[tilespmem:$0x1FE00] =	vst v63  }
0x72: {  	s23 =	simm.s32 $0x80  }
0x73: {  	[tilespmem:s6], [sflag:$0x1] =	stream.indirect.gather [hbm4b:s2+s1], $0x20, s23, s1, $0xb8;
	[tilespmem:$0x1FE00] =	vst v63  }
0x74: {  	p0 =	por $0x1, $0x1;
	s24 =	simm.s32 $0x100  }
0x75: {  	[tilespmem:s7], [sflag:$0x1] =	stream.indirect.gather [hbm4b:s2+s1], $0x20, s24, s1, $0xb8;
	[tilespmem:$0x1FE00] =	vst v63  }
0x76: {  	p0 =	por p0, p0;
	s25 =	simm.s32 $0x180  }
0x77: {  	[tilespmem:s8], [sflag:$0x1] =	stream.indirect.gather [hbm4b:s2+s1], $0x20, s25, s1, $0xb8;
	[tilespmem:$0x1FE00] =	vst v63  }
0x78: {  	s26 =	simm.s32 $0x200;
	s21 =	simm.s32 @!p0 $0x4  }
0x79: {  	[tilespmem:s9], [sflag:$0x1] =	stream.indirect.gather [hbm4b:s2+s1], $0x20, s26, s1, $0xb8;
	[tilespmem:$0x1FE00] =	vst v63  }
0x7a: {  	_ =	swait.ge @!p0 [sflag:s21], $0xFA0  }
0x7b: {  	[sflag:s21] =	ssyncset.done @!p0 $0x0  }
0x7c: {  	[sflag:s21] =	ssyncadd.s32 @!p0 $0xFFFFF060  }
0x7d: {  	_ =	swait.ge @!p0 [sflag:s21], $0xFA0  }
0x7e: {  	[sflag:s21] =	ssyncset.done @!p0 $0x0  }
0x7f: {  	[sflag:s21] =	ssyncadd.s32 @!p0 $0xFFFFF060  }
0x80: {  	_ =	swait.ge @!p0 [sflag:s21], $0xFA0  }
0x81: {  	[sflag:s21] =	ssyncset.done @!p0 $0x0  }
0x82: {  	[sflag:s21] =	ssyncadd.s32 @!p0 $0xFFFFF060  }
0x83: {  	_ =	swait.ge @!p0 [sflag:s21], $0xFA0  }
0x84: {  	[sflag:s21] =	ssyncset.done @!p0 $0x0  }
0x85: {  	[sflag:s21] =	ssyncadd.s32 @!p0 $0xFFFFF060  }
0x86: {  	_ =	swait.ge @!p0 [sflag:s21], $0xFA0  }
0x87: {  	s28 =	rddreg [dreg:$0x5];
	[sflag:s21] =	ssyncset.done @!p0 $0x0  }
0x88: {  	[sflag:s21] =	ssyncadd.s32 @!p0 $0xFFFFF060;
	s4 =	sadd.s32 $0x0, s28  }
0x89: {  	[tilespmem:s10], [sflag:$0x5] =	stream.strided.gather [hbm4b:s4+s31], $0x500, s0, s31, $0x38;
	[tilespmem:$0x1FE00] =	vst v63  }
0x8a: {  	_ =	swait.ge [sflag:s30], $0x500  }
0x8b: {  	[sflag:s30] =	ssyncset.done $0x0  }
0x8c: {  	[sflag:s30] =	ssyncadd.s32 $0xFFFFFB00  }
0x8d: {  	[tilespmem:s11], [sflag:$0x2] =	stream.indirect.gather [hbm4b:s2+s1], $0x20, s10, s1, $0xb8;
	[tilespmem:$0x1FE00] =	vst v63  }
0x8e: {  	s22 =	rddreg [dreg:$0x6]  }
0x8f: {  	[tilespmem:s12], [sflag:$0x2] =	stream.indirect.gather [hbm4b:s2+s1], $0x20, s22, s1, $0xb8;
	[tilespmem:$0x1FE00] =	vst v63  }
0x90: {  	s23 =	rddreg [dreg:$0x7]  }
0x91: {  	[tilespmem:s13], [sflag:$0x2] =	stream.indirect.gather [hbm4b:s2+s1], $0x20, s23, s1, $0xb8;
	[tilespmem:$0x1FE00] =	vst v63  }
0x92: {  	s24 =	rddreg [dreg:$0x8]  }
0x93: {  	[tilespmem:s14], [sflag:$0x2] =	stream.indirect.gather [hbm4b:s2+s1], $0x20, s24, s1, $0xb8;
	[tilespmem:$0x1FE00] =	vst v63  }
0x94: {  	s25 =	rddreg [dreg:$0x9]  }
0x95: {  	[tilespmem:s15], [sflag:$0x2] =	stream.indirect.gather [hbm4b:s2+s1], $0x20, s25, s1, $0xb8;
	[tilespmem:$0x1FE00] =	vst v63  }
0x96: {  	_ =	swait.ge [sflag:s16], $0xFA0  }
0x97: {  	[sflag:s16] =	ssyncset.done $0x0  }
0x98: {  	[sflag:s16] =	ssyncadd.s32 $0xFFFFF060  }
0x99: {  	_ =	swait.ge [sflag:s16], $0xFA0  }
0x9a: {  	[sflag:s16] =	ssyncset.done $0x0  }
0x9b: {  	[sflag:s16] =	ssyncadd.s32 $0xFFFFF060  }
0x9c: {  	_ =	swait.ge [sflag:s16], $0xFA0  }
0x9d: {  	[sflag:s16] =	ssyncset.done $0x0  }
0x9e: {  	[sflag:s16] =	ssyncadd.s32 $0xFFFFF060  }
0x9f: {  	_ =	swait.ge [sflag:s16], $0xFA0  }
0xa0: {  	[sflag:s16] =	ssyncset.done $0x0  }
0xa1: {  	[sflag:s16] =	ssyncadd.s32 $0xFFFFF060  }
0xa2: {  	_ =	swait.ge [sflag:s16], $0xFA0  }
0xa3: {  	[sflag:s16] =	ssyncset.done $0x0  }
0xa4: {  	[sflag:s16] =	ssyncadd.s32 $0xFFFFF060  }
0xa5: {  	[spmem:s3] =	stream.indirect.scatter.add.f32 [tilespmem:s5], [sflag:$0x3], $0x20, s31, s1, $0xb8;
	[tilespmem:$0x1FE00] =	vst v63  }
0xa6: {  	s26 =	rddreg [dreg:$0xa]  }
0xa7: {  	[spmem:s3] =	stream.indirect.scatter.add.f32 [tilespmem:s6], [sflag:$0x3], $0x20, s26, s1, $0xb8;
	[tilespmem:$0x1FE00] =	vst v63  }
0xa8: {  	s28 =	rddreg [dreg:$0xb]  }
0xa9: {  	[spmem:s3] =	stream.indirect.scatter.add.f32 [tilespmem:s7], [sflag:$0x3], $0x20, s28, s1, $0xb8;
	[tilespmem:$0x1FE00] =	vst v63  }
0xaa: {  	p0 =	por $0x0, $0x0;
	s4 =	rddreg [dreg:$0xc]  }
0xab: {  	[spmem:s3] =	stream.indirect.scatter.add.f32 [tilespmem:s8], [sflag:$0x3], $0x20, s4, s1, $0xb8;
	[tilespmem:$0x1FE00] =	vst v63  }
0xac: {  	s21 =	simm.s32 @!p0 $0x3;
	s23 =	rddreg [dreg:$0xd]  }
0xad: {  	[spmem:s3] =	stream.indirect.scatter.add.f32 [tilespmem:s9], [sflag:$0x3], $0x20, s23, s1, $0xb8;
	[tilespmem:$0x1FE00] =	vst v63  }
0xae: {  	_ =	swait.ge @!p0 [sflag:s21], $0xFA0  }
0xaf: {  	[sflag:s21] =	ssyncset.done @!p0 $0x0  }
0xb0: {  	[sflag:s21] =	ssyncadd.s32 @!p0 $0xFFFFF060  }
0xb1: {  	_ =	swait.ge @!p0 [sflag:s21], $0xFA0  }
0xb2: {  	[sflag:s21] =	ssyncset.done @!p0 $0x0  }
0xb3: {  	[sflag:s21] =	ssyncadd.s32 @!p0 $0xFFFFF060  }
0xb4: {  	_ =	swait.ge @!p0 [sflag:s21], $0xFA0  }
0xb5: {  	[sflag:s21] =	ssyncset.done @!p0 $0x0  }
0xb6: {  	[sflag:s21] =	ssyncadd.s32 @!p0 $0xFFFFF060  }
0xb7: {  	_ =	swait.ge @!p0 [sflag:s21], $0xFA0  }
0xb8: {  	[sflag:s21] =	ssyncset.done @!p0 $0x0  }
0xb9: {  	[sflag:s21] =	ssyncadd.s32 @!p0 $0xFFFFF060  }
0xba: {  	s24 =	simm.s32 @!p0 $0x0;
	_ =	swait.ge @!p0 [sflag:s21], $0xFA0  }
0xbb: {  	s23 =	simm.s32 @!p0 $0x140000;
	s22 =	rddreg [dreg:$0x4];
	[sflag:s21] =	ssyncset.done @!p0 $0x0  }
0xbc: {  	[sflag:s21] =	ssyncadd.s32 @!p0 $0xFFFFF060;
	s21 =	simm.s32 @!p0 $0x280;
	s22 =	sadd.s32 @!p0 $0x0, s22  }
0xbd: {  	[tilespmem:s24], [sflag:$0x5] =	stream.strided.gather @!p0 [hbm4b:s22+s21], $0x500, s23, s21, $0x38;
	[tilespmem:$0x1FE00] =	vst v63  }
0xbe: {  	s21 =	simm.s32 @!p0 $0x5  }
0xbf: {  	_ =	swait.ge @!p0 [sflag:s21], $0x500  }
0xc0: {  	[sflag:s21] =	ssyncset.done @!p0 $0x0  }
0xc1: {  	s22 =	simm.s32 @!p0 $0x7D;
	[sflag:s21] =	ssyncadd.s32 @!p0 $0xFFFFFB00;
	s21 =	simm.s32 @!p0 $0xA00  }
0xc2: {  	[tilespmem:s21], [sflag:$0x1] =	stream.indirect.gather @!p0 [hbm4b:s2+s22], $0x20, s24, s22, $0xb8;
	[tilespmem:$0x1FE00] =	vst v63  }
0xc3: {  	s23 =	simm.s32 @!p0 $0x19A0;
	s21 =	simm.s32 @!p0 $0x80  }
0xc4: {  	[tilespmem:s23], [sflag:$0x1] =	stream.indirect.gather @!p0 [hbm4b:s2+s22], $0x20, s21, s22, $0xb8;
	[tilespmem:$0x1FE00] =	vst v63  }
0xc5: {  	s21 =	simm.s32 @!p0 $0x100;
	s23 =	simm.s32 @!p0 $0x2940  }
0xc6: {  	[tilespmem:s23], [sflag:$0x1] =	stream.indirect.gather @!p0 [hbm4b:s2+s22], $0x20, s21, s22, $0xb8;
	[tilespmem:$0x1FE00] =	vst v63  }
0xc7: {  	s21 =	simm.s32 @!p0 $0x180;
	s23 =	simm.s32 @!p0 $0x38E0  }
0xc8: {  	[tilespmem:s23], [sflag:$0x1] =	stream.indirect.gather @!p0 [hbm4b:s2+s22], $0x20, s21, s22, $0xb8;
	[tilespmem:$0x1FE00] =	vst v63  }
0xc9: {  	s21 =	simm.s32 @!p0 $0x200;
	s23 =	simm.s32 @!p0 $0x4880  }
0xca: {  	[tilespmem:s23], [sflag:$0x1] =	stream.indirect.gather @!p0 [hbm4b:s2+s22], $0x20, s21, s22, $0xb8;
	[tilespmem:$0x1FE00] =	vst v63  }
0xcb: {  	_ =	swait.ge [sflag:s17], $0xFA0  }
0xcc: {  	[sflag:s17] =	ssyncset.done $0x0  }
0xcd: {  	[sflag:s17] =	ssyncadd.s32 $0xFFFFF060  }
0xce: {  	_ =	swait.ge [sflag:s17], $0xFA0  }
0xcf: {  	[sflag:s17] =	ssyncset.done $0x0  }
0xd0: {  	[sflag:s17] =	ssyncadd.s32 $0xFFFFF060  }
0xd1: {  	_ =	swait.ge [sflag:s17], $0xFA0  }
0xd2: {  	[sflag:s17] =	ssyncset.done $0x0  }
0xd3: {  	[sflag:s17] =	ssyncadd.s32 $0xFFFFF060  }
0xd4: {  	_ =	swait.ge [sflag:s17], $0xFA0  }
0xd5: {  	[sflag:s17] =	ssyncset.done $0x0  }
0xd6: {  	[sflag:s17] =	ssyncadd.s32 $0xFFFFF060  }
0xd7: {  	_ =	swait.ge [sflag:s17], $0xFA0  }
0xd8: {  	s24 =	rddreg [dreg:$0xe];
	[sflag:s17] =	ssyncset.done $0x0  }
0xd9: {  	s25 =	rddreg [dreg:$0xf];
	[sflag:s17] =	ssyncadd.s32 $0xFFFFF060  }
0xda: {  	[spmem:s3] =	stream.indirect.scatter.add.f32 [tilespmem:s11], [sflag:$0x4], $0x20, s24, s1, $0xb8;
	[tilespmem:$0x1FE00] =	vst v63  }
0xdb: {  	s26 =	rddreg [dreg:$0x10]  }
0xdc: {  	[spmem:s3] =	stream.indirect.scatter.add.f32 [tilespmem:s12], [sflag:$0x4], $0x20, s25, s1, $0xb8;
	[tilespmem:$0x1FE00] =	vst v63  }
0xdd: {  	p6 =	por $0x0, $0x0;
	s21 =	simm.s32 $0xA0;
	s28 =	rddreg [dreg:$0x11]  }
0xde: {  	[spmem:s3] =	stream.indirect.scatter.add.f32 [tilespmem:s13], [sflag:$0x4], $0x20, s26, s1, $0xb8;
	[tilespmem:$0x1FE00] =	vst v63  }
0xdf: {  	s22 =	simm.s32 $0x140;
	p0 =	por p6, p6;
	s24 =	rddreg [dreg:$0x12]  }
0xe0: {  	[spmem:s3] =	stream.indirect.scatter.add.f32 [tilespmem:s14], [sflag:$0x4], $0x20, s28, s1, $0xb8;
	[tilespmem:$0x1FE00] =	vst v63  }
.LBB2_4:
0xe1: {  	s25 =	simm.s32 @!p0 $0x4  }
0xe2: {  	[spmem:s3] =	stream.indirect.scatter.add.f32 [tilespmem:s15], [sflag:$0x4], $0x20, s24, s1, $0xb8;
	[tilespmem:$0x1FE00] =	vst v63  }
0xe3: {  	_ =	swait.ge @!p0 [sflag:s25], $0xFA0  }
0xe4: {  	[sflag:s25] =	ssyncset.done @!p0 $0x0  }
0xe5: {  	[sflag:s25] =	ssyncadd.s32 @!p0 $0xFFFFF060  }
0xe6: {  	_ =	swait.ge @!p0 [sflag:s25], $0xFA0  }
0xe7: {  	[sflag:s25] =	ssyncset.done @!p0 $0x0  }
0xe8: {  	[sflag:s25] =	ssyncadd.s32 @!p0 $0xFFFFF060  }
0xe9: {  	_ =	swait.ge @!p0 [sflag:s25], $0xFA0  }
0xea: {  	[sflag:s25] =	ssyncset.done @!p0 $0x0  }
0xeb: {  	[sflag:s25] =	ssyncadd.s32 @!p0 $0xFFFFF060  }
0xec: {  	_ =	swait.ge @!p0 [sflag:s25], $0xFA0  }
0xed: {  	[sflag:s25] =	ssyncset.done @!p0 $0x0  }
0xee: {  	[sflag:s25] =	ssyncadd.s32 @!p0 $0xFFFFF060  }
0xef: {  	_ =	swait.ge @!p0 [sflag:s25], $0xFA0  }
0xf0: {  	[sflag:s25] =	ssyncset.done @!p0 $0x0;
	s4 =	rddreg [dreg:$0x5]  }
0xf1: {  	[sflag:s25] =	ssyncadd.s32 @!p0 $0xFFFFF060;
	s24 =	sadd.s32 s21, s4  }
0xf2: {  	[tilespmem:s10], [sflag:$0x5] =	stream.strided.gather [hbm4b:s24+s31], $0x500, s0, s31, $0x38;
	[tilespmem:$0x1FE00] =	vst v63  }
0xf3: {  	_ =	swait.ge [sflag:s30], $0x500  }
0xf4: {  	[sflag:s30] =	ssyncset.done $0x0  }
0xf5: {  	[sflag:s30] =	ssyncadd.s32 $0xFFFFFB00  }
0xf6: {  	[tilespmem:s11], [sflag:$0x2] =	stream.indirect.gather [hbm4b:s2+s1], $0x20, s10, s1, $0xb8;
	[tilespmem:$0x1FE00] =	vst v63  }
0xf7: {  	s25 =	rddreg [dreg:$0x6]  }
0xf8: {  	[tilespmem:s12], [sflag:$0x2] =	stream.indirect.gather [hbm4b:s2+s1], $0x20, s25, s1, $0xb8;
	[tilespmem:$0x1FE00] =	vst v63  }
0xf9: {  	s26 =	rddreg [dreg:$0x7]  }
0xfa: {  	[tilespmem:s13], [sflag:$0x2] =	stream.indirect.gather [hbm4b:s2+s1], $0x20, s26, s1, $0xb8;
	[tilespmem:$0x1FE00] =	vst v63  }
0xfb: {  	s28 =	rddreg [dreg:$0x8]  }
0xfc: {  	[tilespmem:s14], [sflag:$0x2] =	stream.indirect.gather [hbm4b:s2+s1], $0x20, s28, s1, $0xb8;
	[tilespmem:$0x1FE00] =	vst v63  }
0xfd: {  	s4 =	rddreg [dreg:$0x9]  }
0xfe: {  	[tilespmem:s15], [sflag:$0x2] =	stream.indirect.gather [hbm4b:s2+s1], $0x20, s4, s1, $0xb8;
	[tilespmem:$0x1FE00] =	vst v63  }
0xff: {  	_ =	swait.ge [sflag:s16], $0xFA0  }
0x100: {  	[sflag:s16] =	ssyncset.done $0x0  }
0x101: {  	[sflag:s16] =	ssyncadd.s32 $0xFFFFF060  }
0x102: {  	_ =	swait.ge [sflag:s16], $0xFA0  }
0x103: {  	[sflag:s16] =	ssyncset.done $0x0  }
0x104: {  	[sflag:s16] =	ssyncadd.s32 $0xFFFFF060  }
0x105: {  	_ =	swait.ge [sflag:s16], $0xFA0  }
0x106: {  	[sflag:s16] =	ssyncset.done $0x0  }
0x107: {  	[sflag:s16] =	ssyncadd.s32 $0xFFFFF060  }
0x108: {  	_ =	swait.ge [sflag:s16], $0xFA0  }
0x109: {  	[sflag:s16] =	ssyncset.done $0x0  }
0x10a: {  	[sflag:s16] =	ssyncadd.s32 $0xFFFFF060  }
0x10b: {  	_ =	swait.ge [sflag:s16], $0xFA0  }
0x10c: {  	[sflag:s16] =	ssyncset.done $0x0  }
0x10d: {  	[sflag:s16] =	ssyncadd.s32 $0xFFFFF060  }
0x10e: {  	[spmem:s3] =	stream.indirect.scatter.add.f32 [tilespmem:s5], [sflag:$0x3], $0x20, s31, s1, $0xb8;
	[tilespmem:$0x1FE00] =	vst v63  }
0x10f: {  	s25 =	rddreg [dreg:$0xa]  }
0x110: {  	[spmem:s3] =	stream.indirect.scatter.add.f32 [tilespmem:s6], [sflag:$0x3], $0x20, s25, s1, $0xb8;
	[tilespmem:$0x1FE00] =	vst v63  }
0x111: {  	p2 =	seq.s32 s22, $0x0;
	s26 =	rddreg [dreg:$0xb]  }
0x112: {  	[spmem:s3] =	stream.indirect.scatter.add.f32 [tilespmem:s7], [sflag:$0x3], $0x20, s26, s1, $0xb8;
	[tilespmem:$0x1FE00] =	vst v63  }
0x113: {  	p0 =	por p2, p2;
	p2 =	seq.s32 s21, $0x1360;
	s28 =	rddreg [dreg:$0xc]  }
0x114: {  	[spmem:s3] =	stream.indirect.scatter.add.f32 [tilespmem:s8], [sflag:$0x3], $0x20, s28, s1, $0xb8;
	[tilespmem:$0x1FE00] =	vst v63  }
0x115: {  	s24 =	simm.s32 @!p2 $0x3;
	s4 =	rddreg [dreg:$0xd]  }
0x116: {  	[spmem:s3] =	stream.indirect.scatter.add.f32 [tilespmem:s9], [sflag:$0x3], $0x20, s4, s1, $0xb8;
	[tilespmem:$0x1FE00] =	vst v63  }
0x117: {  	_ =	swait.ge @!p2 [sflag:s24], $0xFA0  }
0x118: {  	[sflag:s24] =	ssyncset.done @!p2 $0x0  }
0x119: {  	[sflag:s24] =	ssyncadd.s32 @!p2 $0xFFFFF060  }
0x11a: {  	_ =	swait.ge @!p2 [sflag:s24], $0xFA0  }
0x11b: {  	[sflag:s24] =	ssyncset.done @!p2 $0x0  }
0x11c: {  	[sflag:s24] =	ssyncadd.s32 @!p2 $0xFFFFF060  }
0x11d: {  	_ =	swait.ge @!p2 [sflag:s24], $0xFA0  }
0x11e: {  	[sflag:s24] =	ssyncset.done @!p2 $0x0  }
0x11f: {  	[sflag:s24] =	ssyncadd.s32 @!p2 $0xFFFFF060  }
0x120: {  	_ =	swait.ge @!p2 [sflag:s24], $0xFA0  }
0x121: {  	[sflag:s24] =	ssyncset.done @!p2 $0x0  }
0x122: {  	[sflag:s24] =	ssyncadd.s32 @!p2 $0xFFFFF060  }
0x123: {  	s26 =	simm.s32 @!p2 $0x140000;
	s28 =	simm.s32 @!p2 $0x0;
	_ =	swait.ge @!p2 [sflag:s24], $0xFA0  }
0x124: {  	s4 =	simm.s32 @!p2 $0x5;
	[sflag:s24] =	ssyncset.done @!p2 $0x0;
	s25 =	rddreg [dreg:$0x4]  }
0x125: {  	[sflag:s24] =	ssyncadd.s32 @!p2 $0xFFFFF060;
	s24 =	simm.s32 @!p2 $0x280;
	s25 =	sadd.s32 @!p2 s21, s25  }
0x126: {  	[tilespmem:s28], [sflag:$0x5] =	stream.strided.gather @!p2 [hbm4b:s25+s24], $0x500, s26, s24, $0x38;
	[tilespmem:$0x1FE00] =	vst v63  }
0x127: {  	s23 =	smov.u32 s22;
	_ =	swait.ge @!p2 [sflag:s4], $0x500  }
0x128: {  	s21 =	smov.u32 s23;
	[sflag:s4] =	ssyncset.done @!p2 $0x0  }
0x129: {  	s23 =	simm.s32 @!p2 $0x7D;
	s24 =	simm.s32 @!p2 $0xA00;
	[sflag:s4] =	ssyncadd.s32 @!p2 $0xFFFFFB00  }
0x12a: {  	[tilespmem:s24], [sflag:$0x1] =	stream.indirect.gather @!p2 [hbm4b:s2+s23], $0x20, s28, s23, $0xb8;
	[tilespmem:$0x1FE00] =	vst v63  }
0x12b: {  	s25 =	simm.s32 @!p2 $0x19A0;
	s4 =	simm.s32 @!p2 $0x80  }
0x12c: {  	[tilespmem:s25], [sflag:$0x1] =	stream.indirect.gather @!p2 [hbm4b:s2+s23], $0x20, s4, s23, $0xb8;
	[tilespmem:$0x1FE00] =	vst v63  }
0x12d: {  	s26 =	simm.s32 @!p2 $0x2940;
	s24 =	simm.s32 @!p2 $0x100  }
0x12e: {  	[tilespmem:s26], [sflag:$0x1] =	stream.indirect.gather @!p2 [hbm4b:s2+s23], $0x20, s24, s23, $0xb8;
	[tilespmem:$0x1FE00] =	vst v63  }
0x12f: {  	s4 =	simm.s32 @!p2 $0x180;
	s25 =	simm.s32 @!p2 $0x38E0  }
0x130: {  	[tilespmem:s25], [sflag:$0x1] =	stream.indirect.gather @!p2 [hbm4b:s2+s23], $0x20, s4, s23, $0xb8;
	[tilespmem:$0x1FE00] =	vst v63  }
0x131: {  	s24 =	simm.s32 @!p2 $0x200;
	s26 =	simm.s32 @!p2 $0x4880  }
0x132: {  	[tilespmem:s26], [sflag:$0x1] =	stream.indirect.gather @!p2 [hbm4b:s2+s23], $0x20, s24, s23, $0xb8;
	[tilespmem:$0x1FE00] =	vst v63  }
0x133: {  	_ =	swait.ge [sflag:s17], $0xFA0  }
0x134: {  	[sflag:s17] =	ssyncset.done $0x0  }
0x135: {  	[sflag:s17] =	ssyncadd.s32 $0xFFFFF060  }
0x136: {  	_ =	swait.ge [sflag:s17], $0xFA0  }
0x137: {  	[sflag:s17] =	ssyncset.done $0x0  }
0x138: {  	[sflag:s17] =	ssyncadd.s32 $0xFFFFF060  }
0x139: {  	_ =	swait.ge [sflag:s17], $0xFA0  }
0x13a: {  	[sflag:s17] =	ssyncset.done $0x0  }
0x13b: {  	[sflag:s17] =	ssyncadd.s32 $0xFFFFF060  }
0x13c: {  	_ =	swait.ge [sflag:s17], $0xFA0  }
0x13d: {  	[sflag:s17] =	ssyncset.done $0x0  }
0x13e: {  	[sflag:s17] =	ssyncadd.s32 $0xFFFFF060  }
0x13f: {  	_ =	swait.ge [sflag:s17], $0xFA0  }
0x140: {  	[sflag:s17] =	ssyncset.done $0x0  }
0x141: {  	s22 =	sadd.s32 $0xA0, s22;
	s24 =	rddreg [dreg:$0xe];
	[sflag:s17] =	ssyncadd.s32 $0xFFFFF060  }
0x142: {  	[spmem:s3] =	stream.indirect.scatter.add.f32 [tilespmem:s11], [sflag:$0x4], $0x20, s24, s1, $0xb8;
	[tilespmem:$0x1FE00] =	vst v63  }
0x143: {  	p1 =	sne.s32 s22, $0x1400;
	s25 =	rddreg [dreg:$0xf]  }
0x144: {  	[spmem:s3] =	stream.indirect.scatter.add.f32 [tilespmem:s12], [sflag:$0x4], $0x20, s25, s1, $0xb8;
	[tilespmem:$0x1FE00] =	vst v63  }
.Ltmp1:
0x145: {  	s26 =	rddreg [dreg:$0x10];
	(pc) =	sbr.rel @p1 .LBB2_4-.Ltmp1, $4  }
0x146: {  	s28 =	rddreg [dreg:$0x11]  }
0x147: {  	[spmem:s3] =	stream.indirect.scatter.add.f32 [tilespmem:s13], [sflag:$0x4], $0x20, s26, s1, $0xb8;
	[tilespmem:$0x1FE00] =	vst v63  }
0x148: {  	s24 =	rddreg [dreg:$0x12]  }
0x149: {  	[spmem:s3] =	stream.indirect.scatter.add.f32 [tilespmem:s14], [sflag:$0x4], $0x20, s28, s1, $0xb8;
	[tilespmem:$0x1FE00] =	vst v63  }
0x14a: {  	s4 =	simm.s32 @!p0 $0x4  }
0x14b: {  	[spmem:s3] =	stream.indirect.scatter.add.f32 [tilespmem:s15], [sflag:$0x4], $0x20, s24, s1, $0xb8;
	[tilespmem:$0x1FE00] =	vst v63  }
0x14c: {  	_ =	swait.ge @!p0 [sflag:s4], $0xFA0  }
0x14d: {  	[sflag:s4] =	ssyncset.done @!p0 $0x0  }
0x14e: {  	[sflag:s4] =	ssyncadd.s32 @!p0 $0xFFFFF060  }
0x14f: {  	_ =	swait.ge @!p0 [sflag:s4], $0xFA0  }
0x150: {  	[sflag:s4] =	ssyncset.done @!p0 $0x0  }
0x151: {  	[sflag:s4] =	ssyncadd.s32 @!p0 $0xFFFFF060  }
0x152: {  	_ =	swait.ge @!p0 [sflag:s4], $0xFA0  }
0x153: {  	[sflag:s4] =	ssyncset.done @!p0 $0x0  }
0x154: {  	[sflag:s4] =	ssyncadd.s32 @!p0 $0xFFFFF060  }
0x155: {  	_ =	swait.ge @!p0 [sflag:s4], $0xFA0  }
0x156: {  	[sflag:s4] =	ssyncset.done @!p0 $0x0  }
0x157: {  	[sflag:s4] =	ssyncadd.s32 @!p0 $0xFFFFF060  }
0x158: {  	_ =	swait.ge @!p0 [sflag:s4], $0xFA0  }
0x159: {  	s22 =	rddreg [dreg:$0x5];
	[sflag:s4] =	ssyncset.done @!p0 $0x0  }
0x15a: {  	[sflag:s4] =	ssyncadd.s32 @!p0 $0xFFFFF060;
	s23 =	sadd.s32 s21, s22  }
0x15b: {  	[tilespmem:s10], [sflag:$0x5] =	stream.strided.gather [hbm4b:s23+s31], $0x500, s0, s31, $0x38;
	[tilespmem:$0x1FE00] =	vst v63  }
0x15c: {  	_ =	swait.ge [sflag:s30], $0x500  }
0x15d: {  	[sflag:s30] =	ssyncset.done $0x0  }
0x15e: {  	[sflag:s30] =	ssyncadd.s32 $0xFFFFFB00  }
0x15f: {  	[tilespmem:s11], [sflag:$0x2] =	stream.indirect.gather [hbm4b:s2+s1], $0x20, s10, s1, $0xb8;
	[tilespmem:$0x1FE00] =	vst v63  }
0x160: {  	s24 =	rddreg [dreg:$0x6]  }
0x161: {  	[tilespmem:s12], [sflag:$0x2] =	stream.indirect.gather [hbm4b:s2+s1], $0x20, s24, s1, $0xb8;
	[tilespmem:$0x1FE00] =	vst v63  }
0x162: {  	s25 =	rddreg [dreg:$0x7]  }
0x163: {  	[tilespmem:s13], [sflag:$0x2] =	stream.indirect.gather [hbm4b:s2+s1], $0x20, s25, s1, $0xb8;
	[tilespmem:$0x1FE00] =	vst v63  }
0x164: {  	s26 =	rddreg [dreg:$0x8]  }
0x165: {  	[tilespmem:s14], [sflag:$0x2] =	stream.indirect.gather [hbm4b:s2+s1], $0x20, s26, s1, $0xb8;
	[tilespmem:$0x1FE00] =	vst v63  }
0x166: {  	s23 =	rddreg [dreg:$0x9]  }
0x167: {  	[tilespmem:s15], [sflag:$0x2] =	stream.indirect.gather [hbm4b:s2+s1], $0x20, s23, s1, $0xb8;
	[tilespmem:$0x1FE00] =	vst v63  }
0x168: {  	_ =	swait.ge [sflag:s16], $0xFA0  }
0x169: {  	[sflag:s16] =	ssyncset.done $0x0  }
0x16a: {  	[sflag:s16] =	ssyncadd.s32 $0xFFFFF060  }
0x16b: {  	_ =	swait.ge [sflag:s16], $0xFA0  }
0x16c: {  	[sflag:s16] =	ssyncset.done $0x0  }
0x16d: {  	[sflag:s16] =	ssyncadd.s32 $0xFFFFF060  }
0x16e: {  	_ =	swait.ge [sflag:s16], $0xFA0  }
0x16f: {  	[sflag:s16] =	ssyncset.done $0x0  }
0x170: {  	[sflag:s16] =	ssyncadd.s32 $0xFFFFF060  }
0x171: {  	_ =	swait.ge [sflag:s16], $0xFA0  }
0x172: {  	[sflag:s16] =	ssyncset.done $0x0  }
0x173: {  	[sflag:s16] =	ssyncadd.s32 $0xFFFFF060  }
0x174: {  	_ =	swait.ge [sflag:s16], $0xFA0  }
0x175: {  	[sflag:s16] =	ssyncset.done $0x0  }
0x176: {  	[sflag:s16] =	ssyncadd.s32 $0xFFFFF060  }
0x177: {  	[spmem:s3] =	stream.indirect.scatter.add.f32 [tilespmem:s5], [sflag:$0x3], $0x20, s31, s1, $0xb8;
	[tilespmem:$0x1FE00] =	vst v63  }
0x178: {  	s24 =	rddreg [dreg:$0xa]  }
0x179: {  	[spmem:s3] =	stream.indirect.scatter.add.f32 [tilespmem:s6], [sflag:$0x3], $0x20, s24, s1, $0xb8;
	[tilespmem:$0x1FE00] =	vst v63  }
0x17a: {  	s25 =	rddreg [dreg:$0xb]  }
0x17b: {  	[spmem:s3] =	stream.indirect.scatter.add.f32 [tilespmem:s7], [sflag:$0x3], $0x20, s25, s1, $0xb8;
	[tilespmem:$0x1FE00] =	vst v63  }
0x17c: {  	p0 =	seq.s32 s21, $0x1360;
	s26 =	rddreg [dreg:$0xc]  }
0x17d: {  	[spmem:s3] =	stream.indirect.scatter.add.f32 [tilespmem:s8], [sflag:$0x3], $0x20, s26, s1, $0xb8;
	[tilespmem:$0x1FE00] =	vst v63  }
0x17e: {  	s4 =	simm.s32 @!p0 $0x3;
	s23 =	rddreg [dreg:$0xd]  }
0x17f: {  	[spmem:s3] =	stream.indirect.scatter.add.f32 [tilespmem:s9], [sflag:$0x3], $0x20, s23, s1, $0xb8;
	[tilespmem:$0x1FE00] =	vst v63  }
0x180: {  	_ =	swait.ge @!p0 [sflag:s4], $0xFA0  }
0x181: {  	[sflag:s4] =	ssyncset.done @!p0 $0x0  }
0x182: {  	[sflag:s4] =	ssyncadd.s32 @!p0 $0xFFFFF060  }
0x183: {  	_ =	swait.ge @!p0 [sflag:s4], $0xFA0  }
0x184: {  	[sflag:s4] =	ssyncset.done @!p0 $0x0  }
0x185: {  	[sflag:s4] =	ssyncadd.s32 @!p0 $0xFFFFF060  }
0x186: {  	_ =	swait.ge @!p0 [sflag:s4], $0xFA0  }
0x187: {  	[sflag:s4] =	ssyncset.done @!p0 $0x0  }
0x188: {  	[sflag:s4] =	ssyncadd.s32 @!p0 $0xFFFFF060  }
0x189: {  	_ =	swait.ge @!p0 [sflag:s4], $0xFA0  }
0x18a: {  	[sflag:s4] =	ssyncset.done @!p0 $0x0  }
0x18b: {  	[sflag:s4] =	ssyncadd.s32 @!p0 $0xFFFFF060  }
0x18c: {  	_ =	swait.ge @!p0 [sflag:s4], $0xFA0  }
0x18d: {  	[sflag:s4] =	ssyncset.done @!p0 $0x0  }
0x18e: {  	s23 =	simm.s32 @!p0 $0x140000;
	s22 =	rddreg [dreg:$0x4];
	[sflag:s4] =	ssyncadd.s32 @!p0 $0xFFFFF060  }
0x18f: {  	s4 =	simm.s32 @!p0 $0x280;
	s21 =	sadd.s32 @!p0 s21, s22;
	s22 =	simm.s32 @!p0 $0x0  }
0x190: {  	[tilespmem:s22], [sflag:$0x5] =	stream.strided.gather @!p0 [hbm4b:s21+s4], $0x500, s23, s4, $0x38;
	[tilespmem:$0x1FE00] =	vst v63  }
0x191: {  	s4 =	simm.s32 @!p0 $0x5  }
0x192: {  	_ =	swait.ge @!p0 [sflag:s4], $0x500  }
0x193: {  	[sflag:s4] =	ssyncset.done @!p0 $0x0  }
0x194: {  	s21 =	simm.s32 @!p0 $0x7D;
	[sflag:s4] =	ssyncadd.s32 @!p0 $0xFFFFFB00;
	s4 =	simm.s32 @!p0 $0xA00  }
0x195: {  	[tilespmem:s4], [sflag:$0x1] =	stream.indirect.gather @!p0 [hbm4b:s2+s21], $0x20, s22, s21, $0xb8;
	[tilespmem:$0x1FE00] =	vst v63  }
0x196: {  	s4 =	simm.s32 @!p0 $0x80;
	s22 =	simm.s32 @!p0 $0x19A0  }
0x197: {  	[tilespmem:s22], [sflag:$0x1] =	stream.indirect.gather @!p0 [hbm4b:s2+s21], $0x20, s4, s21, $0xb8;
	[tilespmem:$0x1FE00] =	vst v63  }
0x198: {  	s4 =	simm.s32 @!p0 $0x100;
	s22 =	simm.s32 @!p0 $0x2940  }
0x199: {  	[tilespmem:s22], [sflag:$0x1] =	stream.indirect.gather @!p0 [hbm4b:s2+s21], $0x20, s4, s21, $0xb8;
	[tilespmem:$0x1FE00] =	vst v63  }
0x19a: {  	s4 =	simm.s32 @!p0 $0x180;
	s22 =	simm.s32 @!p0 $0x38E0  }
0x19b: {  	[tilespmem:s22], [sflag:$0x1] =	stream.indirect.gather @!p0 [hbm4b:s2+s21], $0x20, s4, s21, $0xb8;
	[tilespmem:$0x1FE00] =	vst v63  }
0x19c: {  	s4 =	simm.s32 @!p0 $0x200;
	s22 =	simm.s32 @!p0 $0x4880  }
0x19d: {  	[tilespmem:s22], [sflag:$0x1] =	stream.indirect.gather @!p0 [hbm4b:s2+s21], $0x20, s4, s21, $0xb8;
	[tilespmem:$0x1FE00] =	vst v63  }
0x19e: {  	_ =	swait.ge [sflag:s17], $0xFA0  }
0x19f: {  	[sflag:s17] =	ssyncset.done $0x0  }
0x1a0: {  	[sflag:s17] =	ssyncadd.s32 $0xFFFFF060  }
0x1a1: {  	_ =	swait.ge [sflag:s17], $0xFA0  }
0x1a2: {  	[sflag:s17] =	ssyncset.done $0x0  }
0x1a3: {  	[sflag:s17] =	ssyncadd.s32 $0xFFFFF060  }
0x1a4: {  	_ =	swait.ge [sflag:s17], $0xFA0  }
0x1a5: {  	[sflag:s17] =	ssyncset.done $0x0  }
0x1a6: {  	[sflag:s17] =	ssyncadd.s32 $0xFFFFF060  }
0x1a7: {  	_ =	swait.ge [sflag:s17], $0xFA0  }
0x1a8: {  	[sflag:s17] =	ssyncset.done $0x0  }
0x1a9: {  	[sflag:s17] =	ssyncadd.s32 $0xFFFFF060  }
0x1aa: {  	_ =	swait.ge [sflag:s17], $0xFA0  }
0x1ab: {  	[sflag:s17] =	ssyncset.done $0x0  }
0x1ac: {  	s24 =	rddreg [dreg:$0xe];
	[sflag:s17] =	ssyncadd.s32 $0xFFFFF060  }
0x1ad: {  	[spmem:s3] =	stream.indirect.scatter.add.f32 [tilespmem:s11], [sflag:$0x4], $0x20, s24, s1, $0xb8;
	[tilespmem:$0x1FE00] =	vst v63  }
0x1ae: {  	s25 =	rddreg [dreg:$0xf]  }
0x1af: {  	[spmem:s3] =	stream.indirect.scatter.add.f32 [tilespmem:s12], [sflag:$0x4], $0x20, s25, s1, $0xb8;
	[tilespmem:$0x1FE00] =	vst v63  }
0x1b0: {  	s26 =	rddreg [dreg:$0x10]  }
0x1b1: {  	[spmem:s3] =	stream.indirect.scatter.add.f32 [tilespmem:s13], [sflag:$0x4], $0x20, s26, s1, $0xb8;
	[tilespmem:$0x1FE00] =	vst v63  }
0x1b2: {  	s22 =	rddreg [dreg:$0x11]  }
0x1b3: {  	[spmem:s3] =	stream.indirect.scatter.add.f32 [tilespmem:s14], [sflag:$0x4], $0x20, s22, s1, $0xb8;
	[tilespmem:$0x1FE00] =	vst v63  }
0x1b4: {  	s23 =	rddreg [dreg:$0x12]  }
0x1b5: {  	[spmem:s3] =	stream.indirect.scatter.add.f32 [tilespmem:s15], [sflag:$0x4], $0x20, s23, s1, $0xb8;
	[tilespmem:$0x1FE00] =	vst v63  }
0x1b6: {  	_ =	swait.ge [sflag:s18], $0xFA0  }
0x1b7: {  	[sflag:s18] =	ssyncset.done $0x0  }
0x1b8: {  	[sflag:s18] =	ssyncadd.s32 $0xFFFFF060  }
0x1b9: {  	_ =	swait.ge [sflag:s18], $0xFA0  }
0x1ba: {  	[sflag:s18] =	ssyncset.done $0x0  }
0x1bb: {  	[sflag:s18] =	ssyncadd.s32 $0xFFFFF060  }
0x1bc: {  	_ =	swait.ge [sflag:s18], $0xFA0  }
0x1bd: {  	[sflag:s18] =	ssyncset.done $0x0  }
0x1be: {  	[sflag:s18] =	ssyncadd.s32 $0xFFFFF060  }
0x1bf: {  	_ =	swait.ge [sflag:s18], $0xFA0  }
0x1c0: {  	[sflag:s18] =	ssyncset.done $0x0  }
0x1c1: {  	[sflag:s18] =	ssyncadd.s32 $0xFFFFF060  }
0x1c2: {  	_ =	swait.ge [sflag:s18], $0xFA0  }
0x1c3: {  	[sflag:s18] =	ssyncset.done $0x0  }
0x1c4: {  	[sflag:s18] =	ssyncadd.s32 $0xFFFFF060  }
0x1c5: {  	_ =	swait.ge [sflag:s19], $0xFA0  }
0x1c6: {  	[sflag:s19] =	ssyncset.done $0x0  }
0x1c7: {  	[sflag:s19] =	ssyncadd.s32 $0xFFFFF060  }
0x1c8: {  	_ =	swait.ge [sflag:s19], $0xFA0  }
0x1c9: {  	[sflag:s19] =	ssyncset.done $0x0  }
0x1ca: {  	[sflag:s19] =	ssyncadd.s32 $0xFFFFF060  }
0x1cb: {  	_ =	swait.ge [sflag:s19], $0xFA0  }
0x1cc: {  	[sflag:s19] =	ssyncset.done $0x0  }
0x1cd: {  	[sflag:s19] =	ssyncadd.s32 $0xFFFFF060  }
0x1ce: {  	_ =	swait.ge [sflag:s19], $0xFA0  }
0x1cf: {  	[sflag:s19] =	ssyncset.done $0x0  }
0x1d0: {  	[sflag:s19] =	ssyncadd.s32 $0xFFFFF060  }
0x1d1: {  	_ =	swait.ge [sflag:s19], $0xFA0  }
0x1d2: {  	[sflag:s19] =	ssyncset.done $0x0  }
0x1d3: {  	[sflag:s19] =	ssyncadd.s32 $0xFFFFF060  }
0x1d4: {  	[bflag:$0x0] =	sbarrier.arrive $0xFFFF  }
0x1d5: {  	s24 =	rddreg [dreg:$0x1e]  }
0x1d6: {  	[tilespmem:s29], [sflag:$0x5] =	stream.linear.gather [spmem:s24], $0x1F40, $0x38;
	[tilespmem:$0x1FE00] =	vst v63  }
0x1d7: {  	_ =	swait.ge [sflag:s30], $0x1F40  }
0x1d8: {  	[sflag:s30] =	ssyncset.done $0x0  }
0x1d9: {  	s4 =	simm.s32 $0x0;
	s25 =	rddreg [dreg:$0x14];
	[sflag:s30] =	ssyncadd.s32 $0xFFFFE0C0  }
0x1da: {  	[hbm4b:s25+s4] =	stream.linear.scatter [tilespmem:s29], [sflag:$0x5], $0x1F40, $0x38;
	[tilespmem:$0x1FE00] =	vst v63  }
0x1db: {  	_ =	swait.ge [sflag:s30], $0x1F40  }
0x1dc: {  	s24 =	sld [smem:$0x7FA]  }
0x1dd: {  	[sflag:s30] =	ssyncset.done $0x0  }
0x1de: {  	[sflag:s30] =	ssyncadd.s32 $0xFFFFE0C0  }
0x1df: {  	[tilespmem:s29], [sflag:$0x5] =	stream.linear.gather [spmem:s24], $0x1F40, $0x38;
	[tilespmem:$0x1FE00] =	vst v63  }
0x1e0: {  	_ =	swait.ge [sflag:s30], $0x1F40  }
0x1e1: {  	[sflag:s30] =	ssyncset.done $0x0  }
0x1e2: {  	s26 =	rddreg [dreg:$0x15];
	[sflag:s30] =	ssyncadd.s32 $0xFFFFE0C0  }
0x1e3: {  	[hbm4b:s26+s4] =	stream.linear.scatter [tilespmem:s29], [sflag:$0x5], $0x1F40, $0x38;
	[tilespmem:$0x1FE00] =	vst v63  }
0x1e4: {  	_ =	swait.ge [sflag:s30], $0x1F40  }
0x1e5: {  	s25 =	sld [smem:$0x7FB]  }
0x1e6: {  	[sflag:s30] =	ssyncset.done $0x0  }
0x1e7: {  	[sflag:s30] =	ssyncadd.s32 $0xFFFFE0C0  }
0x1e8: {  	[tilespmem:s29], [sflag:$0x5] =	stream.linear.gather [spmem:s25], $0x1F40, $0x38;
	[tilespmem:$0x1FE00] =	vst v63  }
0x1e9: {  	_ =	swait.ge [sflag:s30], $0x1F40  }
0x1ea: {  	[sflag:s30] =	ssyncset.done $0x0  }
0x1eb: {  	s22 =	rddreg [dreg:$0x16];
	[sflag:s30] =	ssyncadd.s32 $0xFFFFE0C0  }
0x1ec: {  	[hbm4b:s22+s4] =	stream.linear.scatter [tilespmem:s29], [sflag:$0x5], $0x1F40, $0x38;
	[tilespmem:$0x1FE00] =	vst v63  }
0x1ed: {  	_ =	swait.ge [sflag:s30], $0x1F40  }
0x1ee: {  	s26 =	sld [smem:$0x7FC]  }
0x1ef: {  	[sflag:s30] =	ssyncset.done $0x0  }
0x1f0: {  	[sflag:s30] =	ssyncadd.s32 $0xFFFFE0C0  }
0x1f1: {  	[tilespmem:s29], [sflag:$0x5] =	stream.linear.gather [spmem:s26], $0x1F40, $0x38;
	[tilespmem:$0x1FE00] =	vst v63  }
0x1f2: {  	_ =	swait.ge [sflag:s30], $0x1F40  }
0x1f3: {  	[sflag:s30] =	ssyncset.done $0x0  }
0x1f4: {  	s23 =	rddreg [dreg:$0x17];
	[sflag:s30] =	ssyncadd.s32 $0xFFFFE0C0  }
0x1f5: {  	[hbm4b:s23+s4] =	stream.linear.scatter [tilespmem:s29], [sflag:$0x5], $0x1F40, $0x38;
	[tilespmem:$0x1FE00] =	vst v63  }
0x1f6: {  	_ =	swait.ge [sflag:s30], $0x1F40  }
0x1f7: {  	s28 =	sld [smem:$0x7FD]  }
0x1f8: {  	[sflag:s30] =	ssyncset.done $0x0  }
0x1f9: {  	[sflag:s30] =	ssyncadd.s32 $0xFFFFE0C0  }
0x1fa: {  	[tilespmem:s29], [sflag:$0x5] =	stream.linear.gather [spmem:s28], $0x1F40, $0x38;
	[tilespmem:$0x1FE00] =	vst v63  }
0x1fb: {  	_ =	swait.ge [sflag:s30], $0x1F40  }
0x1fc: {  	[sflag:s30] =	ssyncset.done $0x0  }
0x1fd: {  	s22 =	rddreg [dreg:$0x18];
	[sflag:s30] =	ssyncadd.s32 $0xFFFFE0C0  }
0x1fe: {  	[hbm4b:s22+s4] =	stream.linear.scatter [tilespmem:s29], [sflag:$0x5], $0x1F40, $0x38;
	[tilespmem:$0x1FE00] =	vst v63  }
0x1ff: {  	_ =	swait.ge [sflag:s30], $0x1F40  }
0x200: {  	s23 =	sld [smem:$0x7F5]  }
0x201: {  	[sflag:s30] =	ssyncset.done $0x0  }
0x202: {  	[sflag:s30] =	ssyncadd.s32 $0xFFFFE0C0  }
0x203: {  	[tilespmem:s29], [sflag:$0x5] =	stream.linear.gather [spmem:s23], $0x1F40, $0x38;
	[tilespmem:$0x1FE00] =	vst v63  }
0x204: {  	_ =	swait.ge [sflag:s30], $0x1F40  }
0x205: {  	[sflag:s30] =	ssyncset.done $0x0  }
0x206: {  	s22 =	rddreg [dreg:$0x19];
	[sflag:s30] =	ssyncadd.s32 $0xFFFFE0C0  }
0x207: {  	[hbm4b:s22+s4] =	stream.linear.scatter [tilespmem:s29], [sflag:$0x5], $0x1F40, $0x38;
	[tilespmem:$0x1FE00] =	vst v63  }
0x208: {  	_ =	swait.ge [sflag:s30], $0x1F40  }
0x209: {  	s23 =	sld [smem:$0x7F6]  }
0x20a: {  	[sflag:s30] =	ssyncset.done $0x0  }
0x20b: {  	[sflag:s30] =	ssyncadd.s32 $0xFFFFE0C0  }
0x20c: {  	[tilespmem:s29], [sflag:$0x5] =	stream.linear.gather [spmem:s23], $0x1F40, $0x38;
	[tilespmem:$0x1FE00] =	vst v63  }
0x20d: {  	_ =	swait.ge [sflag:s30], $0x1F40  }
0x20e: {  	[sflag:s30] =	ssyncset.done $0x0  }
0x20f: {  	s22 =	rddreg [dreg:$0x1a];
	[sflag:s30] =	ssyncadd.s32 $0xFFFFE0C0  }
0x210: {  	[hbm4b:s22+s4] =	stream.linear.scatter [tilespmem:s29], [sflag:$0x5], $0x1F40, $0x38;
	[tilespmem:$0x1FE00] =	vst v63  }
0x211: {  	_ =	swait.ge [sflag:s30], $0x1F40  }
0x212: {  	s23 =	sld [smem:$0x7F7]  }
0x213: {  	[sflag:s30] =	ssyncset.done $0x0  }
0x214: {  	[sflag:s30] =	ssyncadd.s32 $0xFFFFE0C0  }
0x215: {  	[tilespmem:s29], [sflag:$0x5] =	stream.linear.gather [spmem:s23], $0x1F40, $0x38;
	[tilespmem:$0x1FE00] =	vst v63  }
0x216: {  	_ =	swait.ge [sflag:s30], $0x1F40  }
0x217: {  	[sflag:s30] =	ssyncset.done $0x0  }
0x218: {  	s22 =	rddreg [dreg:$0x1b];
	[sflag:s30] =	ssyncadd.s32 $0xFFFFE0C0  }
0x219: {  	[hbm4b:s22+s4] =	stream.linear.scatter [tilespmem:s29], [sflag:$0x5], $0x1F40, $0x38;
	[tilespmem:$0x1FE00] =	vst v63  }
0x21a: {  	_ =	swait.ge [sflag:s30], $0x1F40  }
0x21b: {  	s23 =	sld [smem:$0x7F8]  }
0x21c: {  	[sflag:s30] =	ssyncset.done $0x0  }
0x21d: {  	[sflag:s30] =	ssyncadd.s32 $0xFFFFE0C0  }
0x21e: {  	[tilespmem:s29], [sflag:$0x5] =	stream.linear.gather [spmem:s23], $0x1F40, $0x38;
	[tilespmem:$0x1FE00] =	vst v63  }
0x21f: {  	_ =	swait.ge [sflag:s30], $0x1F40  }
0x220: {  	[sflag:s30] =	ssyncset.done $0x0  }
0x221: {  	s22 =	rddreg [dreg:$0x1c];
	[sflag:s30] =	ssyncadd.s32 $0xFFFFE0C0  }
0x222: {  	[hbm4b:s22+s4] =	stream.linear.scatter [tilespmem:s29], [sflag:$0x5], $0x1F40, $0x38;
	[tilespmem:$0x1FE00] =	vst v63  }
0x223: {  	_ =	swait.ge [sflag:s30], $0x1F40  }
0x224: {  	s23 =	sld [smem:$0x7F9]  }
0x225: {  	[sflag:s30] =	ssyncset.done $0x0  }
0x226: {  	[sflag:s30] =	ssyncadd.s32 $0xFFFFE0C0  }
0x227: {  	[tilespmem:s29], [sflag:$0x5] =	stream.linear.gather [spmem:s23], $0x1F40, $0x38;
	[tilespmem:$0x1FE00] =	vst v63  }
0x228: {  	_ =	swait.ge [sflag:s30], $0x1F40  }
0x229: {  	[sflag:s30] =	ssyncset.done $0x0  }
0x22a: {  	s22 =	rddreg [dreg:$0x1d];
	[sflag:s30] =	ssyncadd.s32 $0xFFFFE0C0  }
0x22b: {  	[hbm4b:s22+s4] =	stream.linear.scatter [tilespmem:s29], [sflag:$0x5], $0x1F40, $0x38;
	[tilespmem:$0x1FE00] =	vst v63  }
0x22c: {  	_ =	swait.ge [sflag:s30], $0x1F40  }
0x22d: {  	s20 =	sadd.s32 $0x1, s20;
	s23 =	rddreg [dreg:$0x1f]  }
0x22e: {  	p0 =	sne.s32 s20, s23  }
.Ltmp2:
0x22f: {  	_ = 	snop;
	(pc) =	sbr.rel @p0 .LBB2_1-.Ltmp2, $3  }
0x230: {  	_ =	sdelay $0x1  }
0x231: {  	[sflag:s30] =	ssyncset.done $0x0  }
0x232: {  	[sflag:s30] =	ssyncadd.s32 $0xFFFFE0C0  }
0x233: {  	_ =	sfence.sel $0x180000  }
0x234: {  	[bflag:$0x0] =	sbarrier.arrive $0xFFFF  }
0x235: {  	_ =	strace $0x9000004A  }
0x236: {  	s0 =	stileid.u32;
	[bflag:$0x2] =	sbarrier.arrive $0xFFFF  }
0x237: {  	p0 =	sne.s32 s0, $0x0;
	s0 =	rddreg [dreg:$0x3]  }
0x238: {  	s0 =	sadd.s32 @!p0 $0x100000, s0  }
0x239: {  	[sflag:s0] =	ssyncadd.tile.s32 @!p0 $0x1;
	_ =	shalt  }
.Lfunc_end2:
_tile_overlayer_lowered:
.L_overlay_start_2:
0x23a: {  	(tag) =	ssettag $0x2  }
0x23b: {  	s0 =	rddreg [dreg:$0x0];
	s2 =	stileid.u32  }
0x23c: {  	s1 =	rddreg [dreg:$0x1];
	p0 =	sne.s32 s2, $0x0  }
0x23d: {  	s3 =	rddreg [dreg:$0x2];
	[bflag:$0x3] =	sbarrier.arrive $0xFFFF;
	s2 =	simm.s32 @!p0 $0x1C05  }
0x23e: {  	[timem:s3], [sflag:s2] =	dma.local @!p0 [hbm:s0], s1  }
0x23f: {  	s0 =	simm.s32 @!p0 $0x5  }
0x240: {  	_ =	swait.ge @!p0 [sflag:s0], s1  }
0x241: {  	s1 =	ssub.s32 @!p0 $0x0, s1;
	[sflag:s0] =	ssyncset.done @!p0 $0x0  }
0x242: {  	[sflag:s0] =	ssyncadd.s32 @!p0 s1  }
0x243: {  	[bflag:$0x3] =	sbarrier.arrive $0xFFFF  }
0x244: {  	_ =	shalt  }

// kernel: kernel.9.cloned.1.call-start
scs
__scs_entry_jumppad:
0x0: {  	(pc) =	sbr.rel $0x88, $3  }
0x1: {  	(tag) =	ssettag $0x0;
	lr =	simm.s32 $0x1  }
0x2: {  	[smem:$0x3F97] =	sst lr;
	_ =	strace $0xD0000000  }
0x3: {  	_ = 	snop  }
0x4: {  	_ = 	snop  }
0x5: {  	_ = 	snop  }
0x6: {  	_ = 	snop  }
0x7: {  	_ = 	snop  }
__scs_overlays_trampoline_lowered:
0x8: {  	[smem:$0x3FA6] =	sst s0  }
0x9: {  	[smem:$0x3FA7] =	sst s1  }
0xa: {  	[smem:$0x3FA8] =	sst s2  }
0xb: {  	[smem:$0x3FA9] =	sst s3  }
0xc: {  	[smem:$0x3FAA] =	sst s4  }
0xd: {  	[smem:$0x3FAB] =	sst s5  }
0xe: {  	[smem:$0x3FAC] =	sst s6  }
0xf: {  	[smem:$0x3FAD] =	sst s7  }
0x10: {  	[smem:$0x3FAE] =	sst s8  }
0x11: {  	[smem:$0x3FAF] =	sst s9;
	s0 =	simm.s32 @!p0 $0x0  }
0x12: {  	s1 =	sld [smem:$0x3F95];
	s0 =	simm.s32 @p0 $0x1  }
0x13: {  	[smem:$0x3FB0] =	sst s0;
	s0 =	simm.s32 @!p1 $0x0  }
0x14: {  	s2 =	sld [smem:$0x3F94];
	s0 =	simm.s32 @p1 $0x1  }
0x15: {  	[smem:$0x3FB1] =	sst s0;
	s0 =	simm.s32 @!p2 $0x0  }
0x16: {  	s3 =	sld [smem:$0x3FDB];
	s0 =	simm.s32 @p2 $0x1  }
0x17: {  	s4 =	simm.s32 $0x1BF5;
	[smem:$0x3FB3] =	sst s0  }
0x18: {  	s0 =	sld [smem:$0x3F96];
	_ =	swait.ge [sflag:s4], $0x0  }
0x19: {  	s7 =	sld [smem:$0x3F97]  }
0x1a: {  	s8 =	sadd.s32 $0xFFFFE003, lr  }
0x1b: {  	s9 =	sadd.s32 $0xFFFFFEF7, lr;
	s5 =	simm.s32 $0xFFFFFFFF;
	p2 =	slt.u32 s8, $0xFFFFF086  }
0x1c: {  	p1 =	slt.u32 s9, $0xF7A;
	s5 =	simm.s32 @!p2 $0x0  }
0x1d: {  	s5 =	simm.s32 @p1 $0x1;
	p0 =	seq.s32 s7, s2  }
0x1e: {  	s7 =	smul.u32 @!p0 $0xF7A, s2;
	p2 =	seq.s32 @!p0 s5, $0x0  }
0x1f: {  	s9 =	smul.u32 $0xF7A, s1;
	s8 =	simm.s32 @!p0 $0x1BF5;
	p2 =	por !p2, p0  }
0x20: {  	[sflag:s8] =	ssyncset.s32 @!p0 $0xFFFFF086;
	s6 =	sadd.s32 @!p0 s3, s7;
	s7 =	simm.s32 @!p0 $0x108  }
0x21: {  	s3 =	sadd.s32 s3, s9;
	s6 =	sadd.s32 @!p0 $0x88, s6;
	s7 =	simm.s32 @p2 $0x1082  }
0x22: {  	[simem:s7], [sflag:s8] =	dma.local @!p0 [hbm:s6], $0xF7A  }
0x23: {  	s9 =	sor.u32 $0xD0000000, s2;
	s6 =	simm.s32 $0x108;
	_ =	swait.ge @!p0 [sflag:s8], $0x0  }
0x24: {  	s3 =	sadd.s32 $0x88, s3;
	s6 =	simm.s32 @!p1 $0x1082;
	[sflag:s4] =	ssyncset.s32 $0xFFFFF086  }
0x25: {  	[simem:s6], [sflag:s4] =	dma.local [hbm:s3], $0xF7A  }
0x26: {  	[smem:$0x3F97] =	sst s1;
	(tag) =	ssettag s2;
	_ =	strace s9  }
0x27: {  	s1 =	sld [smem:$0x3FA7]  }
0x28: {  	s2 =	sld [smem:$0x3FA8]  }
0x29: {  	s4 =	sld [smem:$0x3FAA]  }
0x2a: {  	p0 =	seq.s32 s5, $0x0;
	s5 =	sld [smem:$0x3FAB]  }
0x2b: {  	s6 =	sld [smem:$0x3FAC]  }
0x2c: {  	s7 =	sld [smem:$0x3FAD]  }
0x2d: {  	s3 =	simm.s32 $0x108;
	s8 =	sld [smem:$0x3FAE]  }
0x2e: {  	s3 =	simm.s32 @!p0 $0x1082;
	s9 =	sld [smem:$0x3FAF]  }
0x2f: {  	lr =	sadd.s32 s0, s3;
	s0 =	sld [smem:$0x3FA6]  }
0x30: {  	s3 =	sld [smem:$0x3FA9]  }
0x31: {  	[smem:$0x3FB2] =	sst s10  }
0x32: {  	s10 =	sld [smem:$0x3FB0];
	_ =	sdelay $0x3  }
0x33: {  	p0 =	seq.s32 s10, $0x1;
	s10 =	sld [smem:$0x3FB2];
	_ =	sdelay $0x3  }
0x34: {  	[smem:$0x3FB2] =	sst s10  }
0x35: {  	s10 =	sld [smem:$0x3FB1];
	_ =	sdelay $0x3  }
0x36: {  	p1 =	seq.s32 s10, $0x1;
	s10 =	sld [smem:$0x3FB2];
	_ =	sdelay $0x3  }
0x37: {  	[smem:$0x3FB2] =	sst s10  }
0x38: {  	s10 =	sld [smem:$0x3FB3]  }
0x39: {  	_ = 	snop;
	(pc) =	sbr.ind lr, $3  }
0x3a: {  	_ = 	snop  }
0x3b: {  	_ = 	snop  }
0x3c: {  	p2 =	seq.s32 s10, $0x1;
	s10 =	sld [smem:$0x3FB2]  }
0x3d: {  	_ =	shalt  }
0x3e: {  	_ =	shalt  }
0x3f: {  	_ =	shalt  }
0x40: {  	_ =	shalt  }
0x41: {  	_ =	shalt  }
0x42: {  	_ =	shalt  }
0x43: {  	_ =	shalt  }
0x44: {  	_ =	shalt  }
0x45: {  	_ =	shalt  }
0x46: {  	_ =	shalt  }
0x47: {  	_ =	shalt  }
0x48: {  	_ =	shalt  }
0x49: {  	_ =	shalt  }
0x4a: {  	_ =	shalt  }
0x4b: {  	_ =	shalt  }
0x4c: {  	_ =	shalt  }
0x4d: {  	_ =	shalt  }
0x4e: {  	_ =	shalt  }
0x4f: {  	_ =	shalt  }
0x50: {  	_ =	shalt  }
0x51: {  	_ =	shalt  }
0x52: {  	_ =	shalt  }
0x53: {  	_ =	shalt  }
0x54: {  	_ =	shalt  }
0x55: {  	_ =	shalt  }
0x56: {  	_ =	shalt  }
0x57: {  	_ =	shalt  }
0x58: {  	_ =	shalt  }
0x59: {  	_ =	shalt  }
0x5a: {  	_ =	shalt  }
0x5b: {  	_ =	shalt  }
0x5c: {  	_ =	shalt  }
0x5d: {  	_ =	shalt  }
0x5e: {  	_ =	shalt  }
0x5f: {  	_ =	shalt  }
0x60: {  	_ =	shalt  }
0x61: {  	_ =	shalt  }
0x62: {  	_ =	shalt  }
0x63: {  	_ =	shalt  }
0x64: {  	_ =	shalt  }
0x65: {  	_ =	shalt  }
0x66: {  	_ =	shalt  }
0x67: {  	_ =	shalt  }
0x68: {  	_ =	shalt  }
0x69: {  	_ =	shalt  }
0x6a: {  	_ =	shalt  }
0x6b: {  	_ =	shalt  }
0x6c: {  	_ =	shalt  }
0x6d: {  	_ =	shalt  }
0x6e: {  	_ =	shalt  }
0x6f: {  	_ =	shalt  }
0x70: {  	_ =	shalt  }
0x71: {  	_ =	shalt  }
0x72: {  	_ =	shalt  }
0x73: {  	_ =	shalt  }
0x74: {  	_ =	shalt  }
0x75: {  	_ =	shalt  }
0x76: {  	_ =	shalt  }
0x77: {  	_ =	shalt  }
0x78: {  	_ =	shalt  }
0x79: {  	_ =	shalt  }
0x7a: {  	_ =	shalt  }
0x7b: {  	_ =	shalt  }
0x7c: {  	_ =	shalt  }
0x7d: {  	_ =	shalt  }
0x7e: {  	_ =	shalt  }
0x7f: {  	_ =	shalt  }
0x80: {  	_ =	shalt  }
0x81: {  	_ =	shalt  }
0x82: {  	_ =	shalt  }
0x83: {  	_ =	shalt  }
0x84: {  	_ =	shalt  }
0x85: {  	_ =	shalt  }
0x86: {  	_ =	shalt  }
0x87: {  	_ =	shalt  }
.Lfunc_end0:
.L_simem_size_0:
called_computation_lowered:
.L_overlay_start_0:
0x88: {  	s2 =	sld [smem:$0x3FD9]  }
0x89: {  	s3 =	sld [smem:$0x3FFE];
	_ =	sdelay $0x1  }
0x8a: {  	s1 =	srdreg.scid  }
0x8b: {  	s0 =	sand.u32 $0x1, s1  }
0x8c: {  	s14 =	sshll.u32 s0, $0xA;
	s2 =	sadd.s32 s3, s2  }
0x8d: {  	s2 =	sadd.s32 s2, s14  }
0x8e: {  	[smem:$0x3FBE] =	sst s2  }
0x8f: {  	_ = 	snop  }
0x90: {  	s2 =	sld [smem:$0x3FD0];
	_ =	sdelay $0x2  }
0x91: {  	s15 =	simm.s32 $0xA;
	s4 =	simm.s32 $0x10  }
0x92: {  	[smem:s4], [sflag:s15] =	dma.local [hbm:s2], $0x1  }
0x93: {  	_ =	swait.eq [sflag:s15], $0x1  }
0x94: {  	[sflag:s15] =	ssyncset.done $0x0  }
0x95: {  	[sflag:s15] =	ssyncadd.s32 $0xFFFFFFFF  }
0x96: {  	s16 =	sld [smem:$0x10];
	(tm) =	ssettm $0x1  }
0x97: {  	s17 =	sld [smem:$0x3FFB];
	_ =	sdelay $0x3  }
0x98: {  	_ =	strace s17  }
0x99: {  	s3 =	sld [smem:$0x3FFC];
	_ =	sdelay $0x3  }
0x9a: {  	_ =	strace s3  }
0x9b: {  	s3 =	sld [smem:$0x3FFD];
	_ =	sdelay $0x3  }
0x9c: {  	_ =	strace s3  }
0x9d: {  	_ =	strace $0x8FFFFFFF  }
0x9e: {  	s18 =	sld [smem:$0x3FDB];
	_ =	sdelay $0x1  }
0x9f: {  	s19 =	simm.s32 $_scs_section_size  }
0xa0: {  	s5 =	simm.s32 $_size__tile_overlayer_lowered;
	s6 =	simm.s32 $_tile_overlayer_lowered  }
0xa1: {  	s22 =	simm.s32 $0x1BFF;
	s21 =	sshll.u32 s6, $0x1;
	s3 =	sadd.s32 s19, s18  }
0xa2: {  	s7 =	simm.s32 $0x0;
	s20 =	sshll.u32 s5, $0x1;
	s5 =	sadd.s32 s21, s3  }
0xa3: {  	[timem:s7], [sflag:s22] =	dma.local [hbm:s5], s20  }
0xa4: {  	_ =	swait.ge [sflag:s22], s20  }
0xa5: {  	s4 =	ssub.s32 $0x0, s20;
	[sflag:s22] =	ssyncset.done $0x0  }
0xa6: {  	[sflag:s22] =	ssyncadd.s32 s4;
	_ =	sdelay $0x1  }
0xa7: {  	s23 =	simm.s32 $0x1B8B  }
0xa8: {  	_ =	swait.ge [sflag:s23], $0x1  }
0xa9: {  	[sflag:s23] =	ssyncset.done $0x0  }
0xaa: {  	s25 =	simm.s32 $0x1B8E;
	s24 =	sld [smem:$0x3FFE];
	[sflag:s23] =	ssyncadd.s32 $0xFFFFFFFF  }
0xab: {  	s26 =	simm.s32 $execute0_lowered;
	[smem:$0x3FD2] =	sst s25  }
0xac: {  	s5 =	sshll.u32 s26, $0x1;
	_ =	strace $0x80000046;
	[dreg:$0x1] =	wrdreg $0xFFFFFFFF  }
0xad: {  	s28 =	simm.s32 $_size_execute0_lowered;
	s3 =	sadd.s32 s3, s5;
	[dreg:$0x0] =	wrdreg $0x0  }
0xae: {  	s5 =	sshll.u32 s28, $0x1;
	[dreg:$0x2] =	wrdreg s3  }
0xaf: {  	[dreg:$0x3] =	wrdreg s5  }
0xb0: {  	[dreg:$0x4] =	wrdreg $0xC0  }
0xb1: {  	_ =	task [dreg:s7], $0x5FFFF  }
0xb2: {  	[dreg:$0x1] =	wrdreg $0xFFFFFFFF  }
0xb3: {  	[dreg:$0x0] =	wrdreg $0x60  }
0xb4: {  	[dreg:$0x2] =	wrdreg s24  }
0xb5: {  	[dreg:$0x3] =	wrdreg s16  }
0xb6: {  	[dreg:$0x4] =	wrdreg $0x114200  }
0xb7: {  	[dreg:$0x5] =	wrdreg $0x9  }
0xb8: {  	_ =	task.clear_ibuf [dreg:s7], $0x6FFFF;
	_ =	strace $0x90000046  }
0xb9: {  	s29 =	simm.s32 $0x9;
	_ =	strace $0x80000048  }
0xba: {  	_ =	swait.ge [sflag:s29], $0x1  }
0xbb: {  	[sflag:s29] =	ssyncadd.s32 $0xFFFFFFFF  }
0xbc: {  	_ =	strace $0x90000048  }
0xbd: {  	_ =	sfence  }
0xbe: {  	s30 =	sld [smem:$0x0];
	_ =	sdelay $0x2  }
0xbf: {  	s31 =	sshll.u32 s1, $0xD;
	s1 =	sshrl.u32 s1, $0x2  }
0xc0: {  	s3 =	sand.u32 $0x4000, s31;
	s1 =	sadd.s32 s1, s30  }
0xc1: {  	s0 =	sor.u32 s3, s0;
	s1 =	sshll.u32 s1, $0x11  }
0xc2: {  	s0 =	sor.u32 s1, s0  }
0xc3: {  	s0 =	sadd.s32 $0x8F2B, s0  }
0xc4: {  	[sflag:s0] =	ssyncadd.remote.s32 $0x1  }
0xc5: {  	_ =	sfence.sel $0xFFFF  }
0xc6: {  	[dreg:$0x0] =	wrdreg $0xFFFFFFFF;
	(pc) =	sbr.abs _section_cstart, $3  }
0xc7: {  	[dreg:$0x1] =	wrdreg $0xFFFFFFFF  }
0xc8: {  	_ =	task.clear_ibuf [dreg:s7], $0x2FFFF;
	_ =	strace $0x9FFFFFFF  }
0xc9: {  	(tm) =	ssettm $0x7FFFFFFF  }
tec
execute0_lowered:
.L_overlay_start_1:
0x0: {  	(tag) =	ssettag $0x1  }
0x1: {  	s0 =	rddreg [dreg:$0x0]  }
0x2: {  	s1 =	rddreg [dreg:$0x1]  }
0x3: {  	s2 =	rddreg [dreg:$0x2]  }
0x4: {  	s3 =	simm.s32 $0x0;
	s12 =	stileid.u32;
	s4 =	srdreg.scid  }
0x5: {  	s13 =	simm.s32 $0xA00;
	s20 =	simm.s32 $0x100;
	s21 =	simm.s32 $0x180  }
0x6: {  	s24 =	simm.s32 $0x580;
	s25 =	simm.s32 $0x600;
	s26 =	simm.s32 $0x680  }
0x7: {  	s28 =	simm.s32 $0x880;
	s29 =	simm.s32 $0x900;
	s5 =	smul.u32 $0x1F40, s12  }
0x8: {  	s30 =	simm.s32 $0x980;
	s31 =	simm.s32 $0x1;
	s6 =	smul.u32 $0x14000, s12  }
0x9: {  	s14 =	simm.s32 $0x0;
	[smem:$0x7FF] =	sst s3;
	s9 =	smul.u32 $0x7D0, s12  }
0xa: {  	s4 =	sand.u32 $0x1, s4;
	s0 =	sadd.s32 $0x2400, s0;
	s11 =	smul.u32 $0x2800, s12  }
0xb: {  	p0 =	sgt.u32 s12, $0x9;
	_ =	strace $0x80000047;
	[dreg:$0x4] =	wrdreg s24  }
0xc: {  	s12 =	simm.s32 $0x7D;
	s7 =	ssub.s32 $0x2, s4;
	[dreg:$0x5] =	wrdreg s25  }
0xd: {  	s8 =	smul.u32 $0x4E20, s4;
	[dreg:$0x6] =	wrdreg s26;
	s24 =	simm.s32 $0x700  }
0xe: {  	s25 =	simm.s32 $0x780;
	s26 =	simm.s32 $0x800;
	s22 =	sshrl.u32 s7, $0x1  }
0xf: {  	s5 =	sshrl.u32 s5, $0x2;
	s6 =	sshrl.u32 s6, $0x3;
	s10 =	ssub.s32 s7, s22  }
0x10: {  	s4 =	sadd.s32 s5, s2;
	s6 =	sadd.s32 s0, s6;
	s23 =	sadd.s32 s9, s8  }
.Ltmp0:
0x11: {  	s22 =	simm.s32 $0x200;
	s5 =	sadd.s32 $0x4E20, s4;
	(pc) =	sbr.rel .LBB2_1-.Ltmp0, $4  }
0x12: {  	s6 =	sadd.s32 $0x28000, s6;
	s8 =	sshll.u32 s23, $0x2;
	s7 =	sadd.s32 s23, s2  }
0x13: {  	s9 =	smax.u32 s10, $0x1;
	s10 =	sadd.s32 s11, s0;
	s11 =	simm.s32 $0x3  }
0x14: {  	s23 =	simm.s32 $0x500;
	s0 =	simm.s32 $0x2;
	[dreg:$0x7] =	wrdreg s7  }
0x15: {  	v0 =	vimm.f32 $1.000000000e+00;
	v1 =	vimm.f32 $0.0e+00;
	s8 =	sadd.s32 s1, s8;
	s7 =	simm.s32 $0x80;
	s1 =	simm.s32 $0x1250  }
.LBB2_10:
0x16: {  	_ = 	snop  }
0x17: {  	s7 =	sadd.s32 $0x20, s15  }
0x18: {  	[tilespmem:s7+$0xFFFFFFF0] =	vst v2  }
0x19: {  	[tilespmem:s7+$0x0] =	vst v2  }
0x1a: {  	v2 =	vld.idx.msk [tilespmem:v3+s1+$0x0], $0xffff;
	_ =	sdelay $0x3  }
0x1b: {  	s7 =	sadd.s32 $0x20, s7  }
0x1c: {  	[tilespmem:s7+$0xFFFFFFF0] =	vst v2  }
0x1d: {  	s22 =	simm.s32 $0x1A20;
	[tilespmem:s7+$0x0] =	vst v2  }
0x1e: {  	[hbm4b:s8+s3] =	stream.linear.scatter [tilespmem:s22], [sflag:$0x3], $0xFA00, $0x38;
	[tilespmem:$0x11DE8] =	vst v63  }
0x1f: {  	_ =	swait.ge [sflag:s11], $0xFA00  }
0x20: {  	s20 =	simm.s32 $0x100;
	s21 =	simm.s32 $0x180;
	[sflag:s11] =	ssyncset.done $0x0  }
0x21: {  	s7 =	simm.s32 $0x80;
	s22 =	simm.s32 $0x200;
	[sflag:s11] =	ssyncadd.s32 $0xFFFF0600  }
.LBB2_11:
0x22: {  	s14 =	sadd.s32 $0x1, s14  }
0x23: {  	p1 =	sne.s32 s14, s9  }
.Ltmp1:
0x24: {  	_ = 	snop;
	(pc) =	sbr.rel @!p1 .LBB2_12-.Ltmp1, $1  }
0x25: {  	_ =	sdelay $0x3  }
.LBB2_1:
0x26: {  	[tilespmem:$0xA00] =	vst v0  }
0x27: {  	[tilespmem:$0xA10] =	vst v0  }
0x28: {  	[tilespmem:$0xA20] =	vst v0  }
0x29: {  	[tilespmem:$0xA30] =	vst v0  }
0x2a: {  	[tilespmem:$0xA40] =	vst v0  }
0x2b: {  	[tilespmem:$0xA50] =	vst v0  }
0x2c: {  	[tilespmem:$0xA60] =	vst v0  }
0x2d: {  	[tilespmem:$0xA70] =	vst v0;
	s15 =	simm.s32 $0x40;
	s16 =	simm.s32 $0x0  }
.LBB2_2:
0x2e: {  	p1 =	sne.s32 s15, $0x1F00;
	[tilespmem:s16+$0xA80] =	vst v1;
	s16 =	smov.u32 s15;
	s15 =	sadd.s32 $0x40, s15  }
.Ltmp2:
0x2f: {  	(pc) =	sbr.rel @p1 .LBB2_2-.Ltmp2, $2  }
0x30: {  	_ =	sdelay $0x2  }
0x31: {  	s16 =	sshra.s32 s16, $0x2  }
0x32: {  	[tilespmem:s16+$0xA80] =	vst v1;
	s15 =	simm.s32 @!p0 $0xA80;
	s16 =	simm.s32 @!p0 $0x3  }
0x33: {  	[spmem:s4] =	stream.linear.scatter @!p0 [tilespmem:s15], [sflag:$0x3], $0x7D0, $0x38;
	[tilespmem:$0x11DE8] =	vst v63  }
0x34: {  	_ =	swait.ge @!p0 [sflag:s16], $0x7D0  }
0x35: {  	[sflag:s16] =	ssyncset.done @!p0 $0x0  }
0x36: {  	[sflag:s16] =	ssyncadd.s32 @!p0 $0xFFFFF830  }
0x37: {  	[spmem:s5] =	stream.linear.scatter @!p0 [tilespmem:s15], [sflag:$0x3], $0x7D0, $0x38;
	[tilespmem:$0x11DE8] =	vst v63  }
0x38: {  	_ =	swait.ge @!p0 [sflag:s16], $0x7D0  }
0x39: {  	[sflag:s16] =	ssyncset.done @!p0 $0x0  }
0x3a: {  	[sflag:s16] =	ssyncadd.s32 @!p0 $0xFFFFF830  }
0x3b: {  	[bflag:$0x0] =	sbarrier.arrive $0xFFFF  }
0x3c: {  	[tilespmem:s3], [sflag:$0x3] =	stream.linear.gather [hbm4b:s6+s3], $0x500, $0x38;
	[tilespmem:$0x11DE8] =	vst v63  }
0x3d: {  	_ =	swait.ge [sflag:s11], $0x500  }
0x3e: {  	[sflag:s11] =	ssyncset.done $0x0  }
0x3f: {  	[sflag:s11] =	ssyncadd.s32 $0xFFFFFB00  }
0x40: {  	[spmem:s2] =	stream.indirect.scatter.add.f32 [tilespmem:s13], [sflag:$0x1], $0x1, s3, s12, $0xb8;
	[tilespmem:$0x11DE8] =	vst v63  }
0x41: {  	_ = 	snop  }
0x42: {  	[spmem:s2] =	stream.indirect.scatter.add.f32 [tilespmem:s13], [sflag:$0x1], $0x1, s7, s12, $0xb8;
	[tilespmem:$0x11DE8] =	vst v63  }
0x43: {  	_ = 	snop  }
0x44: {  	[spmem:s2] =	stream.indirect.scatter.add.f32 [tilespmem:s13], [sflag:$0x1], $0x1, s20, s12, $0xb8;
	[tilespmem:$0x11DE8] =	vst v63  }
0x45: {  	_ = 	snop  }
0x46: {  	[spmem:s2] =	stream.indirect.scatter.add.f32 [tilespmem:s13], [sflag:$0x1], $0x1, s21, s12, $0xb8;
	[tilespmem:$0x11DE8] =	vst v63  }
0x47: {  	_ = 	snop  }
0x48: {  	[spmem:s2] =	stream.indirect.scatter.add.f32 [tilespmem:s13], [sflag:$0x1], $0x1, s22, s12, $0xb8;
	[tilespmem:$0x11DE8] =	vst v63  }
0x49: {  	s19 =	simm.s32 $0x280  }
0x4a: {  	[spmem:s2] =	stream.indirect.scatter.add.f32 [tilespmem:s13], [sflag:$0x1], $0x1, s19, s12, $0xb8;
	[tilespmem:$0x11DE8] =	vst v63  }
0x4b: {  	s16 =	simm.s32 $0x300  }
0x4c: {  	[spmem:s2] =	stream.indirect.scatter.add.f32 [tilespmem:s13], [sflag:$0x1], $0x1, s16, s12, $0xb8;
	[tilespmem:$0x11DE8] =	vst v63  }
0x4d: {  	s17 =	simm.s32 $0x380  }
0x4e: {  	[spmem:s2] =	stream.indirect.scatter.add.f32 [tilespmem:s13], [sflag:$0x1], $0x1, s17, s12, $0xb8;
	[tilespmem:$0x11DE8] =	vst v63  }
0x4f: {  	s18 =	simm.s32 $0x400  }
0x50: {  	[spmem:s2] =	stream.indirect.scatter.add.f32 [tilespmem:s13], [sflag:$0x1], $0x1, s18, s12, $0xb8;
	[tilespmem:$0x11DE8] =	vst v63  }
0x51: {  	s19 =	simm.s32 $0x480;
	s16 =	sadd.s32 $0xFFFFD800, s10  }
0x52: {  	[spmem:s2] =	stream.indirect.scatter.add.f32 [tilespmem:s13], [sflag:$0x1], $0x1, s19, s12, $0xb8;
	[tilespmem:$0x11DE8] =	vst v63  }
0x53: {  	s15 =	sadd.s32 $0x2A8A0, s16  }
0x54: {  	[tilespmem:s23], [sflag:$0x3] =	stream.linear.gather [hbm4b:s15+s3], $0x500, $0x38;
	[tilespmem:$0x11DE8] =	vst v63  }
0x55: {  	_ =	swait.ge [sflag:s11], $0x500  }
0x56: {  	[sflag:s11] =	ssyncset.done $0x0  }
0x57: {  	[sflag:s11] =	ssyncadd.s32 $0xFFFFFB00  }
0x58: {  	[spmem:s2] =	stream.indirect.scatter.add.f32 [tilespmem:s13], [sflag:$0x2], $0x1, s23, s12, $0xb8;
	[tilespmem:$0x11DE8] =	vst v63  }
0x59: {  	s17 =	rddreg [dreg:$0x4]  }
0x5a: {  	[spmem:s2] =	stream.indirect.scatter.add.f32 [tilespmem:s13], [sflag:$0x2], $0x1, s17, s12, $0xb8;
	[tilespmem:$0x11DE8] =	vst v63  }
0x5b: {  	s18 =	rddreg [dreg:$0x5]  }
0x5c: {  	[spmem:s2] =	stream.indirect.scatter.add.f32 [tilespmem:s13], [sflag:$0x2], $0x1, s18, s12, $0xb8;
	[tilespmem:$0x11DE8] =	vst v63  }
0x5d: {  	s19 =	rddreg [dreg:$0x6]  }
0x5e: {  	[spmem:s2] =	stream.indirect.scatter.add.f32 [tilespmem:s13], [sflag:$0x2], $0x1, s19, s12, $0xb8;
	[tilespmem:$0x11DE8] =	vst v63  }
0x5f: {  	_ = 	snop  }
0x60: {  	[spmem:s2] =	stream.indirect.scatter.add.f32 [tilespmem:s13], [sflag:$0x2], $0x1, s24, s12, $0xb8;
	[tilespmem:$0x11DE8] =	vst v63  }
0x61: {  	_ = 	snop  }
0x62: {  	[spmem:s2] =	stream.indirect.scatter.add.f32 [tilespmem:s13], [sflag:$0x2], $0x1, s25, s12, $0xb8;
	[tilespmem:$0x11DE8] =	vst v63  }
0x63: {  	_ = 	snop  }
0x64: {  	[spmem:s2] =	stream.indirect.scatter.add.f32 [tilespmem:s13], [sflag:$0x2], $0x1, s26, s12, $0xb8;
	[tilespmem:$0x11DE8] =	vst v63  }
0x65: {  	_ = 	snop  }
0x66: {  	[spmem:s2] =	stream.indirect.scatter.add.f32 [tilespmem:s13], [sflag:$0x2], $0x1, s28, s12, $0xb8;
	[tilespmem:$0x11DE8] =	vst v63  }
0x67: {  	_ = 	snop  }
0x68: {  	[spmem:s2] =	stream.indirect.scatter.add.f32 [tilespmem:s13], [sflag:$0x2], $0x1, s29, s12, $0xb8;
	[tilespmem:$0x11DE8] =	vst v63  }
0x69: {  	_ = 	snop  }
0x6a: {  	[spmem:s2] =	stream.indirect.scatter.add.f32 [tilespmem:s13], [sflag:$0x2], $0x1, s30, s12, $0xb8;
	[tilespmem:$0x11DE8] =	vst v63  }
0x6b: {  	_ =	swait.ge [sflag:s31], $0x7D  }
0x6c: {  	[sflag:s31] =	ssyncset.done $0x0  }
0x6d: {  	[sflag:s31] =	ssyncadd.s32 $0xFFFFFF83  }
0x6e: {  	_ =	swait.ge [sflag:s31], $0x7D  }
0x6f: {  	[sflag:s31] =	ssyncset.done $0x0  }
0x70: {  	[sflag:s31] =	ssyncadd.s32 $0xFFFFFF83  }
0x71: {  	_ =	swait.ge [sflag:s31], $0x7D  }
0x72: {  	[sflag:s31] =	ssyncset.done $0x0  }
0x73: {  	[sflag:s31] =	ssyncadd.s32 $0xFFFFFF83  }
0x74: {  	_ =	swait.ge [sflag:s31], $0x7D  }
0x75: {  	[sflag:s31] =	ssyncset.done $0x0  }
0x76: {  	[sflag:s31] =	ssyncadd.s32 $0xFFFFFF83  }
0x77: {  	_ =	swait.ge [sflag:s31], $0x7D  }
0x78: {  	[sflag:s31] =	ssyncset.done $0x0  }
0x79: {  	[sflag:s31] =	ssyncadd.s32 $0xFFFFFF83  }
0x7a: {  	_ =	swait.ge [sflag:s31], $0x7D  }
0x7b: {  	[sflag:s31] =	ssyncset.done $0x0  }
0x7c: {  	[sflag:s31] =	ssyncadd.s32 $0xFFFFFF83  }
0x7d: {  	_ =	swait.ge [sflag:s31], $0x7D  }
0x7e: {  	[sflag:s31] =	ssyncset.done $0x0  }
0x7f: {  	[sflag:s31] =	ssyncadd.s32 $0xFFFFFF83  }
0x80: {  	_ =	swait.ge [sflag:s31], $0x7D  }
0x81: {  	[sflag:s31] =	ssyncset.done $0x0  }
0x82: {  	[sflag:s31] =	ssyncadd.s32 $0xFFFFFF83  }
0x83: {  	_ =	swait.ge [sflag:s31], $0x7D  }
0x84: {  	[sflag:s31] =	ssyncset.done $0x0  }
0x85: {  	[sflag:s31] =	ssyncadd.s32 $0xFFFFFF83  }
0x86: {  	p1 =	por $0x0, $0x0;
	_ =	swait.ge [sflag:s31], $0x7D  }
0x87: {  	s16 =	simm.s32 @!p1 $0x3;
	s15 =	sadd.s32 @!p1 $0xFFFFD800, s10;
	[sflag:s31] =	ssyncset.done $0x0  }
0x88: {  	s15 =	sadd.s32 @!p1 $0x2A940, s15;
	s17 =	simm.s32 @!p1 $0x0;
	[sflag:s31] =	ssyncadd.s32 $0xFFFFFF83  }
0x89: {  	[tilespmem:s17], [sflag:$0x3] =	stream.linear.gather @!p1 [hbm4b:s15+s17], $0x500, $0x38;
	[tilespmem:$0x11DE8] =	vst v63  }
0x8a: {  	_ =	swait.ge @!p1 [sflag:s16], $0x500  }
0x8b: {  	[sflag:s16] =	ssyncset.done @!p1 $0x0  }
0x8c: {  	s15 =	simm.s32 @!p1 $0x7D;
	[sflag:s16] =	ssyncadd.s32 @!p1 $0xFFFFFB00;
	s16 =	simm.s32 @!p1 $0xA00  }
0x8d: {  	[spmem:s2] =	stream.indirect.scatter.add.f32 @!p1 [tilespmem:s16], [sflag:$0x1], $0x1, s17, s15, $0xb8;
	[tilespmem:$0x11DE8] =	vst v63  }
0x8e: {  	s17 =	simm.s32 @!p1 $0x80  }
0x8f: {  	[spmem:s2] =	stream.indirect.scatter.add.f32 @!p1 [tilespmem:s16], [sflag:$0x1], $0x1, s17, s15, $0xb8;
	[tilespmem:$0x11DE8] =	vst v63  }
0x90: {  	s17 =	simm.s32 @!p1 $0x100  }
0x91: {  	[spmem:s2] =	stream.indirect.scatter.add.f32 @!p1 [tilespmem:s16], [sflag:$0x1], $0x1, s17, s15, $0xb8;
	[tilespmem:$0x11DE8] =	vst v63  }
0x92: {  	s17 =	simm.s32 @!p1 $0x180  }
0x93: {  	[spmem:s2] =	stream.indirect.scatter.add.f32 @!p1 [tilespmem:s16], [sflag:$0x1], $0x1, s17, s15, $0xb8;
	[tilespmem:$0x11DE8] =	vst v63  }
0x94: {  	s17 =	simm.s32 @!p1 $0x200  }
0x95: {  	[spmem:s2] =	stream.indirect.scatter.add.f32 @!p1 [tilespmem:s16], [sflag:$0x1], $0x1, s17, s15, $0xb8;
	[tilespmem:$0x11DE8] =	vst v63  }
0x96: {  	s17 =	simm.s32 @!p1 $0x280  }
0x97: {  	[spmem:s2] =	stream.indirect.scatter.add.f32 @!p1 [tilespmem:s16], [sflag:$0x1], $0x1, s17, s15, $0xb8;
	[tilespmem:$0x11DE8] =	vst v63  }
0x98: {  	s17 =	simm.s32 @!p1 $0x300  }
0x99: {  	[spmem:s2] =	stream.indirect.scatter.add.f32 @!p1 [tilespmem:s16], [sflag:$0x1], $0x1, s17, s15, $0xb8;
	[tilespmem:$0x11DE8] =	vst v63  }
0x9a: {  	s17 =	simm.s32 @!p1 $0x380  }
0x9b: {  	[spmem:s2] =	stream.indirect.scatter.add.f32 @!p1 [tilespmem:s16], [sflag:$0x1], $0x1, s17, s15, $0xb8;
	[tilespmem:$0x11DE8] =	vst v63  }
0x9c: {  	s17 =	simm.s32 @!p1 $0x400  }
0x9d: {  	[spmem:s2] =	stream.indirect.scatter.add.f32 @!p1 [tilespmem:s16], [sflag:$0x1], $0x1, s17, s15, $0xb8;
	[tilespmem:$0x11DE8] =	vst v63  }
0x9e: {  	s17 =	simm.s32 @!p1 $0x480  }
0x9f: {  	[spmem:s2] =	stream.indirect.scatter.add.f32 @!p1 [tilespmem:s16], [sflag:$0x1], $0x1, s17, s15, $0xb8;
	[tilespmem:$0x11DE8] =	vst v63  }
0xa0: {  	_ =	swait.ge [sflag:s0], $0x7D  }
0xa1: {  	[sflag:s0] =	ssyncset.done $0x0  }
0xa2: {  	[sflag:s0] =	ssyncadd.s32 $0xFFFFFF83  }
0xa3: {  	_ =	swait.ge [sflag:s0], $0x7D  }
0xa4: {  	[sflag:s0] =	ssyncset.done $0x0  }
0xa5: {  	[sflag:s0] =	ssyncadd.s32 $0xFFFFFF83  }
0xa6: {  	_ =	swait.ge [sflag:s0], $0x7D  }
0xa7: {  	[sflag:s0] =	ssyncset.done $0x0  }
0xa8: {  	[sflag:s0] =	ssyncadd.s32 $0xFFFFFF83  }
0xa9: {  	_ =	swait.ge [sflag:s0], $0x7D  }
0xaa: {  	[sflag:s0] =	ssyncset.done $0x0  }
0xab: {  	[sflag:s0] =	ssyncadd.s32 $0xFFFFFF83  }
0xac: {  	_ =	swait.ge [sflag:s0], $0x7D  }
0xad: {  	[sflag:s0] =	ssyncset.done $0x0  }
0xae: {  	[sflag:s0] =	ssyncadd.s32 $0xFFFFFF83  }
0xaf: {  	_ =	swait.ge [sflag:s0], $0x7D  }
0xb0: {  	[sflag:s0] =	ssyncset.done $0x0  }
0xb1: {  	[sflag:s0] =	ssyncadd.s32 $0xFFFFFF83  }
0xb2: {  	_ =	swait.ge [sflag:s0], $0x7D  }
0xb3: {  	[sflag:s0] =	ssyncset.done $0x0  }
0xb4: {  	[sflag:s0] =	ssyncadd.s32 $0xFFFFFF83  }
0xb5: {  	_ =	swait.ge [sflag:s0], $0x7D  }
0xb6: {  	[sflag:s0] =	ssyncset.done $0x0  }
0xb7: {  	[sflag:s0] =	ssyncadd.s32 $0xFFFFFF83  }
0xb8: {  	_ =	swait.ge [sflag:s0], $0x7D  }
0xb9: {  	[sflag:s0] =	ssyncset.done $0x0  }
0xba: {  	[sflag:s0] =	ssyncadd.s32 $0xFFFFFF83  }
0xbb: {  	s15 =	simm.s32 $0xFFFFD940;
	_ =	swait.ge [sflag:s0], $0x7D  }
0xbc: {  	s16 =	simm.s32 $0xFFFFDA80;
	s17 =	sadd.s32 $0xFFFFD940, s10;
	[sflag:s0] =	ssyncset.done $0x0  }
.LBB2_4:
0xbd: {  	s18 =	sadd.s32 $0x2A8A0, s17;
	[sflag:s0] =	ssyncadd.s32 $0xFFFFFF83  }
0xbe: {  	[tilespmem:s23], [sflag:$0x3] =	stream.linear.gather [hbm4b:s18+s3], $0x500, $0x38;
	[tilespmem:$0x11DE8] =	vst v63  }
0xbf: {  	_ =	swait.ge [sflag:s11], $0x500  }
0xc0: {  	[sflag:s11] =	ssyncset.done $0x0  }
0xc1: {  	[sflag:s11] =	ssyncadd.s32 $0xFFFFFB00  }
0xc2: {  	[spmem:s2] =	stream.indirect.scatter.add.f32 [tilespmem:s13], [sflag:$0x2], $0x1, s23, s12, $0xb8;
	[tilespmem:$0x11DE8] =	vst v63  }
0xc3: {  	s18 =	rddreg [dreg:$0x4]  }
0xc4: {  	[spmem:s2] =	stream.indirect.scatter.add.f32 [tilespmem:s13], [sflag:$0x2], $0x1, s18, s12, $0xb8;
	[tilespmem:$0x11DE8] =	vst v63  }
0xc5: {  	s19 =	rddreg [dreg:$0x5]  }
0xc6: {  	[spmem:s2] =	stream.indirect.scatter.add.f32 [tilespmem:s13], [sflag:$0x2], $0x1, s19, s12, $0xb8;
	[tilespmem:$0x11DE8] =	vst v63  }
0xc7: {  	s18 =	rddreg [dreg:$0x6]  }
0xc8: {  	[spmem:s2] =	stream.indirect.scatter.add.f32 [tilespmem:s13], [sflag:$0x2], $0x1, s18, s12, $0xb8;
	[tilespmem:$0x11DE8] =	vst v63  }
0xc9: {  	_ = 	snop  }
0xca: {  	[spmem:s2] =	stream.indirect.scatter.add.f32 [tilespmem:s13], [sflag:$0x2], $0x1, s24, s12, $0xb8;
	[tilespmem:$0x11DE8] =	vst v63  }
0xcb: {  	_ = 	snop  }
0xcc: {  	[spmem:s2] =	stream.indirect.scatter.add.f32 [tilespmem:s13], [sflag:$0x2], $0x1, s25, s12, $0xb8;
	[tilespmem:$0x11DE8] =	vst v63  }
0xcd: {  	_ = 	snop  }
0xce: {  	[spmem:s2] =	stream.indirect.scatter.add.f32 [tilespmem:s13], [sflag:$0x2], $0x1, s26, s12, $0xb8;
	[tilespmem:$0x11DE8] =	vst v63  }
0xcf: {  	_ = 	snop  }
0xd0: {  	[spmem:s2] =	stream.indirect.scatter.add.f32 [tilespmem:s13], [sflag:$0x2], $0x1, s28, s12, $0xb8;
	[tilespmem:$0x11DE8] =	vst v63  }
0xd1: {  	_ = 	snop  }
0xd2: {  	[spmem:s2] =	stream.indirect.scatter.add.f32 [tilespmem:s13], [sflag:$0x2], $0x1, s29, s12, $0xb8;
	[tilespmem:$0x11DE8] =	vst v63  }
0xd3: {  	_ = 	snop  }
0xd4: {  	[spmem:s2] =	stream.indirect.scatter.add.f32 [tilespmem:s13], [sflag:$0x2], $0x1, s30, s12, $0xb8;
	[tilespmem:$0x11DE8] =	vst v63  }
0xd5: {  	_ =	swait.ge [sflag:s31], $0x7D  }
0xd6: {  	[sflag:s31] =	ssyncset.done $0x0  }
0xd7: {  	[sflag:s31] =	ssyncadd.s32 $0xFFFFFF83  }
0xd8: {  	_ =	swait.ge [sflag:s31], $0x7D  }
0xd9: {  	[sflag:s31] =	ssyncset.done $0x0  }
0xda: {  	[sflag:s31] =	ssyncadd.s32 $0xFFFFFF83  }
0xdb: {  	_ =	swait.ge [sflag:s31], $0x7D  }
0xdc: {  	[sflag:s31] =	ssyncset.done $0x0  }
0xdd: {  	[sflag:s31] =	ssyncadd.s32 $0xFFFFFF83  }
0xde: {  	_ =	swait.ge [sflag:s31], $0x7D  }
0xdf: {  	[sflag:s31] =	ssyncset.done $0x0  }
0xe0: {  	[sflag:s31] =	ssyncadd.s32 $0xFFFFFF83  }
0xe1: {  	_ =	swait.ge [sflag:s31], $0x7D  }
0xe2: {  	[sflag:s31] =	ssyncset.done $0x0  }
0xe3: {  	[sflag:s31] =	ssyncadd.s32 $0xFFFFFF83  }
0xe4: {  	_ =	swait.ge [sflag:s31], $0x7D  }
0xe5: {  	[sflag:s31] =	ssyncset.done $0x0  }
0xe6: {  	[sflag:s31] =	ssyncadd.s32 $0xFFFFFF83  }
0xe7: {  	_ =	swait.ge [sflag:s31], $0x7D  }
0xe8: {  	[sflag:s31] =	ssyncset.done $0x0  }
0xe9: {  	[sflag:s31] =	ssyncadd.s32 $0xFFFFFF83  }
0xea: {  	_ =	swait.ge [sflag:s31], $0x7D  }
0xeb: {  	[sflag:s31] =	ssyncset.done $0x0  }
0xec: {  	[sflag:s31] =	ssyncadd.s32 $0xFFFFFF83  }
0xed: {  	_ =	swait.ge [sflag:s31], $0x7D  }
0xee: {  	[sflag:s31] =	ssyncset.done $0x0  }
0xef: {  	p2 =	seq.s32 s15, $0xFFFFFEC0;
	[sflag:s31] =	ssyncadd.s32 $0xFFFFFF83  }
0xf0: {  	s15 =	sadd.s32 @!p2 s15, s10;
	_ =	swait.ge [sflag:s31], $0x7D  }
0xf1: {  	s15 =	sadd.s32 @!p2 $0x2A940, s15;
	[sflag:s31] =	ssyncset.done $0x0  }
0xf2: {  	s19 =	simm.s32 @!p2 $0x0;
	s18 =	simm.s32 @!p2 $0x3;
	[sflag:s31] =	ssyncadd.s32 $0xFFFFFF83  }
0xf3: {  	[tilespmem:s19], [sflag:$0x3] =	stream.linear.gather @!p2 [hbm4b:s15+s19], $0x500, $0x38;
	[tilespmem:$0x11DE8] =	vst v63  }
0xf4: {  	s17 =	smov.u32 s16;
	_ =	swait.ge @!p2 [sflag:s18], $0x500  }
0xf5: {  	s15 =	smov.u32 s17;
	[sflag:s18] =	ssyncset.done @!p2 $0x0  }
0xf6: {  	s17 =	simm.s32 @!p2 $0x7D;
	[sflag:s18] =	ssyncadd.s32 @!p2 $0xFFFFFB00;
	s18 =	simm.s32 @!p2 $0xA00  }
0xf7: {  	[spmem:s2] =	stream.indirect.scatter.add.f32 @!p2 [tilespmem:s18], [sflag:$0x1], $0x1, s19, s17, $0xb8;
	[tilespmem:$0x11DE8] =	vst v63  }
0xf8: {  	s19 =	simm.s32 @!p2 $0x80  }
0xf9: {  	[spmem:s2] =	stream.indirect.scatter.add.f32 @!p2 [tilespmem:s18], [sflag:$0x1], $0x1, s19, s17, $0xb8;
	[tilespmem:$0x11DE8] =	vst v63  }
0xfa: {  	s19 =	simm.s32 @!p2 $0x100  }
0xfb: {  	[spmem:s2] =	stream.indirect.scatter.add.f32 @!p2 [tilespmem:s18], [sflag:$0x1], $0x1, s19, s17, $0xb8;
	[tilespmem:$0x11DE8] =	vst v63  }
0xfc: {  	s19 =	simm.s32 @!p2 $0x180  }
0xfd: {  	[spmem:s2] =	stream.indirect.scatter.add.f32 @!p2 [tilespmem:s18], [sflag:$0x1], $0x1, s19, s17, $0xb8;
	[tilespmem:$0x11DE8] =	vst v63  }
0xfe: {  	s19 =	simm.s32 @!p2 $0x200  }
0xff: {  	[spmem:s2] =	stream.indirect.scatter.add.f32 @!p2 [tilespmem:s18], [sflag:$0x1], $0x1, s19, s17, $0xb8;
	[tilespmem:$0x11DE8] =	vst v63  }
0x100: {  	s19 =	simm.s32 @!p2 $0x280  }
0x101: {  	[spmem:s2] =	stream.indirect.scatter.add.f32 @!p2 [tilespmem:s18], [sflag:$0x1], $0x1, s19, s17, $0xb8;
	[tilespmem:$0x11DE8] =	vst v63  }
0x102: {  	s19 =	simm.s32 @!p2 $0x300  }
0x103: {  	[spmem:s2] =	stream.indirect.scatter.add.f32 @!p2 [tilespmem:s18], [sflag:$0x1], $0x1, s19, s17, $0xb8;
	[tilespmem:$0x11DE8] =	vst v63  }
0x104: {  	s19 =	simm.s32 @!p2 $0x380  }
0x105: {  	[spmem:s2] =	stream.indirect.scatter.add.f32 @!p2 [tilespmem:s18], [sflag:$0x1], $0x1, s19, s17, $0xb8;
	[tilespmem:$0x11DE8] =	vst v63  }
0x106: {  	s19 =	simm.s32 @!p2 $0x400  }
0x107: {  	[spmem:s2] =	stream.indirect.scatter.add.f32 @!p2 [tilespmem:s18], [sflag:$0x1], $0x1, s19, s17, $0xb8;
	[tilespmem:$0x11DE8] =	vst v63  }
0x108: {  	s19 =	simm.s32 @!p2 $0x480  }
0x109: {  	[spmem:s2] =	stream.indirect.scatter.add.f32 @!p2 [tilespmem:s18], [sflag:$0x1], $0x1, s19, s17, $0xb8;
	[tilespmem:$0x11DE8] =	vst v63  }
0x10a: {  	_ =	swait.ge [sflag:s0], $0x7D  }
0x10b: {  	[sflag:s0] =	ssyncset.done $0x0  }
0x10c: {  	[sflag:s0] =	ssyncadd.s32 $0xFFFFFF83  }
0x10d: {  	_ =	swait.ge [sflag:s0], $0x7D  }
0x10e: {  	[sflag:s0] =	ssyncset.done $0x0  }
0x10f: {  	[sflag:s0] =	ssyncadd.s32 $0xFFFFFF83  }
0x110: {  	_ =	swait.ge [sflag:s0], $0x7D  }
0x111: {  	[sflag:s0] =	ssyncset.done $0x0  }
0x112: {  	[sflag:s0] =	ssyncadd.s32 $0xFFFFFF83  }
0x113: {  	_ =	swait.ge [sflag:s0], $0x7D  }
0x114: {  	[sflag:s0] =	ssyncset.done $0x0  }
0x115: {  	[sflag:s0] =	ssyncadd.s32 $0xFFFFFF83  }
0x116: {  	_ =	swait.ge [sflag:s0], $0x7D  }
0x117: {  	[sflag:s0] =	ssyncset.done $0x0  }
0x118: {  	[sflag:s0] =	ssyncadd.s32 $0xFFFFFF83  }
0x119: {  	_ =	swait.ge [sflag:s0], $0x7D  }
0x11a: {  	[sflag:s0] =	ssyncset.done $0x0  }
0x11b: {  	[sflag:s0] =	ssyncadd.s32 $0xFFFFFF83  }
0x11c: {  	_ =	swait.ge [sflag:s0], $0x7D  }
0x11d: {  	[sflag:s0] =	ssyncset.done $0x0  }
0x11e: {  	[sflag:s0] =	ssyncadd.s32 $0xFFFFFF83  }
0x11f: {  	_ =	swait.ge [sflag:s0], $0x7D  }
0x120: {  	s16 =	sadd.s32 $0x140, s16;
	[sflag:s0] =	ssyncset.done $0x0  }
0x121: {  	p1 =	sne.s32 s16, $0x0;
	[sflag:s0] =	ssyncadd.s32 $0xFFFFFF83  }
.Ltmp3:
0x122: {  	_ =	swait.ge [sflag:s0], $0x7D;
	(pc) =	sbr.rel @p1 .LBB2_4-.Ltmp3, $4  }
0x123: {  	[sflag:s0] =	ssyncset.done $0x0  }
0x124: {  	[sflag:s0] =	ssyncadd.s32 $0xFFFFFF83  }
0x125: {  	_ =	swait.ge [sflag:s0], $0x7D  }
0x126: {  	s17 =	sadd.s32 s15, s10;
	[sflag:s0] =	ssyncset.done $0x0  }
0x127: {  	s16 =	sadd.s32 $0x2A8A0, s17;
	[sflag:s0] =	ssyncadd.s32 $0xFFFFFF83  }
0x128: {  	[tilespmem:s23], [sflag:$0x3] =	stream.linear.gather [hbm4b:s16+s3], $0x500, $0x38;
	[tilespmem:$0x11DE8] =	vst v63  }
0x129: {  	_ =	swait.ge [sflag:s11], $0x500  }
0x12a: {  	[sflag:s11] =	ssyncset.done $0x0  }
0x12b: {  	[sflag:s11] =	ssyncadd.s32 $0xFFFFFB00  }
0x12c: {  	[spmem:s2] =	stream.indirect.scatter.add.f32 [tilespmem:s13], [sflag:$0x2], $0x1, s23, s12, $0xb8;
	[tilespmem:$0x11DE8] =	vst v63  }
0x12d: {  	s17 =	rddreg [dreg:$0x4]  }
0x12e: {  	[spmem:s2] =	stream.indirect.scatter.add.f32 [tilespmem:s13], [sflag:$0x2], $0x1, s17, s12, $0xb8;
	[tilespmem:$0x11DE8] =	vst v63  }
0x12f: {  	s18 =	rddreg [dreg:$0x5]  }
0x130: {  	[spmem:s2] =	stream.indirect.scatter.add.f32 [tilespmem:s13], [sflag:$0x2], $0x1, s18, s12, $0xb8;
	[tilespmem:$0x11DE8] =	vst v63  }
0x131: {  	s19 =	rddreg [dreg:$0x6]  }
0x132: {  	[spmem:s2] =	stream.indirect.scatter.add.f32 [tilespmem:s13], [sflag:$0x2], $0x1, s19, s12, $0xb8;
	[tilespmem:$0x11DE8] =	vst v63  }
0x133: {  	_ = 	snop  }
0x134: {  	[spmem:s2] =	stream.indirect.scatter.add.f32 [tilespmem:s13], [sflag:$0x2], $0x1, s24, s12, $0xb8;
	[tilespmem:$0x11DE8] =	vst v63  }
0x135: {  	_ = 	snop  }
0x136: {  	[spmem:s2] =	stream.indirect.scatter.add.f32 [tilespmem:s13], [sflag:$0x2], $0x1, s25, s12, $0xb8;
	[tilespmem:$0x11DE8] =	vst v63  }
0x137: {  	_ = 	snop  }
0x138: {  	[spmem:s2] =	stream.indirect.scatter.add.f32 [tilespmem:s13], [sflag:$0x2], $0x1, s26, s12, $0xb8;
	[tilespmem:$0x11DE8] =	vst v63  }
0x139: {  	_ = 	snop  }
0x13a: {  	[spmem:s2] =	stream.indirect.scatter.add.f32 [tilespmem:s13], [sflag:$0x2], $0x1, s28, s12, $0xb8;
	[tilespmem:$0x11DE8] =	vst v63  }
0x13b: {  	_ = 	snop  }
0x13c: {  	[spmem:s2] =	stream.indirect.scatter.add.f32 [tilespmem:s13], [sflag:$0x2], $0x1, s29, s12, $0xb8;
	[tilespmem:$0x11DE8] =	vst v63  }
0x13d: {  	_ = 	snop  }
0x13e: {  	[spmem:s2] =	stream.indirect.scatter.add.f32 [tilespmem:s13], [sflag:$0x2], $0x1, s30, s12, $0xb8;
	[tilespmem:$0x11DE8] =	vst v63  }
0x13f: {  	_ =	swait.ge [sflag:s31], $0x7D  }
0x140: {  	[sflag:s31] =	ssyncset.done $0x0  }
0x141: {  	[sflag:s31] =	ssyncadd.s32 $0xFFFFFF83  }
0x142: {  	_ =	swait.ge [sflag:s31], $0x7D  }
0x143: {  	[sflag:s31] =	ssyncset.done $0x0  }
0x144: {  	[sflag:s31] =	ssyncadd.s32 $0xFFFFFF83  }
0x145: {  	_ =	swait.ge [sflag:s31], $0x7D  }
0x146: {  	[sflag:s31] =	ssyncset.done $0x0  }
0x147: {  	[sflag:s31] =	ssyncadd.s32 $0xFFFFFF83  }
0x148: {  	_ =	swait.ge [sflag:s31], $0x7D  }
0x149: {  	[sflag:s31] =	ssyncset.done $0x0  }
0x14a: {  	[sflag:s31] =	ssyncadd.s32 $0xFFFFFF83  }
0x14b: {  	_ =	swait.ge [sflag:s31], $0x7D  }
0x14c: {  	[sflag:s31] =	ssyncset.done $0x0  }
0x14d: {  	[sflag:s31] =	ssyncadd.s32 $0xFFFFFF83  }
0x14e: {  	_ =	swait.ge [sflag:s31], $0x7D  }
0x14f: {  	[sflag:s31] =	ssyncset.done $0x0  }
0x150: {  	[sflag:s31] =	ssyncadd.s32 $0xFFFFFF83  }
0x151: {  	_ =	swait.ge [sflag:s31], $0x7D  }
0x152: {  	[sflag:s31] =	ssyncset.done $0x0  }
0x153: {  	[sflag:s31] =	ssyncadd.s32 $0xFFFFFF83  }
0x154: {  	_ =	swait.ge [sflag:s31], $0x7D  }
0x155: {  	[sflag:s31] =	ssyncset.done $0x0  }
0x156: {  	[sflag:s31] =	ssyncadd.s32 $0xFFFFFF83  }
0x157: {  	_ =	swait.ge [sflag:s31], $0x7D  }
0x158: {  	[sflag:s31] =	ssyncset.done $0x0  }
0x159: {  	[sflag:s31] =	ssyncadd.s32 $0xFFFFFF83  }
0x15a: {  	p1 =	seq.s32 s15, $0xFFFFFEC0;
	_ =	swait.ge [sflag:s31], $0x7D  }
0x15b: {  	s15 =	sadd.s32 @!p1 s15, s10;
	s16 =	simm.s32 @!p1 $0x3;
	[sflag:s31] =	ssyncset.done $0x0  }
0x15c: {  	s15 =	sadd.s32 @!p1 $0x2A940, s15;
	s17 =	simm.s32 @!p1 $0x0;
	[sflag:s31] =	ssyncadd.s32 $0xFFFFFF83  }
0x15d: {  	[tilespmem:s17], [sflag:$0x3] =	stream.linear.gather @!p1 [hbm4b:s15+s17], $0x500, $0x38;
	[tilespmem:$0x11DE8] =	vst v63  }
0x15e: {  	_ =	swait.ge @!p1 [sflag:s16], $0x500  }
0x15f: {  	[sflag:s16] =	ssyncset.done @!p1 $0x0  }
0x160: {  	s15 =	simm.s32 @!p1 $0x7D;
	[sflag:s16] =	ssyncadd.s32 @!p1 $0xFFFFFB00;
	s16 =	simm.s32 @!p1 $0xA00  }
0x161: {  	[spmem:s2] =	stream.indirect.scatter.add.f32 @!p1 [tilespmem:s16], [sflag:$0x1], $0x1, s17, s15, $0xb8;
	[tilespmem:$0x11DE8] =	vst v63  }
0x162: {  	s17 =	simm.s32 @!p1 $0x80  }
0x163: {  	[spmem:s2] =	stream.indirect.scatter.add.f32 @!p1 [tilespmem:s16], [sflag:$0x1], $0x1, s17, s15, $0xb8;
	[tilespmem:$0x11DE8] =	vst v63  }
0x164: {  	s17 =	simm.s32 @!p1 $0x100  }
0x165: {  	[spmem:s2] =	stream.indirect.scatter.add.f32 @!p1 [tilespmem:s16], [sflag:$0x1], $0x1, s17, s15, $0xb8;
	[tilespmem:$0x11DE8] =	vst v63  }
0x166: {  	s17 =	simm.s32 @!p1 $0x180  }
0x167: {  	[spmem:s2] =	stream.indirect.scatter.add.f32 @!p1 [tilespmem:s16], [sflag:$0x1], $0x1, s17, s15, $0xb8;
	[tilespmem:$0x11DE8] =	vst v63  }
0x168: {  	s17 =	simm.s32 @!p1 $0x200  }
0x169: {  	[spmem:s2] =	stream.indirect.scatter.add.f32 @!p1 [tilespmem:s16], [sflag:$0x1], $0x1, s17, s15, $0xb8;
	[tilespmem:$0x11DE8] =	vst v63  }
0x16a: {  	s17 =	simm.s32 @!p1 $0x280  }
0x16b: {  	[spmem:s2] =	stream.indirect.scatter.add.f32 @!p1 [tilespmem:s16], [sflag:$0x1], $0x1, s17, s15, $0xb8;
	[tilespmem:$0x11DE8] =	vst v63  }
0x16c: {  	s17 =	simm.s32 @!p1 $0x300  }
0x16d: {  	[spmem:s2] =	stream.indirect.scatter.add.f32 @!p1 [tilespmem:s16], [sflag:$0x1], $0x1, s17, s15, $0xb8;
	[tilespmem:$0x11DE8] =	vst v63  }
0x16e: {  	s17 =	simm.s32 @!p1 $0x380  }
0x16f: {  	[spmem:s2] =	stream.indirect.scatter.add.f32 @!p1 [tilespmem:s16], [sflag:$0x1], $0x1, s17, s15, $0xb8;
	[tilespmem:$0x11DE8] =	vst v63  }
0x170: {  	s17 =	simm.s32 @!p1 $0x400  }
0x171: {  	[spmem:s2] =	stream.indirect.scatter.add.f32 @!p1 [tilespmem:s16], [sflag:$0x1], $0x1, s17, s15, $0xb8;
	[tilespmem:$0x11DE8] =	vst v63  }
0x172: {  	s17 =	simm.s32 @!p1 $0x480  }
0x173: {  	[spmem:s2] =	stream.indirect.scatter.add.f32 @!p1 [tilespmem:s16], [sflag:$0x1], $0x1, s17, s15, $0xb8;
	[tilespmem:$0x11DE8] =	vst v63  }
0x174: {  	_ =	swait.ge [sflag:s0], $0x7D  }
0x175: {  	[sflag:s0] =	ssyncset.done $0x0  }
0x176: {  	[sflag:s0] =	ssyncadd.s32 $0xFFFFFF83  }
0x177: {  	_ =	swait.ge [sflag:s0], $0x7D  }
0x178: {  	[sflag:s0] =	ssyncset.done $0x0  }
0x179: {  	[sflag:s0] =	ssyncadd.s32 $0xFFFFFF83  }
0x17a: {  	_ =	swait.ge [sflag:s0], $0x7D  }
0x17b: {  	[sflag:s0] =	ssyncset.done $0x0  }
0x17c: {  	[sflag:s0] =	ssyncadd.s32 $0xFFFFFF83  }
0x17d: {  	_ =	swait.ge [sflag:s0], $0x7D  }
0x17e: {  	[sflag:s0] =	ssyncset.done $0x0  }
0x17f: {  	[sflag:s0] =	ssyncadd.s32 $0xFFFFFF83  }
0x180: {  	_ =	swait.ge [sflag:s0], $0x7D  }
0x181: {  	[sflag:s0] =	ssyncset.done $0x0  }
0x182: {  	[sflag:s0] =	ssyncadd.s32 $0xFFFFFF83  }
0x183: {  	_ =	swait.ge [sflag:s0], $0x7D  }
0x184: {  	[sflag:s0] =	ssyncset.done $0x0  }
0x185: {  	[sflag:s0] =	ssyncadd.s32 $0xFFFFFF83  }
0x186: {  	_ =	swait.ge [sflag:s0], $0x7D  }
0x187: {  	[sflag:s0] =	ssyncset.done $0x0  }
0x188: {  	[sflag:s0] =	ssyncadd.s32 $0xFFFFFF83  }
0x189: {  	_ =	swait.ge [sflag:s0], $0x7D  }
0x18a: {  	[sflag:s0] =	ssyncset.done $0x0  }
0x18b: {  	[sflag:s0] =	ssyncadd.s32 $0xFFFFFF83  }
0x18c: {  	_ =	swait.ge [sflag:s0], $0x7D  }
0x18d: {  	[sflag:s0] =	ssyncset.done $0x0  }
0x18e: {  	[sflag:s0] =	ssyncadd.s32 $0xFFFFFF83  }
.Ltmp4:
0x18f: {  	_ =	swait.ge [sflag:s0], $0x7D;
	(pc) =	sbr.rel @p0 .LBB2_11-.Ltmp4, $3  }
0x190: {  	[sflag:s0] =	ssyncset.done $0x0  }
0x191: {  	[sflag:s0] =	ssyncadd.s32 $0xFFFFFF83  }
0x192: {  	[bflag:$0x0] =	sbarrier.arrive $0xFFFF;
	_ =	sdelay $0x1  }
0x193: {  	s7 =	rddreg [dreg:$0x7];
	s15 =	simm.s32 $0xA80  }
0x194: {  	[tilespmem:s15], [sflag:$0x3] =	stream.linear.gather [spmem:s7], $0x7D0, $0x38;
	[tilespmem:$0x11DE8] =	vst v63  }
0x195: {  	_ =	swait.ge [sflag:s11], $0x7D0  }
0x196: {  	[sflag:s11] =	ssyncset.done $0x0  }
0x197: {  	s16 =	simm.s32 $0x0;
	[sflag:s11] =	ssyncadd.s32 $0xFFFFF830  }
0x198: {  	v2 =	vld [tilespmem:s16+$0xA80];
	_ =	sdelay $0x4  }
0x199: {  	s15 =	simm.s32 $0x10;
	v2 =	vadd.f32 $2.000000000e+00, v2  }
0x19a: {  	v3 =	vld [tilespmem:s15+$0xA80]  }
0x19b: {  	v4 =	vshra.s32 v2, $0x1;
	v5 =	vmul.f32 $5.000000000e-01, v2  }
0x19c: {  	v2 =	vsub.s32 $0x5F3759DF, v4  }
0x19d: {  	v4 =	vmul.f32 v2, v5  }
0x19e: {  	s17 =	simm.s32 $0x20  }
0x19f: {  	v6 =	vld [tilespmem:s17+$0xA80];
	v3 =	vadd.f32 $2.000000000e+00, v3;
	v4 =	vmul.f32 v2, v4;
	_ =	sdelay $0x1  }
0x1a0: {  	v7 =	vshra.s32 v3, $0x1;
	v9 =	vmul.f32 $5.000000000e-01, v3;
	v3 =	vsub.f32 $1.500000000e+00, v4  }
0x1a1: {  	v4 =	vsub.s32 $0x5F3759DF, v7  }
0x1a2: {  	v7 =	vmul.f32 v4, v9;
	v3 =	vmul.f32 v2, v3  }
0x1a3: {  	s18 =	simm.s32 $0x30;
	v2 =	vadd.f32 $2.000000000e+00, v6  }
0x1a4: {  	v6 =	vld [tilespmem:s18+$0xA80];
	v7 =	vmul.f32 v4, v7;
	v8 =	vmul.f32 v3, v5  }
0x1a5: {  	v10 =	vshra.s32 v2, $0x1;
	v2 =	vmul.f32 $5.000000000e-01, v2  }
0x1a6: {  	v7 =	vsub.f32 $1.500000000e+00, v7;
	v10 =	vsub.s32 $0x5F3759DF, v10;
	v8 =	vmul.f32 v8, v3  }
0x1a7: {  	v11 =	vmul.f32 v10, v2  }
0x1a8: {  	v4 =	vmul.f32 v4, v7;
	v7 =	vsub.f32 $1.500000000e+00, v8  }
0x1a9: {  	v6 =	vadd.f32 $2.000000000e+00, v6;
	v11 =	vmul.f32 v10, v11  }
0x1aa: {  	s19 =	simm.s32 $0x40;
	v12 =	vmul.f32 v4, v9;
	v7 =	vmul.f32 v7, v3  }
0x1ab: {  	v8 =	vld [tilespmem:s19+$0xA80];
	v13 =	vshra.s32 v6, $0x1;
	v3 =	vmul.f32 $5.000000000e-01, v6;
	v6 =	vsub.f32 $1.500000000e+00, v11  }
0x1ac: {  	v14 =	vsub.s32 $0x5F3759DF, v13;
	v11 =	vmul.f32 v12, v4;
	v5 =	vmul.f32 v7, v5  }
0x1ad: {  	v12 =	vmul.f32 v14, v3;
	v6 =	vmul.f32 v10, v6  }
0x1ae: {  	v10 =	vsub.f32 $1.500000000e+00, v11;
	v5 =	vmul.f32 v5, v7  }
0x1af: {  	v11 =	vmul.f32 v14, v12;
	v12 =	vmul.f32 v6, v2  }
0x1b0: {  	s20 =	simm.s32 $0x50;
	v8 =	vadd.f32 $2.000000000e+00, v8;
	v4 =	vmul.f32 v10, v4  }
0x1b1: {  	v15 =	vsub.f32 $1.500000000e+00, v5;
	v16 =	vsub.f32 $1.500000000e+00, v11;
	v11 =	vmul.f32 v12, v6;
	v12 =	vld [tilespmem:s20+$0xA80]  }
0x1b2: {  	v13 =	vshra.s32 v8, $0x1;
	v5 =	vmul.f32 $5.000000000e-01, v8  }
0x1b3: {  	v8 =	vsub.s32 $0x5F3759DF, v13;
	v10 =	vmul.f32 v4, v9;
	v7 =	vmul.f32 v15, v7  }
0x1b4: {  	s21 =	simm.s32 $0x0;
	s22 =	simm.s32 $0x180;
	v13 =	vmul.f32 v8, v5;
	v9 =	vmul.f32 v14, v16  }
.LBB2_7:
0x1b5: {  	s7 =	sshra.s32 s22, $0x2  }
0x1b6: {  	v14 =	vadd.f32 $2.000000000e+00, v12;
	v11 =	vsub.f32 $1.500000000e+00, v11;
	v10 =	vmul.f32 v10, v4;
	[tilespmem:s16+$0x1250] =	vst v7;
	s16 =	smov.u32 s15;
	s15 =	smov.u32 s17;
	p1 =	sne.s32 s22, $0x1F00  }
.Ltmp5:
0x1b7: {  	s17 =	smov.u32 s18;
	s18 =	smov.u32 s19;
	v12 =	vld [tilespmem:s7+$0xA80];
	v7 =	vmul.f32 v8, v13;
	v13 =	vmul.f32 v9, v3;
	(pc) =	sbr.rel @p1 .LBB2_7-.Ltmp5, $4  }
0x1b8: {  	s22 =	sadd.s32 $0x40, s22;
	s19 =	smov.u32 s20;
	v15 =	vshra.s32 v14, $0x1;
	v16 =	vmul.f32 v11, v6;
	v17 =	vsub.f32 $1.500000000e+00, v10;
	v6 =	vmovc v9  }
0x1b9: {  	s20 =	smov.u32 s7;
	v14 =	vmul.f32 $5.000000000e-01, v14;
	v9 =	vsub.f32 $1.500000000e+00, v7;
	v11 =	vmul.f32 v13, v6  }
0x1ba: {  	v15 =	vsub.s32 $0x5F3759DF, v15;
	v10 =	vmul.f32 v16, v2;
	v7 =	vmul.f32 v17, v4;
	v4 =	vmovc v16;
	v2 =	vmovc v3  }
0x1bb: {  	v13 =	vmul.f32 v15, v14;
	v3 =	vmovc v5;
	v5 =	vmovc v14;
	v9 =	vmul.f32 v8, v9;
	v8 =	vmov v15  }
0x1bc: {  	v12 =	vadd.f32 $2.000000000e+00, v12;
	_ =	sdelay $0x1  }
0x1bd: {  	v14 =	vshra.s32 v12, $0x1;
	v12 =	vmul.f32 $5.000000000e-01, v12  }
0x1be: {  	v14 =	vsub.s32 $0x5F3759DF, v14  }
0x1bf: {  	v15 =	vmul.f32 v14, v12  }
0x1c0: {  	v13 =	vmul.f32 v8, v13  }
0x1c1: {  	v15 =	vmul.f32 v14, v15  }
0x1c2: {  	v13 =	vsub.f32 $1.500000000e+00, v13  }
0x1c3: {  	v15 =	vsub.f32 $1.500000000e+00, v15  }
0x1c4: {  	v55 =	vmul.f32 v8, v13  }
0x1c5: {  	v56 =	vmul.f32 v9, v3;
	v14 =	vmul.f32 v14, v15  }
0x1c6: {  	v57 =	vmul.f32 v55, v5  }
0x1c7: {  	v13 =	vmul.f32 v56, v9;
	v16 =	vmul.f32 v14, v12  }
0x1c8: {  	v11 =	vsub.f32 $1.500000000e+00, v11;
	v15 =	vmul.f32 v57, v55  }
0x1c9: {  	v13 =	vsub.f32 $1.500000000e+00, v13;
	v16 =	vmul.f32 v16, v14  }
0x1ca: {  	v6 =	vmul.f32 v11, v6;
	v58 =	vsub.f32 $1.500000000e+00, v15  }
0x1cb: {  	v10 =	vmul.f32 v10, v4;
	v59 =	vmul.f32 v13, v9;
	v60 =	vsub.f32 $1.500000000e+00, v16  }
0x1cc: {  	v2 =	vmul.f32 v6, v2;
	v8 =	vmul.f32 v58, v55  }
0x1cd: {  	v3 =	vmul.f32 v59, v3;
	v61 =	vmul.f32 v60, v14  }
0x1ce: {  	v2 =	vmul.f32 v2, v6;
	v5 =	vmul.f32 v8, v5  }
0x1cf: {  	v10 =	vsub.f32 $1.500000000e+00, v10;
	v3 =	vmul.f32 v3, v59;
	v12 =	vmul.f32 v61, v12  }
0x1d0: {  	v2 =	vsub.f32 $1.500000000e+00, v2;
	v5 =	vmul.f32 v5, v8  }
0x1d1: {  	v4 =	vmul.f32 v10, v4;
	v3 =	vsub.f32 $1.500000000e+00, v3;
	v62 =	vmul.f32 v12, v61  }
0x1d2: {  	[tilespmem:s16+$0x1250] =	vst v7;
	v2 =	vmul.f32 v2, v6;
	v5 =	vsub.f32 $1.500000000e+00, v5  }
0x1d3: {  	v63 =	vmov s21;
	[tilespmem:s15+$0x1250] =	vst v4;
	v3 =	vmul.f32 v3, v59;
	v4 =	vsub.f32 $1.500000000e+00, v62  }
0x1d4: {  	[tilespmem:s17+$0x1250] =	vst v2;
	v2 =	vmul.f32 v5, v8  }
0x1d5: {  	[tilespmem:s18+$0x1250] =	vst v3;
	v3 =	vmul.f32 v4, v61  }
0x1d6: {  	[tilespmem:s19+$0x1250] =	vst v2  }
0x1d7: {  	[tilespmem:s20+$0x1250] =	vst v3  }
0x1d8: {  	v2 =	vld.idx.msk [tilespmem:v63+s1+$0x0], $0xffff  }
0x1d9: {  	s7 =	simm.s32 $0x1  }
0x1da: {  	v3 =	vmov s7;
	_ =	sdelay $0x1  }
0x1db: {  	s15 =	simm.s32 $0x1A30  }
0x1dc: {  	[tilespmem:s15+$0xFFFFFFF0] =	vst v2  }
0x1dd: {  	[tilespmem:s15+$0x0] =	vst v2  }
0x1de: {  	v2 =	vld.idx.msk [tilespmem:v3+s1+$0x0], $0xffff  }
0x1df: {  	s22 =	simm.s32 $0x2  }
0x1e0: {  	s16 =	simm.s32 $0x3;
	v3 =	vmov s22  }
.LBB2_9:
0x1e1: {  	p1 =	sne.s32 s16, $0x7CF  }
0x1e2: {  	s15 =	sadd.s32 $0x20, s15  }
0x1e3: {  	[tilespmem:s15+$0xFFFFFFF0] =	vst v2  }
.Ltmp6:
0x1e4: {  	[tilespmem:s15+$0x0] =	vst v2;
	(pc) =	sbr.rel @p1 .LBB2_9-.Ltmp6, $2  }
0x1e5: {  	v2 =	vld.idx.msk [tilespmem:v3+s1+$0x0], $0xffff;
	_ =	sdelay $0x2  }
0x1e6: {  	v3 =	vmov s16;
	s16 =	sadd.s32 $0x1, s16  }
.Ltmp7:
0x1e7: {  	_ = 	snop;
	(pc) =	sbr.rel .LBB2_10-.Ltmp7, $1  }
0x1e8: {  	_ =	sdelay $0x3  }
.LBB2_12:
0x1e9: {  	_ =	sfence.sel $0x180000  }
0x1ea: {  	[bflag:$0x0] =	sbarrier.arrive $0xFFFF  }
0x1eb: {  	_ =	strace $0x90000047  }
0x1ec: {  	s0 =	stileid.u32;
	[bflag:$0x2] =	sbarrier.arrive $0xFFFF  }
0x1ed: {  	p0 =	sne.s32 s0, $0x0;
	s0 =	rddreg [dreg:$0x3]  }
0x1ee: {  	s0 =	sadd.s32 @!p0 $0x100000, s0  }
0x1ef: {  	[sflag:s0] =	ssyncadd.tile.s32 @!p0 $0x1;
	_ =	shalt  }
.Lfunc_end2:
_tile_overlayer_lowered:
.L_overlay_start_2:
0x1f0: {  	(tag) =	ssettag $0x2  }
0x1f1: {  	s0 =	rddreg [dreg:$0x0];
	s2 =	stileid.u32  }
0x1f2: {  	s1 =	rddreg [dreg:$0x1];
	p0 =	sne.s32 s2, $0x0  }
0x1f3: {  	s3 =	rddreg [dreg:$0x2];
	[bflag:$0x3] =	sbarrier.arrive $0xFFFF;
	s2 =	simm.s32 @!p0 $0x1C03  }
0x1f4: {  	[timem:s3], [sflag:s2] =	dma.local @!p0 [hbm:s0], s1  }
0x1f5: {  	s0 =	simm.s32 @!p0 $0x3  }
0x1f6: {  	_ =	swait.ge @!p0 [sflag:s0], s1  }
0x1f7: {  	s1 =	ssub.s32 @!p0 $0x0, s1;
	[sflag:s0] =	ssyncset.done @!p0 $0x0  }
0x1f8: {  	[sflag:s0] =	ssyncadd.s32 @!p0 s1  }
0x1f9: {  	[bflag:$0x3] =	sbarrier.arrive $0xFFFF  }
0x1fa: {  	_ =	shalt  }

</sc_bundles>
